<compile_context>
chip_gen: v7x
topology: tpu7x:2x2x1
jax: 0.10.2.dev20260603
libtpu: 0.0.44.dev20260713+nightly
codegen_flags: <defaults>
</compile_context>

<pallas_src>
import functools

import jax
import jax.numpy as jnp
from jax import lax
from jax.experimental import pallas as pl
from jax.experimental.pallas import tpu as pltpu
from jax.experimental.pallas import tpu_sc as plsc

N = 10000
E = 160000
R = 16
NBASE = 4
D = 256
BATCH = 2
NP = 10240
BLK = 5120

NC = 2
NS = 16
LANES = 16
EPSP = 10240
EP = NS * EPSP
CH = 128
SCH = 1280
NSCH = EPSP // SCH
CPS = SCH // CH
STRIPE = NP // NS



def _wbuild_body(w_comp_ref, basis_ref, loop_ref, out_ref):
    w = jnp.dot(w_comp_ref[...], basis_ref[...],
                preferred_element_type=jnp.float32)
    out_ref[0:R, :] = w
    out_ref[R:R + 1, :] = loop_ref[...].reshape(1, D * D)


def _build_wall(w_comp, basis, loop_w):
    out = pl.pallas_call(
        _wbuild_body,
        out_shape=jax.ShapeDtypeStruct((R + 1, D * D), jnp.float32),
    )(w_comp, basis.reshape(NBASE, D * D), loop_w.reshape(D, D))
    return out.reshape(R + 1, D, D)


def _proj_body(h_ref, w_ref, lo_ref, hi_ref):
    r = jnp.dot(h_ref[0], w_ref[0], preferred_element_type=jnp.float32)
    lo_ref[0, 0] = r[:, :D // 2]
    hi_ref[0, 0] = r[:, D // 2:]


def _project(h_pad, wall):
    grid = (BATCH, NP // BLK, R + 1)
    half = jax.ShapeDtypeStruct((BATCH, R + 1, NP, D // 2), jnp.float32)
    return pl.pallas_call(
        _proj_body,
        grid=grid,
        in_specs=[
            pl.BlockSpec((1, BLK, D), lambda b, n, r: (b, n, 0)),
            pl.BlockSpec((1, D, D), lambda b, n, r: (r, 0, 0)),
        ],
        out_specs=[
            pl.BlockSpec((1, 1, BLK, D // 2), lambda b, n, r: (b, r, n, 0)),
            pl.BlockSpec((1, 1, BLK, D // 2), lambda b, n, r: (b, r, n, 0)),
        ],
        out_shape=[half, half],
    )(h_pad.astype(jnp.bfloat16), wall.astype(jnp.bfloat16))


def _final_body(a0_ref, a1_ref, s0_ref, s1_ref, out_ref, *, relu):
    o = jnp.concatenate([a0_ref[0, 0] + s0_ref[0, 0],
                         a1_ref[0, 0] + s1_ref[0, 0]], axis=-1)
    if relu:
        o = jnp.maximum(o, 0.0)
    out_ref[0] = o


def _finalize(agg, hall_lo, hall_hi, relu):
    grid = (BATCH, NP // BLK)
    return pl.pallas_call(
        functools.partial(_final_body, relu=relu),
        grid=grid,
        in_specs=[
            pl.BlockSpec((1, 1, BLK, D // 2), lambda b, n: (b, 0, n, 0)),
            pl.BlockSpec((1, 1, BLK, D // 2), lambda b, n: (b, 1, n, 0)),
            pl.BlockSpec((1, 1, BLK, D // 2), lambda b, n: (b, R, n, 0)),
            pl.BlockSpec((1, 1, BLK, D // 2), lambda b, n: (b, R, n, 0)),
        ],
        out_specs=pl.BlockSpec((1, BLK, D), lambda b, n: (b, n, 0)),
        out_shape=jax.ShapeDtypeStruct((BATCH, NP, D), jnp.float32),
    )(agg, agg, hall_lo, hall_hi)



def _sc_body(hall_lo, hall_hi, srcg, etg, normg, dstg, zrows, out,
             src_v, et_v, norm_v, dst_v, gidx0, gidx1, rows0, rows1,
             agg_sh, sg0, sg1, ss0, ss1):
    c = lax.axis_index("c")
    s = lax.axis_index("s")
    gidx = (gidx0, gidx1)
    rows = (rows0, rows1)
    sg = (sg0, sg1)
    ss = (ss0, ss1)

    def compute_gidx(bt, base, p):
        for j in range(CH // LANES):
            et = et_v[pl.ds(base + j * LANES, LANES)]
            sr = src_v[pl.ds(base + j * LANES, LANES)]
            gidx[p][pl.ds(j * LANES, LANES)] = (bt * (R + 1) + et) * NP + sr

    def issue_gather(p):
        @pl.when(c == 0)
        def _():
            pltpu.async_copy(hall_lo.at[gidx[p]], rows[p], sg[p])

        @pl.when(c == 1)
        def _():
            pltpu.async_copy(hall_hi.at[gidx[p]], rows[p], sg[p])

    def wait_gather(p):
        @pl.when(c == 0)
        def _():
            pltpu.make_async_copy(hall_lo.at[gidx[p]], rows[p], sg[p]).wait()

        @pl.when(c == 1)
        def _():
            pltpu.make_async_copy(hall_hi.at[gidx[p]], rows[p], sg[p]).wait()

    def issue_scatter(p, k):
        pltpu.async_copy(rows[p], agg_sh.at[dst_v.at[k]], ss[p], add=True)

    def wait_scatter(p):
        pltpu.make_async_copy(rows[p], agg_sh.at[dst_v.at[0]], ss[p]).wait()

    def scale(p, base):
        @plsc.parallel_loop(0, CH, 1, unroll=4)
        def _per_edge(e):
            nv = plsc.load_gather(
                norm_v, [jnp.full((LANES,), base + e, jnp.int32)])
            for q in range(D // 2 // LANES):
                rows[p][e, pl.ds(q * LANES, LANES)] = (
                    rows[p][e, pl.ds(q * LANES, LANES)] * nv)

    for bt in range(BATCH):
        pltpu.sync_copy(zrows.at[pl.ds(s * STRIPE, STRIPE)],
                        agg_sh.at[pl.ds(s * STRIPE, STRIPE)])
        plsc.subcore_barrier()

        def superchunk(g, carry):
            @pl.when(g > 0)
            def _():
                wait_scatter(1)

            pltpu.sync_copy(srcg.at[s, g], src_v)
            pltpu.sync_copy(etg.at[s, g], et_v)
            pltpu.sync_copy(normg.at[s, g], norm_v)
            pltpu.sync_copy(dstg.at[s, g], dst_v)

            compute_gidx(bt, 0, 0)
            issue_gather(0)

            @pl.loop(0, CPS, step=2)
            def _pair(kk):
                for p in (0, 1):
                    k = kk + p
                    base = k * CH
                    if p == 0:
                        @pl.when(kk > 0)
                        def _():
                            wait_scatter(1)
                    else:
                        wait_scatter(0)
                    @pl.when(k + 1 < CPS)
                    def _():
                        compute_gidx(bt, base + CH, 1 - p)
                        issue_gather(1 - p)
                    wait_gather(p)
                    scale(p, base)
                    issue_scatter(p, k)

            return carry

        lax.fori_loop(0, NSCH, superchunk, 0)
        wait_scatter(1)
        plsc.subcore_barrier()
        pltpu.sync_copy(agg_sh.at[pl.ds(s * STRIPE, STRIPE)],
                        out.at[bt, c, pl.ds(s * STRIPE, STRIPE)])
        plsc.subcore_barrier()


def _sc_aggregate(hall_lo, hall_hi, srcg, etg, normg, dstg, zrows):
    lo = hall_lo.reshape(BATCH * (R + 1) * NP, D // 2)
    hi = hall_hi.reshape(BATCH * (R + 1) * NP, D // 2)
    mesh = plsc.VectorSubcoreMesh(core_axis_name="c", subcore_axis_name="s",
                                  num_cores=NC, num_subcores=NS)
    agg = pl.kernel(
        _sc_body,
        out_type=jax.ShapeDtypeStruct((BATCH, 2, NP, D // 2), jnp.float32),
        mesh=mesh,
        compiler_params=pltpu.CompilerParams(needs_layout_passes=False),
        scratch_types=[
            pltpu.VMEM((SCH,), jnp.int32),
            pltpu.VMEM((SCH,), jnp.int32),
            pltpu.VMEM((SCH,), jnp.float32),
            pltpu.VMEM((CPS, CH), jnp.int32),
            pltpu.VMEM((CH,), jnp.int32),
            pltpu.VMEM((CH,), jnp.int32),
            pltpu.VMEM((CH, D // 2), jnp.float32),
            pltpu.VMEM((CH, D // 2), jnp.float32),
            pltpu.VMEM_SHARED((NP, D // 2), jnp.float32),
            pltpu.SemaphoreType.DMA,
            pltpu.SemaphoreType.DMA,
            pltpu.SemaphoreType.DMA,
            pltpu.SemaphoreType.DMA,
        ],
    )(lo, hi, srcg, etg, normg, dstg, zrows)
    return agg



def kernel(inputs, edge_index, edge_type, edge_norm,
           basis0, w_comp0, loop_w0, basis1, w_comp1, loop_w1):
    pad_e = EP - E
    src = jnp.pad(edge_index[0], (0, pad_e))
    dst = jnp.pad(edge_index[1], (0, pad_e))
    etp = jnp.pad(edge_type, (0, pad_e))
    nrm = jnp.pad(edge_norm, (0, pad_e))
    srcg = src.reshape(NS, NSCH, SCH)
    etg = etp.reshape(NS, NSCH, SCH)
    normg = nrm.reshape(NS, NSCH, SCH)
    dstg = dst.reshape(NS, NSCH, CPS, CH)
    zrows = jnp.zeros((NP, D // 2), jnp.float32)

    h = jnp.pad(inputs, ((0, 0), (0, NP - N), (0, 0)))
    for basis, w_comp, loop_w, relu in (
            (basis0, w_comp0, loop_w0, True),
            (basis1, w_comp1, loop_w1, False)):
        wall = _build_wall(w_comp, basis, loop_w)
        hall_lo, hall_hi = _project(h, wall)
        agg = _sc_aggregate(hall_lo, hall_hi, srcg, etg, normg, dstg, zrows)
        h = _finalize(agg, hall_lo, hall_hi, relu)
    return h[:, :N, :]

# --- scband reference (transcript-rebuilt; emitter-appended) ---
"""Pipeline reference for scband-base-rgcn-66236985639223 (READ-ONLY COPY).

The authoritative reference and input builder live on the scoring server;
editing this copy changes nothing except your own understanding.
"""

import jax, jax.numpy as jnp
import numpy as np

NUM_NODES = 10000
NUM_EDGES = 160000
NUM_RELS = 16
NUM_BASES = 4
I_DIM = 256
H_DIM = 256
O_DIM = 256
BATCH = 2


def setup_inputs(seed: int = 0) -> dict:
    key = jax.random.key(seed)
    ks = [jax.random.fold_in(key, i) for i in range(12)]
    inputs = jax.random.normal(ks[0], (BATCH, NUM_NODES, I_DIM), dtype=jnp.float32)
    edge_index = jax.random.randint(ks[1], (2, NUM_EDGES), 0, NUM_NODES, dtype=jnp.int32)
    edge_type = jax.random.randint(ks[2], (NUM_EDGES,), 0, NUM_RELS, dtype=jnp.int32)
    edge_norm = jax.random.uniform(ks[3], (NUM_EDGES,), dtype=jnp.float32)
    # Layer 0 params (basis decomposition RGCN, DGL RelGraphConv style)
    basis0 = jax.random.normal(ks[4], (NUM_BASES, I_DIM, H_DIM), dtype=jnp.float32) * (1.0 / np.sqrt(I_DIM))
    w_comp0 = jax.random.normal(ks[5], (NUM_RELS, NUM_BASES), dtype=jnp.float32) * (1.0 / np.sqrt(NUM_BASES))
    loop_w0 = jax.random.normal(ks[6], (I_DIM, H_DIM), dtype=jnp.float32) * (1.0 / np.sqrt(I_DIM))
    # Layer 1 params
    basis1 = jax.random.normal(ks[7], (NUM_BASES, H_DIM, O_DIM), dtype=jnp.float32) * (1.0 / np.sqrt(H_DIM))
    w_comp1 = jax.random.normal(ks[8], (NUM_RELS, NUM_BASES), dtype=jnp.float32) * (1.0 / np.sqrt(NUM_BASES))
    loop_w1 = jax.random.normal(ks[9], (H_DIM, O_DIM), dtype=jnp.float32) * (1.0 / np.sqrt(H_DIM))
    return {
        "inputs": inputs,
        "edge_index": edge_index,
        "edge_type": edge_type,
        "edge_norm": edge_norm,
        "basis0": basis0,
        "w_comp0": w_comp0,
        "loop_w0": loop_w0,
        "basis1": basis1,
        "w_comp1": w_comp1,
        "loop_w1": loop_w1,
    }


def _rgcn_layer(h, src, dst, edge_type, edge_norm, basis, w_comp, loop_w, activation):
    # W[r] = sum_b w_comp[r, b] * basis[b]; message_e = h[src_e] @ W[etype_e] * norm_e
    # Equivalent node-side formulation: H[n, b] = h[n] @ basis[b];
    # message_e = sum_b w_comp[etype_e, b] * H[src_e, b]
    H = jnp.einsum('ni,bio->nbo', h, basis)  # [N, B, out]
    coef = w_comp[edge_type]                 # [E, B]
    msg = jnp.zeros((src.shape[0], basis.shape[2]), dtype=h.dtype)
    for b in range(basis.shape[0]):
        msg = msg + coef[:, b][:, None] * H[src, b, :]
    msg = msg * edge_norm[:, None]
    agg = jnp.zeros((h.shape[0], basis.shape[2]), dtype=h.dtype).at[dst].add(msg)
    out = agg + h @ loop_w  # self-loop
    if activation:
        out = jax.nn.relu(out)
    return out


def reference(inputs, edge_index, edge_type, edge_norm, basis0, w_comp0, loop_w0, basis1, w_comp1, loop_w1):
    src = edge_index[0]
    dst = edge_index[1]

    def one_graph(x):
        h = _rgcn_layer(x, src, dst, edge_type, edge_norm, basis0, w_comp0, loop_w0, True)
        return _rgcn_layer(h, src, dst, edge_type, edge_norm, basis1, w_comp1, loop_w1, False)

    return jax.vmap(one_graph)(inputs)

if __name__ == "__main__":
    import jax
    _d = setup_inputs()
    print(jax.jit(kernel)(*tuple(_d.values())))

</pallas_src>

<mosaic_0001>
#map = affine_map<(d0, d1) -> (0, 0)>
#map1 = affine_map<(d0, d1) -> (0, 0, 0)>
#map2 = affine_map<(d0, d1) -> (0, 0, 0, 0)>
module attributes {stable_mosaic.version = 14 : i64} {
  func.func @_sc_body(%arg0: i32, %arg1: i32, %arg2: memref<348160x128xf32, #tpu.memory_space<hbm>>, %arg3: memref<348160x128xf32, #tpu.memory_space<hbm>>, %arg4: memref<16x8x1280xi32, #tpu.memory_space<hbm>>, %arg5: memref<16x8x1280xi32, #tpu.memory_space<hbm>>, %arg6: memref<16x8x1280xf32, #tpu.memory_space<hbm>>, %arg7: memref<16x8x10x128xi32, #tpu.memory_space<hbm>>, %arg8: memref<10240x128xf32, #tpu.memory_space<hbm>>, %arg9: memref<2x2x10240x128xf32, #tpu.memory_space<hbm>>, %arg10: memref<1280xi32, #tpu.memory_space<vmem>>, %arg11: memref<1280xi32, #tpu.memory_space<vmem>>, %arg12: memref<1280xf32, #tpu.memory_space<vmem>>, %arg13: memref<10x128xi32, #tpu.memory_space<vmem>>, %arg14: memref<128xi32, #tpu.memory_space<vmem>>, %arg15: memref<128xi32, #tpu.memory_space<vmem>>, %arg16: memref<128x128xf32, #tpu.memory_space<vmem>>, %arg17: memref<128x128xf32, #tpu.memory_space<vmem>>, %arg18: memref<10240x128xf32, #tpu.memory_space<vmem_shared>>, %arg19: memref<!tpu.dma_semaphore, #tpu.memory_space<semaphore_mem>>, %arg20: memref<!tpu.dma_semaphore, #tpu.memory_space<semaphore_mem>>, %arg21: memref<!tpu.dma_semaphore, #tpu.memory_space<semaphore_mem>>, %arg22: memref<!tpu.dma_semaphore, #tpu.memory_space<semaphore_mem>>) attributes {dimension_semantics = [#tpu.dimension_semantics<core_parallel>, #tpu.dimension_semantics<subcore_parallel>], iteration_bounds = array<i64: 2, 16>, scalar_prefetch = 0 : i64, scratch_operands = 13 : i64, tpu.core_type = #tpu.core_type<sc_vector_subcore>, window_params = [{transform_indices = #map}, {transform_indices = #map}, {transform_indices = #map1}, {transform_indices = #map1}, {transform_indices = #map1}, {transform_indices = #map2}, {transform_indices = #map}, {transform_indices = #map2}]} {
    %mul3A = arith.constant 640 : i32
    %mul3A_0 = arith.muli %arg1, %mul3A : i32
    %mul3A_1 = arith.constant 640 : i32
    %mul3A_2 = arith.muli %arg1, %mul3A_1 : i32
    "tpu.region"() ({
      %run_scoped3A_45 = tpu.sem_alloc : memref<!tpu.dma_semaphore, #tpu.memory_space<semaphore_mem>>
      %dma_start3A = arith.constant 0 : i32
      %dma_start3A_46 = tpu.memref_slice %arg18[%mul3A_2, %dma_start3A] : memref<10240x128xf32, #tpu.memory_space<vmem_shared>> -> memref<640x128xf32, #tpu.memory_space<vmem_shared>>
      %dma_start3A_47 = arith.constant 0 : i32
      %dma_start3A_48 = tpu.memref_slice %arg8[%mul3A_0, %dma_start3A_47] : memref<10240x128xf32, #tpu.memory_space<hbm>> -> memref<640x128xf32, #tpu.memory_space<hbm>>
      tpu.enqueue_dma source(%dma_start3A_48 : memref<640x128xf32, #tpu.memory_space<hbm>>) target(%dma_start3A_46 : memref<640x128xf32, #tpu.memory_space<vmem_shared>>) target_semaphore(%run_scoped3A_45 : memref<!tpu.dma_semaphore, #tpu.memory_space<semaphore_mem>>)
      %dma_wait3A_49 = arith.constant 0 : i32
      %dma_wait3A_50 = tpu.memref_slice %arg18[%mul3A_2, %dma_wait3A_49] : memref<10240x128xf32, #tpu.memory_space<vmem_shared>> -> memref<640x128xf32, #tpu.memory_space<vmem_shared>>
      %dma_wait3A_51 = arith.constant 0 : i32
      %dma_wait3A_52 = tpu.memref_slice %arg8[%mul3A_0, %dma_wait3A_51] : memref<10240x128xf32, #tpu.memory_space<hbm>> -> memref<640x128xf32, #tpu.memory_space<hbm>>
      tpu.wait_dma2 semaphore(%run_scoped3A_45 : memref<!tpu.dma_semaphore, #tpu.memory_space<semaphore_mem>>) src(%dma_wait3A_52 : memref<640x128xf32, #tpu.memory_space<hbm>>) dst(%dma_wait3A_50 : memref<640x128xf32, #tpu.memory_space<vmem_shared>>)
      tpu.yield
    }) : () -> ()
    %barrier3A = arith.constant 0 : index
    tpu.barrier barrier_id(%barrier3A)
    %scan3A = arith.constant 0 : i32
    %scan3A_3 = arith.constant 0 : i32
    %scan3A_4 = arith.constant 8 : i32
    %scan3A_5 = arith.addi %scan3A_3, %scan3A_4 : i32
    %scan3A_6 = arith.constant 1 : i32
    scf.for %scan3A_45 = %scan3A_3 to %scan3A_5 step %scan3A_6  : i32 {
      %gt3A = arith.constant 0 : i32
      %gt3A_46 = arith.cmpi sgt, %scan3A_45, %gt3A : i32
      %convert_element_type3A = arith.extui %gt3A_46 : i1 to i32
      %cond3A = arith.constant 0 : i32
      %cond3A_47 = arith.cmpi ne, %convert_element_type3A, %cond3A : i32
      scf.if %cond3A_47 {
        %dma_wait3A_163 = arith.constant 0 : i32
        %dma_wait3A_164 = arith.constant 0 : i32
        %dma_wait3A_165 = tpu.memref_slice %arg13[%dma_wait3A_163, %dma_wait3A_164] : memref<10x128xi32, #tpu.memory_space<vmem>> -> memref<1x128xi32, #tpu.memory_space<vmem>>
        %dma_wait3A_166 = tpu.memref_squeeze %dma_wait3A_165 : memref<1x128xi32, #tpu.memory_space<vmem>> -> memref<128xi32, #tpu.memory_space<vmem>>
        %dma_wait3A_167 = arith.constant 0 : i32
        %dma_wait3A_168 = arith.constant 0 : i32
        %dma_wait3A_169 = tpu.memref_slice %arg18[%dma_wait3A_167, %dma_wait3A_168] : memref<10240x128xf32, #tpu.memory_space<vmem_shared>> -> memref<10240x128xf32, #tpu.memory_space<vmem_shared>>
        tpu.wait_indirect_dma semaphore(%arg22 : memref<!tpu.dma_semaphore, #tpu.memory_space<semaphore_mem>>) src(%arg17 : memref<128x128xf32, #tpu.memory_space<vmem>>) dst(%dma_wait3A_169 : memref<10240x128xf32, #tpu.memory_space<vmem_shared>>)
      } else {
      }
      "tpu.region"() ({
        %run_scoped3A_163 = tpu.sem_alloc : memref<!tpu.dma_semaphore, #tpu.memory_space<semaphore_mem>>
        %dma_start3A = arith.constant 0 : i32
        %dma_start3A_164 = tpu.memref_slice %arg4[%arg1, %scan3A_45, %dma_start3A] : memref<16x8x1280xi32, #tpu.memory_space<hbm>> -> memref<1x1x1280xi32, #tpu.memory_space<hbm>>
        %dma_start3A_165 = tpu.memref_squeeze %dma_start3A_164 : memref<1x1x1280xi32, #tpu.memory_space<hbm>> -> memref<1280xi32, #tpu.memory_space<hbm>>
        %dma_start3A_166 = arith.constant 0 : i32
        %dma_start3A_167 = tpu.memref_slice %arg4[%arg1, %scan3A_45, %dma_start3A_166] : memref<16x8x1280xi32, #tpu.memory_space<hbm>> -> memref<1x1x1280xi32, #tpu.memory_space<hbm>>
        %dma_start3A_168 = tpu.memref_squeeze %dma_start3A_167 : memref<1x1x1280xi32, #tpu.memory_space<hbm>> -> memref<1280xi32, #tpu.memory_space<hbm>>
        tpu.enqueue_dma source(%dma_start3A_168 : memref<1280xi32, #tpu.memory_space<hbm>>) target(%arg10 : memref<1280xi32, #tpu.memory_space<vmem>>) target_semaphore(%run_scoped3A_163 : memref<!tpu.dma_semaphore, #tpu.memory_space<semaphore_mem>>)
        %dma_wait3A_169 = arith.constant 0 : i32
        %dma_wait3A_170 = tpu.memref_slice %arg4[%arg1, %scan3A_45, %dma_wait3A_169] : memref<16x8x1280xi32, #tpu.memory_space<hbm>> -> memref<1x1x1280xi32, #tpu.memory_space<hbm>>
        %dma_wait3A_171 = tpu.memref_squeeze %dma_wait3A_170 : memref<1x1x1280xi32, #tpu.memory_space<hbm>> -> memref<1280xi32, #tpu.memory_space<hbm>>
        %dma_wait3A_172 = arith.constant 0 : i32
        %dma_wait3A_173 = tpu.memref_slice %arg4[%arg1, %scan3A_45, %dma_wait3A_172] : memref<16x8x1280xi32, #tpu.memory_space<hbm>> -> memref<1x1x1280xi32, #tpu.memory_space<hbm>>
        %dma_wait3A_174 = tpu.memref_squeeze %dma_wait3A_173 : memref<1x1x1280xi32, #tpu.memory_space<hbm>> -> memref<1280xi32, #tpu.memory_space<hbm>>
        tpu.wait_dma2 semaphore(%run_scoped3A_163 : memref<!tpu.dma_semaphore, #tpu.memory_space<semaphore_mem>>) src(%dma_wait3A_174 : memref<1280xi32, #tpu.memory_space<hbm>>) dst(%arg10 : memref<1280xi32, #tpu.memory_space<vmem>>)
        tpu.yield
      }) : () -> ()
      "tpu.region"() ({
        %run_scoped3A_163 = tpu.sem_alloc : memref<!tpu.dma_semaphore, #tpu.memory_space<semaphore_mem>>
        %dma_start3A = arith.constant 0 : i32
        %dma_start3A_164 = tpu.memref_slice %arg5[%arg1, %scan3A_45, %dma_start3A] : memref<16x8x1280xi32, #tpu.memory_space<hbm>> -> memref<1x1x1280xi32, #tpu.memory_space<hbm>>
        %dma_start3A_165 = tpu.memref_squeeze %dma_start3A_164 : memref<1x1x1280xi32, #tpu.memory_space<hbm>> -> memref<1280xi32, #tpu.memory_space<hbm>>
        %dma_start3A_166 = arith.constant 0 : i32
        %dma_start3A_167 = tpu.memref_slice %arg5[%arg1, %scan3A_45, %dma_start3A_166] : memref<16x8x1280xi32, #tpu.memory_space<hbm>> -> memref<1x1x1280xi32, #tpu.memory_space<hbm>>
        %dma_start3A_168 = tpu.memref_squeeze %dma_start3A_167 : memref<1x1x1280xi32, #tpu.memory_space<hbm>> -> memref<1280xi32, #tpu.memory_space<hbm>>
        tpu.enqueue_dma source(%dma_start3A_168 : memref<1280xi32, #tpu.memory_space<hbm>>) target(%arg11 : memref<1280xi32, #tpu.memory_space<vmem>>) target_semaphore(%run_scoped3A_163 : memref<!tpu.dma_semaphore, #tpu.memory_space<semaphore_mem>>)
        %dma_wait3A_169 = arith.constant 0 : i32
        %dma_wait3A_170 = tpu.memref_slice %arg5[%arg1, %scan3A_45, %dma_wait3A_169] : memref<16x8x1280xi32, #tpu.memory_space<hbm>> -> memref<1x1x1280xi32, #tpu.memory_space<hbm>>
        %dma_wait3A_171 = tpu.memref_squeeze %dma_wait3A_170 : memref<1x1x1280xi32, #tpu.memory_space<hbm>> -> memref<1280xi32, #tpu.memory_space<hbm>>
        %dma_wait3A_172 = arith.constant 0 : i32
        %dma_wait3A_173 = tpu.memref_slice %arg5[%arg1, %scan3A_45, %dma_wait3A_172] : memref<16x8x1280xi32, #tpu.memory_space<hbm>> -> memref<1x1x1280xi32, #tpu.memory_space<hbm>>
        %dma_wait3A_174 = tpu.memref_squeeze %dma_wait3A_173 : memref<1x1x1280xi32, #tpu.memory_space<hbm>> -> memref<1280xi32, #tpu.memory_space<hbm>>
        tpu.wait_dma2 semaphore(%run_scoped3A_163 : memref<!tpu.dma_semaphore, #tpu.memory_space<semaphore_mem>>) src(%dma_wait3A_174 : memref<1280xi32, #tpu.memory_space<hbm>>) dst(%arg11 : memref<1280xi32, #tpu.memory_space<vmem>>)
        tpu.yield
      }) : () -> ()
      "tpu.region"() ({
        %run_scoped3A_163 = tpu.sem_alloc : memref<!tpu.dma_semaphore, #tpu.memory_space<semaphore_mem>>
        %dma_start3A = arith.constant 0 : i32
        %dma_start3A_164 = tpu.memref_slice %arg6[%arg1, %scan3A_45, %dma_start3A] : memref<16x8x1280xf32, #tpu.memory_space<hbm>> -> memref<1x1x1280xf32, #tpu.memory_space<hbm>>
        %dma_start3A_165 = tpu.memref_squeeze %dma_start3A_164 : memref<1x1x1280xf32, #tpu.memory_space<hbm>> -> memref<1280xf32, #tpu.memory_space<hbm>>
        %dma_start3A_166 = arith.constant 0 : i32
        %dma_start3A_167 = tpu.memref_slice %arg6[%arg1, %scan3A_45, %dma_start3A_166] : memref<16x8x1280xf32, #tpu.memory_space<hbm>> -> memref<1x1x1280xf32, #tpu.memory_space<hbm>>
        %dma_start3A_168 = tpu.memref_squeeze %dma_start3A_167 : memref<1x1x1280xf32, #tpu.memory_space<hbm>> -> memref<1280xf32, #tpu.memory_space<hbm>>
        tpu.enqueue_dma source(%dma_start3A_168 : memref<1280xf32, #tpu.memory_space<hbm>>) target(%arg12 : memref<1280xf32, #tpu.memory_space<vmem>>) target_semaphore(%run_scoped3A_163 : memref<!tpu.dma_semaphore, #tpu.memory_space<semaphore_mem>>)
        %dma_wait3A_169 = arith.constant 0 : i32
        %dma_wait3A_170 = tpu.memref_slice %arg6[%arg1, %scan3A_45, %dma_wait3A_169] : memref<16x8x1280xf32, #tpu.memory_space<hbm>> -> memref<1x1x1280xf32, #tpu.memory_space<hbm>>
        %dma_wait3A_171 = tpu.memref_squeeze %dma_wait3A_170 : memref<1x1x1280xf32, #tpu.memory_space<hbm>> -> memref<1280xf32, #tpu.memory_space<hbm>>
        %dma_wait3A_172 = arith.constant 0 : i32
        %dma_wait3A_173 = tpu.memref_slice %arg6[%arg1, %scan3A_45, %dma_wait3A_172] : memref<16x8x1280xf32, #tpu.memory_space<hbm>> -> memref<1x1x1280xf32, #tpu.memory_space<hbm>>
        %dma_wait3A_174 = tpu.memref_squeeze %dma_wait3A_173 : memref<1x1x1280xf32, #tpu.memory_space<hbm>> -> memref<1280xf32, #tpu.memory_space<hbm>>
        tpu.wait_dma2 semaphore(%run_scoped3A_163 : memref<!tpu.dma_semaphore, #tpu.memory_space<semaphore_mem>>) src(%dma_wait3A_174 : memref<1280xf32, #tpu.memory_space<hbm>>) dst(%arg12 : memref<1280xf32, #tpu.memory_space<vmem>>)
        tpu.yield
      }) : () -> ()
      "tpu.region"() ({
        %run_scoped3A_163 = tpu.sem_alloc : memref<!tpu.dma_semaphore, #tpu.memory_space<semaphore_mem>>
        %dma_start3A = arith.constant 0 : i32
        %dma_start3A_164 = arith.constant 0 : i32
        %dma_start3A_165 = tpu.memref_slice %arg7[%arg1, %scan3A_45, %dma_start3A, %dma_start3A_164] : memref<16x8x10x128xi32, #tpu.memory_space<hbm>> -> memref<1x1x10x128xi32, #tpu.memory_space<hbm>>
        %dma_start3A_166 = tpu.memref_squeeze %dma_start3A_165 : memref<1x1x10x128xi32, #tpu.memory_space<hbm>> -> memref<10x128xi32, #tpu.memory_space<hbm>>
        %dma_start3A_167 = arith.constant 0 : i32
        %dma_start3A_168 = arith.constant 0 : i32
        %dma_start3A_169 = tpu.memref_slice %arg7[%arg1, %scan3A_45, %dma_start3A_167, %dma_start3A_168] : memref<16x8x10x128xi32, #tpu.memory_space<hbm>> -> memref<1x1x10x128xi32, #tpu.memory_space<hbm>>
        %dma_start3A_170 = tpu.memref_squeeze %dma_start3A_169 : memref<1x1x10x128xi32, #tpu.memory_space<hbm>> -> memref<10x128xi32, #tpu.memory_space<hbm>>
        tpu.enqueue_dma source(%dma_start3A_170 : memref<10x128xi32, #tpu.memory_space<hbm>>) target(%arg13 : memref<10x128xi32, #tpu.memory_space<vmem>>) target_semaphore(%run_scoped3A_163 : memref<!tpu.dma_semaphore, #tpu.memory_space<semaphore_mem>>)
        %dma_wait3A_171 = arith.constant 0 : i32
        %dma_wait3A_172 = arith.constant 0 : i32
        %dma_wait3A_173 = tpu.memref_slice %arg7[%arg1, %scan3A_45, %dma_wait3A_171, %dma_wait3A_172] : memref<16x8x10x128xi32, #tpu.memory_space<hbm>> -> memref<1x1x10x128xi32, #tpu.memory_space<hbm>>
        %dma_wait3A_174 = tpu.memref_squeeze %dma_wait3A_173 : memref<1x1x10x128xi32, #tpu.memory_space<hbm>> -> memref<10x128xi32, #tpu.memory_space<hbm>>
        %dma_wait3A_175 = arith.constant 0 : i32
        %dma_wait3A_176 = arith.constant 0 : i32
        %dma_wait3A_177 = tpu.memref_slice %arg7[%arg1, %scan3A_45, %dma_wait3A_175, %dma_wait3A_176] : memref<16x8x10x128xi32, #tpu.memory_space<hbm>> -> memref<1x1x10x128xi32, #tpu.memory_space<hbm>>
        %dma_wait3A_178 = tpu.memref_squeeze %dma_wait3A_177 : memref<1x1x10x128xi32, #tpu.memory_space<hbm>> -> memref<10x128xi32, #tpu.memory_space<hbm>>
        tpu.wait_dma2 semaphore(%run_scoped3A_163 : memref<!tpu.dma_semaphore, #tpu.memory_space<semaphore_mem>>) src(%dma_wait3A_178 : memref<10x128xi32, #tpu.memory_space<hbm>>) dst(%arg13 : memref<10x128xi32, #tpu.memory_space<vmem>>)
        tpu.yield
      }) : () -> ()
      %get3A = arith.constant 0 : index
      %get3A_48 = tpu.vector_load %arg11[%get3A] {strides = array<i32>} : memref<1280xi32, #tpu.memory_space<vmem>>, vector<16xi32>,
      %get3A_49 = arith.constant 0 : index
      %get3A_50 = tpu.vector_load %arg10[%get3A_49] {strides = array<i32>} : memref<1280xi32, #tpu.memory_space<vmem>>, vector<16xi32>,
      %add3A = arith.constant 0 : i32
      %add3A_51 = vector.broadcast %add3A : i32 to vector<16xi32>
      %add3A_52 = arith.addi %add3A_51, %get3A_48 : vector<16xi32>
      %mul3A_53 = arith.constant 10240 : i32
      %mul3A_54 = vector.broadcast %mul3A_53 : i32 to vector<16xi32>
      %mul3A_55 = arith.muli %add3A_52, %mul3A_54 : vector<16xi32>
      %add3A_56 = arith.addi %mul3A_55, %get3A_50 : vector<16xi32>
      %swap3A = arith.constant 0 : index
      %swap3A_57 = tpu.vector_load %arg14[%swap3A] {strides = array<i32>} : memref<128xi32, #tpu.memory_space<vmem>>, vector<16xi32>,
      tpu.vector_store %arg14[%swap3A], %add3A_56 {strides = array<i32>} : memref<128xi32, #tpu.memory_space<vmem>>, vector<16xi32>,
      %get3A_58 = arith.constant 16 : index
      %get3A_59 = tpu.vector_load %arg11[%get3A_58] {strides = array<i32>} : memref<1280xi32, #tpu.memory_space<vmem>>, vector<16xi32>,
      %get3A_60 = arith.constant 16 : index
      %get3A_61 = tpu.vector_load %arg10[%get3A_60] {strides = array<i32>} : memref<1280xi32, #tpu.memory_space<vmem>>, vector<16xi32>,
      %add3A_62 = arith.constant 0 : i32
      %add3A_63 = vector.broadcast %add3A_62 : i32 to vector<16xi32>
      %add3A_64 = arith.addi %add3A_63, %get3A_59 : vector<16xi32>
      %mul3A_65 = arith.constant 10240 : i32
      %mul3A_66 = vector.broadcast %mul3A_65 : i32 to vector<16xi32>
      %mul3A_67 = arith.muli %add3A_64, %mul3A_66 : vector<16xi32>
      %add3A_68 = arith.addi %mul3A_67, %get3A_61 : vector<16xi32>
      %swap3A_69 = arith.constant 16 : index
      %swap3A_70 = tpu.vector_load %arg14[%swap3A_69] {strides = array<i32>} : memref<128xi32, #tpu.memory_space<vmem>>, vector<16xi32>,
      tpu.vector_store %arg14[%swap3A_69], %add3A_68 {strides = array<i32>} : memref<128xi32, #tpu.memory_space<vmem>>, vector<16xi32>,
      %get3A_71 = arith.constant 32 : index
      %get3A_72 = tpu.vector_load %arg11[%get3A_71] {strides = array<i32>} : memref<1280xi32, #tpu.memory_space<vmem>>, vector<16xi32>,
      %get3A_73 = arith.constant 32 : index
      %get3A_74 = tpu.vector_load %arg10[%get3A_73] {strides = array<i32>} : memref<1280xi32, #tpu.memory_space<vmem>>, vector<16xi32>,
      %add3A_75 = arith.constant 0 : i32
      %add3A_76 = vector.broadcast %add3A_75 : i32 to vector<16xi32>
      %add3A_77 = arith.addi %add3A_76, %get3A_72 : vector<16xi32>
      %mul3A_78 = arith.constant 10240 : i32
      %mul3A_79 = vector.broadcast %mul3A_78 : i32 to vector<16xi32>
      %mul3A_80 = arith.muli %add3A_77, %mul3A_79 : vector<16xi32>
      %add3A_81 = arith.addi %mul3A_80, %get3A_74 : vector<16xi32>
      %swap3A_82 = arith.constant 32 : index
      %swap3A_83 = tpu.vector_load %arg14[%swap3A_82] {strides = array<i32>} : memref<128xi32, #tpu.memory_space<vmem>>, vector<16xi32>,
      tpu.vector_store %arg14[%swap3A_82], %add3A_81 {strides = array<i32>} : memref<128xi32, #tpu.memory_space<vmem>>, vector<16xi32>,
      %get3A_84 = arith.constant 48 : index
      %get3A_85 = tpu.vector_load %arg11[%get3A_84] {strides = array<i32>} : memref<1280xi32, #tpu.memory_space<vmem>>, vector<16xi32>,
      %get3A_86 = arith.constant 48 : index
      %get3A_87 = tpu.vector_load %arg10[%get3A_86] {strides = array<i32>} : memref<1280xi32, #tpu.memory_space<vmem>>, vector<16xi32>,
      %add3A_88 = arith.constant 0 : i32
      %add3A_89 = vector.broadcast %add3A_88 : i32 to vector<16xi32>
      %add3A_90 = arith.addi %add3A_89, %get3A_85 : vector<16xi32>
      %mul3A_91 = arith.constant 10240 : i32
      %mul3A_92 = vector.broadcast %mul3A_91 : i32 to vector<16xi32>
      %mul3A_93 = arith.muli %add3A_90, %mul3A_92 : vector<16xi32>
      %add3A_94 = arith.addi %mul3A_93, %get3A_87 : vector<16xi32>
      %swap3A_95 = arith.constant 48 : index
      %swap3A_96 = tpu.vector_load %arg14[%swap3A_95] {strides = array<i32>} : memref<128xi32, #tpu.memory_space<vmem>>, vector<16xi32>,
      tpu.vector_store %arg14[%swap3A_95], %add3A_94 {strides = array<i32>} : memref<128xi32, #tpu.memory_space<vmem>>, vector<16xi32>,
      %get3A_97 = arith.constant 64 : index
      %get3A_98 = tpu.vector_load %arg11[%get3A_97] {strides = array<i32>} : memref<1280xi32, #tpu.memory_space<vmem>>, vector<16xi32>,
      %get3A_99 = arith.constant 64 : index
      %get3A_100 = tpu.vector_load %arg10[%get3A_99] {strides = array<i32>} : memref<1280xi32, #tpu.memory_space<vmem>>, vector<16xi32>,
      %add3A_101 = arith.constant 0 : i32
      %add3A_102 = vector.broadcast %add3A_101 : i32 to vector<16xi32>
      %add3A_103 = arith.addi %add3A_102, %get3A_98 : vector<16xi32>
      %mul3A_104 = arith.constant 10240 : i32
      %mul3A_105 = vector.broadcast %mul3A_104 : i32 to vector<16xi32>
      %mul3A_106 = arith.muli %add3A_103, %mul3A_105 : vector<16xi32>
      %add3A_107 = arith.addi %mul3A_106, %get3A_100 : vector<16xi32>
      %swap3A_108 = arith.constant 64 : index
      %swap3A_109 = tpu.vector_load %arg14[%swap3A_108] {strides = array<i32>} : memref<128xi32, #tpu.memory_space<vmem>>, vector<16xi32>,
      tpu.vector_store %arg14[%swap3A_108], %add3A_107 {strides = array<i32>} : memref<128xi32, #tpu.memory_space<vmem>>, vector<16xi32>,
      %get3A_110 = arith.constant 80 : index
      %get3A_111 = tpu.vector_load %arg11[%get3A_110] {strides = array<i32>} : memref<1280xi32, #tpu.memory_space<vmem>>, vector<16xi32>,
      %get3A_112 = arith.constant 80 : index
      %get3A_113 = tpu.vector_load %arg10[%get3A_112] {strides = array<i32>} : memref<1280xi32, #tpu.memory_space<vmem>>, vector<16xi32>,
      %add3A_114 = arith.constant 0 : i32
      %add3A_115 = vector.broadcast %add3A_114 : i32 to vector<16xi32>
      %add3A_116 = arith.addi %add3A_115, %get3A_111 : vector<16xi32>
      %mul3A_117 = arith.constant 10240 : i32
      %mul3A_118 = vector.broadcast %mul3A_117 : i32 to vector<16xi32>
      %mul3A_119 = arith.muli %add3A_116, %mul3A_118 : vector<16xi32>
      %add3A_120 = arith.addi %mul3A_119, %get3A_113 : vector<16xi32>
      %swap3A_121 = arith.constant 80 : index
      %swap3A_122 = tpu.vector_load %arg14[%swap3A_121] {strides = array<i32>} : memref<128xi32, #tpu.memory_space<vmem>>, vector<16xi32>,
      tpu.vector_store %arg14[%swap3A_121], %add3A_120 {strides = array<i32>} : memref<128xi32, #tpu.memory_space<vmem>>, vector<16xi32>,
      %get3A_123 = arith.constant 96 : index
      %get3A_124 = tpu.vector_load %arg11[%get3A_123] {strides = array<i32>} : memref<1280xi32, #tpu.memory_space<vmem>>, vector<16xi32>,
      %get3A_125 = arith.constant 96 : index
      %get3A_126 = tpu.vector_load %arg10[%get3A_125] {strides = array<i32>} : memref<1280xi32, #tpu.memory_space<vmem>>, vector<16xi32>,
      %add3A_127 = arith.constant 0 : i32
      %add3A_128 = vector.broadcast %add3A_127 : i32 to vector<16xi32>
      %add3A_129 = arith.addi %add3A_128, %get3A_124 : vector<16xi32>
      %mul3A_130 = arith.constant 10240 : i32
      %mul3A_131 = vector.broadcast %mul3A_130 : i32 to vector<16xi32>
      %mul3A_132 = arith.muli %add3A_129, %mul3A_131 : vector<16xi32>
      %add3A_133 = arith.addi %mul3A_132, %get3A_126 : vector<16xi32>
      %swap3A_134 = arith.constant 96 : index
      %swap3A_135 = tpu.vector_load %arg14[%swap3A_134] {strides = array<i32>} : memref<128xi32, #tpu.memory_space<vmem>>, vector<16xi32>,
      tpu.vector_store %arg14[%swap3A_134], %add3A_133 {strides = array<i32>} : memref<128xi32, #tpu.memory_space<vmem>>, vector<16xi32>,
      %get3A_136 = arith.constant 112 : index
      %get3A_137 = tpu.vector_load %arg11[%get3A_136] {strides = array<i32>} : memref<1280xi32, #tpu.memory_space<vmem>>, vector<16xi32>,
      %get3A_138 = arith.constant 112 : index
      %get3A_139 = tpu.vector_load %arg10[%get3A_138] {strides = array<i32>} : memref<1280xi32, #tpu.memory_space<vmem>>, vector<16xi32>,
      %add3A_140 = arith.constant 0 : i32
      %add3A_141 = vector.broadcast %add3A_140 : i32 to vector<16xi32>
      %add3A_142 = arith.addi %add3A_141, %get3A_137 : vector<16xi32>
      %mul3A_143 = arith.constant 10240 : i32
      %mul3A_144 = vector.broadcast %mul3A_143 : i32 to vector<16xi32>
      %mul3A_145 = arith.muli %add3A_142, %mul3A_144 : vector<16xi32>
      %add3A_146 = arith.addi %mul3A_145, %get3A_139 : vector<16xi32>
      %swap3A_147 = arith.constant 112 : index
      %swap3A_148 = tpu.vector_load %arg14[%swap3A_147] {strides = array<i32>} : memref<128xi32, #tpu.memory_space<vmem>>, vector<16xi32>,
      tpu.vector_store %arg14[%swap3A_147], %add3A_146 {strides = array<i32>} : memref<128xi32, #tpu.memory_space<vmem>>, vector<16xi32>,
      %eq3A = arith.constant 0 : i32
      %eq3A_149 = arith.cmpi eq, %arg0, %eq3A : i32
      %convert_element_type3A_150 = arith.extui %eq3A_149 : i1 to i32
      %cond3A_151 = arith.constant 0 : i32
      %cond3A_152 = arith.cmpi ne, %convert_element_type3A_150, %cond3A_151 : i32
      scf.if %cond3A_152 {
        %dma_start3A = arith.constant 0 : i32
        %dma_start3A_163 = arith.constant 0 : i32
        %dma_start3A_164 = tpu.memref_slice %arg2[%dma_start3A, %dma_start3A_163] : memref<348160x128xf32, #tpu.memory_space<hbm>> -> memref<348160x128xf32, #tpu.memory_space<hbm>>
        tpu.enqueue_indirect_dma source(%dma_start3A_164 : memref<348160x128xf32, #tpu.memory_space<hbm>>) target(%arg16 : memref<128x128xf32, #tpu.memory_space<vmem>>) offsets(%arg14 : memref<128xi32, #tpu.memory_space<vmem>>) semaphore(%arg19 : memref<!tpu.dma_semaphore, #tpu.memory_space<semaphore_mem>>)
      } else {
      }
      %eq3A_153 = arith.constant 1 : i32
      %eq3A_154 = arith.cmpi eq, %arg0, %eq3A_153 : i32
      %convert_element_type3A_155 = arith.extui %eq3A_154 : i1 to i32
      %cond3A_156 = arith.constant 0 : i32
      %cond3A_157 = arith.cmpi ne, %convert_element_type3A_155, %cond3A_156 : i32
      scf.if %cond3A_157 {
        %dma_start3A = arith.constant 0 : i32
        %dma_start3A_163 = arith.constant 0 : i32
        %dma_start3A_164 = tpu.memref_slice %arg3[%dma_start3A, %dma_start3A_163] : memref<348160x128xf32, #tpu.memory_space<hbm>> -> memref<348160x128xf32, #tpu.memory_space<hbm>>
        tpu.enqueue_indirect_dma source(%dma_start3A_164 : memref<348160x128xf32, #tpu.memory_space<hbm>>) target(%arg16 : memref<128x128xf32, #tpu.memory_space<vmem>>) offsets(%arg14 : memref<128xi32, #tpu.memory_space<vmem>>) semaphore(%arg19 : memref<!tpu.dma_semaphore, #tpu.memory_space<semaphore_mem>>)
      } else {
      }
      %scan3A_158 = arith.constant 0 : i32
      %scan3A_159 = arith.constant 5 : i32
      %scan3A_160 = arith.addi %scan3A_158, %scan3A_159 : i32
      %scan3A_161 = arith.constant 1 : i32
      scf.for %scan3A_163 = %scan3A_158 to %scan3A_160 step %scan3A_161  : i32 {
        %mul3A_164 = arith.constant 2 : i32
        %mul3A_165 = arith.muli %scan3A_163, %mul3A_164 : i32
        %add3A_166 = arith.constant 0 : i32
        %add3A_167 = arith.addi %add3A_166, %mul3A_165 : i32
        %add3A_168 = arith.constant 0 : i32
        %add3A_169 = arith.addi %add3A_167, %add3A_168 : i32
        %mul3A_170 = arith.constant 128 : i32
        %mul3A_171 = arith.muli %add3A_169, %mul3A_170 : i32
        %gt3A_172 = arith.constant 0 : i32
        %gt3A_173 = arith.cmpi sgt, %add3A_167, %gt3A_172 : i32
        %convert_element_type3A_174 = arith.extui %gt3A_173 : i1 to i32
        %cond3A_175 = arith.constant 0 : i32
        %cond3A_176 = arith.cmpi ne, %convert_element_type3A_174, %cond3A_175 : i32
        scf.if %cond3A_176 {
          %dma_wait3A_237 = arith.constant 0 : i32
          %dma_wait3A_238 = arith.constant 0 : i32
          %dma_wait3A_239 = tpu.memref_slice %arg13[%dma_wait3A_237, %dma_wait3A_238] : memref<10x128xi32, #tpu.memory_space<vmem>> -> memref<1x128xi32, #tpu.memory_space<vmem>>
          %dma_wait3A_240 = tpu.memref_squeeze %dma_wait3A_239 : memref<1x128xi32, #tpu.memory_space<vmem>> -> memref<128xi32, #tpu.memory_space<vmem>>
          %dma_wait3A_241 = arith.constant 0 : i32
          %dma_wait3A_242 = arith.constant 0 : i32
          %dma_wait3A_243 = tpu.memref_slice %arg18[%dma_wait3A_241, %dma_wait3A_242] : memref<10240x128xf32, #tpu.memory_space<vmem_shared>> -> memref<10240x128xf32, #tpu.memory_space<vmem_shared>>
          tpu.wait_indirect_dma semaphore(%arg22 : memref<!tpu.dma_semaphore, #tpu.memory_space<semaphore_mem>>) src(%arg17 : memref<128x128xf32, #tpu.memory_space<vmem>>) dst(%dma_wait3A_243 : memref<10240x128xf32, #tpu.memory_space<vmem_shared>>)
        } else {
        }
        %add3A_177 = arith.constant 1 : i32
        %add3A_178 = arith.addi %add3A_169, %add3A_177 : i32
        %lt3A = arith.constant 10 : i32
        %lt3A_179 = arith.cmpi slt, %add3A_178, %lt3A : i32
        %convert_element_type3A_180 = arith.extui %lt3A_179 : i1 to i32
        %cond3A_181 = arith.constant 0 : i32
        %cond3A_182 = arith.cmpi ne, %convert_element_type3A_180, %cond3A_181 : i32
        scf.if %cond3A_182 {
          %add3A_237 = arith.constant 128 : i32
          %add3A_238 = arith.addi %mul3A_171, %add3A_237 : i32
          %add3A_239 = arith.constant 0 : i32
          %add3A_240 = arith.addi %add3A_238, %add3A_239 : i32
          %get3A_241 = arith.index_cast %add3A_240 : i32 to index
          %get3A_242 = tpu.vector_load %arg11[%get3A_241] {strides = array<i32>} : memref<1280xi32, #tpu.memory_space<vmem>>, vector<16xi32>,
          %add3A_243 = arith.constant 0 : i32
          %add3A_244 = arith.addi %add3A_238, %add3A_243 : i32
          %get3A_245 = arith.index_cast %add3A_244 : i32 to index
          %get3A_246 = tpu.vector_load %arg10[%get3A_245] {strides = array<i32>} : memref<1280xi32, #tpu.memory_space<vmem>>, vector<16xi32>,
          %add3A_247 = arith.constant 0 : i32
          %add3A_248 = vector.broadcast %add3A_247 : i32 to vector<16xi32>
          %add3A_249 = arith.addi %add3A_248, %get3A_242 : vector<16xi32>
          %mul3A_250 = arith.constant 10240 : i32
          %mul3A_251 = vector.broadcast %mul3A_250 : i32 to vector<16xi32>
          %mul3A_252 = arith.muli %add3A_249, %mul3A_251 : vector<16xi32>
          %add3A_253 = arith.addi %mul3A_252, %get3A_246 : vector<16xi32>
          %swap3A_254 = arith.constant 0 : index
          %swap3A_255 = tpu.vector_load %arg15[%swap3A_254] {strides = array<i32>} : memref<128xi32, #tpu.memory_space<vmem>>, vector<16xi32>,
          tpu.vector_store %arg15[%swap3A_254], %add3A_253 {strides = array<i32>} : memref<128xi32, #tpu.memory_space<vmem>>, vector<16xi32>,
          %add3A_256 = arith.constant 16 : i32
          %add3A_257 = arith.addi %add3A_238, %add3A_256 : i32
          %get3A_258 = arith.index_cast %add3A_257 : i32 to index
          %get3A_259 = tpu.vector_load %arg11[%get3A_258] {strides = array<i32>} : memref<1280xi32, #tpu.memory_space<vmem>>, vector<16xi32>,
          %add3A_260 = arith.constant 16 : i32
          %add3A_261 = arith.addi %add3A_238, %add3A_260 : i32
          %get3A_262 = arith.index_cast %add3A_261 : i32 to index
          %get3A_263 = tpu.vector_load %arg10[%get3A_262] {strides = array<i32>} : memref<1280xi32, #tpu.memory_space<vmem>>, vector<16xi32>,
          %add3A_264 = arith.constant 0 : i32
          %add3A_265 = vector.broadcast %add3A_264 : i32 to vector<16xi32>
          %add3A_266 = arith.addi %add3A_265, %get3A_259 : vector<16xi32>
          %mul3A_267 = arith.constant 10240 : i32
          %mul3A_268 = vector.broadcast %mul3A_267 : i32 to vector<16xi32>
          %mul3A_269 = arith.muli %add3A_266, %mul3A_268 : vector<16xi32>
          %add3A_270 = arith.addi %mul3A_269, %get3A_263 : vector<16xi32>
          %swap3A_271 = arith.constant 16 : index
          %swap3A_272 = tpu.vector_load %arg15[%swap3A_271] {strides = array<i32>} : memref<128xi32, #tpu.memory_space<vmem>>, vector<16xi32>,
          tpu.vector_store %arg15[%swap3A_271], %add3A_270 {strides = array<i32>} : memref<128xi32, #tpu.memory_space<vmem>>, vector<16xi32>,
          %add3A_273 = arith.constant 32 : i32
          %add3A_274 = arith.addi %add3A_238, %add3A_273 : i32
          %get3A_275 = arith.index_cast %add3A_274 : i32 to index
          %get3A_276 = tpu.vector_load %arg11[%get3A_275] {strides = array<i32>} : memref<1280xi32, #tpu.memory_space<vmem>>, vector<16xi32>,
          %add3A_277 = arith.constant 32 : i32
          %add3A_278 = arith.addi %add3A_238, %add3A_277 : i32
          %get3A_279 = arith.index_cast %add3A_278 : i32 to index
          %get3A_280 = tpu.vector_load %arg10[%get3A_279] {strides = array<i32>} : memref<1280xi32, #tpu.memory_space<vmem>>, vector<16xi32>,
          %add3A_281 = arith.constant 0 : i32
          %add3A_282 = vector.broadcast %add3A_281 : i32 to vector<16xi32>
          %add3A_283 = arith.addi %add3A_282, %get3A_276 : vector<16xi32>
          %mul3A_284 = arith.constant 10240 : i32
          %mul3A_285 = vector.broadcast %mul3A_284 : i32 to vector<16xi32>
          %mul3A_286 = arith.muli %add3A_283, %mul3A_285 : vector<16xi32>
          %add3A_287 = arith.addi %mul3A_286, %get3A_280 : vector<16xi32>
          %swap3A_288 = arith.constant 32 : index
          %swap3A_289 = tpu.vector_load %arg15[%swap3A_288] {strides = array<i32>} : memref<128xi32, #tpu.memory_space<vmem>>, vector<16xi32>,
          tpu.vector_store %arg15[%swap3A_288], %add3A_287 {strides = array<i32>} : memref<128xi32, #tpu.memory_space<vmem>>, vector<16xi32>,
          %add3A_290 = arith.constant 48 : i32
          %add3A_291 = arith.addi %add3A_238, %add3A_290 : i32
          %get3A_292 = arith.index_cast %add3A_291 : i32 to index
          %get3A_293 = tpu.vector_load %arg11[%get3A_292] {strides = array<i32>} : memref<1280xi32, #tpu.memory_space<vmem>>, vector<16xi32>,
          %add3A_294 = arith.constant 48 : i32
          %add3A_295 = arith.addi %add3A_238, %add3A_294 : i32
          %get3A_296 = arith.index_cast %add3A_295 : i32 to index
          %get3A_297 = tpu.vector_load %arg10[%get3A_296] {strides = array<i32>} : memref<1280xi32, #tpu.memory_space<vmem>>, vector<16xi32>,
          %add3A_298 = arith.constant 0 : i32
          %add3A_299 = vector.broadcast %add3A_298 : i32 to vector<16xi32>
          %add3A_300 = arith.addi %add3A_299, %get3A_293 : vector<16xi32>
          %mul3A_301 = arith.constant 10240 : i32
          %mul3A_302 = vector.broadcast %mul3A_301 : i32 to vector<16xi32>
          %mul3A_303 = arith.muli %add3A_300, %mul3A_302 : vector<16xi32>
          %add3A_304 = arith.addi %mul3A_303, %get3A_297 : vector<16xi32>
          %swap3A_305 = arith.constant 48 : index
          %swap3A_306 = tpu.vector_load %arg15[%swap3A_305] {strides = array<i32>} : memref<128xi32, #tpu.memory_space<vmem>>, vector<16xi32>,
          tpu.vector_store %arg15[%swap3A_305], %add3A_304 {strides = array<i32>} : memref<128xi32, #tpu.memory_space<vmem>>, vector<16xi32>,
          %add3A_307 = arith.constant 64 : i32
          %add3A_308 = arith.addi %add3A_238, %add3A_307 : i32
          %get3A_309 = arith.index_cast %add3A_308 : i32 to index
          %get3A_310 = tpu.vector_load %arg11[%get3A_309] {strides = array<i32>} : memref<1280xi32, #tpu.memory_space<vmem>>, vector<16xi32>,
          %add3A_311 = arith.constant 64 : i32
          %add3A_312 = arith.addi %add3A_238, %add3A_311 : i32
          %get3A_313 = arith.index_cast %add3A_312 : i32 to index
          %get3A_314 = tpu.vector_load %arg10[%get3A_313] {strides = array<i32>} : memref<1280xi32, #tpu.memory_space<vmem>>, vector<16xi32>,
          %add3A_315 = arith.constant 0 : i32
          %add3A_316 = vector.broadcast %add3A_315 : i32 to vector<16xi32>
          %add3A_317 = arith.addi %add3A_316, %get3A_310 : vector<16xi32>
          %mul3A_318 = arith.constant 10240 : i32
          %mul3A_319 = vector.broadcast %mul3A_318 : i32 to vector<16xi32>
          %mul3A_320 = arith.muli %add3A_317, %mul3A_319 : vector<16xi32>
          %add3A_321 = arith.addi %mul3A_320, %get3A_314 : vector<16xi32>
          %swap3A_322 = arith.constant 64 : index
          %swap3A_323 = tpu.vector_load %arg15[%swap3A_322] {strides = array<i32>} : memref<128xi32, #tpu.memory_space<vmem>>, vector<16xi32>,
          tpu.vector_store %arg15[%swap3A_322], %add3A_321 {strides = array<i32>} : memref<128xi32, #tpu.memory_space<vmem>>, vector<16xi32>,
          %add3A_324 = arith.constant 80 : i32
          %add3A_325 = arith.addi %add3A_238, %add3A_324 : i32
          %get3A_326 = arith.index_cast %add3A_325 : i32 to index
          %get3A_327 = tpu.vector_load %arg11[%get3A_326] {strides = array<i32>} : memref<1280xi32, #tpu.memory_space<vmem>>, vector<16xi32>,
          %add3A_328 = arith.constant 80 : i32
          %add3A_329 = arith.addi %add3A_238, %add3A_328 : i32
          %get3A_330 = arith.index_cast %add3A_329 : i32 to index
          %get3A_331 = tpu.vector_load %arg10[%get3A_330] {strides = array<i32>} : memref<1280xi32, #tpu.memory_space<vmem>>, vector<16xi32>,
          %add3A_332 = arith.constant 0 : i32
          %add3A_333 = vector.broadcast %add3A_332 : i32 to vector<16xi32>
          %add3A_334 = arith.addi %add3A_333, %get3A_327 : vector<16xi32>
          %mul3A_335 = arith.constant 10240 : i32
          %mul3A_336 = vector.broadcast %mul3A_335 : i32 to vector<16xi32>
          %mul3A_337 = arith.muli %add3A_334, %mul3A_336 : vector<16xi32>
          %add3A_338 = arith.addi %mul3A_337, %get3A_331 : vector<16xi32>
          %swap3A_339 = arith.constant 80 : index
          %swap3A_340 = tpu.vector_load %arg15[%swap3A_339] {strides = array<i32>} : memref<128xi32, #tpu.memory_space<vmem>>, vector<16xi32>,
          tpu.vector_store %arg15[%swap3A_339], %add3A_338 {strides = array<i32>} : memref<128xi32, #tpu.memory_space<vmem>>, vector<16xi32>,
          %add3A_341 = arith.constant 96 : i32
          %add3A_342 = arith.addi %add3A_238, %add3A_341 : i32
          %get3A_343 = arith.index_cast %add3A_342 : i32 to index
          %get3A_344 = tpu.vector_load %arg11[%get3A_343] {strides = array<i32>} : memref<1280xi32, #tpu.memory_space<vmem>>, vector<16xi32>,
          %add3A_345 = arith.constant 96 : i32
          %add3A_346 = arith.addi %add3A_238, %add3A_345 : i32
          %get3A_347 = arith.index_cast %add3A_346 : i32 to index
          %get3A_348 = tpu.vector_load %arg10[%get3A_347] {strides = array<i32>} : memref<1280xi32, #tpu.memory_space<vmem>>, vector<16xi32>,
          %add3A_349 = arith.constant 0 : i32
          %add3A_350 = vector.broadcast %add3A_349 : i32 to vector<16xi32>
          %add3A_351 = arith.addi %add3A_350, %get3A_344 : vector<16xi32>
          %mul3A_352 = arith.constant 10240 : i32
          %mul3A_353 = vector.broadcast %mul3A_352 : i32 to vector<16xi32>
          %mul3A_354 = arith.muli %add3A_351, %mul3A_353 : vector<16xi32>
          %add3A_355 = arith.addi %mul3A_354, %get3A_348 : vector<16xi32>
          %swap3A_356 = arith.constant 96 : index
          %swap3A_357 = tpu.vector_load %arg15[%swap3A_356] {strides = array<i32>} : memref<128xi32, #tpu.memory_space<vmem>>, vector<16xi32>,
          tpu.vector_store %arg15[%swap3A_356], %add3A_355 {strides = array<i32>} : memref<128xi32, #tpu.memory_space<vmem>>, vector<16xi32>,
          %add3A_358 = arith.constant 112 : i32
          %add3A_359 = arith.addi %add3A_238, %add3A_358 : i32
          %get3A_360 = arith.index_cast %add3A_359 : i32 to index
          %get3A_361 = tpu.vector_load %arg11[%get3A_360] {strides = array<i32>} : memref<1280xi32, #tpu.memory_space<vmem>>, vector<16xi32>,
          %add3A_362 = arith.constant 112 : i32
          %add3A_363 = arith.addi %add3A_238, %add3A_362 : i32
          %get3A_364 = arith.index_cast %add3A_363 : i32 to index
          %get3A_365 = tpu.vector_load %arg10[%get3A_364] {strides = array<i32>} : memref<1280xi32, #tpu.memory_space<vmem>>, vector<16xi32>,
          %add3A_366 = arith.constant 0 : i32
          %add3A_367 = vector.broadcast %add3A_366 : i32 to vector<16xi32>
          %add3A_368 = arith.addi %add3A_367, %get3A_361 : vector<16xi32>
          %mul3A_369 = arith.constant 10240 : i32
          %mul3A_370 = vector.broadcast %mul3A_369 : i32 to vector<16xi32>
          %mul3A_371 = arith.muli %add3A_368, %mul3A_370 : vector<16xi32>
          %add3A_372 = arith.addi %mul3A_371, %get3A_365 : vector<16xi32>
          %swap3A_373 = arith.constant 112 : index
          %swap3A_374 = tpu.vector_load %arg15[%swap3A_373] {strides = array<i32>} : memref<128xi32, #tpu.memory_space<vmem>>, vector<16xi32>,
          tpu.vector_store %arg15[%swap3A_373], %add3A_372 {strides = array<i32>} : memref<128xi32, #tpu.memory_space<vmem>>, vector<16xi32>,
          %eq3A_375 = arith.constant 0 : i32
          %eq3A_376 = arith.cmpi eq, %arg0, %eq3A_375 : i32
          %convert_element_type3A_377 = arith.extui %eq3A_376 : i1 to i32
          %cond3A_378 = arith.constant 0 : i32
          %cond3A_379 = arith.cmpi ne, %convert_element_type3A_377, %cond3A_378 : i32
          scf.if %cond3A_379 {
            %dma_start3A_385 = arith.constant 0 : i32
            %dma_start3A_386 = arith.constant 0 : i32
            %dma_start3A_387 = tpu.memref_slice %arg2[%dma_start3A_385, %dma_start3A_386] : memref<348160x128xf32, #tpu.memory_space<hbm>> -> memref<348160x128xf32, #tpu.memory_space<hbm>>
            tpu.enqueue_indirect_dma source(%dma_start3A_387 : memref<348160x128xf32, #tpu.memory_space<hbm>>) target(%arg17 : memref<128x128xf32, #tpu.memory_space<vmem>>) offsets(%arg15 : memref<128xi32, #tpu.memory_space<vmem>>) semaphore(%arg20 : memref<!tpu.dma_semaphore, #tpu.memory_space<semaphore_mem>>)
          } else {
          }
          %eq3A_380 = arith.constant 1 : i32
          %eq3A_381 = arith.cmpi eq, %arg0, %eq3A_380 : i32
          %convert_element_type3A_382 = arith.extui %eq3A_381 : i1 to i32
          %cond3A_383 = arith.constant 0 : i32
          %cond3A_384 = arith.cmpi ne, %convert_element_type3A_382, %cond3A_383 : i32
          scf.if %cond3A_384 {
            %dma_start3A_385 = arith.constant 0 : i32
            %dma_start3A_386 = arith.constant 0 : i32
            %dma_start3A_387 = tpu.memref_slice %arg3[%dma_start3A_385, %dma_start3A_386] : memref<348160x128xf32, #tpu.memory_space<hbm>> -> memref<348160x128xf32, #tpu.memory_space<hbm>>
            tpu.enqueue_indirect_dma source(%dma_start3A_387 : memref<348160x128xf32, #tpu.memory_space<hbm>>) target(%arg17 : memref<128x128xf32, #tpu.memory_space<vmem>>) offsets(%arg15 : memref<128xi32, #tpu.memory_space<vmem>>) semaphore(%arg20 : memref<!tpu.dma_semaphore, #tpu.memory_space<semaphore_mem>>)
          } else {
          }
        } else {
        }
        %eq3A_183 = arith.constant 0 : i32
        %eq3A_184 = arith.cmpi eq, %arg0, %eq3A_183 : i32
        %convert_element_type3A_185 = arith.extui %eq3A_184 : i1 to i32
        %cond3A_186 = arith.constant 0 : i32
        %cond3A_187 = arith.cmpi ne, %convert_element_type3A_185, %cond3A_186 : i32
        scf.if %cond3A_187 {
          %dma_wait3A_237 = arith.constant 0 : i32
          %dma_wait3A_238 = arith.constant 0 : i32
          %dma_wait3A_239 = tpu.memref_slice %arg2[%dma_wait3A_237, %dma_wait3A_238] : memref<348160x128xf32, #tpu.memory_space<hbm>> -> memref<348160x128xf32, #tpu.memory_space<hbm>>
          tpu.wait_indirect_dma semaphore(%arg19 : memref<!tpu.dma_semaphore, #tpu.memory_space<semaphore_mem>>) src(%dma_wait3A_239 : memref<348160x128xf32, #tpu.memory_space<hbm>>) dst(%arg16 : memref<128x128xf32, #tpu.memory_space<vmem>>)
        } else {
        }
        %eq3A_188 = arith.constant 1 : i32
        %eq3A_189 = arith.cmpi eq, %arg0, %eq3A_188 : i32
        %convert_element_type3A_190 = arith.extui %eq3A_189 : i1 to i32
        %cond3A_191 = arith.constant 0 : i32
        %cond3A_192 = arith.cmpi ne, %convert_element_type3A_190, %cond3A_191 : i32
        scf.if %cond3A_192 {
          %dma_wait3A_237 = arith.constant 0 : i32
          %dma_wait3A_238 = arith.constant 0 : i32
          %dma_wait3A_239 = tpu.memref_slice %arg3[%dma_wait3A_237, %dma_wait3A_238] : memref<348160x128xf32, #tpu.memory_space<hbm>> -> memref<348160x128xf32, #tpu.memory_space<hbm>>
          tpu.wait_indirect_dma semaphore(%arg19 : memref<!tpu.dma_semaphore, #tpu.memory_space<semaphore_mem>>) src(%dma_wait3A_239 : memref<348160x128xf32, #tpu.memory_space<hbm>>) dst(%arg16 : memref<128x128xf32, #tpu.memory_space<vmem>>)
        } else {
        }
        %parallel_loop3A = arith.constant 0 : i32
        %parallel_loop3A_193 = arith.constant 128 : i32
        %parallel_loop3A_194 = arith.constant 1 : i32
        scf.for %parallel_loop3A_237 = %parallel_loop3A to %parallel_loop3A_193 step %parallel_loop3A_194  : i32 {
          %parallel_loop3A_238 = arith.addi %mul3A_171, %parallel_loop3A_237 : i32
          %parallel_loop3A_239 = vector.broadcast %parallel_loop3A_238 : i32 to vector<16xi32>
          %parallel_loop3A_240 = tpu.vector_load_idx %arg12[%parallel_loop3A_239] : memref<1280xf32, #tpu.memory_space<vmem>>[vector<16xi32>], vector<16xf32>,
          %parallel_loop3A_241 = arith.index_cast %parallel_loop3A_237 : i32 to index
          %parallel_loop3A_242 = arith.constant 0 : index
          %parallel_loop3A_243 = tpu.vector_load %arg16[%parallel_loop3A_241, %parallel_loop3A_242] {strides = array<i32>} : memref<128x128xf32, #tpu.memory_space<vmem>>, vector<16xf32>,
          %parallel_loop3A_244 = arith.mulf %parallel_loop3A_243, %parallel_loop3A_240 : vector<16xf32>
          %parallel_loop3A_245 = arith.index_cast %parallel_loop3A_237 : i32 to index
          %parallel_loop3A_246 = arith.constant 0 : index
          %parallel_loop3A_247 = tpu.vector_load %arg16[%parallel_loop3A_245, %parallel_loop3A_246] {strides = array<i32>} : memref<128x128xf32, #tpu.memory_space<vmem>>, vector<16xf32>,
          tpu.vector_store %arg16[%parallel_loop3A_245, %parallel_loop3A_246], %parallel_loop3A_244 {strides = array<i32>} : memref<128x128xf32, #tpu.memory_space<vmem>>, vector<16xf32>,
          %parallel_loop3A_248 = arith.index_cast %parallel_loop3A_237 : i32 to index
          %parallel_loop3A_249 = arith.constant 16 : index
          %parallel_loop3A_250 = tpu.vector_load %arg16[%parallel_loop3A_248, %parallel_loop3A_249] {strides = array<i32>} : memref<128x128xf32, #tpu.memory_space<vmem>>, vector<16xf32>,
          %parallel_loop3A_251 = arith.mulf %parallel_loop3A_250, %parallel_loop3A_240 : vector<16xf32>
          %parallel_loop3A_252 = arith.index_cast %parallel_loop3A_237 : i32 to index
          %parallel_loop3A_253 = arith.constant 16 : index
          %parallel_loop3A_254 = tpu.vector_load %arg16[%parallel_loop3A_252, %parallel_loop3A_253] {strides = array<i32>} : memref<128x128xf32, #tpu.memory_space<vmem>>, vector<16xf32>,
          tpu.vector_store %arg16[%parallel_loop3A_252, %parallel_loop3A_253], %parallel_loop3A_251 {strides = array<i32>} : memref<128x128xf32, #tpu.memory_space<vmem>>, vector<16xf32>,
          %parallel_loop3A_255 = arith.index_cast %parallel_loop3A_237 : i32 to index
          %parallel_loop3A_256 = arith.constant 32 : index
          %parallel_loop3A_257 = tpu.vector_load %arg16[%parallel_loop3A_255, %parallel_loop3A_256] {strides = array<i32>} : memref<128x128xf32, #tpu.memory_space<vmem>>, vector<16xf32>,
          %parallel_loop3A_258 = arith.mulf %parallel_loop3A_257, %parallel_loop3A_240 : vector<16xf32>
          %parallel_loop3A_259 = arith.index_cast %parallel_loop3A_237 : i32 to index
          %parallel_loop3A_260 = arith.constant 32 : index
          %parallel_loop3A_261 = tpu.vector_load %arg16[%parallel_loop3A_259, %parallel_loop3A_260] {strides = array<i32>} : memref<128x128xf32, #tpu.memory_space<vmem>>, vector<16xf32>,
          tpu.vector_store %arg16[%parallel_loop3A_259, %parallel_loop3A_260], %parallel_loop3A_258 {strides = array<i32>} : memref<128x128xf32, #tpu.memory_space<vmem>>, vector<16xf32>,
          %parallel_loop3A_262 = arith.index_cast %parallel_loop3A_237 : i32 to index
          %parallel_loop3A_263 = arith.constant 48 : index
          %parallel_loop3A_264 = tpu.vector_load %arg16[%parallel_loop3A_262, %parallel_loop3A_263] {strides = array<i32>} : memref<128x128xf32, #tpu.memory_space<vmem>>, vector<16xf32>,
          %parallel_loop3A_265 = arith.mulf %parallel_loop3A_264, %parallel_loop3A_240 : vector<16xf32>
          %parallel_loop3A_266 = arith.index_cast %parallel_loop3A_237 : i32 to index
          %parallel_loop3A_267 = arith.constant 48 : index
          %parallel_loop3A_268 = tpu.vector_load %arg16[%parallel_loop3A_266, %parallel_loop3A_267] {strides = array<i32>} : memref<128x128xf32, #tpu.memory_space<vmem>>, vector<16xf32>,
          tpu.vector_store %arg16[%parallel_loop3A_266, %parallel_loop3A_267], %parallel_loop3A_265 {strides = array<i32>} : memref<128x128xf32, #tpu.memory_space<vmem>>, vector<16xf32>,
          %parallel_loop3A_269 = arith.index_cast %parallel_loop3A_237 : i32 to index
          %parallel_loop3A_270 = arith.constant 64 : index
          %parallel_loop3A_271 = tpu.vector_load %arg16[%parallel_loop3A_269, %parallel_loop3A_270] {strides = array<i32>} : memref<128x128xf32, #tpu.memory_space<vmem>>, vector<16xf32>,
          %parallel_loop3A_272 = arith.mulf %parallel_loop3A_271, %parallel_loop3A_240 : vector<16xf32>
          %parallel_loop3A_273 = arith.index_cast %parallel_loop3A_237 : i32 to index
          %parallel_loop3A_274 = arith.constant 64 : index
          %parallel_loop3A_275 = tpu.vector_load %arg16[%parallel_loop3A_273, %parallel_loop3A_274] {strides = array<i32>} : memref<128x128xf32, #tpu.memory_space<vmem>>, vector<16xf32>,
          tpu.vector_store %arg16[%parallel_loop3A_273, %parallel_loop3A_274], %parallel_loop3A_272 {strides = array<i32>} : memref<128x128xf32, #tpu.memory_space<vmem>>, vector<16xf32>,
          %parallel_loop3A_276 = arith.index_cast %parallel_loop3A_237 : i32 to index
          %parallel_loop3A_277 = arith.constant 80 : index
          %parallel_loop3A_278 = tpu.vector_load %arg16[%parallel_loop3A_276, %parallel_loop3A_277] {strides = array<i32>} : memref<128x128xf32, #tpu.memory_space<vmem>>, vector<16xf32>,
          %parallel_loop3A_279 = arith.mulf %parallel_loop3A_278, %parallel_loop3A_240 : vector<16xf32>
          %parallel_loop3A_280 = arith.index_cast %parallel_loop3A_237 : i32 to index
          %parallel_loop3A_281 = arith.constant 80 : index
          %parallel_loop3A_282 = tpu.vector_load %arg16[%parallel_loop3A_280, %parallel_loop3A_281] {strides = array<i32>} : memref<128x128xf32, #tpu.memory_space<vmem>>, vector<16xf32>,
          tpu.vector_store %arg16[%parallel_loop3A_280, %parallel_loop3A_281], %parallel_loop3A_279 {strides = array<i32>} : memref<128x128xf32, #tpu.memory_space<vmem>>, vector<16xf32>,
          %parallel_loop3A_283 = arith.index_cast %parallel_loop3A_237 : i32 to index
          %parallel_loop3A_284 = arith.constant 96 : index
          %parallel_loop3A_285 = tpu.vector_load %arg16[%parallel_loop3A_283, %parallel_loop3A_284] {strides = array<i32>} : memref<128x128xf32, #tpu.memory_space<vmem>>, vector<16xf32>,
          %parallel_loop3A_286 = arith.mulf %parallel_loop3A_285, %parallel_loop3A_240 : vector<16xf32>
          %parallel_loop3A_287 = arith.index_cast %parallel_loop3A_237 : i32 to index
          %parallel_loop3A_288 = arith.constant 96 : index
          %parallel_loop3A_289 = tpu.vector_load %arg16[%parallel_loop3A_287, %parallel_loop3A_288] {strides = array<i32>} : memref<128x128xf32, #tpu.memory_space<vmem>>, vector<16xf32>,
          tpu.vector_store %arg16[%parallel_loop3A_287, %parallel_loop3A_288], %parallel_loop3A_286 {strides = array<i32>} : memref<128x128xf32, #tpu.memory_space<vmem>>, vector<16xf32>,
          %parallel_loop3A_290 = arith.index_cast %parallel_loop3A_237 : i32 to index
          %parallel_loop3A_291 = arith.constant 112 : index
          %parallel_loop3A_292 = tpu.vector_load %arg16[%parallel_loop3A_290, %parallel_loop3A_291] {strides = array<i32>} : memref<128x128xf32, #tpu.memory_space<vmem>>, vector<16xf32>,
          %parallel_loop3A_293 = arith.mulf %parallel_loop3A_292, %parallel_loop3A_240 : vector<16xf32>
          %parallel_loop3A_294 = arith.index_cast %parallel_loop3A_237 : i32 to index
          %parallel_loop3A_295 = arith.constant 112 : index
          %parallel_loop3A_296 = tpu.vector_load %arg16[%parallel_loop3A_294, %parallel_loop3A_295] {strides = array<i32>} : memref<128x128xf32, #tpu.memory_space<vmem>>, vector<16xf32>,
          tpu.vector_store %arg16[%parallel_loop3A_294, %parallel_loop3A_295], %parallel_loop3A_293 {strides = array<i32>} : memref<128x128xf32, #tpu.memory_space<vmem>>, vector<16xf32>,
        } {sc.loop_unroll_factor = 4 : i64, sc.parallel_access}
        %dma_start3A = arith.constant 0 : i32
        %dma_start3A_195 = tpu.memref_slice %arg13[%add3A_169, %dma_start3A] : memref<10x128xi32, #tpu.memory_space<vmem>> -> memref<1x128xi32, #tpu.memory_space<vmem>>
        %dma_start3A_196 = tpu.memref_squeeze %dma_start3A_195 : memref<1x128xi32, #tpu.memory_space<vmem>> -> memref<128xi32, #tpu.memory_space<vmem>>
        %dma_start3A_197 = arith.constant 0 : i32
        %dma_start3A_198 = arith.constant 0 : i32
        %dma_start3A_199 = tpu.memref_slice %arg18[%dma_start3A_197, %dma_start3A_198] : memref<10240x128xf32, #tpu.memory_space<vmem_shared>> -> memref<10240x128xf32, #tpu.memory_space<vmem_shared>>
        tpu.enqueue_indirect_dma source(%arg16 : memref<128x128xf32, #tpu.memory_space<vmem>>) target(%dma_start3A_199 : memref<10240x128xf32, #tpu.memory_space<vmem_shared>>) offsets(%dma_start3A_196 : memref<128xi32, #tpu.memory_space<vmem>>) semaphore(%arg21 : memref<!tpu.dma_semaphore, #tpu.memory_space<semaphore_mem>>) {add = true}
        %add3A_200 = arith.constant 1 : i32
        %add3A_201 = arith.addi %add3A_167, %add3A_200 : i32
        %mul3A_202 = arith.constant 128 : i32
        %mul3A_203 = arith.muli %add3A_201, %mul3A_202 : i32
        %dma_wait3A_204 = arith.constant 0 : i32
        %dma_wait3A_205 = arith.constant 0 : i32
        %dma_wait3A_206 = tpu.memref_slice %arg13[%dma_wait3A_204, %dma_wait3A_205] : memref<10x128xi32, #tpu.memory_space<vmem>> -> memref<1x128xi32, #tpu.memory_space<vmem>>
        %dma_wait3A_207 = tpu.memref_squeeze %dma_wait3A_206 : memref<1x128xi32, #tpu.memory_space<vmem>> -> memref<128xi32, #tpu.memory_space<vmem>>
        %dma_wait3A_208 = arith.constant 0 : i32
        %dma_wait3A_209 = arith.constant 0 : i32
        %dma_wait3A_210 = tpu.memref_slice %arg18[%dma_wait3A_208, %dma_wait3A_209] : memref<10240x128xf32, #tpu.memory_space<vmem_shared>> -> memref<10240x128xf32, #tpu.memory_space<vmem_shared>>
        tpu.wait_indirect_dma semaphore(%arg21 : memref<!tpu.dma_semaphore, #tpu.memory_space<semaphore_mem>>) src(%arg16 : memref<128x128xf32, #tpu.memory_space<vmem>>) dst(%dma_wait3A_210 : memref<10240x128xf32, #tpu.memory_space<vmem_shared>>)
        %add3A_211 = arith.constant 1 : i32
        %add3A_212 = arith.addi %add3A_201, %add3A_211 : i32
        %lt3A_213 = arith.constant 10 : i32
        %lt3A_214 = arith.cmpi slt, %add3A_212, %lt3A_213 : i32
        %convert_element_type3A_215 = arith.extui %lt3A_214 : i1 to i32
        %cond3A_216 = arith.constant 0 : i32
        %cond3A_217 = arith.cmpi ne, %convert_element_type3A_215, %cond3A_216 : i32
        scf.if %cond3A_217 {
          %add3A_237 = arith.constant 128 : i32
          %add3A_238 = arith.addi %mul3A_203, %add3A_237 : i32
          %add3A_239 = arith.constant 0 : i32
          %add3A_240 = arith.addi %add3A_238, %add3A_239 : i32
          %get3A_241 = arith.index_cast %add3A_240 : i32 to index
          %get3A_242 = tpu.vector_load %arg11[%get3A_241] {strides = array<i32>} : memref<1280xi32, #tpu.memory_space<vmem>>, vector<16xi32>,
          %add3A_243 = arith.constant 0 : i32
          %add3A_244 = arith.addi %add3A_238, %add3A_243 : i32
          %get3A_245 = arith.index_cast %add3A_244 : i32 to index
          %get3A_246 = tpu.vector_load %arg10[%get3A_245] {strides = array<i32>} : memref<1280xi32, #tpu.memory_space<vmem>>, vector<16xi32>,
          %add3A_247 = arith.constant 0 : i32
          %add3A_248 = vector.broadcast %add3A_247 : i32 to vector<16xi32>
          %add3A_249 = arith.addi %add3A_248, %get3A_242 : vector<16xi32>
          %mul3A_250 = arith.constant 10240 : i32
          %mul3A_251 = vector.broadcast %mul3A_250 : i32 to vector<16xi32>
          %mul3A_252 = arith.muli %add3A_249, %mul3A_251 : vector<16xi32>
          %add3A_253 = arith.addi %mul3A_252, %get3A_246 : vector<16xi32>
          %swap3A_254 = arith.constant 0 : index
          %swap3A_255 = tpu.vector_load %arg14[%swap3A_254] {strides = array<i32>} : memref<128xi32, #tpu.memory_space<vmem>>, vector<16xi32>,
          tpu.vector_store %arg14[%swap3A_254], %add3A_253 {strides = array<i32>} : memref<128xi32, #tpu.memory_space<vmem>>, vector<16xi32>,
          %add3A_256 = arith.constant 16 : i32
          %add3A_257 = arith.addi %add3A_238, %add3A_256 : i32
          %get3A_258 = arith.index_cast %add3A_257 : i32 to index
          %get3A_259 = tpu.vector_load %arg11[%get3A_258] {strides = array<i32>} : memref<1280xi32, #tpu.memory_space<vmem>>, vector<16xi32>,
          %add3A_260 = arith.constant 16 : i32
          %add3A_261 = arith.addi %add3A_238, %add3A_260 : i32
          %get3A_262 = arith.index_cast %add3A_261 : i32 to index
          %get3A_263 = tpu.vector_load %arg10[%get3A_262] {strides = array<i32>} : memref<1280xi32, #tpu.memory_space<vmem>>, vector<16xi32>,
          %add3A_264 = arith.constant 0 : i32
          %add3A_265 = vector.broadcast %add3A_264 : i32 to vector<16xi32>
          %add3A_266 = arith.addi %add3A_265, %get3A_259 : vector<16xi32>
          %mul3A_267 = arith.constant 10240 : i32
          %mul3A_268 = vector.broadcast %mul3A_267 : i32 to vector<16xi32>
          %mul3A_269 = arith.muli %add3A_266, %mul3A_268 : vector<16xi32>
          %add3A_270 = arith.addi %mul3A_269, %get3A_263 : vector<16xi32>
          %swap3A_271 = arith.constant 16 : index
          %swap3A_272 = tpu.vector_load %arg14[%swap3A_271] {strides = array<i32>} : memref<128xi32, #tpu.memory_space<vmem>>, vector<16xi32>,
          tpu.vector_store %arg14[%swap3A_271], %add3A_270 {strides = array<i32>} : memref<128xi32, #tpu.memory_space<vmem>>, vector<16xi32>,
          %add3A_273 = arith.constant 32 : i32
          %add3A_274 = arith.addi %add3A_238, %add3A_273 : i32
          %get3A_275 = arith.index_cast %add3A_274 : i32 to index
          %get3A_276 = tpu.vector_load %arg11[%get3A_275] {strides = array<i32>} : memref<1280xi32, #tpu.memory_space<vmem>>, vector<16xi32>,
          %add3A_277 = arith.constant 32 : i32
          %add3A_278 = arith.addi %add3A_238, %add3A_277 : i32
          %get3A_279 = arith.index_cast %add3A_278 : i32 to index
          %get3A_280 = tpu.vector_load %arg10[%get3A_279] {strides = array<i32>} : memref<1280xi32, #tpu.memory_space<vmem>>, vector<16xi32>,
          %add3A_281 = arith.constant 0 : i32
          %add3A_282 = vector.broadcast %add3A_281 : i32 to vector<16xi32>
          %add3A_283 = arith.addi %add3A_282, %get3A_276 : vector<16xi32>
          %mul3A_284 = arith.constant 10240 : i32
          %mul3A_285 = vector.broadcast %mul3A_284 : i32 to vector<16xi32>
          %mul3A_286 = arith.muli %add3A_283, %mul3A_285 : vector<16xi32>
          %add3A_287 = arith.addi %mul3A_286, %get3A_280 : vector<16xi32>
          %swap3A_288 = arith.constant 32 : index
          %swap3A_289 = tpu.vector_load %arg14[%swap3A_288] {strides = array<i32>} : memref<128xi32, #tpu.memory_space<vmem>>, vector<16xi32>,
          tpu.vector_store %arg14[%swap3A_288], %add3A_287 {strides = array<i32>} : memref<128xi32, #tpu.memory_space<vmem>>, vector<16xi32>,
          %add3A_290 = arith.constant 48 : i32
          %add3A_291 = arith.addi %add3A_238, %add3A_290 : i32
          %get3A_292 = arith.index_cast %add3A_291 : i32 to index
          %get3A_293 = tpu.vector_load %arg11[%get3A_292] {strides = array<i32>} : memref<1280xi32, #tpu.memory_space<vmem>>, vector<16xi32>,
          %add3A_294 = arith.constant 48 : i32
          %add3A_295 = arith.addi %add3A_238, %add3A_294 : i32
          %get3A_296 = arith.index_cast %add3A_295 : i32 to index
          %get3A_297 = tpu.vector_load %arg10[%get3A_296] {strides = array<i32>} : memref<1280xi32, #tpu.memory_space<vmem>>, vector<16xi32>,
          %add3A_298 = arith.constant 0 : i32
          %add3A_299 = vector.broadcast %add3A_298 : i32 to vector<16xi32>
          %add3A_300 = arith.addi %add3A_299, %get3A_293 : vector<16xi32>
          %mul3A_301 = arith.constant 10240 : i32
          %mul3A_302 = vector.broadcast %mul3A_301 : i32 to vector<16xi32>
          %mul3A_303 = arith.muli %add3A_300, %mul3A_302 : vector<16xi32>
          %add3A_304 = arith.addi %mul3A_303, %get3A_297 : vector<16xi32>
          %swap3A_305 = arith.constant 48 : index
          %swap3A_306 = tpu.vector_load %arg14[%swap3A_305] {strides = array<i32>} : memref<128xi32, #tpu.memory_space<vmem>>, vector<16xi32>,
          tpu.vector_store %arg14[%swap3A_305], %add3A_304 {strides = array<i32>} : memref<128xi32, #tpu.memory_space<vmem>>, vector<16xi32>,
          %add3A_307 = arith.constant 64 : i32
          %add3A_308 = arith.addi %add3A_238, %add3A_307 : i32
          %get3A_309 = arith.index_cast %add3A_308 : i32 to index
          %get3A_310 = tpu.vector_load %arg11[%get3A_309] {strides = array<i32>} : memref<1280xi32, #tpu.memory_space<vmem>>, vector<16xi32>,
          %add3A_311 = arith.constant 64 : i32
          %add3A_312 = arith.addi %add3A_238, %add3A_311 : i32
          %get3A_313 = arith.index_cast %add3A_312 : i32 to index
          %get3A_314 = tpu.vector_load %arg10[%get3A_313] {strides = array<i32>} : memref<1280xi32, #tpu.memory_space<vmem>>, vector<16xi32>,
          %add3A_315 = arith.constant 0 : i32
          %add3A_316 = vector.broadcast %add3A_315 : i32 to vector<16xi32>
          %add3A_317 = arith.addi %add3A_316, %get3A_310 : vector<16xi32>
          %mul3A_318 = arith.constant 10240 : i32
          %mul3A_319 = vector.broadcast %mul3A_318 : i32 to vector<16xi32>
          %mul3A_320 = arith.muli %add3A_317, %mul3A_319 : vector<16xi32>
          %add3A_321 = arith.addi %mul3A_320, %get3A_314 : vector<16xi32>
          %swap3A_322 = arith.constant 64 : index
          %swap3A_323 = tpu.vector_load %arg14[%swap3A_322] {strides = array<i32>} : memref<128xi32, #tpu.memory_space<vmem>>, vector<16xi32>,
          tpu.vector_store %arg14[%swap3A_322], %add3A_321 {strides = array<i32>} : memref<128xi32, #tpu.memory_space<vmem>>, vector<16xi32>,
          %add3A_324 = arith.constant 80 : i32
          %add3A_325 = arith.addi %add3A_238, %add3A_324 : i32
          %get3A_326 = arith.index_cast %add3A_325 : i32 to index
          %get3A_327 = tpu.vector_load %arg11[%get3A_326] {strides = array<i32>} : memref<1280xi32, #tpu.memory_space<vmem>>, vector<16xi32>,
          %add3A_328 = arith.constant 80 : i32
          %add3A_329 = arith.addi %add3A_238, %add3A_328 : i32
          %get3A_330 = arith.index_cast %add3A_329 : i32 to index
          %get3A_331 = tpu.vector_load %arg10[%get3A_330] {strides = array<i32>} : memref<1280xi32, #tpu.memory_space<vmem>>, vector<16xi32>,
          %add3A_332 = arith.constant 0 : i32
          %add3A_333 = vector.broadcast %add3A_332 : i32 to vector<16xi32>
          %add3A_334 = arith.addi %add3A_333, %get3A_327 : vector<16xi32>
          %mul3A_335 = arith.constant 10240 : i32
          %mul3A_336 = vector.broadcast %mul3A_335 : i32 to vector<16xi32>
          %mul3A_337 = arith.muli %add3A_334, %mul3A_336 : vector<16xi32>
          %add3A_338 = arith.addi %mul3A_337, %get3A_331 : vector<16xi32>
          %swap3A_339 = arith.constant 80 : index
          %swap3A_340 = tpu.vector_load %arg14[%swap3A_339] {strides = array<i32>} : memref<128xi32, #tpu.memory_space<vmem>>, vector<16xi32>,
          tpu.vector_store %arg14[%swap3A_339], %add3A_338 {strides = array<i32>} : memref<128xi32, #tpu.memory_space<vmem>>, vector<16xi32>,
          %add3A_341 = arith.constant 96 : i32
          %add3A_342 = arith.addi %add3A_238, %add3A_341 : i32
          %get3A_343 = arith.index_cast %add3A_342 : i32 to index
          %get3A_344 = tpu.vector_load %arg11[%get3A_343] {strides = array<i32>} : memref<1280xi32, #tpu.memory_space<vmem>>, vector<16xi32>,
          %add3A_345 = arith.constant 96 : i32
          %add3A_346 = arith.addi %add3A_238, %add3A_345 : i32
          %get3A_347 = arith.index_cast %add3A_346 : i32 to index
          %get3A_348 = tpu.vector_load %arg10[%get3A_347] {strides = array<i32>} : memref<1280xi32, #tpu.memory_space<vmem>>, vector<16xi32>,
          %add3A_349 = arith.constant 0 : i32
          %add3A_350 = vector.broadcast %add3A_349 : i32 to vector<16xi32>
          %add3A_351 = arith.addi %add3A_350, %get3A_344 : vector<16xi32>
          %mul3A_352 = arith.constant 10240 : i32
          %mul3A_353 = vector.broadcast %mul3A_352 : i32 to vector<16xi32>
          %mul3A_354 = arith.muli %add3A_351, %mul3A_353 : vector<16xi32>
          %add3A_355 = arith.addi %mul3A_354, %get3A_348 : vector<16xi32>
          %swap3A_356 = arith.constant 96 : index
          %swap3A_357 = tpu.vector_load %arg14[%swap3A_356] {strides = array<i32>} : memref<128xi32, #tpu.memory_space<vmem>>, vector<16xi32>,
          tpu.vector_store %arg14[%swap3A_356], %add3A_355 {strides = array<i32>} : memref<128xi32, #tpu.memory_space<vmem>>, vector<16xi32>,
          %add3A_358 = arith.constant 112 : i32
          %add3A_359 = arith.addi %add3A_238, %add3A_358 : i32
          %get3A_360 = arith.index_cast %add3A_359 : i32 to index
          %get3A_361 = tpu.vector_load %arg11[%get3A_360] {strides = array<i32>} : memref<1280xi32, #tpu.memory_space<vmem>>, vector<16xi32>,
          %add3A_362 = arith.constant 112 : i32
          %add3A_363 = arith.addi %add3A_238, %add3A_362 : i32
          %get3A_364 = arith.index_cast %add3A_363 : i32 to index
          %get3A_365 = tpu.vector_load %arg10[%get3A_364] {strides = array<i32>} : memref<1280xi32, #tpu.memory_space<vmem>>, vector<16xi32>,
          %add3A_366 = arith.constant 0 : i32
          %add3A_367 = vector.broadcast %add3A_366 : i32 to vector<16xi32>
          %add3A_368 = arith.addi %add3A_367, %get3A_361 : vector<16xi32>
          %mul3A_369 = arith.constant 10240 : i32
          %mul3A_370 = vector.broadcast %mul3A_369 : i32 to vector<16xi32>
          %mul3A_371 = arith.muli %add3A_368, %mul3A_370 : vector<16xi32>
          %add3A_372 = arith.addi %mul3A_371, %get3A_365 : vector<16xi32>
          %swap3A_373 = arith.constant 112 : index
          %swap3A_374 = tpu.vector_load %arg14[%swap3A_373] {strides = array<i32>} : memref<128xi32, #tpu.memory_space<vmem>>, vector<16xi32>,
          tpu.vector_store %arg14[%swap3A_373], %add3A_372 {strides = array<i32>} : memref<128xi32, #tpu.memory_space<vmem>>, vector<16xi32>,
          %eq3A_375 = arith.constant 0 : i32
          %eq3A_376 = arith.cmpi eq, %arg0, %eq3A_375 : i32
          %convert_element_type3A_377 = arith.extui %eq3A_376 : i1 to i32
          %cond3A_378 = arith.constant 0 : i32
          %cond3A_379 = arith.cmpi ne, %convert_element_type3A_377, %cond3A_378 : i32
          scf.if %cond3A_379 {
            %dma_start3A_385 = arith.constant 0 : i32
            %dma_start3A_386 = arith.constant 0 : i32
            %dma_start3A_387 = tpu.memref_slice %arg2[%dma_start3A_385, %dma_start3A_386] : memref<348160x128xf32, #tpu.memory_space<hbm>> -> memref<348160x128xf32, #tpu.memory_space<hbm>>
            tpu.enqueue_indirect_dma source(%dma_start3A_387 : memref<348160x128xf32, #tpu.memory_space<hbm>>) target(%arg16 : memref<128x128xf32, #tpu.memory_space<vmem>>) offsets(%arg14 : memref<128xi32, #tpu.memory_space<vmem>>) semaphore(%arg19 : memref<!tpu.dma_semaphore, #tpu.memory_space<semaphore_mem>>)
          } else {
          }
          %eq3A_380 = arith.constant 1 : i32
          %eq3A_381 = arith.cmpi eq, %arg0, %eq3A_380 : i32
          %convert_element_type3A_382 = arith.extui %eq3A_381 : i1 to i32
          %cond3A_383 = arith.constant 0 : i32
          %cond3A_384 = arith.cmpi ne, %convert_element_type3A_382, %cond3A_383 : i32
          scf.if %cond3A_384 {
            %dma_start3A_385 = arith.constant 0 : i32
            %dma_start3A_386 = arith.constant 0 : i32
            %dma_start3A_387 = tpu.memref_slice %arg3[%dma_start3A_385, %dma_start3A_386] : memref<348160x128xf32, #tpu.memory_space<hbm>> -> memref<348160x128xf32, #tpu.memory_space<hbm>>
            tpu.enqueue_indirect_dma source(%dma_start3A_387 : memref<348160x128xf32, #tpu.memory_space<hbm>>) target(%arg16 : memref<128x128xf32, #tpu.memory_space<vmem>>) offsets(%arg14 : memref<128xi32, #tpu.memory_space<vmem>>) semaphore(%arg19 : memref<!tpu.dma_semaphore, #tpu.memory_space<semaphore_mem>>)
          } else {
          }
        } else {
        }
        %eq3A_218 = arith.constant 0 : i32
        %eq3A_219 = arith.cmpi eq, %arg0, %eq3A_218 : i32
        %convert_element_type3A_220 = arith.extui %eq3A_219 : i1 to i32
        %cond3A_221 = arith.constant 0 : i32
        %cond3A_222 = arith.cmpi ne, %convert_element_type3A_220, %cond3A_221 : i32
        scf.if %cond3A_222 {
          %dma_wait3A_237 = arith.constant 0 : i32
          %dma_wait3A_238 = arith.constant 0 : i32
          %dma_wait3A_239 = tpu.memref_slice %arg2[%dma_wait3A_237, %dma_wait3A_238] : memref<348160x128xf32, #tpu.memory_space<hbm>> -> memref<348160x128xf32, #tpu.memory_space<hbm>>
          tpu.wait_indirect_dma semaphore(%arg20 : memref<!tpu.dma_semaphore, #tpu.memory_space<semaphore_mem>>) src(%dma_wait3A_239 : memref<348160x128xf32, #tpu.memory_space<hbm>>) dst(%arg17 : memref<128x128xf32, #tpu.memory_space<vmem>>)
        } else {
        }
        %eq3A_223 = arith.constant 1 : i32
        %eq3A_224 = arith.cmpi eq, %arg0, %eq3A_223 : i32
        %convert_element_type3A_225 = arith.extui %eq3A_224 : i1 to i32
        %cond3A_226 = arith.constant 0 : i32
        %cond3A_227 = arith.cmpi ne, %convert_element_type3A_225, %cond3A_226 : i32
        scf.if %cond3A_227 {
          %dma_wait3A_237 = arith.constant 0 : i32
          %dma_wait3A_238 = arith.constant 0 : i32
          %dma_wait3A_239 = tpu.memref_slice %arg3[%dma_wait3A_237, %dma_wait3A_238] : memref<348160x128xf32, #tpu.memory_space<hbm>> -> memref<348160x128xf32, #tpu.memory_space<hbm>>
          tpu.wait_indirect_dma semaphore(%arg20 : memref<!tpu.dma_semaphore, #tpu.memory_space<semaphore_mem>>) src(%dma_wait3A_239 : memref<348160x128xf32, #tpu.memory_space<hbm>>) dst(%arg17 : memref<128x128xf32, #tpu.memory_space<vmem>>)
        } else {
        }
        %parallel_loop3A_228 = arith.constant 0 : i32
        %parallel_loop3A_229 = arith.constant 128 : i32
        %parallel_loop3A_230 = arith.constant 1 : i32
        scf.for %parallel_loop3A_237 = %parallel_loop3A_228 to %parallel_loop3A_229 step %parallel_loop3A_230  : i32 {
          %parallel_loop3A_238 = arith.addi %mul3A_203, %parallel_loop3A_237 : i32
          %parallel_loop3A_239 = vector.broadcast %parallel_loop3A_238 : i32 to vector<16xi32>
          %parallel_loop3A_240 = tpu.vector_load_idx %arg12[%parallel_loop3A_239] : memref<1280xf32, #tpu.memory_space<vmem>>[vector<16xi32>], vector<16xf32>,
          %parallel_loop3A_241 = arith.index_cast %parallel_loop3A_237 : i32 to index
          %parallel_loop3A_242 = arith.constant 0 : index
          %parallel_loop3A_243 = tpu.vector_load %arg17[%parallel_loop3A_241, %parallel_loop3A_242] {strides = array<i32>} : memref<128x128xf32, #tpu.memory_space<vmem>>, vector<16xf32>,
          %parallel_loop3A_244 = arith.mulf %parallel_loop3A_243, %parallel_loop3A_240 : vector<16xf32>
          %parallel_loop3A_245 = arith.index_cast %parallel_loop3A_237 : i32 to index
          %parallel_loop3A_246 = arith.constant 0 : index
          %parallel_loop3A_247 = tpu.vector_load %arg17[%parallel_loop3A_245, %parallel_loop3A_246] {strides = array<i32>} : memref<128x128xf32, #tpu.memory_space<vmem>>, vector<16xf32>,
          tpu.vector_store %arg17[%parallel_loop3A_245, %parallel_loop3A_246], %parallel_loop3A_244 {strides = array<i32>} : memref<128x128xf32, #tpu.memory_space<vmem>>, vector<16xf32>,
          %parallel_loop3A_248 = arith.index_cast %parallel_loop3A_237 : i32 to index
          %parallel_loop3A_249 = arith.constant 16 : index
          %parallel_loop3A_250 = tpu.vector_load %arg17[%parallel_loop3A_248, %parallel_loop3A_249] {strides = array<i32>} : memref<128x128xf32, #tpu.memory_space<vmem>>, vector<16xf32>,
          %parallel_loop3A_251 = arith.mulf %parallel_loop3A_250, %parallel_loop3A_240 : vector<16xf32>
          %parallel_loop3A_252 = arith.index_cast %parallel_loop3A_237 : i32 to index
          %parallel_loop3A_253 = arith.constant 16 : index
          %parallel_loop3A_254 = tpu.vector_load %arg17[%parallel_loop3A_252, %parallel_loop3A_253] {strides = array<i32>} : memref<128x128xf32, #tpu.memory_space<vmem>>, vector<16xf32>,
          tpu.vector_store %arg17[%parallel_loop3A_252, %parallel_loop3A_253], %parallel_loop3A_251 {strides = array<i32>} : memref<128x128xf32, #tpu.memory_space<vmem>>, vector<16xf32>,
          %parallel_loop3A_255 = arith.index_cast %parallel_loop3A_237 : i32 to index
          %parallel_loop3A_256 = arith.constant 32 : index
          %parallel_loop3A_257 = tpu.vector_load %arg17[%parallel_loop3A_255, %parallel_loop3A_256] {strides = array<i32>} : memref<128x128xf32, #tpu.memory_space<vmem>>, vector<16xf32>,
          %parallel_loop3A_258 = arith.mulf %parallel_loop3A_257, %parallel_loop3A_240 : vector<16xf32>
          %parallel_loop3A_259 = arith.index_cast %parallel_loop3A_237 : i32 to index
          %parallel_loop3A_260 = arith.constant 32 : index
          %parallel_loop3A_261 = tpu.vector_load %arg17[%parallel_loop3A_259, %parallel_loop3A_260] {strides = array<i32>} : memref<128x128xf32, #tpu.memory_space<vmem>>, vector<16xf32>,
          tpu.vector_store %arg17[%parallel_loop3A_259, %parallel_loop3A_260], %parallel_loop3A_258 {strides = array<i32>} : memref<128x128xf32, #tpu.memory_space<vmem>>, vector<16xf32>,
          %parallel_loop3A_262 = arith.index_cast %parallel_loop3A_237 : i32 to index
          %parallel_loop3A_263 = arith.constant 48 : index
          %parallel_loop3A_264 = tpu.vector_load %arg17[%parallel_loop3A_262, %parallel_loop3A_263] {strides = array<i32>} : memref<128x128xf32, #tpu.memory_space<vmem>>, vector<16xf32>,
          %parallel_loop3A_265 = arith.mulf %parallel_loop3A_264, %parallel_loop3A_240 : vector<16xf32>
          %parallel_loop3A_266 = arith.index_cast %parallel_loop3A_237 : i32 to index
          %parallel_loop3A_267 = arith.constant 48 : index
          %parallel_loop3A_268 = tpu.vector_load %arg17[%parallel_loop3A_266, %parallel_loop3A_267] {strides = array<i32>} : memref<128x128xf32, #tpu.memory_space<vmem>>, vector<16xf32>,
          tpu.vector_store %arg17[%parallel_loop3A_266, %parallel_loop3A_267], %parallel_loop3A_265 {strides = array<i32>} : memref<128x128xf32, #tpu.memory_space<vmem>>, vector<16xf32>,
          %parallel_loop3A_269 = arith.index_cast %parallel_loop3A_237 : i32 to index
          %parallel_loop3A_270 = arith.constant 64 : index
          %parallel_loop3A_271 = tpu.vector_load %arg17[%parallel_loop3A_269, %parallel_loop3A_270] {strides = array<i32>} : memref<128x128xf32, #tpu.memory_space<vmem>>, vector<16xf32>,
          %parallel_loop3A_272 = arith.mulf %parallel_loop3A_271, %parallel_loop3A_240 : vector<16xf32>
          %parallel_loop3A_273 = arith.index_cast %parallel_loop3A_237 : i32 to index
          %parallel_loop3A_274 = arith.constant 64 : index
          %parallel_loop3A_275 = tpu.vector_load %arg17[%parallel_loop3A_273, %parallel_loop3A_274] {strides = array<i32>} : memref<128x128xf32, #tpu.memory_space<vmem>>, vector<16xf32>,
          tpu.vector_store %arg17[%parallel_loop3A_273, %parallel_loop3A_274], %parallel_loop3A_272 {strides = array<i32>} : memref<128x128xf32, #tpu.memory_space<vmem>>, vector<16xf32>,
          %parallel_loop3A_276 = arith.index_cast %parallel_loop3A_237 : i32 to index
          %parallel_loop3A_277 = arith.constant 80 : index
          %parallel_loop3A_278 = tpu.vector_load %arg17[%parallel_loop3A_276, %parallel_loop3A_277] {strides = array<i32>} : memref<128x128xf32, #tpu.memory_space<vmem>>, vector<16xf32>,
          %parallel_loop3A_279 = arith.mulf %parallel_loop3A_278, %parallel_loop3A_240 : vector<16xf32>
          %parallel_loop3A_280 = arith.index_cast %parallel_loop3A_237 : i32 to index
          %parallel_loop3A_281 = arith.constant 80 : index
          %parallel_loop3A_282 = tpu.vector_load %arg17[%parallel_loop3A_280, %parallel_loop3A_281] {strides = array<i32>} : memref<128x128xf32, #tpu.memory_space<vmem>>, vector<16xf32>,
          tpu.vector_store %arg17[%parallel_loop3A_280, %parallel_loop3A_281], %parallel_loop3A_279 {strides = array<i32>} : memref<128x128xf32, #tpu.memory_space<vmem>>, vector<16xf32>,
          %parallel_loop3A_283 = arith.index_cast %parallel_loop3A_237 : i32 to index
          %parallel_loop3A_284 = arith.constant 96 : index
          %parallel_loop3A_285 = tpu.vector_load %arg17[%parallel_loop3A_283, %parallel_loop3A_284] {strides = array<i32>} : memref<128x128xf32, #tpu.memory_space<vmem>>, vector<16xf32>,
          %parallel_loop3A_286 = arith.mulf %parallel_loop3A_285, %parallel_loop3A_240 : vector<16xf32>
          %parallel_loop3A_287 = arith.index_cast %parallel_loop3A_237 : i32 to index
          %parallel_loop3A_288 = arith.constant 96 : index
          %parallel_loop3A_289 = tpu.vector_load %arg17[%parallel_loop3A_287, %parallel_loop3A_288] {strides = array<i32>} : memref<128x128xf32, #tpu.memory_space<vmem>>, vector<16xf32>,
          tpu.vector_store %arg17[%parallel_loop3A_287, %parallel_loop3A_288], %parallel_loop3A_286 {strides = array<i32>} : memref<128x128xf32, #tpu.memory_space<vmem>>, vector<16xf32>,
          %parallel_loop3A_290 = arith.index_cast %parallel_loop3A_237 : i32 to index
          %parallel_loop3A_291 = arith.constant 112 : index
          %parallel_loop3A_292 = tpu.vector_load %arg17[%parallel_loop3A_290, %parallel_loop3A_291] {strides = array<i32>} : memref<128x128xf32, #tpu.memory_space<vmem>>, vector<16xf32>,
          %parallel_loop3A_293 = arith.mulf %parallel_loop3A_292, %parallel_loop3A_240 : vector<16xf32>
          %parallel_loop3A_294 = arith.index_cast %parallel_loop3A_237 : i32 to index
          %parallel_loop3A_295 = arith.constant 112 : index
          %parallel_loop3A_296 = tpu.vector_load %arg17[%parallel_loop3A_294, %parallel_loop3A_295] {strides = array<i32>} : memref<128x128xf32, #tpu.memory_space<vmem>>, vector<16xf32>,
          tpu.vector_store %arg17[%parallel_loop3A_294, %parallel_loop3A_295], %parallel_loop3A_293 {strides = array<i32>} : memref<128x128xf32, #tpu.memory_space<vmem>>, vector<16xf32>,
        } {sc.loop_unroll_factor = 4 : i64, sc.parallel_access}
        %dma_start3A_231 = arith.constant 0 : i32
        %dma_start3A_232 = tpu.memref_slice %arg13[%add3A_201, %dma_start3A_231] : memref<10x128xi32, #tpu.memory_space<vmem>> -> memref<1x128xi32, #tpu.memory_space<vmem>>
        %dma_start3A_233 = tpu.memref_squeeze %dma_start3A_232 : memref<1x128xi32, #tpu.memory_space<vmem>> -> memref<128xi32, #tpu.memory_space<vmem>>
        %dma_start3A_234 = arith.constant 0 : i32
        %dma_start3A_235 = arith.constant 0 : i32
        %dma_start3A_236 = tpu.memref_slice %arg18[%dma_start3A_234, %dma_start3A_235] : memref<10240x128xf32, #tpu.memory_space<vmem_shared>> -> memref<10240x128xf32, #tpu.memory_space<vmem_shared>>
        tpu.enqueue_indirect_dma source(%arg17 : memref<128x128xf32, #tpu.memory_space<vmem>>) target(%dma_start3A_236 : memref<10240x128xf32, #tpu.memory_space<vmem_shared>>) offsets(%dma_start3A_233 : memref<128xi32, #tpu.memory_space<vmem>>) semaphore(%arg22 : memref<!tpu.dma_semaphore, #tpu.memory_space<semaphore_mem>>) {add = true}
      }
      %scan3A_162 = arith.constant 5 : i32
    }
    %scan3A_7 = arith.constant 8 : i32
    %dma_wait3A = arith.constant 0 : i32
    %dma_wait3A_8 = arith.constant 0 : i32
    %dma_wait3A_9 = tpu.memref_slice %arg13[%dma_wait3A, %dma_wait3A_8] : memref<10x128xi32, #tpu.memory_space<vmem>> -> memref<1x128xi32, #tpu.memory_space<vmem>>
    %dma_wait3A_10 = tpu.memref_squeeze %dma_wait3A_9 : memref<1x128xi32, #tpu.memory_space<vmem>> -> memref<128xi32, #tpu.memory_space<vmem>>
    %dma_wait3A_11 = arith.constant 0 : i32
    %dma_wait3A_12 = arith.constant 0 : i32
    %dma_wait3A_13 = tpu.memref_slice %arg18[%dma_wait3A_11, %dma_wait3A_12] : memref<10240x128xf32, #tpu.memory_space<vmem_shared>> -> memref<10240x128xf32, #tpu.memory_space<vmem_shared>>
    tpu.wait_indirect_dma semaphore(%arg22 : memref<!tpu.dma_semaphore, #tpu.memory_space<semaphore_mem>>) src(%arg17 : memref<128x128xf32, #tpu.memory_space<vmem>>) dst(%dma_wait3A_13 : memref<10240x128xf32, #tpu.memory_space<vmem_shared>>)
    %barrier3A_14 = arith.constant 0 : index
    tpu.barrier barrier_id(%barrier3A_14)
    %mul3A_15 = arith.constant 640 : i32
    %mul3A_16 = arith.muli %arg1, %mul3A_15 : i32
    %mul3A_17 = arith.constant 640 : i32
    %mul3A_18 = arith.muli %arg1, %mul3A_17 : i32
    %run_scoped3A = arith.constant 0 : i32
    "tpu.region"() ({
      %run_scoped3A_45 = tpu.sem_alloc : memref<!tpu.dma_semaphore, #tpu.memory_space<semaphore_mem>>
      %dma_start3A = arith.constant 0 : i32
      %dma_start3A_46 = tpu.memref_slice %arg9[%run_scoped3A, %arg0, %mul3A_18, %dma_start3A] : memref<2x2x10240x128xf32, #tpu.memory_space<hbm>> -> memref<1x1x640x128xf32, #tpu.memory_space<hbm>>
      %dma_start3A_47 = tpu.memref_squeeze %dma_start3A_46 : memref<1x1x640x128xf32, #tpu.memory_space<hbm>> -> memref<640x128xf32, #tpu.memory_space<hbm>>
      %dma_start3A_48 = arith.constant 0 : i32
      %dma_start3A_49 = tpu.memref_slice %arg18[%mul3A_16, %dma_start3A_48] : memref<10240x128xf32, #tpu.memory_space<vmem_shared>> -> memref<640x128xf32, #tpu.memory_space<vmem_shared>>
      tpu.enqueue_dma source(%dma_start3A_49 : memref<640x128xf32, #tpu.memory_space<vmem_shared>>) target(%dma_start3A_47 : memref<640x128xf32, #tpu.memory_space<hbm>>) target_semaphore(%run_scoped3A_45 : memref<!tpu.dma_semaphore, #tpu.memory_space<semaphore_mem>>)
      %dma_wait3A_50 = arith.constant 0 : i32
      %dma_wait3A_51 = tpu.memref_slice %arg9[%run_scoped3A, %arg0, %mul3A_18, %dma_wait3A_50] : memref<2x2x10240x128xf32, #tpu.memory_space<hbm>> -> memref<1x1x640x128xf32, #tpu.memory_space<hbm>>
      %dma_wait3A_52 = tpu.memref_squeeze %dma_wait3A_51 : memref<1x1x640x128xf32, #tpu.memory_space<hbm>> -> memref<640x128xf32, #tpu.memory_space<hbm>>
      %dma_wait3A_53 = arith.constant 0 : i32
      %dma_wait3A_54 = tpu.memref_slice %arg18[%mul3A_16, %dma_wait3A_53] : memref<10240x128xf32, #tpu.memory_space<vmem_shared>> -> memref<640x128xf32, #tpu.memory_space<vmem_shared>>
      tpu.wait_dma2 semaphore(%run_scoped3A_45 : memref<!tpu.dma_semaphore, #tpu.memory_space<semaphore_mem>>) src(%dma_wait3A_54 : memref<640x128xf32, #tpu.memory_space<vmem_shared>>) dst(%dma_wait3A_52 : memref<640x128xf32, #tpu.memory_space<hbm>>)
      tpu.yield
    }) : () -> ()
    %barrier3A_19 = arith.constant 0 : index
    tpu.barrier barrier_id(%barrier3A_19)
    %mul3A_20 = arith.constant 640 : i32
    %mul3A_21 = arith.muli %arg1, %mul3A_20 : i32
    %mul3A_22 = arith.constant 640 : i32
    %mul3A_23 = arith.muli %arg1, %mul3A_22 : i32
    "tpu.region"() ({
      %run_scoped3A_45 = tpu.sem_alloc : memref<!tpu.dma_semaphore, #tpu.memory_space<semaphore_mem>>
      %dma_start3A = arith.constant 0 : i32
      %dma_start3A_46 = tpu.memref_slice %arg18[%mul3A_23, %dma_start3A] : memref<10240x128xf32, #tpu.memory_space<vmem_shared>> -> memref<640x128xf32, #tpu.memory_space<vmem_shared>>
      %dma_start3A_47 = arith.constant 0 : i32
      %dma_start3A_48 = tpu.memref_slice %arg8[%mul3A_21, %dma_start3A_47] : memref<10240x128xf32, #tpu.memory_space<hbm>> -> memref<640x128xf32, #tpu.memory_space<hbm>>
      tpu.enqueue_dma source(%dma_start3A_48 : memref<640x128xf32, #tpu.memory_space<hbm>>) target(%dma_start3A_46 : memref<640x128xf32, #tpu.memory_space<vmem_shared>>) target_semaphore(%run_scoped3A_45 : memref<!tpu.dma_semaphore, #tpu.memory_space<semaphore_mem>>)
      %dma_wait3A_49 = arith.constant 0 : i32
      %dma_wait3A_50 = tpu.memref_slice %arg18[%mul3A_23, %dma_wait3A_49] : memref<10240x128xf32, #tpu.memory_space<vmem_shared>> -> memref<640x128xf32, #tpu.memory_space<vmem_shared>>
      %dma_wait3A_51 = arith.constant 0 : i32
      %dma_wait3A_52 = tpu.memref_slice %arg8[%mul3A_21, %dma_wait3A_51] : memref<10240x128xf32, #tpu.memory_space<hbm>> -> memref<640x128xf32, #tpu.memory_space<hbm>>
      tpu.wait_dma2 semaphore(%run_scoped3A_45 : memref<!tpu.dma_semaphore, #tpu.memory_space<semaphore_mem>>) src(%dma_wait3A_52 : memref<640x128xf32, #tpu.memory_space<hbm>>) dst(%dma_wait3A_50 : memref<640x128xf32, #tpu.memory_space<vmem_shared>>)
      tpu.yield
    }) : () -> ()
    %barrier3A_24 = arith.constant 0 : index
    tpu.barrier barrier_id(%barrier3A_24)
    %scan3A_25 = arith.constant 0 : i32
    %scan3A_26 = arith.constant 0 : i32
    %scan3A_27 = arith.constant 8 : i32
    %scan3A_28 = arith.addi %scan3A_26, %scan3A_27 : i32
    %scan3A_29 = arith.constant 1 : i32
    scf.for %scan3A_45 = %scan3A_26 to %scan3A_28 step %scan3A_29  : i32 {
      %gt3A = arith.constant 0 : i32
      %gt3A_46 = arith.cmpi sgt, %scan3A_45, %gt3A : i32
      %convert_element_type3A = arith.extui %gt3A_46 : i1 to i32
      %cond3A = arith.constant 0 : i32
      %cond3A_47 = arith.cmpi ne, %convert_element_type3A, %cond3A : i32
      scf.if %cond3A_47 {
        %dma_wait3A_163 = arith.constant 0 : i32
        %dma_wait3A_164 = arith.constant 0 : i32
        %dma_wait3A_165 = tpu.memref_slice %arg13[%dma_wait3A_163, %dma_wait3A_164] : memref<10x128xi32, #tpu.memory_space<vmem>> -> memref<1x128xi32, #tpu.memory_space<vmem>>
        %dma_wait3A_166 = tpu.memref_squeeze %dma_wait3A_165 : memref<1x128xi32, #tpu.memory_space<vmem>> -> memref<128xi32, #tpu.memory_space<vmem>>
        %dma_wait3A_167 = arith.constant 0 : i32
        %dma_wait3A_168 = arith.constant 0 : i32
        %dma_wait3A_169 = tpu.memref_slice %arg18[%dma_wait3A_167, %dma_wait3A_168] : memref<10240x128xf32, #tpu.memory_space<vmem_shared>> -> memref<10240x128xf32, #tpu.memory_space<vmem_shared>>
        tpu.wait_indirect_dma semaphore(%arg22 : memref<!tpu.dma_semaphore, #tpu.memory_space<semaphore_mem>>) src(%arg17 : memref<128x128xf32, #tpu.memory_space<vmem>>) dst(%dma_wait3A_169 : memref<10240x128xf32, #tpu.memory_space<vmem_shared>>)
      } else {
      }
      "tpu.region"() ({
        %run_scoped3A_163 = tpu.sem_alloc : memref<!tpu.dma_semaphore, #tpu.memory_space<semaphore_mem>>
        %dma_start3A = arith.constant 0 : i32
        %dma_start3A_164 = tpu.memref_slice %arg4[%arg1, %scan3A_45, %dma_start3A] : memref<16x8x1280xi32, #tpu.memory_space<hbm>> -> memref<1x1x1280xi32, #tpu.memory_space<hbm>>
        %dma_start3A_165 = tpu.memref_squeeze %dma_start3A_164 : memref<1x1x1280xi32, #tpu.memory_space<hbm>> -> memref<1280xi32, #tpu.memory_space<hbm>>
        %dma_start3A_166 = arith.constant 0 : i32
        %dma_start3A_167 = tpu.memref_slice %arg4[%arg1, %scan3A_45, %dma_start3A_166] : memref<16x8x1280xi32, #tpu.memory_space<hbm>> -> memref<1x1x1280xi32, #tpu.memory_space<hbm>>
        %dma_start3A_168 = tpu.memref_squeeze %dma_start3A_167 : memref<1x1x1280xi32, #tpu.memory_space<hbm>> -> memref<1280xi32, #tpu.memory_space<hbm>>
        tpu.enqueue_dma source(%dma_start3A_168 : memref<1280xi32, #tpu.memory_space<hbm>>) target(%arg10 : memref<1280xi32, #tpu.memory_space<vmem>>) target_semaphore(%run_scoped3A_163 : memref<!tpu.dma_semaphore, #tpu.memory_space<semaphore_mem>>)
        %dma_wait3A_169 = arith.constant 0 : i32
        %dma_wait3A_170 = tpu.memref_slice %arg4[%arg1, %scan3A_45, %dma_wait3A_169] : memref<16x8x1280xi32, #tpu.memory_space<hbm>> -> memref<1x1x1280xi32, #tpu.memory_space<hbm>>
        %dma_wait3A_171 = tpu.memref_squeeze %dma_wait3A_170 : memref<1x1x1280xi32, #tpu.memory_space<hbm>> -> memref<1280xi32, #tpu.memory_space<hbm>>
        %dma_wait3A_172 = arith.constant 0 : i32
        %dma_wait3A_173 = tpu.memref_slice %arg4[%arg1, %scan3A_45, %dma_wait3A_172] : memref<16x8x1280xi32, #tpu.memory_space<hbm>> -> memref<1x1x1280xi32, #tpu.memory_space<hbm>>
        %dma_wait3A_174 = tpu.memref_squeeze %dma_wait3A_173 : memref<1x1x1280xi32, #tpu.memory_space<hbm>> -> memref<1280xi32, #tpu.memory_space<hbm>>
        tpu.wait_dma2 semaphore(%run_scoped3A_163 : memref<!tpu.dma_semaphore, #tpu.memory_space<semaphore_mem>>) src(%dma_wait3A_174 : memref<1280xi32, #tpu.memory_space<hbm>>) dst(%arg10 : memref<1280xi32, #tpu.memory_space<vmem>>)
        tpu.yield
      }) : () -> ()
      "tpu.region"() ({
        %run_scoped3A_163 = tpu.sem_alloc : memref<!tpu.dma_semaphore, #tpu.memory_space<semaphore_mem>>
        %dma_start3A = arith.constant 0 : i32
        %dma_start3A_164 = tpu.memref_slice %arg5[%arg1, %scan3A_45, %dma_start3A] : memref<16x8x1280xi32, #tpu.memory_space<hbm>> -> memref<1x1x1280xi32, #tpu.memory_space<hbm>>
        %dma_start3A_165 = tpu.memref_squeeze %dma_start3A_164 : memref<1x1x1280xi32, #tpu.memory_space<hbm>> -> memref<1280xi32, #tpu.memory_space<hbm>>
        %dma_start3A_166 = arith.constant 0 : i32
        %dma_start3A_167 = tpu.memref_slice %arg5[%arg1, %scan3A_45, %dma_start3A_166] : memref<16x8x1280xi32, #tpu.memory_space<hbm>> -> memref<1x1x1280xi32, #tpu.memory_space<hbm>>
        %dma_start3A_168 = tpu.memref_squeeze %dma_start3A_167 : memref<1x1x1280xi32, #tpu.memory_space<hbm>> -> memref<1280xi32, #tpu.memory_space<hbm>>
        tpu.enqueue_dma source(%dma_start3A_168 : memref<1280xi32, #tpu.memory_space<hbm>>) target(%arg11 : memref<1280xi32, #tpu.memory_space<vmem>>) target_semaphore(%run_scoped3A_163 : memref<!tpu.dma_semaphore, #tpu.memory_space<semaphore_mem>>)
        %dma_wait3A_169 = arith.constant 0 : i32
        %dma_wait3A_170 = tpu.memref_slice %arg5[%arg1, %scan3A_45, %dma_wait3A_169] : memref<16x8x1280xi32, #tpu.memory_space<hbm>> -> memref<1x1x1280xi32, #tpu.memory_space<hbm>>
        %dma_wait3A_171 = tpu.memref_squeeze %dma_wait3A_170 : memref<1x1x1280xi32, #tpu.memory_space<hbm>> -> memref<1280xi32, #tpu.memory_space<hbm>>
        %dma_wait3A_172 = arith.constant 0 : i32
        %dma_wait3A_173 = tpu.memref_slice %arg5[%arg1, %scan3A_45, %dma_wait3A_172] : memref<16x8x1280xi32, #tpu.memory_space<hbm>> -> memref<1x1x1280xi32, #tpu.memory_space<hbm>>
        %dma_wait3A_174 = tpu.memref_squeeze %dma_wait3A_173 : memref<1x1x1280xi32, #tpu.memory_space<hbm>> -> memref<1280xi32, #tpu.memory_space<hbm>>
        tpu.wait_dma2 semaphore(%run_scoped3A_163 : memref<!tpu.dma_semaphore, #tpu.memory_space<semaphore_mem>>) src(%dma_wait3A_174 : memref<1280xi32, #tpu.memory_space<hbm>>) dst(%arg11 : memref<1280xi32, #tpu.memory_space<vmem>>)
        tpu.yield
      }) : () -> ()
      "tpu.region"() ({
        %run_scoped3A_163 = tpu.sem_alloc : memref<!tpu.dma_semaphore, #tpu.memory_space<semaphore_mem>>
        %dma_start3A = arith.constant 0 : i32
        %dma_start3A_164 = tpu.memref_slice %arg6[%arg1, %scan3A_45, %dma_start3A] : memref<16x8x1280xf32, #tpu.memory_space<hbm>> -> memref<1x1x1280xf32, #tpu.memory_space<hbm>>
        %dma_start3A_165 = tpu.memref_squeeze %dma_start3A_164 : memref<1x1x1280xf32, #tpu.memory_space<hbm>> -> memref<1280xf32, #tpu.memory_space<hbm>>
        %dma_start3A_166 = arith.constant 0 : i32
        %dma_start3A_167 = tpu.memref_slice %arg6[%arg1, %scan3A_45, %dma_start3A_166] : memref<16x8x1280xf32, #tpu.memory_space<hbm>> -> memref<1x1x1280xf32, #tpu.memory_space<hbm>>
        %dma_start3A_168 = tpu.memref_squeeze %dma_start3A_167 : memref<1x1x1280xf32, #tpu.memory_space<hbm>> -> memref<1280xf32, #tpu.memory_space<hbm>>
        tpu.enqueue_dma source(%dma_start3A_168 : memref<1280xf32, #tpu.memory_space<hbm>>) target(%arg12 : memref<1280xf32, #tpu.memory_space<vmem>>) target_semaphore(%run_scoped3A_163 : memref<!tpu.dma_semaphore, #tpu.memory_space<semaphore_mem>>)
        %dma_wait3A_169 = arith.constant 0 : i32
        %dma_wait3A_170 = tpu.memref_slice %arg6[%arg1, %scan3A_45, %dma_wait3A_169] : memref<16x8x1280xf32, #tpu.memory_space<hbm>> -> memref<1x1x1280xf32, #tpu.memory_space<hbm>>
        %dma_wait3A_171 = tpu.memref_squeeze %dma_wait3A_170 : memref<1x1x1280xf32, #tpu.memory_space<hbm>> -> memref<1280xf32, #tpu.memory_space<hbm>>
        %dma_wait3A_172 = arith.constant 0 : i32
        %dma_wait3A_173 = tpu.memref_slice %arg6[%arg1, %scan3A_45, %dma_wait3A_172] : memref<16x8x1280xf32, #tpu.memory_space<hbm>> -> memref<1x1x1280xf32, #tpu.memory_space<hbm>>
        %dma_wait3A_174 = tpu.memref_squeeze %dma_wait3A_173 : memref<1x1x1280xf32, #tpu.memory_space<hbm>> -> memref<1280xf32, #tpu.memory_space<hbm>>
        tpu.wait_dma2 semaphore(%run_scoped3A_163 : memref<!tpu.dma_semaphore, #tpu.memory_space<semaphore_mem>>) src(%dma_wait3A_174 : memref<1280xf32, #tpu.memory_space<hbm>>) dst(%arg12 : memref<1280xf32, #tpu.memory_space<vmem>>)
        tpu.yield
      }) : () -> ()
      "tpu.region"() ({
        %run_scoped3A_163 = tpu.sem_alloc : memref<!tpu.dma_semaphore, #tpu.memory_space<semaphore_mem>>
        %dma_start3A = arith.constant 0 : i32
        %dma_start3A_164 = arith.constant 0 : i32
        %dma_start3A_165 = tpu.memref_slice %arg7[%arg1, %scan3A_45, %dma_start3A, %dma_start3A_164] : memref<16x8x10x128xi32, #tpu.memory_space<hbm>> -> memref<1x1x10x128xi32, #tpu.memory_space<hbm>>
        %dma_start3A_166 = tpu.memref_squeeze %dma_start3A_165 : memref<1x1x10x128xi32, #tpu.memory_space<hbm>> -> memref<10x128xi32, #tpu.memory_space<hbm>>
        %dma_start3A_167 = arith.constant 0 : i32
        %dma_start3A_168 = arith.constant 0 : i32
        %dma_start3A_169 = tpu.memref_slice %arg7[%arg1, %scan3A_45, %dma_start3A_167, %dma_start3A_168] : memref<16x8x10x128xi32, #tpu.memory_space<hbm>> -> memref<1x1x10x128xi32, #tpu.memory_space<hbm>>
        %dma_start3A_170 = tpu.memref_squeeze %dma_start3A_169 : memref<1x1x10x128xi32, #tpu.memory_space<hbm>> -> memref<10x128xi32, #tpu.memory_space<hbm>>
        tpu.enqueue_dma source(%dma_start3A_170 : memref<10x128xi32, #tpu.memory_space<hbm>>) target(%arg13 : memref<10x128xi32, #tpu.memory_space<vmem>>) target_semaphore(%run_scoped3A_163 : memref<!tpu.dma_semaphore, #tpu.memory_space<semaphore_mem>>)
        %dma_wait3A_171 = arith.constant 0 : i32
        %dma_wait3A_172 = arith.constant 0 : i32
        %dma_wait3A_173 = tpu.memref_slice %arg7[%arg1, %scan3A_45, %dma_wait3A_171, %dma_wait3A_172] : memref<16x8x10x128xi32, #tpu.memory_space<hbm>> -> memref<1x1x10x128xi32, #tpu.memory_space<hbm>>
        %dma_wait3A_174 = tpu.memref_squeeze %dma_wait3A_173 : memref<1x1x10x128xi32, #tpu.memory_space<hbm>> -> memref<10x128xi32, #tpu.memory_space<hbm>>
        %dma_wait3A_175 = arith.constant 0 : i32
        %dma_wait3A_176 = arith.constant 0 : i32
        %dma_wait3A_177 = tpu.memref_slice %arg7[%arg1, %scan3A_45, %dma_wait3A_175, %dma_wait3A_176] : memref<16x8x10x128xi32, #tpu.memory_space<hbm>> -> memref<1x1x10x128xi32, #tpu.memory_space<hbm>>
        %dma_wait3A_178 = tpu.memref_squeeze %dma_wait3A_177 : memref<1x1x10x128xi32, #tpu.memory_space<hbm>> -> memref<10x128xi32, #tpu.memory_space<hbm>>
        tpu.wait_dma2 semaphore(%run_scoped3A_163 : memref<!tpu.dma_semaphore, #tpu.memory_space<semaphore_mem>>) src(%dma_wait3A_178 : memref<10x128xi32, #tpu.memory_space<hbm>>) dst(%arg13 : memref<10x128xi32, #tpu.memory_space<vmem>>)
        tpu.yield
      }) : () -> ()
      %get3A = arith.constant 0 : index
      %get3A_48 = tpu.vector_load %arg11[%get3A] {strides = array<i32>} : memref<1280xi32, #tpu.memory_space<vmem>>, vector<16xi32>,
      %get3A_49 = arith.constant 0 : index
      %get3A_50 = tpu.vector_load %arg10[%get3A_49] {strides = array<i32>} : memref<1280xi32, #tpu.memory_space<vmem>>, vector<16xi32>,
      %add3A = arith.constant 17 : i32
      %add3A_51 = vector.broadcast %add3A : i32 to vector<16xi32>
      %add3A_52 = arith.addi %add3A_51, %get3A_48 : vector<16xi32>
      %mul3A_53 = arith.constant 10240 : i32
      %mul3A_54 = vector.broadcast %mul3A_53 : i32 to vector<16xi32>
      %mul3A_55 = arith.muli %add3A_52, %mul3A_54 : vector<16xi32>
      %add3A_56 = arith.addi %mul3A_55, %get3A_50 : vector<16xi32>
      %swap3A = arith.constant 0 : index
      %swap3A_57 = tpu.vector_load %arg14[%swap3A] {strides = array<i32>} : memref<128xi32, #tpu.memory_space<vmem>>, vector<16xi32>,
      tpu.vector_store %arg14[%swap3A], %add3A_56 {strides = array<i32>} : memref<128xi32, #tpu.memory_space<vmem>>, vector<16xi32>,
      %get3A_58 = arith.constant 16 : index
      %get3A_59 = tpu.vector_load %arg11[%get3A_58] {strides = array<i32>} : memref<1280xi32, #tpu.memory_space<vmem>>, vector<16xi32>,
      %get3A_60 = arith.constant 16 : index
      %get3A_61 = tpu.vector_load %arg10[%get3A_60] {strides = array<i32>} : memref<1280xi32, #tpu.memory_space<vmem>>, vector<16xi32>,
      %add3A_62 = arith.constant 17 : i32
      %add3A_63 = vector.broadcast %add3A_62 : i32 to vector<16xi32>
      %add3A_64 = arith.addi %add3A_63, %get3A_59 : vector<16xi32>
      %mul3A_65 = arith.constant 10240 : i32
      %mul3A_66 = vector.broadcast %mul3A_65 : i32 to vector<16xi32>
      %mul3A_67 = arith.muli %add3A_64, %mul3A_66 : vector<16xi32>
      %add3A_68 = arith.addi %mul3A_67, %get3A_61 : vector<16xi32>
      %swap3A_69 = arith.constant 16 : index
      %swap3A_70 = tpu.vector_load %arg14[%swap3A_69] {strides = array<i32>} : memref<128xi32, #tpu.memory_space<vmem>>, vector<16xi32>,
      tpu.vector_store %arg14[%swap3A_69], %add3A_68 {strides = array<i32>} : memref<128xi32, #tpu.memory_space<vmem>>, vector<16xi32>,
      %get3A_71 = arith.constant 32 : index
      %get3A_72 = tpu.vector_load %arg11[%get3A_71] {strides = array<i32>} : memref<1280xi32, #tpu.memory_space<vmem>>, vector<16xi32>,
      %get3A_73 = arith.constant 32 : index
      %get3A_74 = tpu.vector_load %arg10[%get3A_73] {strides = array<i32>} : memref<1280xi32, #tpu.memory_space<vmem>>, vector<16xi32>,
      %add3A_75 = arith.constant 17 : i32
      %add3A_76 = vector.broadcast %add3A_75 : i32 to vector<16xi32>
      %add3A_77 = arith.addi %add3A_76, %get3A_72 : vector<16xi32>
      %mul3A_78 = arith.constant 10240 : i32
      %mul3A_79 = vector.broadcast %mul3A_78 : i32 to vector<16xi32>
      %mul3A_80 = arith.muli %add3A_77, %mul3A_79 : vector<16xi32>
      %add3A_81 = arith.addi %mul3A_80, %get3A_74 : vector<16xi32>
      %swap3A_82 = arith.constant 32 : index
      %swap3A_83 = tpu.vector_load %arg14[%swap3A_82] {strides = array<i32>} : memref<128xi32, #tpu.memory_space<vmem>>, vector<16xi32>,
      tpu.vector_store %arg14[%swap3A_82], %add3A_81 {strides = array<i32>} : memref<128xi32, #tpu.memory_space<vmem>>, vector<16xi32>,
      %get3A_84 = arith.constant 48 : index
      %get3A_85 = tpu.vector_load %arg11[%get3A_84] {strides = array<i32>} : memref<1280xi32, #tpu.memory_space<vmem>>, vector<16xi32>,
      %get3A_86 = arith.constant 48 : index
      %get3A_87 = tpu.vector_load %arg10[%get3A_86] {strides = array<i32>} : memref<1280xi32, #tpu.memory_space<vmem>>, vector<16xi32>,
      %add3A_88 = arith.constant 17 : i32
      %add3A_89 = vector.broadcast %add3A_88 : i32 to vector<16xi32>
      %add3A_90 = arith.addi %add3A_89, %get3A_85 : vector<16xi32>
      %mul3A_91 = arith.constant 10240 : i32
      %mul3A_92 = vector.broadcast %mul3A_91 : i32 to vector<16xi32>
      %mul3A_93 = arith.muli %add3A_90, %mul3A_92 : vector<16xi32>
      %add3A_94 = arith.addi %mul3A_93, %get3A_87 : vector<16xi32>
      %swap3A_95 = arith.constant 48 : index
      %swap3A_96 = tpu.vector_load %arg14[%swap3A_95] {strides = array<i32>} : memref<128xi32, #tpu.memory_space<vmem>>, vector<16xi32>,
      tpu.vector_store %arg14[%swap3A_95], %add3A_94 {strides = array<i32>} : memref<128xi32, #tpu.memory_space<vmem>>, vector<16xi32>,
      %get3A_97 = arith.constant 64 : index
      %get3A_98 = tpu.vector_load %arg11[%get3A_97] {strides = array<i32>} : memref<1280xi32, #tpu.memory_space<vmem>>, vector<16xi32>,
      %get3A_99 = arith.constant 64 : index
      %get3A_100 = tpu.vector_load %arg10[%get3A_99] {strides = array<i32>} : memref<1280xi32, #tpu.memory_space<vmem>>, vector<16xi32>,
      %add3A_101 = arith.constant 17 : i32
      %add3A_102 = vector.broadcast %add3A_101 : i32 to vector<16xi32>
      %add3A_103 = arith.addi %add3A_102, %get3A_98 : vector<16xi32>
      %mul3A_104 = arith.constant 10240 : i32
      %mul3A_105 = vector.broadcast %mul3A_104 : i32 to vector<16xi32>
      %mul3A_106 = arith.muli %add3A_103, %mul3A_105 : vector<16xi32>
      %add3A_107 = arith.addi %mul3A_106, %get3A_100 : vector<16xi32>
      %swap3A_108 = arith.constant 64 : index
      %swap3A_109 = tpu.vector_load %arg14[%swap3A_108] {strides = array<i32>} : memref<128xi32, #tpu.memory_space<vmem>>, vector<16xi32>,
      tpu.vector_store %arg14[%swap3A_108], %add3A_107 {strides = array<i32>} : memref<128xi32, #tpu.memory_space<vmem>>, vector<16xi32>,
      %get3A_110 = arith.constant 80 : index
      %get3A_111 = tpu.vector_load %arg11[%get3A_110] {strides = array<i32>} : memref<1280xi32, #tpu.memory_space<vmem>>, vector<16xi32>,
      %get3A_112 = arith.constant 80 : index
      %get3A_113 = tpu.vector_load %arg10[%get3A_112] {strides = array<i32>} : memref<1280xi32, #tpu.memory_space<vmem>>, vector<16xi32>,
      %add3A_114 = arith.constant 17 : i32
      %add3A_115 = vector.broadcast %add3A_114 : i32 to vector<16xi32>
      %add3A_116 = arith.addi %add3A_115, %get3A_111 : vector<16xi32>
      %mul3A_117 = arith.constant 10240 : i32
      %mul3A_118 = vector.broadcast %mul3A_117 : i32 to vector<16xi32>
      %mul3A_119 = arith.muli %add3A_116, %mul3A_118 : vector<16xi32>
      %add3A_120 = arith.addi %mul3A_119, %get3A_113 : vector<16xi32>
      %swap3A_121 = arith.constant 80 : index
      %swap3A_122 = tpu.vector_load %arg14[%swap3A_121] {strides = array<i32>} : memref<128xi32, #tpu.memory_space<vmem>>, vector<16xi32>,
      tpu.vector_store %arg14[%swap3A_121], %add3A_120 {strides = array<i32>} : memref<128xi32, #tpu.memory_space<vmem>>, vector<16xi32>,
      %get3A_123 = arith.constant 96 : index
      %get3A_124 = tpu.vector_load %arg11[%get3A_123] {strides = array<i32>} : memref<1280xi32, #tpu.memory_space<vmem>>, vector<16xi32>,
      %get3A_125 = arith.constant 96 : index
      %get3A_126 = tpu.vector_load %arg10[%get3A_125] {strides = array<i32>} : memref<1280xi32, #tpu.memory_space<vmem>>, vector<16xi32>,
      %add3A_127 = arith.constant 17 : i32
      %add3A_128 = vector.broadcast %add3A_127 : i32 to vector<16xi32>
      %add3A_129 = arith.addi %add3A_128, %get3A_124 : vector<16xi32>
      %mul3A_130 = arith.constant 10240 : i32
      %mul3A_131 = vector.broadcast %mul3A_130 : i32 to vector<16xi32>
      %mul3A_132 = arith.muli %add3A_129, %mul3A_131 : vector<16xi32>
      %add3A_133 = arith.addi %mul3A_132, %get3A_126 : vector<16xi32>
      %swap3A_134 = arith.constant 96 : index
      %swap3A_135 = tpu.vector_load %arg14[%swap3A_134] {strides = array<i32>} : memref<128xi32, #tpu.memory_space<vmem>>, vector<16xi32>,
      tpu.vector_store %arg14[%swap3A_134], %add3A_133 {strides = array<i32>} : memref<128xi32, #tpu.memory_space<vmem>>, vector<16xi32>,
      %get3A_136 = arith.constant 112 : index
      %get3A_137 = tpu.vector_load %arg11[%get3A_136] {strides = array<i32>} : memref<1280xi32, #tpu.memory_space<vmem>>, vector<16xi32>,
      %get3A_138 = arith.constant 112 : index
      %get3A_139 = tpu.vector_load %arg10[%get3A_138] {strides = array<i32>} : memref<1280xi32, #tpu.memory_space<vmem>>, vector<16xi32>,
      %add3A_140 = arith.constant 17 : i32
      %add3A_141 = vector.broadcast %add3A_140 : i32 to vector<16xi32>
      %add3A_142 = arith.addi %add3A_141, %get3A_137 : vector<16xi32>
      %mul3A_143 = arith.constant 10240 : i32
      %mul3A_144 = vector.broadcast %mul3A_143 : i32 to vector<16xi32>
      %mul3A_145 = arith.muli %add3A_142, %mul3A_144 : vector<16xi32>
      %add3A_146 = arith.addi %mul3A_145, %get3A_139 : vector<16xi32>
      %swap3A_147 = arith.constant 112 : index
      %swap3A_148 = tpu.vector_load %arg14[%swap3A_147] {strides = array<i32>} : memref<128xi32, #tpu.memory_space<vmem>>, vector<16xi32>,
      tpu.vector_store %arg14[%swap3A_147], %add3A_146 {strides = array<i32>} : memref<128xi32, #tpu.memory_space<vmem>>, vector<16xi32>,
      %eq3A = arith.constant 0 : i32
      %eq3A_149 = arith.cmpi eq, %arg0, %eq3A : i32
      %convert_element_type3A_150 = arith.extui %eq3A_149 : i1 to i32
      %cond3A_151 = arith.constant 0 : i32
      %cond3A_152 = arith.cmpi ne, %convert_element_type3A_150, %cond3A_151 : i32
      scf.if %cond3A_152 {
        %dma_start3A = arith.constant 0 : i32
        %dma_start3A_163 = arith.constant 0 : i32
        %dma_start3A_164 = tpu.memref_slice %arg2[%dma_start3A, %dma_start3A_163] : memref<348160x128xf32, #tpu.memory_space<hbm>> -> memref<348160x128xf32, #tpu.memory_space<hbm>>
        tpu.enqueue_indirect_dma source(%dma_start3A_164 : memref<348160x128xf32, #tpu.memory_space<hbm>>) target(%arg16 : memref<128x128xf32, #tpu.memory_space<vmem>>) offsets(%arg14 : memref<128xi32, #tpu.memory_space<vmem>>) semaphore(%arg19 : memref<!tpu.dma_semaphore, #tpu.memory_space<semaphore_mem>>)
      } else {
      }
      %eq3A_153 = arith.constant 1 : i32
      %eq3A_154 = arith.cmpi eq, %arg0, %eq3A_153 : i32
      %convert_element_type3A_155 = arith.extui %eq3A_154 : i1 to i32
      %cond3A_156 = arith.constant 0 : i32
      %cond3A_157 = arith.cmpi ne, %convert_element_type3A_155, %cond3A_156 : i32
      scf.if %cond3A_157 {
        %dma_start3A = arith.constant 0 : i32
        %dma_start3A_163 = arith.constant 0 : i32
        %dma_start3A_164 = tpu.memref_slice %arg3[%dma_start3A, %dma_start3A_163] : memref<348160x128xf32, #tpu.memory_space<hbm>> -> memref<348160x128xf32, #tpu.memory_space<hbm>>
        tpu.enqueue_indirect_dma source(%dma_start3A_164 : memref<348160x128xf32, #tpu.memory_space<hbm>>) target(%arg16 : memref<128x128xf32, #tpu.memory_space<vmem>>) offsets(%arg14 : memref<128xi32, #tpu.memory_space<vmem>>) semaphore(%arg19 : memref<!tpu.dma_semaphore, #tpu.memory_space<semaphore_mem>>)
      } else {
      }
      %scan3A_158 = arith.constant 0 : i32
      %scan3A_159 = arith.constant 5 : i32
      %scan3A_160 = arith.addi %scan3A_158, %scan3A_159 : i32
      %scan3A_161 = arith.constant 1 : i32
      scf.for %scan3A_163 = %scan3A_158 to %scan3A_160 step %scan3A_161  : i32 {
        %mul3A_164 = arith.constant 2 : i32
        %mul3A_165 = arith.muli %scan3A_163, %mul3A_164 : i32
        %add3A_166 = arith.constant 0 : i32
        %add3A_167 = arith.addi %add3A_166, %mul3A_165 : i32
        %add3A_168 = arith.constant 0 : i32
        %add3A_169 = arith.addi %add3A_167, %add3A_168 : i32
        %mul3A_170 = arith.constant 128 : i32
        %mul3A_171 = arith.muli %add3A_169, %mul3A_170 : i32
        %gt3A_172 = arith.constant 0 : i32
        %gt3A_173 = arith.cmpi sgt, %add3A_167, %gt3A_172 : i32
        %convert_element_type3A_174 = arith.extui %gt3A_173 : i1 to i32
        %cond3A_175 = arith.constant 0 : i32
        %cond3A_176 = arith.cmpi ne, %convert_element_type3A_174, %cond3A_175 : i32
        scf.if %cond3A_176 {
          %dma_wait3A_237 = arith.constant 0 : i32
          %dma_wait3A_238 = arith.constant 0 : i32
          %dma_wait3A_239 = tpu.memref_slice %arg13[%dma_wait3A_237, %dma_wait3A_238] : memref<10x128xi32, #tpu.memory_space<vmem>> -> memref<1x128xi32, #tpu.memory_space<vmem>>
          %dma_wait3A_240 = tpu.memref_squeeze %dma_wait3A_239 : memref<1x128xi32, #tpu.memory_space<vmem>> -> memref<128xi32, #tpu.memory_space<vmem>>
          %dma_wait3A_241 = arith.constant 0 : i32
          %dma_wait3A_242 = arith.constant 0 : i32
          %dma_wait3A_243 = tpu.memref_slice %arg18[%dma_wait3A_241, %dma_wait3A_242] : memref<10240x128xf32, #tpu.memory_space<vmem_shared>> -> memref<10240x128xf32, #tpu.memory_space<vmem_shared>>
          tpu.wait_indirect_dma semaphore(%arg22 : memref<!tpu.dma_semaphore, #tpu.memory_space<semaphore_mem>>) src(%arg17 : memref<128x128xf32, #tpu.memory_space<vmem>>) dst(%dma_wait3A_243 : memref<10240x128xf32, #tpu.memory_space<vmem_shared>>)
        } else {
        }
        %add3A_177 = arith.constant 1 : i32
        %add3A_178 = arith.addi %add3A_169, %add3A_177 : i32
        %lt3A = arith.constant 10 : i32
        %lt3A_179 = arith.cmpi slt, %add3A_178, %lt3A : i32
        %convert_element_type3A_180 = arith.extui %lt3A_179 : i1 to i32
        %cond3A_181 = arith.constant 0 : i32
        %cond3A_182 = arith.cmpi ne, %convert_element_type3A_180, %cond3A_181 : i32
        scf.if %cond3A_182 {
          %add3A_237 = arith.constant 128 : i32
          %add3A_238 = arith.addi %mul3A_171, %add3A_237 : i32
          %add3A_239 = arith.constant 0 : i32
          %add3A_240 = arith.addi %add3A_238, %add3A_239 : i32
          %get3A_241 = arith.index_cast %add3A_240 : i32 to index
          %get3A_242 = tpu.vector_load %arg11[%get3A_241] {strides = array<i32>} : memref<1280xi32, #tpu.memory_space<vmem>>, vector<16xi32>,
          %add3A_243 = arith.constant 0 : i32
          %add3A_244 = arith.addi %add3A_238, %add3A_243 : i32
          %get3A_245 = arith.index_cast %add3A_244 : i32 to index
          %get3A_246 = tpu.vector_load %arg10[%get3A_245] {strides = array<i32>} : memref<1280xi32, #tpu.memory_space<vmem>>, vector<16xi32>,
          %add3A_247 = arith.constant 17 : i32
          %add3A_248 = vector.broadcast %add3A_247 : i32 to vector<16xi32>
          %add3A_249 = arith.addi %add3A_248, %get3A_242 : vector<16xi32>
          %mul3A_250 = arith.constant 10240 : i32
          %mul3A_251 = vector.broadcast %mul3A_250 : i32 to vector<16xi32>
          %mul3A_252 = arith.muli %add3A_249, %mul3A_251 : vector<16xi32>
          %add3A_253 = arith.addi %mul3A_252, %get3A_246 : vector<16xi32>
          %swap3A_254 = arith.constant 0 : index
          %swap3A_255 = tpu.vector_load %arg15[%swap3A_254] {strides = array<i32>} : memref<128xi32, #tpu.memory_space<vmem>>, vector<16xi32>,
          tpu.vector_store %arg15[%swap3A_254], %add3A_253 {strides = array<i32>} : memref<128xi32, #tpu.memory_space<vmem>>, vector<16xi32>,
          %add3A_256 = arith.constant 16 : i32
          %add3A_257 = arith.addi %add3A_238, %add3A_256 : i32
          %get3A_258 = arith.index_cast %add3A_257 : i32 to index
          %get3A_259 = tpu.vector_load %arg11[%get3A_258] {strides = array<i32>} : memref<1280xi32, #tpu.memory_space<vmem>>, vector<16xi32>,
          %add3A_260 = arith.constant 16 : i32
          %add3A_261 = arith.addi %add3A_238, %add3A_260 : i32
          %get3A_262 = arith.index_cast %add3A_261 : i32 to index
          %get3A_263 = tpu.vector_load %arg10[%get3A_262] {strides = array<i32>} : memref<1280xi32, #tpu.memory_space<vmem>>, vector<16xi32>,
          %add3A_264 = arith.constant 17 : i32
          %add3A_265 = vector.broadcast %add3A_264 : i32 to vector<16xi32>
          %add3A_266 = arith.addi %add3A_265, %get3A_259 : vector<16xi32>
          %mul3A_267 = arith.constant 10240 : i32
          %mul3A_268 = vector.broadcast %mul3A_267 : i32 to vector<16xi32>
          %mul3A_269 = arith.muli %add3A_266, %mul3A_268 : vector<16xi32>
          %add3A_270 = arith.addi %mul3A_269, %get3A_263 : vector<16xi32>
          %swap3A_271 = arith.constant 16 : index
          %swap3A_272 = tpu.vector_load %arg15[%swap3A_271] {strides = array<i32>} : memref<128xi32, #tpu.memory_space<vmem>>, vector<16xi32>,
          tpu.vector_store %arg15[%swap3A_271], %add3A_270 {strides = array<i32>} : memref<128xi32, #tpu.memory_space<vmem>>, vector<16xi32>,
          %add3A_273 = arith.constant 32 : i32
          %add3A_274 = arith.addi %add3A_238, %add3A_273 : i32
          %get3A_275 = arith.index_cast %add3A_274 : i32 to index
          %get3A_276 = tpu.vector_load %arg11[%get3A_275] {strides = array<i32>} : memref<1280xi32, #tpu.memory_space<vmem>>, vector<16xi32>,
          %add3A_277 = arith.constant 32 : i32
          %add3A_278 = arith.addi %add3A_238, %add3A_277 : i32
          %get3A_279 = arith.index_cast %add3A_278 : i32 to index
          %get3A_280 = tpu.vector_load %arg10[%get3A_279] {strides = array<i32>} : memref<1280xi32, #tpu.memory_space<vmem>>, vector<16xi32>,
          %add3A_281 = arith.constant 17 : i32
          %add3A_282 = vector.broadcast %add3A_281 : i32 to vector<16xi32>
          %add3A_283 = arith.addi %add3A_282, %get3A_276 : vector<16xi32>
          %mul3A_284 = arith.constant 10240 : i32
          %mul3A_285 = vector.broadcast %mul3A_284 : i32 to vector<16xi32>
          %mul3A_286 = arith.muli %add3A_283, %mul3A_285 : vector<16xi32>
          %add3A_287 = arith.addi %mul3A_286, %get3A_280 : vector<16xi32>
          %swap3A_288 = arith.constant 32 : index
          %swap3A_289 = tpu.vector_load %arg15[%swap3A_288] {strides = array<i32>} : memref<128xi32, #tpu.memory_space<vmem>>, vector<16xi32>,
          tpu.vector_store %arg15[%swap3A_288], %add3A_287 {strides = array<i32>} : memref<128xi32, #tpu.memory_space<vmem>>, vector<16xi32>,
          %add3A_290 = arith.constant 48 : i32
          %add3A_291 = arith.addi %add3A_238, %add3A_290 : i32
          %get3A_292 = arith.index_cast %add3A_291 : i32 to index
          %get3A_293 = tpu.vector_load %arg11[%get3A_292] {strides = array<i32>} : memref<1280xi32, #tpu.memory_space<vmem>>, vector<16xi32>,
          %add3A_294 = arith.constant 48 : i32
          %add3A_295 = arith.addi %add3A_238, %add3A_294 : i32
          %get3A_296 = arith.index_cast %add3A_295 : i32 to index
          %get3A_297 = tpu.vector_load %arg10[%get3A_296] {strides = array<i32>} : memref<1280xi32, #tpu.memory_space<vmem>>, vector<16xi32>,
          %add3A_298 = arith.constant 17 : i32
          %add3A_299 = vector.broadcast %add3A_298 : i32 to vector<16xi32>
          %add3A_300 = arith.addi %add3A_299, %get3A_293 : vector<16xi32>
          %mul3A_301 = arith.constant 10240 : i32
          %mul3A_302 = vector.broadcast %mul3A_301 : i32 to vector<16xi32>
          %mul3A_303 = arith.muli %add3A_300, %mul3A_302 : vector<16xi32>
          %add3A_304 = arith.addi %mul3A_303, %get3A_297 : vector<16xi32>
          %swap3A_305 = arith.constant 48 : index
          %swap3A_306 = tpu.vector_load %arg15[%swap3A_305] {strides = array<i32>} : memref<128xi32, #tpu.memory_space<vmem>>, vector<16xi32>,
          tpu.vector_store %arg15[%swap3A_305], %add3A_304 {strides = array<i32>} : memref<128xi32, #tpu.memory_space<vmem>>, vector<16xi32>,
          %add3A_307 = arith.constant 64 : i32
          %add3A_308 = arith.addi %add3A_238, %add3A_307 : i32
          %get3A_309 = arith.index_cast %add3A_308 : i32 to index
          %get3A_310 = tpu.vector_load %arg11[%get3A_309] {strides = array<i32>} : memref<1280xi32, #tpu.memory_space<vmem>>, vector<16xi32>,
          %add3A_311 = arith.constant 64 : i32
          %add3A_312 = arith.addi %add3A_238, %add3A_311 : i32
          %get3A_313 = arith.index_cast %add3A_312 : i32 to index
          %get3A_314 = tpu.vector_load %arg10[%get3A_313] {strides = array<i32>} : memref<1280xi32, #tpu.memory_space<vmem>>, vector<16xi32>,
          %add3A_315 = arith.constant 17 : i32
          %add3A_316 = vector.broadcast %add3A_315 : i32 to vector<16xi32>
          %add3A_317 = arith.addi %add3A_316, %get3A_310 : vector<16xi32>
          %mul3A_318 = arith.constant 10240 : i32
          %mul3A_319 = vector.broadcast %mul3A_318 : i32 to vector<16xi32>
          %mul3A_320 = arith.muli %add3A_317, %mul3A_319 : vector<16xi32>
          %add3A_321 = arith.addi %mul3A_320, %get3A_314 : vector<16xi32>
          %swap3A_322 = arith.constant 64 : index
          %swap3A_323 = tpu.vector_load %arg15[%swap3A_322] {strides = array<i32>} : memref<128xi32, #tpu.memory_space<vmem>>, vector<16xi32>,
          tpu.vector_store %arg15[%swap3A_322], %add3A_321 {strides = array<i32>} : memref<128xi32, #tpu.memory_space<vmem>>, vector<16xi32>,
          %add3A_324 = arith.constant 80 : i32
          %add3A_325 = arith.addi %add3A_238, %add3A_324 : i32
          %get3A_326 = arith.index_cast %add3A_325 : i32 to index
          %get3A_327 = tpu.vector_load %arg11[%get3A_326] {strides = array<i32>} : memref<1280xi32, #tpu.memory_space<vmem>>, vector<16xi32>,
          %add3A_328 = arith.constant 80 : i32
          %add3A_329 = arith.addi %add3A_238, %add3A_328 : i32
          %get3A_330 = arith.index_cast %add3A_329 : i32 to index
          %get3A_331 = tpu.vector_load %arg10[%get3A_330] {strides = array<i32>} : memref<1280xi32, #tpu.memory_space<vmem>>, vector<16xi32>,
          %add3A_332 = arith.constant 17 : i32
          %add3A_333 = vector.broadcast %add3A_332 : i32 to vector<16xi32>
          %add3A_334 = arith.addi %add3A_333, %get3A_327 : vector<16xi32>
          %mul3A_335 = arith.constant 10240 : i32
          %mul3A_336 = vector.broadcast %mul3A_335 : i32 to vector<16xi32>
          %mul3A_337 = arith.muli %add3A_334, %mul3A_336 : vector<16xi32>
          %add3A_338 = arith.addi %mul3A_337, %get3A_331 : vector<16xi32>
          %swap3A_339 = arith.constant 80 : index
          %swap3A_340 = tpu.vector_load %arg15[%swap3A_339] {strides = array<i32>} : memref<128xi32, #tpu.memory_space<vmem>>, vector<16xi32>,
          tpu.vector_store %arg15[%swap3A_339], %add3A_338 {strides = array<i32>} : memref<128xi32, #tpu.memory_space<vmem>>, vector<16xi32>,
          %add3A_341 = arith.constant 96 : i32
          %add3A_342 = arith.addi %add3A_238, %add3A_341 : i32
          %get3A_343 = arith.index_cast %add3A_342 : i32 to index
          %get3A_344 = tpu.vector_load %arg11[%get3A_343] {strides = array<i32>} : memref<1280xi32, #tpu.memory_space<vmem>>, vector<16xi32>,
          %add3A_345 = arith.constant 96 : i32
          %add3A_346 = arith.addi %add3A_238, %add3A_345 : i32
          %get3A_347 = arith.index_cast %add3A_346 : i32 to index
          %get3A_348 = tpu.vector_load %arg10[%get3A_347] {strides = array<i32>} : memref<1280xi32, #tpu.memory_space<vmem>>, vector<16xi32>,
          %add3A_349 = arith.constant 17 : i32
          %add3A_350 = vector.broadcast %add3A_349 : i32 to vector<16xi32>
          %add3A_351 = arith.addi %add3A_350, %get3A_344 : vector<16xi32>
          %mul3A_352 = arith.constant 10240 : i32
          %mul3A_353 = vector.broadcast %mul3A_352 : i32 to vector<16xi32>
          %mul3A_354 = arith.muli %add3A_351, %mul3A_353 : vector<16xi32>
          %add3A_355 = arith.addi %mul3A_354, %get3A_348 : vector<16xi32>
          %swap3A_356 = arith.constant 96 : index
          %swap3A_357 = tpu.vector_load %arg15[%swap3A_356] {strides = array<i32>} : memref<128xi32, #tpu.memory_space<vmem>>, vector<16xi32>,
          tpu.vector_store %arg15[%swap3A_356], %add3A_355 {strides = array<i32>} : memref<128xi32, #tpu.memory_space<vmem>>, vector<16xi32>,
          %add3A_358 = arith.constant 112 : i32
          %add3A_359 = arith.addi %add3A_238, %add3A_358 : i32
          %get3A_360 = arith.index_cast %add3A_359 : i32 to index
          %get3A_361 = tpu.vector_load %arg11[%get3A_360] {strides = array<i32>} : memref<1280xi32, #tpu.memory_space<vmem>>, vector<16xi32>,
          %add3A_362 = arith.constant 112 : i32
          %add3A_363 = arith.addi %add3A_238, %add3A_362 : i32
          %get3A_364 = arith.index_cast %add3A_363 : i32 to index
          %get3A_365 = tpu.vector_load %arg10[%get3A_364] {strides = array<i32>} : memref<1280xi32, #tpu.memory_space<vmem>>, vector<16xi32>,
          %add3A_366 = arith.constant 17 : i32
          %add3A_367 = vector.broadcast %add3A_366 : i32 to vector<16xi32>
          %add3A_368 = arith.addi %add3A_367, %get3A_361 : vector<16xi32>
          %mul3A_369 = arith.constant 10240 : i32
          %mul3A_370 = vector.broadcast %mul3A_369 : i32 to vector<16xi32>
          %mul3A_371 = arith.muli %add3A_368, %mul3A_370 : vector<16xi32>
          %add3A_372 = arith.addi %mul3A_371, %get3A_365 : vector<16xi32>
          %swap3A_373 = arith.constant 112 : index
          %swap3A_374 = tpu.vector_load %arg15[%swap3A_373] {strides = array<i32>} : memref<128xi32, #tpu.memory_space<vmem>>, vector<16xi32>,
          tpu.vector_store %arg15[%swap3A_373], %add3A_372 {strides = array<i32>} : memref<128xi32, #tpu.memory_space<vmem>>, vector<16xi32>,
          %eq3A_375 = arith.constant 0 : i32
          %eq3A_376 = arith.cmpi eq, %arg0, %eq3A_375 : i32
          %convert_element_type3A_377 = arith.extui %eq3A_376 : i1 to i32
          %cond3A_378 = arith.constant 0 : i32
          %cond3A_379 = arith.cmpi ne, %convert_element_type3A_377, %cond3A_378 : i32
          scf.if %cond3A_379 {
            %dma_start3A_385 = arith.constant 0 : i32
            %dma_start3A_386 = arith.constant 0 : i32
            %dma_start3A_387 = tpu.memref_slice %arg2[%dma_start3A_385, %dma_start3A_386] : memref<348160x128xf32, #tpu.memory_space<hbm>> -> memref<348160x128xf32, #tpu.memory_space<hbm>>
            tpu.enqueue_indirect_dma source(%dma_start3A_387 : memref<348160x128xf32, #tpu.memory_space<hbm>>) target(%arg17 : memref<128x128xf32, #tpu.memory_space<vmem>>) offsets(%arg15 : memref<128xi32, #tpu.memory_space<vmem>>) semaphore(%arg20 : memref<!tpu.dma_semaphore, #tpu.memory_space<semaphore_mem>>)
          } else {
          }
          %eq3A_380 = arith.constant 1 : i32
          %eq3A_381 = arith.cmpi eq, %arg0, %eq3A_380 : i32
          %convert_element_type3A_382 = arith.extui %eq3A_381 : i1 to i32
          %cond3A_383 = arith.constant 0 : i32
          %cond3A_384 = arith.cmpi ne, %convert_element_type3A_382, %cond3A_383 : i32
          scf.if %cond3A_384 {
            %dma_start3A_385 = arith.constant 0 : i32
            %dma_start3A_386 = arith.constant 0 : i32
            %dma_start3A_387 = tpu.memref_slice %arg3[%dma_start3A_385, %dma_start3A_386] : memref<348160x128xf32, #tpu.memory_space<hbm>> -> memref<348160x128xf32, #tpu.memory_space<hbm>>
            tpu.enqueue_indirect_dma source(%dma_start3A_387 : memref<348160x128xf32, #tpu.memory_space<hbm>>) target(%arg17 : memref<128x128xf32, #tpu.memory_space<vmem>>) offsets(%arg15 : memref<128xi32, #tpu.memory_space<vmem>>) semaphore(%arg20 : memref<!tpu.dma_semaphore, #tpu.memory_space<semaphore_mem>>)
          } else {
          }
        } else {
        }
        %eq3A_183 = arith.constant 0 : i32
        %eq3A_184 = arith.cmpi eq, %arg0, %eq3A_183 : i32
        %convert_element_type3A_185 = arith.extui %eq3A_184 : i1 to i32
        %cond3A_186 = arith.constant 0 : i32
        %cond3A_187 = arith.cmpi ne, %convert_element_type3A_185, %cond3A_186 : i32
        scf.if %cond3A_187 {
          %dma_wait3A_237 = arith.constant 0 : i32
          %dma_wait3A_238 = arith.constant 0 : i32
          %dma_wait3A_239 = tpu.memref_slice %arg2[%dma_wait3A_237, %dma_wait3A_238] : memref<348160x128xf32, #tpu.memory_space<hbm>> -> memref<348160x128xf32, #tpu.memory_space<hbm>>
          tpu.wait_indirect_dma semaphore(%arg19 : memref<!tpu.dma_semaphore, #tpu.memory_space<semaphore_mem>>) src(%dma_wait3A_239 : memref<348160x128xf32, #tpu.memory_space<hbm>>) dst(%arg16 : memref<128x128xf32, #tpu.memory_space<vmem>>)
        } else {
        }
        %eq3A_188 = arith.constant 1 : i32
        %eq3A_189 = arith.cmpi eq, %arg0, %eq3A_188 : i32
        %convert_element_type3A_190 = arith.extui %eq3A_189 : i1 to i32
        %cond3A_191 = arith.constant 0 : i32
        %cond3A_192 = arith.cmpi ne, %convert_element_type3A_190, %cond3A_191 : i32
        scf.if %cond3A_192 {
          %dma_wait3A_237 = arith.constant 0 : i32
          %dma_wait3A_238 = arith.constant 0 : i32
          %dma_wait3A_239 = tpu.memref_slice %arg3[%dma_wait3A_237, %dma_wait3A_238] : memref<348160x128xf32, #tpu.memory_space<hbm>> -> memref<348160x128xf32, #tpu.memory_space<hbm>>
          tpu.wait_indirect_dma semaphore(%arg19 : memref<!tpu.dma_semaphore, #tpu.memory_space<semaphore_mem>>) src(%dma_wait3A_239 : memref<348160x128xf32, #tpu.memory_space<hbm>>) dst(%arg16 : memref<128x128xf32, #tpu.memory_space<vmem>>)
        } else {
        }
        %parallel_loop3A = arith.constant 0 : i32
        %parallel_loop3A_193 = arith.constant 128 : i32
        %parallel_loop3A_194 = arith.constant 1 : i32
        scf.for %parallel_loop3A_237 = %parallel_loop3A to %parallel_loop3A_193 step %parallel_loop3A_194  : i32 {
          %parallel_loop3A_238 = arith.addi %mul3A_171, %parallel_loop3A_237 : i32
          %parallel_loop3A_239 = vector.broadcast %parallel_loop3A_238 : i32 to vector<16xi32>
          %parallel_loop3A_240 = tpu.vector_load_idx %arg12[%parallel_loop3A_239] : memref<1280xf32, #tpu.memory_space<vmem>>[vector<16xi32>], vector<16xf32>,
          %parallel_loop3A_241 = arith.index_cast %parallel_loop3A_237 : i32 to index
          %parallel_loop3A_242 = arith.constant 0 : index
          %parallel_loop3A_243 = tpu.vector_load %arg16[%parallel_loop3A_241, %parallel_loop3A_242] {strides = array<i32>} : memref<128x128xf32, #tpu.memory_space<vmem>>, vector<16xf32>,
          %parallel_loop3A_244 = arith.mulf %parallel_loop3A_243, %parallel_loop3A_240 : vector<16xf32>
          %parallel_loop3A_245 = arith.index_cast %parallel_loop3A_237 : i32 to index
          %parallel_loop3A_246 = arith.constant 0 : index
          %parallel_loop3A_247 = tpu.vector_load %arg16[%parallel_loop3A_245, %parallel_loop3A_246] {strides = array<i32>} : memref<128x128xf32, #tpu.memory_space<vmem>>, vector<16xf32>,
          tpu.vector_store %arg16[%parallel_loop3A_245, %parallel_loop3A_246], %parallel_loop3A_244 {strides = array<i32>} : memref<128x128xf32, #tpu.memory_space<vmem>>, vector<16xf32>,
          %parallel_loop3A_248 = arith.index_cast %parallel_loop3A_237 : i32 to index
          %parallel_loop3A_249 = arith.constant 16 : index
          %parallel_loop3A_250 = tpu.vector_load %arg16[%parallel_loop3A_248, %parallel_loop3A_249] {strides = array<i32>} : memref<128x128xf32, #tpu.memory_space<vmem>>, vector<16xf32>,
          %parallel_loop3A_251 = arith.mulf %parallel_loop3A_250, %parallel_loop3A_240 : vector<16xf32>
          %parallel_loop3A_252 = arith.index_cast %parallel_loop3A_237 : i32 to index
          %parallel_loop3A_253 = arith.constant 16 : index
          %parallel_loop3A_254 = tpu.vector_load %arg16[%parallel_loop3A_252, %parallel_loop3A_253] {strides = array<i32>} : memref<128x128xf32, #tpu.memory_space<vmem>>, vector<16xf32>,
          tpu.vector_store %arg16[%parallel_loop3A_252, %parallel_loop3A_253], %parallel_loop3A_251 {strides = array<i32>} : memref<128x128xf32, #tpu.memory_space<vmem>>, vector<16xf32>,
          %parallel_loop3A_255 = arith.index_cast %parallel_loop3A_237 : i32 to index
          %parallel_loop3A_256 = arith.constant 32 : index
          %parallel_loop3A_257 = tpu.vector_load %arg16[%parallel_loop3A_255, %parallel_loop3A_256] {strides = array<i32>} : memref<128x128xf32, #tpu.memory_space<vmem>>, vector<16xf32>,
          %parallel_loop3A_258 = arith.mulf %parallel_loop3A_257, %parallel_loop3A_240 : vector<16xf32>
          %parallel_loop3A_259 = arith.index_cast %parallel_loop3A_237 : i32 to index
          %parallel_loop3A_260 = arith.constant 32 : index
          %parallel_loop3A_261 = tpu.vector_load %arg16[%parallel_loop3A_259, %parallel_loop3A_260] {strides = array<i32>} : memref<128x128xf32, #tpu.memory_space<vmem>>, vector<16xf32>,
          tpu.vector_store %arg16[%parallel_loop3A_259, %parallel_loop3A_260], %parallel_loop3A_258 {strides = array<i32>} : memref<128x128xf32, #tpu.memory_space<vmem>>, vector<16xf32>,
          %parallel_loop3A_262 = arith.index_cast %parallel_loop3A_237 : i32 to index
          %parallel_loop3A_263 = arith.constant 48 : index
          %parallel_loop3A_264 = tpu.vector_load %arg16[%parallel_loop3A_262, %parallel_loop3A_263] {strides = array<i32>} : memref<128x128xf32, #tpu.memory_space<vmem>>, vector<16xf32>,
          %parallel_loop3A_265 = arith.mulf %parallel_loop3A_264, %parallel_loop3A_240 : vector<16xf32>
          %parallel_loop3A_266 = arith.index_cast %parallel_loop3A_237 : i32 to index
          %parallel_loop3A_267 = arith.constant 48 : index
          %parallel_loop3A_268 = tpu.vector_load %arg16[%parallel_loop3A_266, %parallel_loop3A_267] {strides = array<i32>} : memref<128x128xf32, #tpu.memory_space<vmem>>, vector<16xf32>,
          tpu.vector_store %arg16[%parallel_loop3A_266, %parallel_loop3A_267], %parallel_loop3A_265 {strides = array<i32>} : memref<128x128xf32, #tpu.memory_space<vmem>>, vector<16xf32>,
          %parallel_loop3A_269 = arith.index_cast %parallel_loop3A_237 : i32 to index
          %parallel_loop3A_270 = arith.constant 64 : index
          %parallel_loop3A_271 = tpu.vector_load %arg16[%parallel_loop3A_269, %parallel_loop3A_270] {strides = array<i32>} : memref<128x128xf32, #tpu.memory_space<vmem>>, vector<16xf32>,
          %parallel_loop3A_272 = arith.mulf %parallel_loop3A_271, %parallel_loop3A_240 : vector<16xf32>
          %parallel_loop3A_273 = arith.index_cast %parallel_loop3A_237 : i32 to index
          %parallel_loop3A_274 = arith.constant 64 : index
          %parallel_loop3A_275 = tpu.vector_load %arg16[%parallel_loop3A_273, %parallel_loop3A_274] {strides = array<i32>} : memref<128x128xf32, #tpu.memory_space<vmem>>, vector<16xf32>,
          tpu.vector_store %arg16[%parallel_loop3A_273, %parallel_loop3A_274], %parallel_loop3A_272 {strides = array<i32>} : memref<128x128xf32, #tpu.memory_space<vmem>>, vector<16xf32>,
          %parallel_loop3A_276 = arith.index_cast %parallel_loop3A_237 : i32 to index
          %parallel_loop3A_277 = arith.constant 80 : index
          %parallel_loop3A_278 = tpu.vector_load %arg16[%parallel_loop3A_276, %parallel_loop3A_277] {strides = array<i32>} : memref<128x128xf32, #tpu.memory_space<vmem>>, vector<16xf32>,
          %parallel_loop3A_279 = arith.mulf %parallel_loop3A_278, %parallel_loop3A_240 : vector<16xf32>
          %parallel_loop3A_280 = arith.index_cast %parallel_loop3A_237 : i32 to index
          %parallel_loop3A_281 = arith.constant 80 : index
          %parallel_loop3A_282 = tpu.vector_load %arg16[%parallel_loop3A_280, %parallel_loop3A_281] {strides = array<i32>} : memref<128x128xf32, #tpu.memory_space<vmem>>, vector<16xf32>,
          tpu.vector_store %arg16[%parallel_loop3A_280, %parallel_loop3A_281], %parallel_loop3A_279 {strides = array<i32>} : memref<128x128xf32, #tpu.memory_space<vmem>>, vector<16xf32>,
          %parallel_loop3A_283 = arith.index_cast %parallel_loop3A_237 : i32 to index
          %parallel_loop3A_284 = arith.constant 96 : index
          %parallel_loop3A_285 = tpu.vector_load %arg16[%parallel_loop3A_283, %parallel_loop3A_284] {strides = array<i32>} : memref<128x128xf32, #tpu.memory_space<vmem>>, vector<16xf32>,
          %parallel_loop3A_286 = arith.mulf %parallel_loop3A_285, %parallel_loop3A_240 : vector<16xf32>
          %parallel_loop3A_287 = arith.index_cast %parallel_loop3A_237 : i32 to index
          %parallel_loop3A_288 = arith.constant 96 : index
          %parallel_loop3A_289 = tpu.vector_load %arg16[%parallel_loop3A_287, %parallel_loop3A_288] {strides = array<i32>} : memref<128x128xf32, #tpu.memory_space<vmem>>, vector<16xf32>,
          tpu.vector_store %arg16[%parallel_loop3A_287, %parallel_loop3A_288], %parallel_loop3A_286 {strides = array<i32>} : memref<128x128xf32, #tpu.memory_space<vmem>>, vector<16xf32>,
          %parallel_loop3A_290 = arith.index_cast %parallel_loop3A_237 : i32 to index
          %parallel_loop3A_291 = arith.constant 112 : index
          %parallel_loop3A_292 = tpu.vector_load %arg16[%parallel_loop3A_290, %parallel_loop3A_291] {strides = array<i32>} : memref<128x128xf32, #tpu.memory_space<vmem>>, vector<16xf32>,
          %parallel_loop3A_293 = arith.mulf %parallel_loop3A_292, %parallel_loop3A_240 : vector<16xf32>
          %parallel_loop3A_294 = arith.index_cast %parallel_loop3A_237 : i32 to index
          %parallel_loop3A_295 = arith.constant 112 : index
          %parallel_loop3A_296 = tpu.vector_load %arg16[%parallel_loop3A_294, %parallel_loop3A_295] {strides = array<i32>} : memref<128x128xf32, #tpu.memory_space<vmem>>, vector<16xf32>,
          tpu.vector_store %arg16[%parallel_loop3A_294, %parallel_loop3A_295], %parallel_loop3A_293 {strides = array<i32>} : memref<128x128xf32, #tpu.memory_space<vmem>>, vector<16xf32>,
        } {sc.loop_unroll_factor = 4 : i64, sc.parallel_access}
        %dma_start3A = arith.constant 0 : i32
        %dma_start3A_195 = tpu.memref_slice %arg13[%add3A_169, %dma_start3A] : memref<10x128xi32, #tpu.memory_space<vmem>> -> memref<1x128xi32, #tpu.memory_space<vmem>>
        %dma_start3A_196 = tpu.memref_squeeze %dma_start3A_195 : memref<1x128xi32, #tpu.memory_space<vmem>> -> memref<128xi32, #tpu.memory_space<vmem>>
        %dma_start3A_197 = arith.constant 0 : i32
        %dma_start3A_198 = arith.constant 0 : i32
        %dma_start3A_199 = tpu.memref_slice %arg18[%dma_start3A_197, %dma_start3A_198] : memref<10240x128xf32, #tpu.memory_space<vmem_shared>> -> memref<10240x128xf32, #tpu.memory_space<vmem_shared>>
        tpu.enqueue_indirect_dma source(%arg16 : memref<128x128xf32, #tpu.memory_space<vmem>>) target(%dma_start3A_199 : memref<10240x128xf32, #tpu.memory_space<vmem_shared>>) offsets(%dma_start3A_196 : memref<128xi32, #tpu.memory_space<vmem>>) semaphore(%arg21 : memref<!tpu.dma_semaphore, #tpu.memory_space<semaphore_mem>>) {add = true}
        %add3A_200 = arith.constant 1 : i32
        %add3A_201 = arith.addi %add3A_167, %add3A_200 : i32
        %mul3A_202 = arith.constant 128 : i32
        %mul3A_203 = arith.muli %add3A_201, %mul3A_202 : i32
        %dma_wait3A_204 = arith.constant 0 : i32
        %dma_wait3A_205 = arith.constant 0 : i32
        %dma_wait3A_206 = tpu.memref_slice %arg13[%dma_wait3A_204, %dma_wait3A_205] : memref<10x128xi32, #tpu.memory_space<vmem>> -> memref<1x128xi32, #tpu.memory_space<vmem>>
        %dma_wait3A_207 = tpu.memref_squeeze %dma_wait3A_206 : memref<1x128xi32, #tpu.memory_space<vmem>> -> memref<128xi32, #tpu.memory_space<vmem>>
        %dma_wait3A_208 = arith.constant 0 : i32
        %dma_wait3A_209 = arith.constant 0 : i32
        %dma_wait3A_210 = tpu.memref_slice %arg18[%dma_wait3A_208, %dma_wait3A_209] : memref<10240x128xf32, #tpu.memory_space<vmem_shared>> -> memref<10240x128xf32, #tpu.memory_space<vmem_shared>>
        tpu.wait_indirect_dma semaphore(%arg21 : memref<!tpu.dma_semaphore, #tpu.memory_space<semaphore_mem>>) src(%arg16 : memref<128x128xf32, #tpu.memory_space<vmem>>) dst(%dma_wait3A_210 : memref<10240x128xf32, #tpu.memory_space<vmem_shared>>)
        %add3A_211 = arith.constant 1 : i32
        %add3A_212 = arith.addi %add3A_201, %add3A_211 : i32
        %lt3A_213 = arith.constant 10 : i32
        %lt3A_214 = arith.cmpi slt, %add3A_212, %lt3A_213 : i32
        %convert_element_type3A_215 = arith.extui %lt3A_214 : i1 to i32
        %cond3A_216 = arith.constant 0 : i32
        %cond3A_217 = arith.cmpi ne, %convert_element_type3A_215, %cond3A_216 : i32
        scf.if %cond3A_217 {
          %add3A_237 = arith.constant 128 : i32
          %add3A_238 = arith.addi %mul3A_203, %add3A_237 : i32
          %add3A_239 = arith.constant 0 : i32
          %add3A_240 = arith.addi %add3A_238, %add3A_239 : i32
          %get3A_241 = arith.index_cast %add3A_240 : i32 to index
          %get3A_242 = tpu.vector_load %arg11[%get3A_241] {strides = array<i32>} : memref<1280xi32, #tpu.memory_space<vmem>>, vector<16xi32>,
          %add3A_243 = arith.constant 0 : i32
          %add3A_244 = arith.addi %add3A_238, %add3A_243 : i32
          %get3A_245 = arith.index_cast %add3A_244 : i32 to index
          %get3A_246 = tpu.vector_load %arg10[%get3A_245] {strides = array<i32>} : memref<1280xi32, #tpu.memory_space<vmem>>, vector<16xi32>,
          %add3A_247 = arith.constant 17 : i32
          %add3A_248 = vector.broadcast %add3A_247 : i32 to vector<16xi32>
          %add3A_249 = arith.addi %add3A_248, %get3A_242 : vector<16xi32>
          %mul3A_250 = arith.constant 10240 : i32
          %mul3A_251 = vector.broadcast %mul3A_250 : i32 to vector<16xi32>
          %mul3A_252 = arith.muli %add3A_249, %mul3A_251 : vector<16xi32>
          %add3A_253 = arith.addi %mul3A_252, %get3A_246 : vector<16xi32>
          %swap3A_254 = arith.constant 0 : index
          %swap3A_255 = tpu.vector_load %arg14[%swap3A_254] {strides = array<i32>} : memref<128xi32, #tpu.memory_space<vmem>>, vector<16xi32>,
          tpu.vector_store %arg14[%swap3A_254], %add3A_253 {strides = array<i32>} : memref<128xi32, #tpu.memory_space<vmem>>, vector<16xi32>,
          %add3A_256 = arith.constant 16 : i32
          %add3A_257 = arith.addi %add3A_238, %add3A_256 : i32
          %get3A_258 = arith.index_cast %add3A_257 : i32 to index
          %get3A_259 = tpu.vector_load %arg11[%get3A_258] {strides = array<i32>} : memref<1280xi32, #tpu.memory_space<vmem>>, vector<16xi32>,
          %add3A_260 = arith.constant 16 : i32
          %add3A_261 = arith.addi %add3A_238, %add3A_260 : i32
          %get3A_262 = arith.index_cast %add3A_261 : i32 to index
          %get3A_263 = tpu.vector_load %arg10[%get3A_262] {strides = array<i32>} : memref<1280xi32, #tpu.memory_space<vmem>>, vector<16xi32>,
          %add3A_264 = arith.constant 17 : i32
          %add3A_265 = vector.broadcast %add3A_264 : i32 to vector<16xi32>
          %add3A_266 = arith.addi %add3A_265, %get3A_259 : vector<16xi32>
          %mul3A_267 = arith.constant 10240 : i32
          %mul3A_268 = vector.broadcast %mul3A_267 : i32 to vector<16xi32>
          %mul3A_269 = arith.muli %add3A_266, %mul3A_268 : vector<16xi32>
          %add3A_270 = arith.addi %mul3A_269, %get3A_263 : vector<16xi32>
          %swap3A_271 = arith.constant 16 : index
          %swap3A_272 = tpu.vector_load %arg14[%swap3A_271] {strides = array<i32>} : memref<128xi32, #tpu.memory_space<vmem>>, vector<16xi32>,
          tpu.vector_store %arg14[%swap3A_271], %add3A_270 {strides = array<i32>} : memref<128xi32, #tpu.memory_space<vmem>>, vector<16xi32>,
          %add3A_273 = arith.constant 32 : i32
          %add3A_274 = arith.addi %add3A_238, %add3A_273 : i32
          %get3A_275 = arith.index_cast %add3A_274 : i32 to index
          %get3A_276 = tpu.vector_load %arg11[%get3A_275] {strides = array<i32>} : memref<1280xi32, #tpu.memory_space<vmem>>, vector<16xi32>,
          %add3A_277 = arith.constant 32 : i32
          %add3A_278 = arith.addi %add3A_238, %add3A_277 : i32
          %get3A_279 = arith.index_cast %add3A_278 : i32 to index
          %get3A_280 = tpu.vector_load %arg10[%get3A_279] {strides = array<i32>} : memref<1280xi32, #tpu.memory_space<vmem>>, vector<16xi32>,
          %add3A_281 = arith.constant 17 : i32
          %add3A_282 = vector.broadcast %add3A_281 : i32 to vector<16xi32>
          %add3A_283 = arith.addi %add3A_282, %get3A_276 : vector<16xi32>
          %mul3A_284 = arith.constant 10240 : i32
          %mul3A_285 = vector.broadcast %mul3A_284 : i32 to vector<16xi32>
          %mul3A_286 = arith.muli %add3A_283, %mul3A_285 : vector<16xi32>
          %add3A_287 = arith.addi %mul3A_286, %get3A_280 : vector<16xi32>
          %swap3A_288 = arith.constant 32 : index
          %swap3A_289 = tpu.vector_load %arg14[%swap3A_288] {strides = array<i32>} : memref<128xi32, #tpu.memory_space<vmem>>, vector<16xi32>,
          tpu.vector_store %arg14[%swap3A_288], %add3A_287 {strides = array<i32>} : memref<128xi32, #tpu.memory_space<vmem>>, vector<16xi32>,
          %add3A_290 = arith.constant 48 : i32
          %add3A_291 = arith.addi %add3A_238, %add3A_290 : i32
          %get3A_292 = arith.index_cast %add3A_291 : i32 to index
          %get3A_293 = tpu.vector_load %arg11[%get3A_292] {strides = array<i32>} : memref<1280xi32, #tpu.memory_space<vmem>>, vector<16xi32>,
          %add3A_294 = arith.constant 48 : i32
          %add3A_295 = arith.addi %add3A_238, %add3A_294 : i32
          %get3A_296 = arith.index_cast %add3A_295 : i32 to index
          %get3A_297 = tpu.vector_load %arg10[%get3A_296] {strides = array<i32>} : memref<1280xi32, #tpu.memory_space<vmem>>, vector<16xi32>,
          %add3A_298 = arith.constant 17 : i32
          %add3A_299 = vector.broadcast %add3A_298 : i32 to vector<16xi32>
          %add3A_300 = arith.addi %add3A_299, %get3A_293 : vector<16xi32>
          %mul3A_301 = arith.constant 10240 : i32
          %mul3A_302 = vector.broadcast %mul3A_301 : i32 to vector<16xi32>
          %mul3A_303 = arith.muli %add3A_300, %mul3A_302 : vector<16xi32>
          %add3A_304 = arith.addi %mul3A_303, %get3A_297 : vector<16xi32>
          %swap3A_305 = arith.constant 48 : index
          %swap3A_306 = tpu.vector_load %arg14[%swap3A_305] {strides = array<i32>} : memref<128xi32, #tpu.memory_space<vmem>>, vector<16xi32>,
          tpu.vector_store %arg14[%swap3A_305], %add3A_304 {strides = array<i32>} : memref<128xi32, #tpu.memory_space<vmem>>, vector<16xi32>,
          %add3A_307 = arith.constant 64 : i32
          %add3A_308 = arith.addi %add3A_238, %add3A_307 : i32
          %get3A_309 = arith.index_cast %add3A_308 : i32 to index
          %get3A_310 = tpu.vector_load %arg11[%get3A_309] {strides = array<i32>} : memref<1280xi32, #tpu.memory_space<vmem>>, vector<16xi32>,
          %add3A_311 = arith.constant 64 : i32
          %add3A_312 = arith.addi %add3A_238, %add3A_311 : i32
          %get3A_313 = arith.index_cast %add3A_312 : i32 to index
          %get3A_314 = tpu.vector_load %arg10[%get3A_313] {strides = array<i32>} : memref<1280xi32, #tpu.memory_space<vmem>>, vector<16xi32>,
          %add3A_315 = arith.constant 17 : i32
          %add3A_316 = vector.broadcast %add3A_315 : i32 to vector<16xi32>
          %add3A_317 = arith.addi %add3A_316, %get3A_310 : vector<16xi32>
          %mul3A_318 = arith.constant 10240 : i32
          %mul3A_319 = vector.broadcast %mul3A_318 : i32 to vector<16xi32>
          %mul3A_320 = arith.muli %add3A_317, %mul3A_319 : vector<16xi32>
          %add3A_321 = arith.addi %mul3A_320, %get3A_314 : vector<16xi32>
          %swap3A_322 = arith.constant 64 : index
          %swap3A_323 = tpu.vector_load %arg14[%swap3A_322] {strides = array<i32>} : memref<128xi32, #tpu.memory_space<vmem>>, vector<16xi32>,
          tpu.vector_store %arg14[%swap3A_322], %add3A_321 {strides = array<i32>} : memref<128xi32, #tpu.memory_space<vmem>>, vector<16xi32>,
          %add3A_324 = arith.constant 80 : i32
          %add3A_325 = arith.addi %add3A_238, %add3A_324 : i32
          %get3A_326 = arith.index_cast %add3A_325 : i32 to index
          %get3A_327 = tpu.vector_load %arg11[%get3A_326] {strides = array<i32>} : memref<1280xi32, #tpu.memory_space<vmem>>, vector<16xi32>,
          %add3A_328 = arith.constant 80 : i32
          %add3A_329 = arith.addi %add3A_238, %add3A_328 : i32
          %get3A_330 = arith.index_cast %add3A_329 : i32 to index
          %get3A_331 = tpu.vector_load %arg10[%get3A_330] {strides = array<i32>} : memref<1280xi32, #tpu.memory_space<vmem>>, vector<16xi32>,
          %add3A_332 = arith.constant 17 : i32
          %add3A_333 = vector.broadcast %add3A_332 : i32 to vector<16xi32>
          %add3A_334 = arith.addi %add3A_333, %get3A_327 : vector<16xi32>
          %mul3A_335 = arith.constant 10240 : i32
          %mul3A_336 = vector.broadcast %mul3A_335 : i32 to vector<16xi32>
          %mul3A_337 = arith.muli %add3A_334, %mul3A_336 : vector<16xi32>
          %add3A_338 = arith.addi %mul3A_337, %get3A_331 : vector<16xi32>
          %swap3A_339 = arith.constant 80 : index
          %swap3A_340 = tpu.vector_load %arg14[%swap3A_339] {strides = array<i32>} : memref<128xi32, #tpu.memory_space<vmem>>, vector<16xi32>,
          tpu.vector_store %arg14[%swap3A_339], %add3A_338 {strides = array<i32>} : memref<128xi32, #tpu.memory_space<vmem>>, vector<16xi32>,
          %add3A_341 = arith.constant 96 : i32
          %add3A_342 = arith.addi %add3A_238, %add3A_341 : i32
          %get3A_343 = arith.index_cast %add3A_342 : i32 to index
          %get3A_344 = tpu.vector_load %arg11[%get3A_343] {strides = array<i32>} : memref<1280xi32, #tpu.memory_space<vmem>>, vector<16xi32>,
          %add3A_345 = arith.constant 96 : i32
          %add3A_346 = arith.addi %add3A_238, %add3A_345 : i32
          %get3A_347 = arith.index_cast %add3A_346 : i32 to index
          %get3A_348 = tpu.vector_load %arg10[%get3A_347] {strides = array<i32>} : memref<1280xi32, #tpu.memory_space<vmem>>, vector<16xi32>,
          %add3A_349 = arith.constant 17 : i32
          %add3A_350 = vector.broadcast %add3A_349 : i32 to vector<16xi32>
          %add3A_351 = arith.addi %add3A_350, %get3A_344 : vector<16xi32>
          %mul3A_352 = arith.constant 10240 : i32
          %mul3A_353 = vector.broadcast %mul3A_352 : i32 to vector<16xi32>
          %mul3A_354 = arith.muli %add3A_351, %mul3A_353 : vector<16xi32>
          %add3A_355 = arith.addi %mul3A_354, %get3A_348 : vector<16xi32>
          %swap3A_356 = arith.constant 96 : index
          %swap3A_357 = tpu.vector_load %arg14[%swap3A_356] {strides = array<i32>} : memref<128xi32, #tpu.memory_space<vmem>>, vector<16xi32>,
          tpu.vector_store %arg14[%swap3A_356], %add3A_355 {strides = array<i32>} : memref<128xi32, #tpu.memory_space<vmem>>, vector<16xi32>,
          %add3A_358 = arith.constant 112 : i32
          %add3A_359 = arith.addi %add3A_238, %add3A_358 : i32
          %get3A_360 = arith.index_cast %add3A_359 : i32 to index
          %get3A_361 = tpu.vector_load %arg11[%get3A_360] {strides = array<i32>} : memref<1280xi32, #tpu.memory_space<vmem>>, vector<16xi32>,
          %add3A_362 = arith.constant 112 : i32
          %add3A_363 = arith.addi %add3A_238, %add3A_362 : i32
          %get3A_364 = arith.index_cast %add3A_363 : i32 to index
          %get3A_365 = tpu.vector_load %arg10[%get3A_364] {strides = array<i32>} : memref<1280xi32, #tpu.memory_space<vmem>>, vector<16xi32>,
          %add3A_366 = arith.constant 17 : i32
          %add3A_367 = vector.broadcast %add3A_366 : i32 to vector<16xi32>
          %add3A_368 = arith.addi %add3A_367, %get3A_361 : vector<16xi32>
          %mul3A_369 = arith.constant 10240 : i32
          %mul3A_370 = vector.broadcast %mul3A_369 : i32 to vector<16xi32>
          %mul3A_371 = arith.muli %add3A_368, %mul3A_370 : vector<16xi32>
          %add3A_372 = arith.addi %mul3A_371, %get3A_365 : vector<16xi32>
          %swap3A_373 = arith.constant 112 : index
          %swap3A_374 = tpu.vector_load %arg14[%swap3A_373] {strides = array<i32>} : memref<128xi32, #tpu.memory_space<vmem>>, vector<16xi32>,
          tpu.vector_store %arg14[%swap3A_373], %add3A_372 {strides = array<i32>} : memref<128xi32, #tpu.memory_space<vmem>>, vector<16xi32>,
          %eq3A_375 = arith.constant 0 : i32
          %eq3A_376 = arith.cmpi eq, %arg0, %eq3A_375 : i32
          %convert_element_type3A_377 = arith.extui %eq3A_376 : i1 to i32
          %cond3A_378 = arith.constant 0 : i32
          %cond3A_379 = arith.cmpi ne, %convert_element_type3A_377, %cond3A_378 : i32
          scf.if %cond3A_379 {
            %dma_start3A_385 = arith.constant 0 : i32
            %dma_start3A_386 = arith.constant 0 : i32
            %dma_start3A_387 = tpu.memref_slice %arg2[%dma_start3A_385, %dma_start3A_386] : memref<348160x128xf32, #tpu.memory_space<hbm>> -> memref<348160x128xf32, #tpu.memory_space<hbm>>
            tpu.enqueue_indirect_dma source(%dma_start3A_387 : memref<348160x128xf32, #tpu.memory_space<hbm>>) target(%arg16 : memref<128x128xf32, #tpu.memory_space<vmem>>) offsets(%arg14 : memref<128xi32, #tpu.memory_space<vmem>>) semaphore(%arg19 : memref<!tpu.dma_semaphore, #tpu.memory_space<semaphore_mem>>)
          } else {
          }
          %eq3A_380 = arith.constant 1 : i32
          %eq3A_381 = arith.cmpi eq, %arg0, %eq3A_380 : i32
          %convert_element_type3A_382 = arith.extui %eq3A_381 : i1 to i32
          %cond3A_383 = arith.constant 0 : i32
          %cond3A_384 = arith.cmpi ne, %convert_element_type3A_382, %cond3A_383 : i32
          scf.if %cond3A_384 {
            %dma_start3A_385 = arith.constant 0 : i32
            %dma_start3A_386 = arith.constant 0 : i32
            %dma_start3A_387 = tpu.memref_slice %arg3[%dma_start3A_385, %dma_start3A_386] : memref<348160x128xf32, #tpu.memory_space<hbm>> -> memref<348160x128xf32, #tpu.memory_space<hbm>>
            tpu.enqueue_indirect_dma source(%dma_start3A_387 : memref<348160x128xf32, #tpu.memory_space<hbm>>) target(%arg16 : memref<128x128xf32, #tpu.memory_space<vmem>>) offsets(%arg14 : memref<128xi32, #tpu.memory_space<vmem>>) semaphore(%arg19 : memref<!tpu.dma_semaphore, #tpu.memory_space<semaphore_mem>>)
          } else {
          }
        } else {
        }
        %eq3A_218 = arith.constant 0 : i32
        %eq3A_219 = arith.cmpi eq, %arg0, %eq3A_218 : i32
        %convert_element_type3A_220 = arith.extui %eq3A_219 : i1 to i32
        %cond3A_221 = arith.constant 0 : i32
        %cond3A_222 = arith.cmpi ne, %convert_element_type3A_220, %cond3A_221 : i32
        scf.if %cond3A_222 {
          %dma_wait3A_237 = arith.constant 0 : i32
          %dma_wait3A_238 = arith.constant 0 : i32
          %dma_wait3A_239 = tpu.memref_slice %arg2[%dma_wait3A_237, %dma_wait3A_238] : memref<348160x128xf32, #tpu.memory_space<hbm>> -> memref<348160x128xf32, #tpu.memory_space<hbm>>
          tpu.wait_indirect_dma semaphore(%arg20 : memref<!tpu.dma_semaphore, #tpu.memory_space<semaphore_mem>>) src(%dma_wait3A_239 : memref<348160x128xf32, #tpu.memory_space<hbm>>) dst(%arg17 : memref<128x128xf32, #tpu.memory_space<vmem>>)
        } else {
        }
        %eq3A_223 = arith.constant 1 : i32
        %eq3A_224 = arith.cmpi eq, %arg0, %eq3A_223 : i32
        %convert_element_type3A_225 = arith.extui %eq3A_224 : i1 to i32
        %cond3A_226 = arith.constant 0 : i32
        %cond3A_227 = arith.cmpi ne, %convert_element_type3A_225, %cond3A_226 : i32
        scf.if %cond3A_227 {
          %dma_wait3A_237 = arith.constant 0 : i32
          %dma_wait3A_238 = arith.constant 0 : i32
          %dma_wait3A_239 = tpu.memref_slice %arg3[%dma_wait3A_237, %dma_wait3A_238] : memref<348160x128xf32, #tpu.memory_space<hbm>> -> memref<348160x128xf32, #tpu.memory_space<hbm>>
          tpu.wait_indirect_dma semaphore(%arg20 : memref<!tpu.dma_semaphore, #tpu.memory_space<semaphore_mem>>) src(%dma_wait3A_239 : memref<348160x128xf32, #tpu.memory_space<hbm>>) dst(%arg17 : memref<128x128xf32, #tpu.memory_space<vmem>>)
        } else {
        }
        %parallel_loop3A_228 = arith.constant 0 : i32
        %parallel_loop3A_229 = arith.constant 128 : i32
        %parallel_loop3A_230 = arith.constant 1 : i32
        scf.for %parallel_loop3A_237 = %parallel_loop3A_228 to %parallel_loop3A_229 step %parallel_loop3A_230  : i32 {
          %parallel_loop3A_238 = arith.addi %mul3A_203, %parallel_loop3A_237 : i32
          %parallel_loop3A_239 = vector.broadcast %parallel_loop3A_238 : i32 to vector<16xi32>
          %parallel_loop3A_240 = tpu.vector_load_idx %arg12[%parallel_loop3A_239] : memref<1280xf32, #tpu.memory_space<vmem>>[vector<16xi32>], vector<16xf32>,
          %parallel_loop3A_241 = arith.index_cast %parallel_loop3A_237 : i32 to index
          %parallel_loop3A_242 = arith.constant 0 : index
          %parallel_loop3A_243 = tpu.vector_load %arg17[%parallel_loop3A_241, %parallel_loop3A_242] {strides = array<i32>} : memref<128x128xf32, #tpu.memory_space<vmem>>, vector<16xf32>,
          %parallel_loop3A_244 = arith.mulf %parallel_loop3A_243, %parallel_loop3A_240 : vector<16xf32>
          %parallel_loop3A_245 = arith.index_cast %parallel_loop3A_237 : i32 to index
          %parallel_loop3A_246 = arith.constant 0 : index
          %parallel_loop3A_247 = tpu.vector_load %arg17[%parallel_loop3A_245, %parallel_loop3A_246] {strides = array<i32>} : memref<128x128xf32, #tpu.memory_space<vmem>>, vector<16xf32>,
          tpu.vector_store %arg17[%parallel_loop3A_245, %parallel_loop3A_246], %parallel_loop3A_244 {strides = array<i32>} : memref<128x128xf32, #tpu.memory_space<vmem>>, vector<16xf32>,
          %parallel_loop3A_248 = arith.index_cast %parallel_loop3A_237 : i32 to index
          %parallel_loop3A_249 = arith.constant 16 : index
          %parallel_loop3A_250 = tpu.vector_load %arg17[%parallel_loop3A_248, %parallel_loop3A_249] {strides = array<i32>} : memref<128x128xf32, #tpu.memory_space<vmem>>, vector<16xf32>,
          %parallel_loop3A_251 = arith.mulf %parallel_loop3A_250, %parallel_loop3A_240 : vector<16xf32>
          %parallel_loop3A_252 = arith.index_cast %parallel_loop3A_237 : i32 to index
          %parallel_loop3A_253 = arith.constant 16 : index
          %parallel_loop3A_254 = tpu.vector_load %arg17[%parallel_loop3A_252, %parallel_loop3A_253] {strides = array<i32>} : memref<128x128xf32, #tpu.memory_space<vmem>>, vector<16xf32>,
          tpu.vector_store %arg17[%parallel_loop3A_252, %parallel_loop3A_253], %parallel_loop3A_251 {strides = array<i32>} : memref<128x128xf32, #tpu.memory_space<vmem>>, vector<16xf32>,
          %parallel_loop3A_255 = arith.index_cast %parallel_loop3A_237 : i32 to index
          %parallel_loop3A_256 = arith.constant 32 : index
          %parallel_loop3A_257 = tpu.vector_load %arg17[%parallel_loop3A_255, %parallel_loop3A_256] {strides = array<i32>} : memref<128x128xf32, #tpu.memory_space<vmem>>, vector<16xf32>,
          %parallel_loop3A_258 = arith.mulf %parallel_loop3A_257, %parallel_loop3A_240 : vector<16xf32>
          %parallel_loop3A_259 = arith.index_cast %parallel_loop3A_237 : i32 to index
          %parallel_loop3A_260 = arith.constant 32 : index
          %parallel_loop3A_261 = tpu.vector_load %arg17[%parallel_loop3A_259, %parallel_loop3A_260] {strides = array<i32>} : memref<128x128xf32, #tpu.memory_space<vmem>>, vector<16xf32>,
          tpu.vector_store %arg17[%parallel_loop3A_259, %parallel_loop3A_260], %parallel_loop3A_258 {strides = array<i32>} : memref<128x128xf32, #tpu.memory_space<vmem>>, vector<16xf32>,
          %parallel_loop3A_262 = arith.index_cast %parallel_loop3A_237 : i32 to index
          %parallel_loop3A_263 = arith.constant 48 : index
          %parallel_loop3A_264 = tpu.vector_load %arg17[%parallel_loop3A_262, %parallel_loop3A_263] {strides = array<i32>} : memref<128x128xf32, #tpu.memory_space<vmem>>, vector<16xf32>,
          %parallel_loop3A_265 = arith.mulf %parallel_loop3A_264, %parallel_loop3A_240 : vector<16xf32>
          %parallel_loop3A_266 = arith.index_cast %parallel_loop3A_237 : i32 to index
          %parallel_loop3A_267 = arith.constant 48 : index
          %parallel_loop3A_268 = tpu.vector_load %arg17[%parallel_loop3A_266, %parallel_loop3A_267] {strides = array<i32>} : memref<128x128xf32, #tpu.memory_space<vmem>>, vector<16xf32>,
          tpu.vector_store %arg17[%parallel_loop3A_266, %parallel_loop3A_267], %parallel_loop3A_265 {strides = array<i32>} : memref<128x128xf32, #tpu.memory_space<vmem>>, vector<16xf32>,
          %parallel_loop3A_269 = arith.index_cast %parallel_loop3A_237 : i32 to index
          %parallel_loop3A_270 = arith.constant 64 : index
          %parallel_loop3A_271 = tpu.vector_load %arg17[%parallel_loop3A_269, %parallel_loop3A_270] {strides = array<i32>} : memref<128x128xf32, #tpu.memory_space<vmem>>, vector<16xf32>,
          %parallel_loop3A_272 = arith.mulf %parallel_loop3A_271, %parallel_loop3A_240 : vector<16xf32>
          %parallel_loop3A_273 = arith.index_cast %parallel_loop3A_237 : i32 to index
          %parallel_loop3A_274 = arith.constant 64 : index
          %parallel_loop3A_275 = tpu.vector_load %arg17[%parallel_loop3A_273, %parallel_loop3A_274] {strides = array<i32>} : memref<128x128xf32, #tpu.memory_space<vmem>>, vector<16xf32>,
          tpu.vector_store %arg17[%parallel_loop3A_273, %parallel_loop3A_274], %parallel_loop3A_272 {strides = array<i32>} : memref<128x128xf32, #tpu.memory_space<vmem>>, vector<16xf32>,
          %parallel_loop3A_276 = arith.index_cast %parallel_loop3A_237 : i32 to index
          %parallel_loop3A_277 = arith.constant 80 : index
          %parallel_loop3A_278 = tpu.vector_load %arg17[%parallel_loop3A_276, %parallel_loop3A_277] {strides = array<i32>} : memref<128x128xf32, #tpu.memory_space<vmem>>, vector<16xf32>,
          %parallel_loop3A_279 = arith.mulf %parallel_loop3A_278, %parallel_loop3A_240 : vector<16xf32>
          %parallel_loop3A_280 = arith.index_cast %parallel_loop3A_237 : i32 to index
          %parallel_loop3A_281 = arith.constant 80 : index
          %parallel_loop3A_282 = tpu.vector_load %arg17[%parallel_loop3A_280, %parallel_loop3A_281] {strides = array<i32>} : memref<128x128xf32, #tpu.memory_space<vmem>>, vector<16xf32>,
          tpu.vector_store %arg17[%parallel_loop3A_280, %parallel_loop3A_281], %parallel_loop3A_279 {strides = array<i32>} : memref<128x128xf32, #tpu.memory_space<vmem>>, vector<16xf32>,
          %parallel_loop3A_283 = arith.index_cast %parallel_loop3A_237 : i32 to index
          %parallel_loop3A_284 = arith.constant 96 : index
          %parallel_loop3A_285 = tpu.vector_load %arg17[%parallel_loop3A_283, %parallel_loop3A_284] {strides = array<i32>} : memref<128x128xf32, #tpu.memory_space<vmem>>, vector<16xf32>,
          %parallel_loop3A_286 = arith.mulf %parallel_loop3A_285, %parallel_loop3A_240 : vector<16xf32>
          %parallel_loop3A_287 = arith.index_cast %parallel_loop3A_237 : i32 to index
          %parallel_loop3A_288 = arith.constant 96 : index
          %parallel_loop3A_289 = tpu.vector_load %arg17[%parallel_loop3A_287, %parallel_loop3A_288] {strides = array<i32>} : memref<128x128xf32, #tpu.memory_space<vmem>>, vector<16xf32>,
          tpu.vector_store %arg17[%parallel_loop3A_287, %parallel_loop3A_288], %parallel_loop3A_286 {strides = array<i32>} : memref<128x128xf32, #tpu.memory_space<vmem>>, vector<16xf32>,
          %parallel_loop3A_290 = arith.index_cast %parallel_loop3A_237 : i32 to index
          %parallel_loop3A_291 = arith.constant 112 : index
          %parallel_loop3A_292 = tpu.vector_load %arg17[%parallel_loop3A_290, %parallel_loop3A_291] {strides = array<i32>} : memref<128x128xf32, #tpu.memory_space<vmem>>, vector<16xf32>,
          %parallel_loop3A_293 = arith.mulf %parallel_loop3A_292, %parallel_loop3A_240 : vector<16xf32>
          %parallel_loop3A_294 = arith.index_cast %parallel_loop3A_237 : i32 to index
          %parallel_loop3A_295 = arith.constant 112 : index
          %parallel_loop3A_296 = tpu.vector_load %arg17[%parallel_loop3A_294, %parallel_loop3A_295] {strides = array<i32>} : memref<128x128xf32, #tpu.memory_space<vmem>>, vector<16xf32>,
          tpu.vector_store %arg17[%parallel_loop3A_294, %parallel_loop3A_295], %parallel_loop3A_293 {strides = array<i32>} : memref<128x128xf32, #tpu.memory_space<vmem>>, vector<16xf32>,
        } {sc.loop_unroll_factor = 4 : i64, sc.parallel_access}
        %dma_start3A_231 = arith.constant 0 : i32
        %dma_start3A_232 = tpu.memref_slice %arg13[%add3A_201, %dma_start3A_231] : memref<10x128xi32, #tpu.memory_space<vmem>> -> memref<1x128xi32, #tpu.memory_space<vmem>>
        %dma_start3A_233 = tpu.memref_squeeze %dma_start3A_232 : memref<1x128xi32, #tpu.memory_space<vmem>> -> memref<128xi32, #tpu.memory_space<vmem>>
        %dma_start3A_234 = arith.constant 0 : i32
        %dma_start3A_235 = arith.constant 0 : i32
        %dma_start3A_236 = tpu.memref_slice %arg18[%dma_start3A_234, %dma_start3A_235] : memref<10240x128xf32, #tpu.memory_space<vmem_shared>> -> memref<10240x128xf32, #tpu.memory_space<vmem_shared>>
        tpu.enqueue_indirect_dma source(%arg17 : memref<128x128xf32, #tpu.memory_space<vmem>>) target(%dma_start3A_236 : memref<10240x128xf32, #tpu.memory_space<vmem_shared>>) offsets(%dma_start3A_233 : memref<128xi32, #tpu.memory_space<vmem>>) semaphore(%arg22 : memref<!tpu.dma_semaphore, #tpu.memory_space<semaphore_mem>>) {add = true}
      }
      %scan3A_162 = arith.constant 5 : i32
    }
    %scan3A_30 = arith.constant 8 : i32
    %dma_wait3A_31 = arith.constant 0 : i32
    %dma_wait3A_32 = arith.constant 0 : i32
    %dma_wait3A_33 = tpu.memref_slice %arg13[%dma_wait3A_31, %dma_wait3A_32] : memref<10x128xi32, #tpu.memory_space<vmem>> -> memref<1x128xi32, #tpu.memory_space<vmem>>
    %dma_wait3A_34 = tpu.memref_squeeze %dma_wait3A_33 : memref<1x128xi32, #tpu.memory_space<vmem>> -> memref<128xi32, #tpu.memory_space<vmem>>
    %dma_wait3A_35 = arith.constant 0 : i32
    %dma_wait3A_36 = arith.constant 0 : i32
    %dma_wait3A_37 = tpu.memref_slice %arg18[%dma_wait3A_35, %dma_wait3A_36] : memref<10240x128xf32, #tpu.memory_space<vmem_shared>> -> memref<10240x128xf32, #tpu.memory_space<vmem_shared>>
    tpu.wait_indirect_dma semaphore(%arg22 : memref<!tpu.dma_semaphore, #tpu.memory_space<semaphore_mem>>) src(%arg17 : memref<128x128xf32, #tpu.memory_space<vmem>>) dst(%dma_wait3A_37 : memref<10240x128xf32, #tpu.memory_space<vmem_shared>>)
    %barrier3A_38 = arith.constant 0 : index
    tpu.barrier barrier_id(%barrier3A_38)
    %mul3A_39 = arith.constant 640 : i32
    %mul3A_40 = arith.muli %arg1, %mul3A_39 : i32
    %mul3A_41 = arith.constant 640 : i32
    %mul3A_42 = arith.muli %arg1, %mul3A_41 : i32
    %run_scoped3A_43 = arith.constant 1 : i32
    "tpu.region"() ({
      %run_scoped3A_45 = tpu.sem_alloc : memref<!tpu.dma_semaphore, #tpu.memory_space<semaphore_mem>>
      %dma_start3A = arith.constant 0 : i32
      %dma_start3A_46 = tpu.memref_slice %arg9[%run_scoped3A_43, %arg0, %mul3A_42, %dma_start3A] : memref<2x2x10240x128xf32, #tpu.memory_space<hbm>> -> memref<1x1x640x128xf32, #tpu.memory_space<hbm>>
      %dma_start3A_47 = tpu.memref_squeeze %dma_start3A_46 : memref<1x1x640x128xf32, #tpu.memory_space<hbm>> -> memref<640x128xf32, #tpu.memory_space<hbm>>
      %dma_start3A_48 = arith.constant 0 : i32
      %dma_start3A_49 = tpu.memref_slice %arg18[%mul3A_40, %dma_start3A_48] : memref<10240x128xf32, #tpu.memory_space<vmem_shared>> -> memref<640x128xf32, #tpu.memory_space<vmem_shared>>
      tpu.enqueue_dma source(%dma_start3A_49 : memref<640x128xf32, #tpu.memory_space<vmem_shared>>) target(%dma_start3A_47 : memref<640x128xf32, #tpu.memory_space<hbm>>) target_semaphore(%run_scoped3A_45 : memref<!tpu.dma_semaphore, #tpu.memory_space<semaphore_mem>>)
      %dma_wait3A_50 = arith.constant 0 : i32
      %dma_wait3A_51 = tpu.memref_slice %arg9[%run_scoped3A_43, %arg0, %mul3A_42, %dma_wait3A_50] : memref<2x2x10240x128xf32, #tpu.memory_space<hbm>> -> memref<1x1x640x128xf32, #tpu.memory_space<hbm>>
      %dma_wait3A_52 = tpu.memref_squeeze %dma_wait3A_51 : memref<1x1x640x128xf32, #tpu.memory_space<hbm>> -> memref<640x128xf32, #tpu.memory_space<hbm>>
      %dma_wait3A_53 = arith.constant 0 : i32
      %dma_wait3A_54 = tpu.memref_slice %arg18[%mul3A_40, %dma_wait3A_53] : memref<10240x128xf32, #tpu.memory_space<vmem_shared>> -> memref<640x128xf32, #tpu.memory_space<vmem_shared>>
      tpu.wait_dma2 semaphore(%run_scoped3A_45 : memref<!tpu.dma_semaphore, #tpu.memory_space<semaphore_mem>>) src(%dma_wait3A_54 : memref<640x128xf32, #tpu.memory_space<vmem_shared>>) dst(%dma_wait3A_52 : memref<640x128xf32, #tpu.memory_space<hbm>>)
      tpu.yield
    }) : () -> ()
    %barrier3A_44 = arith.constant 0 : index
    tpu.barrier barrier_id(%barrier3A_44)
    return
  }
}

#map = affine_map<(d0, d1) -> (0, 0)>
#map1 = affine_map<(d0, d1) -> (0, 0, 0)>
#map2 = affine_map<(d0, d1) -> (0, 0, 0, 0)>
module attributes {stable_mosaic.version = 14 : i64} {
  func.func @_sc_body(%arg0: i32, %arg1: i32, %arg2: memref<348160x128xf32, #tpu.memory_space<hbm>>, %arg3: memref<348160x128xf32, #tpu.memory_space<hbm>>, %arg4: memref<16x8x1280xi32, #tpu.memory_space<hbm>>, %arg5: memref<16x8x1280xi32, #tpu.memory_space<hbm>>, %arg6: memref<16x8x1280xf32, #tpu.memory_space<hbm>>, %arg7: memref<16x8x10x128xi32, #tpu.memory_space<hbm>>, %arg8: memref<10240x128xf32, #tpu.memory_space<hbm>>, %arg9: memref<2x2x10240x128xf32, #tpu.memory_space<hbm>>, %arg10: memref<1280xi32, #tpu.memory_space<vmem>>, %arg11: memref<1280xi32, #tpu.memory_space<vmem>>, %arg12: memref<1280xf32, #tpu.memory_space<vmem>>, %arg13: memref<10x128xi32, #tpu.memory_space<vmem>>, %arg14: memref<128xi32, #tpu.memory_space<vmem>>, %arg15: memref<128xi32, #tpu.memory_space<vmem>>, %arg16: memref<128x128xf32, #tpu.memory_space<vmem>>, %arg17: memref<128x128xf32, #tpu.memory_space<vmem>>, %arg18: memref<10240x128xf32, #tpu.memory_space<vmem_shared>>, %arg19: memref<!tpu.dma_semaphore, #tpu.memory_space<semaphore_mem>>, %arg20: memref<!tpu.dma_semaphore, #tpu.memory_space<semaphore_mem>>, %arg21: memref<!tpu.dma_semaphore, #tpu.memory_space<semaphore_mem>>, %arg22: memref<!tpu.dma_semaphore, #tpu.memory_space<semaphore_mem>>) attributes {dimension_semantics = [#tpu.dimension_semantics<core_parallel>, #tpu.dimension_semantics<subcore_parallel>], iteration_bounds = array<i64: 2, 16>, scalar_prefetch = 0 : i64, scratch_operands = 13 : i64, tpu.core_type = #tpu.core_type<sc_vector_subcore>, window_params = [{transform_indices = #map}, {transform_indices = #map}, {transform_indices = #map1}, {transform_indices = #map1}, {transform_indices = #map1}, {transform_indices = #map2}, {transform_indices = #map}, {transform_indices = #map2}]} {
    %mul3A = arith.constant 640 : i32
    %mul3A_0 = arith.muli %arg1, %mul3A : i32
    %mul3A_1 = arith.constant 640 : i32
    %mul3A_2 = arith.muli %arg1, %mul3A_1 : i32
    "tpu.region"() ({
      %run_scoped3A_45 = tpu.sem_alloc : memref<!tpu.dma_semaphore, #tpu.memory_space<semaphore_mem>>
      %dma_start3A = arith.constant 0 : i32
      %dma_start3A_46 = tpu.memref_slice %arg18[%mul3A_2, %dma_start3A] : memref<10240x128xf32, #tpu.memory_space<vmem_shared>> -> memref<640x128xf32, #tpu.memory_space<vmem_shared>>
      %dma_start3A_47 = arith.constant 0 : i32
      %dma_start3A_48 = tpu.memref_slice %arg8[%mul3A_0, %dma_start3A_47] : memref<10240x128xf32, #tpu.memory_space<hbm>> -> memref<640x128xf32, #tpu.memory_space<hbm>>
      tpu.enqueue_dma source(%dma_start3A_48 : memref<640x128xf32, #tpu.memory_space<hbm>>) target(%dma_start3A_46 : memref<640x128xf32, #tpu.memory_space<vmem_shared>>) target_semaphore(%run_scoped3A_45 : memref<!tpu.dma_semaphore, #tpu.memory_space<semaphore_mem>>)
      %dma_wait3A_49 = arith.constant 0 : i32
      %dma_wait3A_50 = tpu.memref_slice %arg18[%mul3A_2, %dma_wait3A_49] : memref<10240x128xf32, #tpu.memory_space<vmem_shared>> -> memref<640x128xf32, #tpu.memory_space<vmem_shared>>
      %dma_wait3A_51 = arith.constant 0 : i32
      %dma_wait3A_52 = tpu.memref_slice %arg8[%mul3A_0, %dma_wait3A_51] : memref<10240x128xf32, #tpu.memory_space<hbm>> -> memref<640x128xf32, #tpu.memory_space<hbm>>
      tpu.wait_dma2 semaphore(%run_scoped3A_45 : memref<!tpu.dma_semaphore, #tpu.memory_space<semaphore_mem>>) src(%dma_wait3A_52 : memref<640x128xf32, #tpu.memory_space<hbm>>) dst(%dma_wait3A_50 : memref<640x128xf32, #tpu.memory_space<vmem_shared>>)
      tpu.yield
    }) : () -> ()
    %barrier3A = arith.constant 0 : index
    tpu.barrier barrier_id(%barrier3A)
    %scan3A = arith.constant 0 : i32
    %scan3A_3 = arith.constant 0 : i32
    %scan3A_4 = arith.constant 8 : i32
    %scan3A_5 = arith.addi %scan3A_3, %scan3A_4 : i32
    %scan3A_6 = arith.constant 1 : i32
    scf.for %scan3A_45 = %scan3A_3 to %scan3A_5 step %scan3A_6  : i32 {
      %gt3A = arith.constant 0 : i32
      %gt3A_46 = arith.cmpi sgt, %scan3A_45, %gt3A : i32
      %convert_element_type3A = arith.extui %gt3A_46 : i1 to i32
      %cond3A = arith.constant 0 : i32
      %cond3A_47 = arith.cmpi ne, %convert_element_type3A, %cond3A : i32
      scf.if %cond3A_47 {
        %dma_wait3A_163 = arith.constant 0 : i32
        %dma_wait3A_164 = arith.constant 0 : i32
        %dma_wait3A_165 = tpu.memref_slice %arg13[%dma_wait3A_163, %dma_wait3A_164] : memref<10x128xi32, #tpu.memory_space<vmem>> -> memref<1x128xi32, #tpu.memory_space<vmem>>
        %dma_wait3A_166 = tpu.memref_squeeze %dma_wait3A_165 : memref<1x128xi32, #tpu.memory_space<vmem>> -> memref<128xi32, #tpu.memory_space<vmem>>
        %dma_wait3A_167 = arith.constant 0 : i32
        %dma_wait3A_168 = arith.constant 0 : i32
        %dma_wait3A_169 = tpu.memref_slice %arg18[%dma_wait3A_167, %dma_wait3A_168] : memref<10240x128xf32, #tpu.memory_space<vmem_shared>> -> memref<10240x128xf32, #tpu.memory_space<vmem_shared>>
        tpu.wait_indirect_dma semaphore(%arg22 : memref<!tpu.dma_semaphore, #tpu.memory_space<semaphore_mem>>) src(%arg17 : memref<128x128xf32, #tpu.memory_space<vmem>>) dst(%dma_wait3A_169 : memref<10240x128xf32, #tpu.memory_space<vmem_shared>>)
      } else {
      }
      "tpu.region"() ({
        %run_scoped3A_163 = tpu.sem_alloc : memref<!tpu.dma_semaphore, #tpu.memory_space<semaphore_mem>>
        %dma_start3A = arith.constant 0 : i32
        %dma_start3A_164 = tpu.memref_slice %arg4[%arg1, %scan3A_45, %dma_start3A] : memref<16x8x1280xi32, #tpu.memory_space<hbm>> -> memref<1x1x1280xi32, #tpu.memory_space<hbm>>
        %dma_start3A_165 = tpu.memref_squeeze %dma_start3A_164 : memref<1x1x1280xi32, #tpu.memory_space<hbm>> -> memref<1280xi32, #tpu.memory_space<hbm>>
        %dma_start3A_166 = arith.constant 0 : i32
        %dma_start3A_167 = tpu.memref_slice %arg4[%arg1, %scan3A_45, %dma_start3A_166] : memref<16x8x1280xi32, #tpu.memory_space<hbm>> -> memref<1x1x1280xi32, #tpu.memory_space<hbm>>
        %dma_start3A_168 = tpu.memref_squeeze %dma_start3A_167 : memref<1x1x1280xi32, #tpu.memory_space<hbm>> -> memref<1280xi32, #tpu.memory_space<hbm>>
        tpu.enqueue_dma source(%dma_start3A_168 : memref<1280xi32, #tpu.memory_space<hbm>>) target(%arg10 : memref<1280xi32, #tpu.memory_space<vmem>>) target_semaphore(%run_scoped3A_163 : memref<!tpu.dma_semaphore, #tpu.memory_space<semaphore_mem>>)
        %dma_wait3A_169 = arith.constant 0 : i32
        %dma_wait3A_170 = tpu.memref_slice %arg4[%arg1, %scan3A_45, %dma_wait3A_169] : memref<16x8x1280xi32, #tpu.memory_space<hbm>> -> memref<1x1x1280xi32, #tpu.memory_space<hbm>>
        %dma_wait3A_171 = tpu.memref_squeeze %dma_wait3A_170 : memref<1x1x1280xi32, #tpu.memory_space<hbm>> -> memref<1280xi32, #tpu.memory_space<hbm>>
        %dma_wait3A_172 = arith.constant 0 : i32
        %dma_wait3A_173 = tpu.memref_slice %arg4[%arg1, %scan3A_45, %dma_wait3A_172] : memref<16x8x1280xi32, #tpu.memory_space<hbm>> -> memref<1x1x1280xi32, #tpu.memory_space<hbm>>
        %dma_wait3A_174 = tpu.memref_squeeze %dma_wait3A_173 : memref<1x1x1280xi32, #tpu.memory_space<hbm>> -> memref<1280xi32, #tpu.memory_space<hbm>>
        tpu.wait_dma2 semaphore(%run_scoped3A_163 : memref<!tpu.dma_semaphore, #tpu.memory_space<semaphore_mem>>) src(%dma_wait3A_174 : memref<1280xi32, #tpu.memory_space<hbm>>) dst(%arg10 : memref<1280xi32, #tpu.memory_space<vmem>>)
        tpu.yield
      }) : () -> ()
      "tpu.region"() ({
        %run_scoped3A_163 = tpu.sem_alloc : memref<!tpu.dma_semaphore, #tpu.memory_space<semaphore_mem>>
        %dma_start3A = arith.constant 0 : i32
        %dma_start3A_164 = tpu.memref_slice %arg5[%arg1, %scan3A_45, %dma_start3A] : memref<16x8x1280xi32, #tpu.memory_space<hbm>> -> memref<1x1x1280xi32, #tpu.memory_space<hbm>>
        %dma_start3A_165 = tpu.memref_squeeze %dma_start3A_164 : memref<1x1x1280xi32, #tpu.memory_space<hbm>> -> memref<1280xi32, #tpu.memory_space<hbm>>
        %dma_start3A_166 = arith.constant 0 : i32
        %dma_start3A_167 = tpu.memref_slice %arg5[%arg1, %scan3A_45, %dma_start3A_166] : memref<16x8x1280xi32, #tpu.memory_space<hbm>> -> memref<1x1x1280xi32, #tpu.memory_space<hbm>>
        %dma_start3A_168 = tpu.memref_squeeze %dma_start3A_167 : memref<1x1x1280xi32, #tpu.memory_space<hbm>> -> memref<1280xi32, #tpu.memory_space<hbm>>
        tpu.enqueue_dma source(%dma_start3A_168 : memref<1280xi32, #tpu.memory_space<hbm>>) target(%arg11 : memref<1280xi32, #tpu.memory_space<vmem>>) target_semaphore(%run_scoped3A_163 : memref<!tpu.dma_semaphore, #tpu.memory_space<semaphore_mem>>)
        %dma_wait3A_169 = arith.constant 0 : i32
        %dma_wait3A_170 = tpu.memref_slice %arg5[%arg1, %scan3A_45, %dma_wait3A_169] : memref<16x8x1280xi32, #tpu.memory_space<hbm>> -> memref<1x1x1280xi32, #tpu.memory_space<hbm>>
        %dma_wait3A_171 = tpu.memref_squeeze %dma_wait3A_170 : memref<1x1x1280xi32, #tpu.memory_space<hbm>> -> memref<1280xi32, #tpu.memory_space<hbm>>
        %dma_wait3A_172 = arith.constant 0 : i32
        %dma_wait3A_173 = tpu.memref_slice %arg5[%arg1, %scan3A_45, %dma_wait3A_172] : memref<16x8x1280xi32, #tpu.memory_space<hbm>> -> memref<1x1x1280xi32, #tpu.memory_space<hbm>>
        %dma_wait3A_174 = tpu.memref_squeeze %dma_wait3A_173 : memref<1x1x1280xi32, #tpu.memory_space<hbm>> -> memref<1280xi32, #tpu.memory_space<hbm>>
        tpu.wait_dma2 semaphore(%run_scoped3A_163 : memref<!tpu.dma_semaphore, #tpu.memory_space<semaphore_mem>>) src(%dma_wait3A_174 : memref<1280xi32, #tpu.memory_space<hbm>>) dst(%arg11 : memref<1280xi32, #tpu.memory_space<vmem>>)
        tpu.yield
      }) : () -> ()
      "tpu.region"() ({
        %run_scoped3A_163 = tpu.sem_alloc : memref<!tpu.dma_semaphore, #tpu.memory_space<semaphore_mem>>
        %dma_start3A = arith.constant 0 : i32
        %dma_start3A_164 = tpu.memref_slice %arg6[%arg1, %scan3A_45, %dma_start3A] : memref<16x8x1280xf32, #tpu.memory_space<hbm>> -> memref<1x1x1280xf32, #tpu.memory_space<hbm>>
        %dma_start3A_165 = tpu.memref_squeeze %dma_start3A_164 : memref<1x1x1280xf32, #tpu.memory_space<hbm>> -> memref<1280xf32, #tpu.memory_space<hbm>>
        %dma_start3A_166 = arith.constant 0 : i32
        %dma_start3A_167 = tpu.memref_slice %arg6[%arg1, %scan3A_45, %dma_start3A_166] : memref<16x8x1280xf32, #tpu.memory_space<hbm>> -> memref<1x1x1280xf32, #tpu.memory_space<hbm>>
        %dma_start3A_168 = tpu.memref_squeeze %dma_start3A_167 : memref<1x1x1280xf32, #tpu.memory_space<hbm>> -> memref<1280xf32, #tpu.memory_space<hbm>>
        tpu.enqueue_dma source(%dma_start3A_168 : memref<1280xf32, #tpu.memory_space<hbm>>) target(%arg12 : memref<1280xf32, #tpu.memory_space<vmem>>) target_semaphore(%run_scoped3A_163 : memref<!tpu.dma_semaphore, #tpu.memory_space<semaphore_mem>>)
        %dma_wait3A_169 = arith.constant 0 : i32
        %dma_wait3A_170 = tpu.memref_slice %arg6[%arg1, %scan3A_45, %dma_wait3A_169] : memref<16x8x1280xf32, #tpu.memory_space<hbm>> -> memref<1x1x1280xf32, #tpu.memory_space<hbm>>
        %dma_wait3A_171 = tpu.memref_squeeze %dma_wait3A_170 : memref<1x1x1280xf32, #tpu.memory_space<hbm>> -> memref<1280xf32, #tpu.memory_space<hbm>>
        %dma_wait3A_172 = arith.constant 0 : i32
        %dma_wait3A_173 = tpu.memref_slice %arg6[%arg1, %scan3A_45, %dma_wait3A_172] : memref<16x8x1280xf32, #tpu.memory_space<hbm>> -> memref<1x1x1280xf32, #tpu.memory_space<hbm>>
        %dma_wait3A_174 = tpu.memref_squeeze %dma_wait3A_173 : memref<1x1x1280xf32, #tpu.memory_space<hbm>> -> memref<1280xf32, #tpu.memory_space<hbm>>
        tpu.wait_dma2 semaphore(%run_scoped3A_163 : memref<!tpu.dma_semaphore, #tpu.memory_space<semaphore_mem>>) src(%dma_wait3A_174 : memref<1280xf32, #tpu.memory_space<hbm>>) dst(%arg12 : memref<1280xf32, #tpu.memory_space<vmem>>)
        tpu.yield
      }) : () -> ()
      "tpu.region"() ({
        %run_scoped3A_163 = tpu.sem_alloc : memref<!tpu.dma_semaphore, #tpu.memory_space<semaphore_mem>>
        %dma_start3A = arith.constant 0 : i32
        %dma_start3A_164 = arith.constant 0 : i32
        %dma_start3A_165 = tpu.memref_slice %arg7[%arg1, %scan3A_45, %dma_start3A, %dma_start3A_164] : memref<16x8x10x128xi32, #tpu.memory_space<hbm>> -> memref<1x1x10x128xi32, #tpu.memory_space<hbm>>
        %dma_start3A_166 = tpu.memref_squeeze %dma_start3A_165 : memref<1x1x10x128xi32, #tpu.memory_space<hbm>> -> memref<10x128xi32, #tpu.memory_space<hbm>>
        %dma_start3A_167 = arith.constant 0 : i32
        %dma_start3A_168 = arith.constant 0 : i32
        %dma_start3A_169 = tpu.memref_slice %arg7[%arg1, %scan3A_45, %dma_start3A_167, %dma_start3A_168] : memref<16x8x10x128xi32, #tpu.memory_space<hbm>> -> memref<1x1x10x128xi32, #tpu.memory_space<hbm>>
        %dma_start3A_170 = tpu.memref_squeeze %dma_start3A_169 : memref<1x1x10x128xi32, #tpu.memory_space<hbm>> -> memref<10x128xi32, #tpu.memory_space<hbm>>
        tpu.enqueue_dma source(%dma_start3A_170 : memref<10x128xi32, #tpu.memory_space<hbm>>) target(%arg13 : memref<10x128xi32, #tpu.memory_space<vmem>>) target_semaphore(%run_scoped3A_163 : memref<!tpu.dma_semaphore, #tpu.memory_space<semaphore_mem>>)
        %dma_wait3A_171 = arith.constant 0 : i32
        %dma_wait3A_172 = arith.constant 0 : i32
        %dma_wait3A_173 = tpu.memref_slice %arg7[%arg1, %scan3A_45, %dma_wait3A_171, %dma_wait3A_172] : memref<16x8x10x128xi32, #tpu.memory_space<hbm>> -> memref<1x1x10x128xi32, #tpu.memory_space<hbm>>
        %dma_wait3A_174 = tpu.memref_squeeze %dma_wait3A_173 : memref<1x1x10x128xi32, #tpu.memory_space<hbm>> -> memref<10x128xi32, #tpu.memory_space<hbm>>
        %dma_wait3A_175 = arith.constant 0 : i32
        %dma_wait3A_176 = arith.constant 0 : i32
        %dma_wait3A_177 = tpu.memref_slice %arg7[%arg1, %scan3A_45, %dma_wait3A_175, %dma_wait3A_176] : memref<16x8x10x128xi32, #tpu.memory_space<hbm>> -> memref<1x1x10x128xi32, #tpu.memory_space<hbm>>
        %dma_wait3A_178 = tpu.memref_squeeze %dma_wait3A_177 : memref<1x1x10x128xi32, #tpu.memory_space<hbm>> -> memref<10x128xi32, #tpu.memory_space<hbm>>
        tpu.wait_dma2 semaphore(%run_scoped3A_163 : memref<!tpu.dma_semaphore, #tpu.memory_space<semaphore_mem>>) src(%dma_wait3A_178 : memref<10x128xi32, #tpu.memory_space<hbm>>) dst(%arg13 : memref<10x128xi32, #tpu.memory_space<vmem>>)
        tpu.yield
      }) : () -> ()
      %get3A = arith.constant 0 : index
      %get3A_48 = tpu.vector_load %arg11[%get3A] {strides = array<i32>} : memref<1280xi32, #tpu.memory_space<vmem>>, vector<16xi32>,
      %get3A_49 = arith.constant 0 : index
      %get3A_50 = tpu.vector_load %arg10[%get3A_49] {strides = array<i32>} : memref<1280xi32, #tpu.memory_space<vmem>>, vector<16xi32>,
      %add3A = arith.constant 0 : i32
      %add3A_51 = vector.broadcast %add3A : i32 to vector<16xi32>
      %add3A_52 = arith.addi %add3A_51, %get3A_48 : vector<16xi32>
      %mul3A_53 = arith.constant 10240 : i32
      %mul3A_54 = vector.broadcast %mul3A_53 : i32 to vector<16xi32>
      %mul3A_55 = arith.muli %add3A_52, %mul3A_54 : vector<16xi32>
      %add3A_56 = arith.addi %mul3A_55, %get3A_50 : vector<16xi32>
      %swap3A = arith.constant 0 : index
      %swap3A_57 = tpu.vector_load %arg14[%swap3A] {strides = array<i32>} : memref<128xi32, #tpu.memory_space<vmem>>, vector<16xi32>,
      tpu.vector_store %arg14[%swap3A], %add3A_56 {strides = array<i32>} : memref<128xi32, #tpu.memory_space<vmem>>, vector<16xi32>,
      %get3A_58 = arith.constant 16 : index
      %get3A_59 = tpu.vector_load %arg11[%get3A_58] {strides = array<i32>} : memref<1280xi32, #tpu.memory_space<vmem>>, vector<16xi32>,
      %get3A_60 = arith.constant 16 : index
      %get3A_61 = tpu.vector_load %arg10[%get3A_60] {strides = array<i32>} : memref<1280xi32, #tpu.memory_space<vmem>>, vector<16xi32>,
      %add3A_62 = arith.constant 0 : i32
      %add3A_63 = vector.broadcast %add3A_62 : i32 to vector<16xi32>
      %add3A_64 = arith.addi %add3A_63, %get3A_59 : vector<16xi32>
      %mul3A_65 = arith.constant 10240 : i32
      %mul3A_66 = vector.broadcast %mul3A_65 : i32 to vector<16xi32>
      %mul3A_67 = arith.muli %add3A_64, %mul3A_66 : vector<16xi32>
      %add3A_68 = arith.addi %mul3A_67, %get3A_61 : vector<16xi32>
      %swap3A_69 = arith.constant 16 : index
      %swap3A_70 = tpu.vector_load %arg14[%swap3A_69] {strides = array<i32>} : memref<128xi32, #tpu.memory_space<vmem>>, vector<16xi32>,
      tpu.vector_store %arg14[%swap3A_69], %add3A_68 {strides = array<i32>} : memref<128xi32, #tpu.memory_space<vmem>>, vector<16xi32>,
      %get3A_71 = arith.constant 32 : index
      %get3A_72 = tpu.vector_load %arg11[%get3A_71] {strides = array<i32>} : memref<1280xi32, #tpu.memory_space<vmem>>, vector<16xi32>,
      %get3A_73 = arith.constant 32 : index
      %get3A_74 = tpu.vector_load %arg10[%get3A_73] {strides = array<i32>} : memref<1280xi32, #tpu.memory_space<vmem>>, vector<16xi32>,
      %add3A_75 = arith.constant 0 : i32
      %add3A_76 = vector.broadcast %add3A_75 : i32 to vector<16xi32>
      %add3A_77 = arith.addi %add3A_76, %get3A_72 : vector<16xi32>
      %mul3A_78 = arith.constant 10240 : i32
      %mul3A_79 = vector.broadcast %mul3A_78 : i32 to vector<16xi32>
      %mul3A_80 = arith.muli %add3A_77, %mul3A_79 : vector<16xi32>
      %add3A_81 = arith.addi %mul3A_80, %get3A_74 : vector<16xi32>
      %swap3A_82 = arith.constant 32 : index
      %swap3A_83 = tpu.vector_load %arg14[%swap3A_82] {strides = array<i32>} : memref<128xi32, #tpu.memory_space<vmem>>, vector<16xi32>,
      tpu.vector_store %arg14[%swap3A_82], %add3A_81 {strides = array<i32>} : memref<128xi32, #tpu.memory_space<vmem>>, vector<16xi32>,
      %get3A_84 = arith.constant 48 : index
      %get3A_85 = tpu.vector_load %arg11[%get3A_84] {strides = array<i32>} : memref<1280xi32, #tpu.memory_space<vmem>>, vector<16xi32>,
      %get3A_86 = arith.constant 48 : index
      %get3A_87 = tpu.vector_load %arg10[%get3A_86] {strides = array<i32>} : memref<1280xi32, #tpu.memory_space<vmem>>, vector<16xi32>,
      %add3A_88 = arith.constant 0 : i32
      %add3A_89 = vector.broadcast %add3A_88 : i32 to vector<16xi32>
      %add3A_90 = arith.addi %add3A_89, %get3A_85 : vector<16xi32>
      %mul3A_91 = arith.constant 10240 : i32
      %mul3A_92 = vector.broadcast %mul3A_91 : i32 to vector<16xi32>
      %mul3A_93 = arith.muli %add3A_90, %mul3A_92 : vector<16xi32>
      %add3A_94 = arith.addi %mul3A_93, %get3A_87 : vector<16xi32>
      %swap3A_95 = arith.constant 48 : index
      %swap3A_96 = tpu.vector_load %arg14[%swap3A_95] {strides = array<i32>} : memref<128xi32, #tpu.memory_space<vmem>>, vector<16xi32>,
      tpu.vector_store %arg14[%swap3A_95], %add3A_94 {strides = array<i32>} : memref<128xi32, #tpu.memory_space<vmem>>, vector<16xi32>,
      %get3A_97 = arith.constant 64 : index
      %get3A_98 = tpu.vector_load %arg11[%get3A_97] {strides = array<i32>} : memref<1280xi32, #tpu.memory_space<vmem>>, vector<16xi32>,
      %get3A_99 = arith.constant 64 : index
      %get3A_100 = tpu.vector_load %arg10[%get3A_99] {strides = array<i32>} : memref<1280xi32, #tpu.memory_space<vmem>>, vector<16xi32>,
      %add3A_101 = arith.constant 0 : i32
      %add3A_102 = vector.broadcast %add3A_101 : i32 to vector<16xi32>
      %add3A_103 = arith.addi %add3A_102, %get3A_98 : vector<16xi32>
      %mul3A_104 = arith.constant 10240 : i32
      %mul3A_105 = vector.broadcast %mul3A_104 : i32 to vector<16xi32>
      %mul3A_106 = arith.muli %add3A_103, %mul3A_105 : vector<16xi32>
      %add3A_107 = arith.addi %mul3A_106, %get3A_100 : vector<16xi32>
      %swap3A_108 = arith.constant 64 : index
      %swap3A_109 = tpu.vector_load %arg14[%swap3A_108] {strides = array<i32>} : memref<128xi32, #tpu.memory_space<vmem>>, vector<16xi32>,
      tpu.vector_store %arg14[%swap3A_108], %add3A_107 {strides = array<i32>} : memref<128xi32, #tpu.memory_space<vmem>>, vector<16xi32>,
      %get3A_110 = arith.constant 80 : index
      %get3A_111 = tpu.vector_load %arg11[%get3A_110] {strides = array<i32>} : memref<1280xi32, #tpu.memory_space<vmem>>, vector<16xi32>,
      %get3A_112 = arith.constant 80 : index
      %get3A_113 = tpu.vector_load %arg10[%get3A_112] {strides = array<i32>} : memref<1280xi32, #tpu.memory_space<vmem>>, vector<16xi32>,
      %add3A_114 = arith.constant 0 : i32
      %add3A_115 = vector.broadcast %add3A_114 : i32 to vector<16xi32>
      %add3A_116 = arith.addi %add3A_115, %get3A_111 : vector<16xi32>
      %mul3A_117 = arith.constant 10240 : i32
      %mul3A_118 = vector.broadcast %mul3A_117 : i32 to vector<16xi32>
      %mul3A_119 = arith.muli %add3A_116, %mul3A_118 : vector<16xi32>
      %add3A_120 = arith.addi %mul3A_119, %get3A_113 : vector<16xi32>
      %swap3A_121 = arith.constant 80 : index
      %swap3A_122 = tpu.vector_load %arg14[%swap3A_121] {strides = array<i32>} : memref<128xi32, #tpu.memory_space<vmem>>, vector<16xi32>,
      tpu.vector_store %arg14[%swap3A_121], %add3A_120 {strides = array<i32>} : memref<128xi32, #tpu.memory_space<vmem>>, vector<16xi32>,
      %get3A_123 = arith.constant 96 : index
      %get3A_124 = tpu.vector_load %arg11[%get3A_123] {strides = array<i32>} : memref<1280xi32, #tpu.memory_space<vmem>>, vector<16xi32>,
      %get3A_125 = arith.constant 96 : index
      %get3A_126 = tpu.vector_load %arg10[%get3A_125] {strides = array<i32>} : memref<1280xi32, #tpu.memory_space<vmem>>, vector<16xi32>,
      %add3A_127 = arith.constant 0 : i32
      %add3A_128 = vector.broadcast %add3A_127 : i32 to vector<16xi32>
      %add3A_129 = arith.addi %add3A_128, %get3A_124 : vector<16xi32>
      %mul3A_130 = arith.constant 10240 : i32
      %mul3A_131 = vector.broadcast %mul3A_130 : i32 to vector<16xi32>
      %mul3A_132 = arith.muli %add3A_129, %mul3A_131 : vector<16xi32>
      %add3A_133 = arith.addi %mul3A_132, %get3A_126 : vector<16xi32>
      %swap3A_134 = arith.constant 96 : index
      %swap3A_135 = tpu.vector_load %arg14[%swap3A_134] {strides = array<i32>} : memref<128xi32, #tpu.memory_space<vmem>>, vector<16xi32>,
      tpu.vector_store %arg14[%swap3A_134], %add3A_133 {strides = array<i32>} : memref<128xi32, #tpu.memory_space<vmem>>, vector<16xi32>,
      %get3A_136 = arith.constant 112 : index
      %get3A_137 = tpu.vector_load %arg11[%get3A_136] {strides = array<i32>} : memref<1280xi32, #tpu.memory_space<vmem>>, vector<16xi32>,
      %get3A_138 = arith.constant 112 : index
      %get3A_139 = tpu.vector_load %arg10[%get3A_138] {strides = array<i32>} : memref<1280xi32, #tpu.memory_space<vmem>>, vector<16xi32>,
      %add3A_140 = arith.constant 0 : i32
      %add3A_141 = vector.broadcast %add3A_140 : i32 to vector<16xi32>
      %add3A_142 = arith.addi %add3A_141, %get3A_137 : vector<16xi32>
      %mul3A_143 = arith.constant 10240 : i32
      %mul3A_144 = vector.broadcast %mul3A_143 : i32 to vector<16xi32>
      %mul3A_145 = arith.muli %add3A_142, %mul3A_144 : vector<16xi32>
      %add3A_146 = arith.addi %mul3A_145, %get3A_139 : vector<16xi32>
      %swap3A_147 = arith.constant 112 : index
      %swap3A_148 = tpu.vector_load %arg14[%swap3A_147] {strides = array<i32>} : memref<128xi32, #tpu.memory_space<vmem>>, vector<16xi32>,
      tpu.vector_store %arg14[%swap3A_147], %add3A_146 {strides = array<i32>} : memref<128xi32, #tpu.memory_space<vmem>>, vector<16xi32>,
      %eq3A = arith.constant 0 : i32
      %eq3A_149 = arith.cmpi eq, %arg0, %eq3A : i32
      %convert_element_type3A_150 = arith.extui %eq3A_149 : i1 to i32
      %cond3A_151 = arith.constant 0 : i32
      %cond3A_152 = arith.cmpi ne, %convert_element_type3A_150, %cond3A_151 : i32
      scf.if %cond3A_152 {
        %dma_start3A = arith.constant 0 : i32
        %dma_start3A_163 = arith.constant 0 : i32
        %dma_start3A_164 = tpu.memref_slice %arg2[%dma_start3A, %dma_start3A_163] : memref<348160x128xf32, #tpu.memory_space<hbm>> -> memref<348160x128xf32, #tpu.memory_space<hbm>>
        tpu.enqueue_indirect_dma source(%dma_start3A_164 : memref<348160x128xf32, #tpu.memory_space<hbm>>) target(%arg16 : memref<128x128xf32, #tpu.memory_space<vmem>>) offsets(%arg14 : memref<128xi32, #tpu.memory_space<vmem>>) semaphore(%arg19 : memref<!tpu.dma_semaphore, #tpu.memory_space<semaphore_mem>>)
      } else {
      }
      %eq3A_153 = arith.constant 1 : i32
      %eq3A_154 = arith.cmpi eq, %arg0, %eq3A_153 : i32
      %convert_element_type3A_155 = arith.extui %eq3A_154 : i1 to i32
      %cond3A_156 = arith.constant 0 : i32
      %cond3A_157 = arith.cmpi ne, %convert_element_type3A_155, %cond3A_156 : i32
      scf.if %cond3A_157 {
        %dma_start3A = arith.constant 0 : i32
        %dma_start3A_163 = arith.constant 0 : i32
        %dma_start3A_164 = tpu.memref_slice %arg3[%dma_start3A, %dma_start3A_163] : memref<348160x128xf32, #tpu.memory_space<hbm>> -> memref<348160x128xf32, #tpu.memory_space<hbm>>
        tpu.enqueue_indirect_dma source(%dma_start3A_164 : memref<348160x128xf32, #tpu.memory_space<hbm>>) target(%arg16 : memref<128x128xf32, #tpu.memory_space<vmem>>) offsets(%arg14 : memref<128xi32, #tpu.memory_space<vmem>>) semaphore(%arg19 : memref<!tpu.dma_semaphore, #tpu.memory_space<semaphore_mem>>)
      } else {
      }
      %scan3A_158 = arith.constant 0 : i32
      %scan3A_159 = arith.constant 5 : i32
      %scan3A_160 = arith.addi %scan3A_158, %scan3A_159 : i32
      %scan3A_161 = arith.constant 1 : i32
      scf.for %scan3A_163 = %scan3A_158 to %scan3A_160 step %scan3A_161  : i32 {
        %mul3A_164 = arith.constant 2 : i32
        %mul3A_165 = arith.muli %scan3A_163, %mul3A_164 : i32
        %add3A_166 = arith.constant 0 : i32
        %add3A_167 = arith.addi %add3A_166, %mul3A_165 : i32
        %add3A_168 = arith.constant 0 : i32
        %add3A_169 = arith.addi %add3A_167, %add3A_168 : i32
        %mul3A_170 = arith.constant 128 : i32
        %mul3A_171 = arith.muli %add3A_169, %mul3A_170 : i32
        %gt3A_172 = arith.constant 0 : i32
        %gt3A_173 = arith.cmpi sgt, %add3A_167, %gt3A_172 : i32
        %convert_element_type3A_174 = arith.extui %gt3A_173 : i1 to i32
        %cond3A_175 = arith.constant 0 : i32
        %cond3A_176 = arith.cmpi ne, %convert_element_type3A_174, %cond3A_175 : i32
        scf.if %cond3A_176 {
          %dma_wait3A_237 = arith.constant 0 : i32
          %dma_wait3A_238 = arith.constant 0 : i32
          %dma_wait3A_239 = tpu.memref_slice %arg13[%dma_wait3A_237, %dma_wait3A_238] : memref<10x128xi32, #tpu.memory_space<vmem>> -> memref<1x128xi32, #tpu.memory_space<vmem>>
          %dma_wait3A_240 = tpu.memref_squeeze %dma_wait3A_239 : memref<1x128xi32, #tpu.memory_space<vmem>> -> memref<128xi32, #tpu.memory_space<vmem>>
          %dma_wait3A_241 = arith.constant 0 : i32
          %dma_wait3A_242 = arith.constant 0 : i32
          %dma_wait3A_243 = tpu.memref_slice %arg18[%dma_wait3A_241, %dma_wait3A_242] : memref<10240x128xf32, #tpu.memory_space<vmem_shared>> -> memref<10240x128xf32, #tpu.memory_space<vmem_shared>>
          tpu.wait_indirect_dma semaphore(%arg22 : memref<!tpu.dma_semaphore, #tpu.memory_space<semaphore_mem>>) src(%arg17 : memref<128x128xf32, #tpu.memory_space<vmem>>) dst(%dma_wait3A_243 : memref<10240x128xf32, #tpu.memory_space<vmem_shared>>)
        } else {
        }
        %add3A_177 = arith.constant 1 : i32
        %add3A_178 = arith.addi %add3A_169, %add3A_177 : i32
        %lt3A = arith.constant 10 : i32
        %lt3A_179 = arith.cmpi slt, %add3A_178, %lt3A : i32
        %convert_element_type3A_180 = arith.extui %lt3A_179 : i1 to i32
        %cond3A_181 = arith.constant 0 : i32
        %cond3A_182 = arith.cmpi ne, %convert_element_type3A_180, %cond3A_181 : i32
        scf.if %cond3A_182 {
          %add3A_237 = arith.constant 128 : i32
          %add3A_238 = arith.addi %mul3A_171, %add3A_237 : i32
          %add3A_239 = arith.constant 0 : i32
          %add3A_240 = arith.addi %add3A_238, %add3A_239 : i32
          %get3A_241 = arith.index_cast %add3A_240 : i32 to index
          %get3A_242 = tpu.vector_load %arg11[%get3A_241] {strides = array<i32>} : memref<1280xi32, #tpu.memory_space<vmem>>, vector<16xi32>,
          %add3A_243 = arith.constant 0 : i32
          %add3A_244 = arith.addi %add3A_238, %add3A_243 : i32
          %get3A_245 = arith.index_cast %add3A_244 : i32 to index
          %get3A_246 = tpu.vector_load %arg10[%get3A_245] {strides = array<i32>} : memref<1280xi32, #tpu.memory_space<vmem>>, vector<16xi32>,
          %add3A_247 = arith.constant 0 : i32
          %add3A_248 = vector.broadcast %add3A_247 : i32 to vector<16xi32>
          %add3A_249 = arith.addi %add3A_248, %get3A_242 : vector<16xi32>
          %mul3A_250 = arith.constant 10240 : i32
          %mul3A_251 = vector.broadcast %mul3A_250 : i32 to vector<16xi32>
          %mul3A_252 = arith.muli %add3A_249, %mul3A_251 : vector<16xi32>
          %add3A_253 = arith.addi %mul3A_252, %get3A_246 : vector<16xi32>
          %swap3A_254 = arith.constant 0 : index
          %swap3A_255 = tpu.vector_load %arg15[%swap3A_254] {strides = array<i32>} : memref<128xi32, #tpu.memory_space<vmem>>, vector<16xi32>,
          tpu.vector_store %arg15[%swap3A_254], %add3A_253 {strides = array<i32>} : memref<128xi32, #tpu.memory_space<vmem>>, vector<16xi32>,
          %add3A_256 = arith.constant 16 : i32
          %add3A_257 = arith.addi %add3A_238, %add3A_256 : i32
          %get3A_258 = arith.index_cast %add3A_257 : i32 to index
          %get3A_259 = tpu.vector_load %arg11[%get3A_258] {strides = array<i32>} : memref<1280xi32, #tpu.memory_space<vmem>>, vector<16xi32>,
          %add3A_260 = arith.constant 16 : i32
          %add3A_261 = arith.addi %add3A_238, %add3A_260 : i32
          %get3A_262 = arith.index_cast %add3A_261 : i32 to index
          %get3A_263 = tpu.vector_load %arg10[%get3A_262] {strides = array<i32>} : memref<1280xi32, #tpu.memory_space<vmem>>, vector<16xi32>,
          %add3A_264 = arith.constant 0 : i32
          %add3A_265 = vector.broadcast %add3A_264 : i32 to vector<16xi32>
          %add3A_266 = arith.addi %add3A_265, %get3A_259 : vector<16xi32>
          %mul3A_267 = arith.constant 10240 : i32
          %mul3A_268 = vector.broadcast %mul3A_267 : i32 to vector<16xi32>
          %mul3A_269 = arith.muli %add3A_266, %mul3A_268 : vector<16xi32>
          %add3A_270 = arith.addi %mul3A_269, %get3A_263 : vector<16xi32>
          %swap3A_271 = arith.constant 16 : index
          %swap3A_272 = tpu.vector_load %arg15[%swap3A_271] {strides = array<i32>} : memref<128xi32, #tpu.memory_space<vmem>>, vector<16xi32>,
          tpu.vector_store %arg15[%swap3A_271], %add3A_270 {strides = array<i32>} : memref<128xi32, #tpu.memory_space<vmem>>, vector<16xi32>,
          %add3A_273 = arith.constant 32 : i32
          %add3A_274 = arith.addi %add3A_238, %add3A_273 : i32
          %get3A_275 = arith.index_cast %add3A_274 : i32 to index
          %get3A_276 = tpu.vector_load %arg11[%get3A_275] {strides = array<i32>} : memref<1280xi32, #tpu.memory_space<vmem>>, vector<16xi32>,
          %add3A_277 = arith.constant 32 : i32
          %add3A_278 = arith.addi %add3A_238, %add3A_277 : i32
          %get3A_279 = arith.index_cast %add3A_278 : i32 to index
          %get3A_280 = tpu.vector_load %arg10[%get3A_279] {strides = array<i32>} : memref<1280xi32, #tpu.memory_space<vmem>>, vector<16xi32>,
          %add3A_281 = arith.constant 0 : i32
          %add3A_282 = vector.broadcast %add3A_281 : i32 to vector<16xi32>
          %add3A_283 = arith.addi %add3A_282, %get3A_276 : vector<16xi32>
          %mul3A_284 = arith.constant 10240 : i32
          %mul3A_285 = vector.broadcast %mul3A_284 : i32 to vector<16xi32>
          %mul3A_286 = arith.muli %add3A_283, %mul3A_285 : vector<16xi32>
          %add3A_287 = arith.addi %mul3A_286, %get3A_280 : vector<16xi32>
          %swap3A_288 = arith.constant 32 : index
          %swap3A_289 = tpu.vector_load %arg15[%swap3A_288] {strides = array<i32>} : memref<128xi32, #tpu.memory_space<vmem>>, vector<16xi32>,
          tpu.vector_store %arg15[%swap3A_288], %add3A_287 {strides = array<i32>} : memref<128xi32, #tpu.memory_space<vmem>>, vector<16xi32>,
          %add3A_290 = arith.constant 48 : i32
          %add3A_291 = arith.addi %add3A_238, %add3A_290 : i32
          %get3A_292 = arith.index_cast %add3A_291 : i32 to index
          %get3A_293 = tpu.vector_load %arg11[%get3A_292] {strides = array<i32>} : memref<1280xi32, #tpu.memory_space<vmem>>, vector<16xi32>,
          %add3A_294 = arith.constant 48 : i32
          %add3A_295 = arith.addi %add3A_238, %add3A_294 : i32
          %get3A_296 = arith.index_cast %add3A_295 : i32 to index
          %get3A_297 = tpu.vector_load %arg10[%get3A_296] {strides = array<i32>} : memref<1280xi32, #tpu.memory_space<vmem>>, vector<16xi32>,
          %add3A_298 = arith.constant 0 : i32
          %add3A_299 = vector.broadcast %add3A_298 : i32 to vector<16xi32>
          %add3A_300 = arith.addi %add3A_299, %get3A_293 : vector<16xi32>
          %mul3A_301 = arith.constant 10240 : i32
          %mul3A_302 = vector.broadcast %mul3A_301 : i32 to vector<16xi32>
          %mul3A_303 = arith.muli %add3A_300, %mul3A_302 : vector<16xi32>
          %add3A_304 = arith.addi %mul3A_303, %get3A_297 : vector<16xi32>
          %swap3A_305 = arith.constant 48 : index
          %swap3A_306 = tpu.vector_load %arg15[%swap3A_305] {strides = array<i32>} : memref<128xi32, #tpu.memory_space<vmem>>, vector<16xi32>,
          tpu.vector_store %arg15[%swap3A_305], %add3A_304 {strides = array<i32>} : memref<128xi32, #tpu.memory_space<vmem>>, vector<16xi32>,
          %add3A_307 = arith.constant 64 : i32
          %add3A_308 = arith.addi %add3A_238, %add3A_307 : i32
          %get3A_309 = arith.index_cast %add3A_308 : i32 to index
          %get3A_310 = tpu.vector_load %arg11[%get3A_309] {strides = array<i32>} : memref<1280xi32, #tpu.memory_space<vmem>>, vector<16xi32>,
          %add3A_311 = arith.constant 64 : i32
          %add3A_312 = arith.addi %add3A_238, %add3A_311 : i32
          %get3A_313 = arith.index_cast %add3A_312 : i32 to index
          %get3A_314 = tpu.vector_load %arg10[%get3A_313] {strides = array<i32>} : memref<1280xi32, #tpu.memory_space<vmem>>, vector<16xi32>,
          %add3A_315 = arith.constant 0 : i32
          %add3A_316 = vector.broadcast %add3A_315 : i32 to vector<16xi32>
          %add3A_317 = arith.addi %add3A_316, %get3A_310 : vector<16xi32>
          %mul3A_318 = arith.constant 10240 : i32
          %mul3A_319 = vector.broadcast %mul3A_318 : i32 to vector<16xi32>
          %mul3A_320 = arith.muli %add3A_317, %mul3A_319 : vector<16xi32>
          %add3A_321 = arith.addi %mul3A_320, %get3A_314 : vector<16xi32>
          %swap3A_322 = arith.constant 64 : index
          %swap3A_323 = tpu.vector_load %arg15[%swap3A_322] {strides = array<i32>} : memref<128xi32, #tpu.memory_space<vmem>>, vector<16xi32>,
          tpu.vector_store %arg15[%swap3A_322], %add3A_321 {strides = array<i32>} : memref<128xi32, #tpu.memory_space<vmem>>, vector<16xi32>,
          %add3A_324 = arith.constant 80 : i32
          %add3A_325 = arith.addi %add3A_238, %add3A_324 : i32
          %get3A_326 = arith.index_cast %add3A_325 : i32 to index
          %get3A_327 = tpu.vector_load %arg11[%get3A_326] {strides = array<i32>} : memref<1280xi32, #tpu.memory_space<vmem>>, vector<16xi32>,
          %add3A_328 = arith.constant 80 : i32
          %add3A_329 = arith.addi %add3A_238, %add3A_328 : i32
          %get3A_330 = arith.index_cast %add3A_329 : i32 to index
          %get3A_331 = tpu.vector_load %arg10[%get3A_330] {strides = array<i32>} : memref<1280xi32, #tpu.memory_space<vmem>>, vector<16xi32>,
          %add3A_332 = arith.constant 0 : i32
          %add3A_333 = vector.broadcast %add3A_332 : i32 to vector<16xi32>
          %add3A_334 = arith.addi %add3A_333, %get3A_327 : vector<16xi32>
          %mul3A_335 = arith.constant 10240 : i32
          %mul3A_336 = vector.broadcast %mul3A_335 : i32 to vector<16xi32>
          %mul3A_337 = arith.muli %add3A_334, %mul3A_336 : vector<16xi32>
          %add3A_338 = arith.addi %mul3A_337, %get3A_331 : vector<16xi32>
          %swap3A_339 = arith.constant 80 : index
          %swap3A_340 = tpu.vector_load %arg15[%swap3A_339] {strides = array<i32>} : memref<128xi32, #tpu.memory_space<vmem>>, vector<16xi32>,
          tpu.vector_store %arg15[%swap3A_339], %add3A_338 {strides = array<i32>} : memref<128xi32, #tpu.memory_space<vmem>>, vector<16xi32>,
          %add3A_341 = arith.constant 96 : i32
          %add3A_342 = arith.addi %add3A_238, %add3A_341 : i32
          %get3A_343 = arith.index_cast %add3A_342 : i32 to index
          %get3A_344 = tpu.vector_load %arg11[%get3A_343] {strides = array<i32>} : memref<1280xi32, #tpu.memory_space<vmem>>, vector<16xi32>,
          %add3A_345 = arith.constant 96 : i32
          %add3A_346 = arith.addi %add3A_238, %add3A_345 : i32
          %get3A_347 = arith.index_cast %add3A_346 : i32 to index
          %get3A_348 = tpu.vector_load %arg10[%get3A_347] {strides = array<i32>} : memref<1280xi32, #tpu.memory_space<vmem>>, vector<16xi32>,
          %add3A_349 = arith.constant 0 : i32
          %add3A_350 = vector.broadcast %add3A_349 : i32 to vector<16xi32>
          %add3A_351 = arith.addi %add3A_350, %get3A_344 : vector<16xi32>
          %mul3A_352 = arith.constant 10240 : i32
          %mul3A_353 = vector.broadcast %mul3A_352 : i32 to vector<16xi32>
          %mul3A_354 = arith.muli %add3A_351, %mul3A_353 : vector<16xi32>
          %add3A_355 = arith.addi %mul3A_354, %get3A_348 : vector<16xi32>
          %swap3A_356 = arith.constant 96 : index
          %swap3A_357 = tpu.vector_load %arg15[%swap3A_356] {strides = array<i32>} : memref<128xi32, #tpu.memory_space<vmem>>, vector<16xi32>,
          tpu.vector_store %arg15[%swap3A_356], %add3A_355 {strides = array<i32>} : memref<128xi32, #tpu.memory_space<vmem>>, vector<16xi32>,
          %add3A_358 = arith.constant 112 : i32
          %add3A_359 = arith.addi %add3A_238, %add3A_358 : i32
          %get3A_360 = arith.index_cast %add3A_359 : i32 to index
          %get3A_361 = tpu.vector_load %arg11[%get3A_360] {strides = array<i32>} : memref<1280xi32, #tpu.memory_space<vmem>>, vector<16xi32>,
          %add3A_362 = arith.constant 112 : i32
          %add3A_363 = arith.addi %add3A_238, %add3A_362 : i32
          %get3A_364 = arith.index_cast %add3A_363 : i32 to index
          %get3A_365 = tpu.vector_load %arg10[%get3A_364] {strides = array<i32>} : memref<1280xi32, #tpu.memory_space<vmem>>, vector<16xi32>,
          %add3A_366 = arith.constant 0 : i32
          %add3A_367 = vector.broadcast %add3A_366 : i32 to vector<16xi32>
          %add3A_368 = arith.addi %add3A_367, %get3A_361 : vector<16xi32>
          %mul3A_369 = arith.constant 10240 : i32
          %mul3A_370 = vector.broadcast %mul3A_369 : i32 to vector<16xi32>
          %mul3A_371 = arith.muli %add3A_368, %mul3A_370 : vector<16xi32>
          %add3A_372 = arith.addi %mul3A_371, %get3A_365 : vector<16xi32>
          %swap3A_373 = arith.constant 112 : index
          %swap3A_374 = tpu.vector_load %arg15[%swap3A_373] {strides = array<i32>} : memref<128xi32, #tpu.memory_space<vmem>>, vector<16xi32>,
          tpu.vector_store %arg15[%swap3A_373], %add3A_372 {strides = array<i32>} : memref<128xi32, #tpu.memory_space<vmem>>, vector<16xi32>,
          %eq3A_375 = arith.constant 0 : i32
          %eq3A_376 = arith.cmpi eq, %arg0, %eq3A_375 : i32
          %convert_element_type3A_377 = arith.extui %eq3A_376 : i1 to i32
          %cond3A_378 = arith.constant 0 : i32
          %cond3A_379 = arith.cmpi ne, %convert_element_type3A_377, %cond3A_378 : i32
          scf.if %cond3A_379 {
            %dma_start3A_385 = arith.constant 0 : i32
            %dma_start3A_386 = arith.constant 0 : i32
            %dma_start3A_387 = tpu.memref_slice %arg2[%dma_start3A_385, %dma_start3A_386] : memref<348160x128xf32, #tpu.memory_space<hbm>> -> memref<348160x128xf32, #tpu.memory_space<hbm>>
            tpu.enqueue_indirect_dma source(%dma_start3A_387 : memref<348160x128xf32, #tpu.memory_space<hbm>>) target(%arg17 : memref<128x128xf32, #tpu.memory_space<vmem>>) offsets(%arg15 : memref<128xi32, #tpu.memory_space<vmem>>) semaphore(%arg20 : memref<!tpu.dma_semaphore, #tpu.memory_space<semaphore_mem>>)
          } else {
          }
          %eq3A_380 = arith.constant 1 : i32
          %eq3A_381 = arith.cmpi eq, %arg0, %eq3A_380 : i32
          %convert_element_type3A_382 = arith.extui %eq3A_381 : i1 to i32
          %cond3A_383 = arith.constant 0 : i32
          %cond3A_384 = arith.cmpi ne, %convert_element_type3A_382, %cond3A_383 : i32
          scf.if %cond3A_384 {
            %dma_start3A_385 = arith.constant 0 : i32
            %dma_start3A_386 = arith.constant 0 : i32
            %dma_start3A_387 = tpu.memref_slice %arg3[%dma_start3A_385, %dma_start3A_386] : memref<348160x128xf32, #tpu.memory_space<hbm>> -> memref<348160x128xf32, #tpu.memory_space<hbm>>
            tpu.enqueue_indirect_dma source(%dma_start3A_387 : memref<348160x128xf32, #tpu.memory_space<hbm>>) target(%arg17 : memref<128x128xf32, #tpu.memory_space<vmem>>) offsets(%arg15 : memref<128xi32, #tpu.memory_space<vmem>>) semaphore(%arg20 : memref<!tpu.dma_semaphore, #tpu.memory_space<semaphore_mem>>)
          } else {
          }
        } else {
        }
        %eq3A_183 = arith.constant 0 : i32
        %eq3A_184 = arith.cmpi eq, %arg0, %eq3A_183 : i32
        %convert_element_type3A_185 = arith.extui %eq3A_184 : i1 to i32
        %cond3A_186 = arith.constant 0 : i32
        %cond3A_187 = arith.cmpi ne, %convert_element_type3A_185, %cond3A_186 : i32
        scf.if %cond3A_187 {
          %dma_wait3A_237 = arith.constant 0 : i32
          %dma_wait3A_238 = arith.constant 0 : i32
          %dma_wait3A_239 = tpu.memref_slice %arg2[%dma_wait3A_237, %dma_wait3A_238] : memref<348160x128xf32, #tpu.memory_space<hbm>> -> memref<348160x128xf32, #tpu.memory_space<hbm>>
          tpu.wait_indirect_dma semaphore(%arg19 : memref<!tpu.dma_semaphore, #tpu.memory_space<semaphore_mem>>) src(%dma_wait3A_239 : memref<348160x128xf32, #tpu.memory_space<hbm>>) dst(%arg16 : memref<128x128xf32, #tpu.memory_space<vmem>>)
        } else {
        }
        %eq3A_188 = arith.constant 1 : i32
        %eq3A_189 = arith.cmpi eq, %arg0, %eq3A_188 : i32
        %convert_element_type3A_190 = arith.extui %eq3A_189 : i1 to i32
        %cond3A_191 = arith.constant 0 : i32
        %cond3A_192 = arith.cmpi ne, %convert_element_type3A_190, %cond3A_191 : i32
        scf.if %cond3A_192 {
          %dma_wait3A_237 = arith.constant 0 : i32
          %dma_wait3A_238 = arith.constant 0 : i32
          %dma_wait3A_239 = tpu.memref_slice %arg3[%dma_wait3A_237, %dma_wait3A_238] : memref<348160x128xf32, #tpu.memory_space<hbm>> -> memref<348160x128xf32, #tpu.memory_space<hbm>>
          tpu.wait_indirect_dma semaphore(%arg19 : memref<!tpu.dma_semaphore, #tpu.memory_space<semaphore_mem>>) src(%dma_wait3A_239 : memref<348160x128xf32, #tpu.memory_space<hbm>>) dst(%arg16 : memref<128x128xf32, #tpu.memory_space<vmem>>)
        } else {
        }
        %parallel_loop3A = arith.constant 0 : i32
        %parallel_loop3A_193 = arith.constant 128 : i32
        %parallel_loop3A_194 = arith.constant 1 : i32
        scf.for %parallel_loop3A_237 = %parallel_loop3A to %parallel_loop3A_193 step %parallel_loop3A_194  : i32 {
          %parallel_loop3A_238 = arith.addi %mul3A_171, %parallel_loop3A_237 : i32
          %parallel_loop3A_239 = vector.broadcast %parallel_loop3A_238 : i32 to vector<16xi32>
          %parallel_loop3A_240 = tpu.vector_load_idx %arg12[%parallel_loop3A_239] : memref<1280xf32, #tpu.memory_space<vmem>>[vector<16xi32>], vector<16xf32>,
          %parallel_loop3A_241 = arith.index_cast %parallel_loop3A_237 : i32 to index
          %parallel_loop3A_242 = arith.constant 0 : index
          %parallel_loop3A_243 = tpu.vector_load %arg16[%parallel_loop3A_241, %parallel_loop3A_242] {strides = array<i32>} : memref<128x128xf32, #tpu.memory_space<vmem>>, vector<16xf32>,
          %parallel_loop3A_244 = arith.mulf %parallel_loop3A_243, %parallel_loop3A_240 : vector<16xf32>
          %parallel_loop3A_245 = arith.index_cast %parallel_loop3A_237 : i32 to index
          %parallel_loop3A_246 = arith.constant 0 : index
          %parallel_loop3A_247 = tpu.vector_load %arg16[%parallel_loop3A_245, %parallel_loop3A_246] {strides = array<i32>} : memref<128x128xf32, #tpu.memory_space<vmem>>, vector<16xf32>,
          tpu.vector_store %arg16[%parallel_loop3A_245, %parallel_loop3A_246], %parallel_loop3A_244 {strides = array<i32>} : memref<128x128xf32, #tpu.memory_space<vmem>>, vector<16xf32>,
          %parallel_loop3A_248 = arith.index_cast %parallel_loop3A_237 : i32 to index
          %parallel_loop3A_249 = arith.constant 16 : index
          %parallel_loop3A_250 = tpu.vector_load %arg16[%parallel_loop3A_248, %parallel_loop3A_249] {strides = array<i32>} : memref<128x128xf32, #tpu.memory_space<vmem>>, vector<16xf32>,
          %parallel_loop3A_251 = arith.mulf %parallel_loop3A_250, %parallel_loop3A_240 : vector<16xf32>
          %parallel_loop3A_252 = arith.index_cast %parallel_loop3A_237 : i32 to index
          %parallel_loop3A_253 = arith.constant 16 : index
          %parallel_loop3A_254 = tpu.vector_load %arg16[%parallel_loop3A_252, %parallel_loop3A_253] {strides = array<i32>} : memref<128x128xf32, #tpu.memory_space<vmem>>, vector<16xf32>,
          tpu.vector_store %arg16[%parallel_loop3A_252, %parallel_loop3A_253], %parallel_loop3A_251 {strides = array<i32>} : memref<128x128xf32, #tpu.memory_space<vmem>>, vector<16xf32>,
          %parallel_loop3A_255 = arith.index_cast %parallel_loop3A_237 : i32 to index
          %parallel_loop3A_256 = arith.constant 32 : index
          %parallel_loop3A_257 = tpu.vector_load %arg16[%parallel_loop3A_255, %parallel_loop3A_256] {strides = array<i32>} : memref<128x128xf32, #tpu.memory_space<vmem>>, vector<16xf32>,
          %parallel_loop3A_258 = arith.mulf %parallel_loop3A_257, %parallel_loop3A_240 : vector<16xf32>
          %parallel_loop3A_259 = arith.index_cast %parallel_loop3A_237 : i32 to index
          %parallel_loop3A_260 = arith.constant 32 : index
          %parallel_loop3A_261 = tpu.vector_load %arg16[%parallel_loop3A_259, %parallel_loop3A_260] {strides = array<i32>} : memref<128x128xf32, #tpu.memory_space<vmem>>, vector<16xf32>,
          tpu.vector_store %arg16[%parallel_loop3A_259, %parallel_loop3A_260], %parallel_loop3A_258 {strides = array<i32>} : memref<128x128xf32, #tpu.memory_space<vmem>>, vector<16xf32>,
          %parallel_loop3A_262 = arith.index_cast %parallel_loop3A_237 : i32 to index
          %parallel_loop3A_263 = arith.constant 48 : index
          %parallel_loop3A_264 = tpu.vector_load %arg16[%parallel_loop3A_262, %parallel_loop3A_263] {strides = array<i32>} : memref<128x128xf32, #tpu.memory_space<vmem>>, vector<16xf32>,
          %parallel_loop3A_265 = arith.mulf %parallel_loop3A_264, %parallel_loop3A_240 : vector<16xf32>
          %parallel_loop3A_266 = arith.index_cast %parallel_loop3A_237 : i32 to index
          %parallel_loop3A_267 = arith.constant 48 : index
          %parallel_loop3A_268 = tpu.vector_load %arg16[%parallel_loop3A_266, %parallel_loop3A_267] {strides = array<i32>} : memref<128x128xf32, #tpu.memory_space<vmem>>, vector<16xf32>,
          tpu.vector_store %arg16[%parallel_loop3A_266, %parallel_loop3A_267], %parallel_loop3A_265 {strides = array<i32>} : memref<128x128xf32, #tpu.memory_space<vmem>>, vector<16xf32>,
          %parallel_loop3A_269 = arith.index_cast %parallel_loop3A_237 : i32 to index
          %parallel_loop3A_270 = arith.constant 64 : index
          %parallel_loop3A_271 = tpu.vector_load %arg16[%parallel_loop3A_269, %parallel_loop3A_270] {strides = array<i32>} : memref<128x128xf32, #tpu.memory_space<vmem>>, vector<16xf32>,
          %parallel_loop3A_272 = arith.mulf %parallel_loop3A_271, %parallel_loop3A_240 : vector<16xf32>
          %parallel_loop3A_273 = arith.index_cast %parallel_loop3A_237 : i32 to index
          %parallel_loop3A_274 = arith.constant 64 : index
          %parallel_loop3A_275 = tpu.vector_load %arg16[%parallel_loop3A_273, %parallel_loop3A_274] {strides = array<i32>} : memref<128x128xf32, #tpu.memory_space<vmem>>, vector<16xf32>,
          tpu.vector_store %arg16[%parallel_loop3A_273, %parallel_loop3A_274], %parallel_loop3A_272 {strides = array<i32>} : memref<128x128xf32, #tpu.memory_space<vmem>>, vector<16xf32>,
          %parallel_loop3A_276 = arith.index_cast %parallel_loop3A_237 : i32 to index
          %parallel_loop3A_277 = arith.constant 80 : index
          %parallel_loop3A_278 = tpu.vector_load %arg16[%parallel_loop3A_276, %parallel_loop3A_277] {strides = array<i32>} : memref<128x128xf32, #tpu.memory_space<vmem>>, vector<16xf32>,
          %parallel_loop3A_279 = arith.mulf %parallel_loop3A_278, %parallel_loop3A_240 : vector<16xf32>
          %parallel_loop3A_280 = arith.index_cast %parallel_loop3A_237 : i32 to index
          %parallel_loop3A_281 = arith.constant 80 : index
          %parallel_loop3A_282 = tpu.vector_load %arg16[%parallel_loop3A_280, %parallel_loop3A_281] {strides = array<i32>} : memref<128x128xf32, #tpu.memory_space<vmem>>, vector<16xf32>,
          tpu.vector_store %arg16[%parallel_loop3A_280, %parallel_loop3A_281], %parallel_loop3A_279 {strides = array<i32>} : memref<128x128xf32, #tpu.memory_space<vmem>>, vector<16xf32>,
          %parallel_loop3A_283 = arith.index_cast %parallel_loop3A_237 : i32 to index
          %parallel_loop3A_284 = arith.constant 96 : index
          %parallel_loop3A_285 = tpu.vector_load %arg16[%parallel_loop3A_283, %parallel_loop3A_284] {strides = array<i32>} : memref<128x128xf32, #tpu.memory_space<vmem>>, vector<16xf32>,
          %parallel_loop3A_286 = arith.mulf %parallel_loop3A_285, %parallel_loop3A_240 : vector<16xf32>
          %parallel_loop3A_287 = arith.index_cast %parallel_loop3A_237 : i32 to index
          %parallel_loop3A_288 = arith.constant 96 : index
          %parallel_loop3A_289 = tpu.vector_load %arg16[%parallel_loop3A_287, %parallel_loop3A_288] {strides = array<i32>} : memref<128x128xf32, #tpu.memory_space<vmem>>, vector<16xf32>,
          tpu.vector_store %arg16[%parallel_loop3A_287, %parallel_loop3A_288], %parallel_loop3A_286 {strides = array<i32>} : memref<128x128xf32, #tpu.memory_space<vmem>>, vector<16xf32>,
          %parallel_loop3A_290 = arith.index_cast %parallel_loop3A_237 : i32 to index
          %parallel_loop3A_291 = arith.constant 112 : index
          %parallel_loop3A_292 = tpu.vector_load %arg16[%parallel_loop3A_290, %parallel_loop3A_291] {strides = array<i32>} : memref<128x128xf32, #tpu.memory_space<vmem>>, vector<16xf32>,
          %parallel_loop3A_293 = arith.mulf %parallel_loop3A_292, %parallel_loop3A_240 : vector<16xf32>
          %parallel_loop3A_294 = arith.index_cast %parallel_loop3A_237 : i32 to index
          %parallel_loop3A_295 = arith.constant 112 : index
          %parallel_loop3A_296 = tpu.vector_load %arg16[%parallel_loop3A_294, %parallel_loop3A_295] {strides = array<i32>} : memref<128x128xf32, #tpu.memory_space<vmem>>, vector<16xf32>,
          tpu.vector_store %arg16[%parallel_loop3A_294, %parallel_loop3A_295], %parallel_loop3A_293 {strides = array<i32>} : memref<128x128xf32, #tpu.memory_space<vmem>>, vector<16xf32>,
        } {sc.loop_unroll_factor = 4 : i64, sc.parallel_access}
        %dma_start3A = arith.constant 0 : i32
        %dma_start3A_195 = tpu.memref_slice %arg13[%add3A_169, %dma_start3A] : memref<10x128xi32, #tpu.memory_space<vmem>> -> memref<1x128xi32, #tpu.memory_space<vmem>>
        %dma_start3A_196 = tpu.memref_squeeze %dma_start3A_195 : memref<1x128xi32, #tpu.memory_space<vmem>> -> memref<128xi32, #tpu.memory_space<vmem>>
        %dma_start3A_197 = arith.constant 0 : i32
        %dma_start3A_198 = arith.constant 0 : i32
        %dma_start3A_199 = tpu.memref_slice %arg18[%dma_start3A_197, %dma_start3A_198] : memref<10240x128xf32, #tpu.memory_space<vmem_shared>> -> memref<10240x128xf32, #tpu.memory_space<vmem_shared>>
        tpu.enqueue_indirect_dma source(%arg16 : memref<128x128xf32, #tpu.memory_space<vmem>>) target(%dma_start3A_199 : memref<10240x128xf32, #tpu.memory_space<vmem_shared>>) offsets(%dma_start3A_196 : memref<128xi32, #tpu.memory_space<vmem>>) semaphore(%arg21 : memref<!tpu.dma_semaphore, #tpu.memory_space<semaphore_mem>>) {add = true}
        %add3A_200 = arith.constant 1 : i32
        %add3A_201 = arith.addi %add3A_167, %add3A_200 : i32
        %mul3A_202 = arith.constant 128 : i32
        %mul3A_203 = arith.muli %add3A_201, %mul3A_202 : i32
        %dma_wait3A_204 = arith.constant 0 : i32
        %dma_wait3A_205 = arith.constant 0 : i32
        %dma_wait3A_206 = tpu.memref_slice %arg13[%dma_wait3A_204, %dma_wait3A_205] : memref<10x128xi32, #tpu.memory_space<vmem>> -> memref<1x128xi32, #tpu.memory_space<vmem>>
        %dma_wait3A_207 = tpu.memref_squeeze %dma_wait3A_206 : memref<1x128xi32, #tpu.memory_space<vmem>> -> memref<128xi32, #tpu.memory_space<vmem>>
        %dma_wait3A_208 = arith.constant 0 : i32
        %dma_wait3A_209 = arith.constant 0 : i32
        %dma_wait3A_210 = tpu.memref_slice %arg18[%dma_wait3A_208, %dma_wait3A_209] : memref<10240x128xf32, #tpu.memory_space<vmem_shared>> -> memref<10240x128xf32, #tpu.memory_space<vmem_shared>>
        tpu.wait_indirect_dma semaphore(%arg21 : memref<!tpu.dma_semaphore, #tpu.memory_space<semaphore_mem>>) src(%arg16 : memref<128x128xf32, #tpu.memory_space<vmem>>) dst(%dma_wait3A_210 : memref<10240x128xf32, #tpu.memory_space<vmem_shared>>)
        %add3A_211 = arith.constant 1 : i32
        %add3A_212 = arith.addi %add3A_201, %add3A_211 : i32
        %lt3A_213 = arith.constant 10 : i32
        %lt3A_214 = arith.cmpi slt, %add3A_212, %lt3A_213 : i32
        %convert_element_type3A_215 = arith.extui %lt3A_214 : i1 to i32
        %cond3A_216 = arith.constant 0 : i32
        %cond3A_217 = arith.cmpi ne, %convert_element_type3A_215, %cond3A_216 : i32
        scf.if %cond3A_217 {
          %add3A_237 = arith.constant 128 : i32
          %add3A_238 = arith.addi %mul3A_203, %add3A_237 : i32
          %add3A_239 = arith.constant 0 : i32
          %add3A_240 = arith.addi %add3A_238, %add3A_239 : i32
          %get3A_241 = arith.index_cast %add3A_240 : i32 to index
          %get3A_242 = tpu.vector_load %arg11[%get3A_241] {strides = array<i32>} : memref<1280xi32, #tpu.memory_space<vmem>>, vector<16xi32>,
          %add3A_243 = arith.constant 0 : i32
          %add3A_244 = arith.addi %add3A_238, %add3A_243 : i32
          %get3A_245 = arith.index_cast %add3A_244 : i32 to index
          %get3A_246 = tpu.vector_load %arg10[%get3A_245] {strides = array<i32>} : memref<1280xi32, #tpu.memory_space<vmem>>, vector<16xi32>,
          %add3A_247 = arith.constant 0 : i32
          %add3A_248 = vector.broadcast %add3A_247 : i32 to vector<16xi32>
          %add3A_249 = arith.addi %add3A_248, %get3A_242 : vector<16xi32>
          %mul3A_250 = arith.constant 10240 : i32
          %mul3A_251 = vector.broadcast %mul3A_250 : i32 to vector<16xi32>
          %mul3A_252 = arith.muli %add3A_249, %mul3A_251 : vector<16xi32>
          %add3A_253 = arith.addi %mul3A_252, %get3A_246 : vector<16xi32>
          %swap3A_254 = arith.constant 0 : index
          %swap3A_255 = tpu.vector_load %arg14[%swap3A_254] {strides = array<i32>} : memref<128xi32, #tpu.memory_space<vmem>>, vector<16xi32>,
          tpu.vector_store %arg14[%swap3A_254], %add3A_253 {strides = array<i32>} : memref<128xi32, #tpu.memory_space<vmem>>, vector<16xi32>,
          %add3A_256 = arith.constant 16 : i32
          %add3A_257 = arith.addi %add3A_238, %add3A_256 : i32
          %get3A_258 = arith.index_cast %add3A_257 : i32 to index
          %get3A_259 = tpu.vector_load %arg11[%get3A_258] {strides = array<i32>} : memref<1280xi32, #tpu.memory_space<vmem>>, vector<16xi32>,
          %add3A_260 = arith.constant 16 : i32
          %add3A_261 = arith.addi %add3A_238, %add3A_260 : i32
          %get3A_262 = arith.index_cast %add3A_261 : i32 to index
          %get3A_263 = tpu.vector_load %arg10[%get3A_262] {strides = array<i32>} : memref<1280xi32, #tpu.memory_space<vmem>>, vector<16xi32>,
          %add3A_264 = arith.constant 0 : i32
          %add3A_265 = vector.broadcast %add3A_264 : i32 to vector<16xi32>
          %add3A_266 = arith.addi %add3A_265, %get3A_259 : vector<16xi32>
          %mul3A_267 = arith.constant 10240 : i32
          %mul3A_268 = vector.broadcast %mul3A_267 : i32 to vector<16xi32>
          %mul3A_269 = arith.muli %add3A_266, %mul3A_268 : vector<16xi32>
          %add3A_270 = arith.addi %mul3A_269, %get3A_263 : vector<16xi32>
          %swap3A_271 = arith.constant 16 : index
          %swap3A_272 = tpu.vector_load %arg14[%swap3A_271] {strides = array<i32>} : memref<128xi32, #tpu.memory_space<vmem>>, vector<16xi32>,
          tpu.vector_store %arg14[%swap3A_271], %add3A_270 {strides = array<i32>} : memref<128xi32, #tpu.memory_space<vmem>>, vector<16xi32>,
          %add3A_273 = arith.constant 32 : i32
          %add3A_274 = arith.addi %add3A_238, %add3A_273 : i32
          %get3A_275 = arith.index_cast %add3A_274 : i32 to index
          %get3A_276 = tpu.vector_load %arg11[%get3A_275] {strides = array<i32>} : memref<1280xi32, #tpu.memory_space<vmem>>, vector<16xi32>,
          %add3A_277 = arith.constant 32 : i32
          %add3A_278 = arith.addi %add3A_238, %add3A_277 : i32
          %get3A_279 = arith.index_cast %add3A_278 : i32 to index
          %get3A_280 = tpu.vector_load %arg10[%get3A_279] {strides = array<i32>} : memref<1280xi32, #tpu.memory_space<vmem>>, vector<16xi32>,
          %add3A_281 = arith.constant 0 : i32
          %add3A_282 = vector.broadcast %add3A_281 : i32 to vector<16xi32>
          %add3A_283 = arith.addi %add3A_282, %get3A_276 : vector<16xi32>
          %mul3A_284 = arith.constant 10240 : i32
          %mul3A_285 = vector.broadcast %mul3A_284 : i32 to vector<16xi32>
          %mul3A_286 = arith.muli %add3A_283, %mul3A_285 : vector<16xi32>
          %add3A_287 = arith.addi %mul3A_286, %get3A_280 : vector<16xi32>
          %swap3A_288 = arith.constant 32 : index
          %swap3A_289 = tpu.vector_load %arg14[%swap3A_288] {strides = array<i32>} : memref<128xi32, #tpu.memory_space<vmem>>, vector<16xi32>,
          tpu.vector_store %arg14[%swap3A_288], %add3A_287 {strides = array<i32>} : memref<128xi32, #tpu.memory_space<vmem>>, vector<16xi32>,
          %add3A_290 = arith.constant 48 : i32
          %add3A_291 = arith.addi %add3A_238, %add3A_290 : i32
          %get3A_292 = arith.index_cast %add3A_291 : i32 to index
          %get3A_293 = tpu.vector_load %arg11[%get3A_292] {strides = array<i32>} : memref<1280xi32, #tpu.memory_space<vmem>>, vector<16xi32>,
          %add3A_294 = arith.constant 48 : i32
          %add3A_295 = arith.addi %add3A_238, %add3A_294 : i32
          %get3A_296 = arith.index_cast %add3A_295 : i32 to index
          %get3A_297 = tpu.vector_load %arg10[%get3A_296] {strides = array<i32>} : memref<1280xi32, #tpu.memory_space<vmem>>, vector<16xi32>,
          %add3A_298 = arith.constant 0 : i32
          %add3A_299 = vector.broadcast %add3A_298 : i32 to vector<16xi32>
          %add3A_300 = arith.addi %add3A_299, %get3A_293 : vector<16xi32>
          %mul3A_301 = arith.constant 10240 : i32
          %mul3A_302 = vector.broadcast %mul3A_301 : i32 to vector<16xi32>
          %mul3A_303 = arith.muli %add3A_300, %mul3A_302 : vector<16xi32>
          %add3A_304 = arith.addi %mul3A_303, %get3A_297 : vector<16xi32>
          %swap3A_305 = arith.constant 48 : index
          %swap3A_306 = tpu.vector_load %arg14[%swap3A_305] {strides = array<i32>} : memref<128xi32, #tpu.memory_space<vmem>>, vector<16xi32>,
          tpu.vector_store %arg14[%swap3A_305], %add3A_304 {strides = array<i32>} : memref<128xi32, #tpu.memory_space<vmem>>, vector<16xi32>,
          %add3A_307 = arith.constant 64 : i32
          %add3A_308 = arith.addi %add3A_238, %add3A_307 : i32
          %get3A_309 = arith.index_cast %add3A_308 : i32 to index
          %get3A_310 = tpu.vector_load %arg11[%get3A_309] {strides = array<i32>} : memref<1280xi32, #tpu.memory_space<vmem>>, vector<16xi32>,
          %add3A_311 = arith.constant 64 : i32
          %add3A_312 = arith.addi %add3A_238, %add3A_311 : i32
          %get3A_313 = arith.index_cast %add3A_312 : i32 to index
          %get3A_314 = tpu.vector_load %arg10[%get3A_313] {strides = array<i32>} : memref<1280xi32, #tpu.memory_space<vmem>>, vector<16xi32>,
          %add3A_315 = arith.constant 0 : i32
          %add3A_316 = vector.broadcast %add3A_315 : i32 to vector<16xi32>
          %add3A_317 = arith.addi %add3A_316, %get3A_310 : vector<16xi32>
          %mul3A_318 = arith.constant 10240 : i32
          %mul3A_319 = vector.broadcast %mul3A_318 : i32 to vector<16xi32>
          %mul3A_320 = arith.muli %add3A_317, %mul3A_319 : vector<16xi32>
          %add3A_321 = arith.addi %mul3A_320, %get3A_314 : vector<16xi32>
          %swap3A_322 = arith.constant 64 : index
          %swap3A_323 = tpu.vector_load %arg14[%swap3A_322] {strides = array<i32>} : memref<128xi32, #tpu.memory_space<vmem>>, vector<16xi32>,
          tpu.vector_store %arg14[%swap3A_322], %add3A_321 {strides = array<i32>} : memref<128xi32, #tpu.memory_space<vmem>>, vector<16xi32>,
          %add3A_324 = arith.constant 80 : i32
          %add3A_325 = arith.addi %add3A_238, %add3A_324 : i32
          %get3A_326 = arith.index_cast %add3A_325 : i32 to index
          %get3A_327 = tpu.vector_load %arg11[%get3A_326] {strides = array<i32>} : memref<1280xi32, #tpu.memory_space<vmem>>, vector<16xi32>,
          %add3A_328 = arith.constant 80 : i32
          %add3A_329 = arith.addi %add3A_238, %add3A_328 : i32
          %get3A_330 = arith.index_cast %add3A_329 : i32 to index
          %get3A_331 = tpu.vector_load %arg10[%get3A_330] {strides = array<i32>} : memref<1280xi32, #tpu.memory_space<vmem>>, vector<16xi32>,
          %add3A_332 = arith.constant 0 : i32
          %add3A_333 = vector.broadcast %add3A_332 : i32 to vector<16xi32>
          %add3A_334 = arith.addi %add3A_333, %get3A_327 : vector<16xi32>
          %mul3A_335 = arith.constant 10240 : i32
          %mul3A_336 = vector.broadcast %mul3A_335 : i32 to vector<16xi32>
          %mul3A_337 = arith.muli %add3A_334, %mul3A_336 : vector<16xi32>
          %add3A_338 = arith.addi %mul3A_337, %get3A_331 : vector<16xi32>
          %swap3A_339 = arith.constant 80 : index
          %swap3A_340 = tpu.vector_load %arg14[%swap3A_339] {strides = array<i32>} : memref<128xi32, #tpu.memory_space<vmem>>, vector<16xi32>,
          tpu.vector_store %arg14[%swap3A_339], %add3A_338 {strides = array<i32>} : memref<128xi32, #tpu.memory_space<vmem>>, vector<16xi32>,
          %add3A_341 = arith.constant 96 : i32
          %add3A_342 = arith.addi %add3A_238, %add3A_341 : i32
          %get3A_343 = arith.index_cast %add3A_342 : i32 to index
          %get3A_344 = tpu.vector_load %arg11[%get3A_343] {strides = array<i32>} : memref<1280xi32, #tpu.memory_space<vmem>>, vector<16xi32>,
          %add3A_345 = arith.constant 96 : i32
          %add3A_346 = arith.addi %add3A_238, %add3A_345 : i32
          %get3A_347 = arith.index_cast %add3A_346 : i32 to index
          %get3A_348 = tpu.vector_load %arg10[%get3A_347] {strides = array<i32>} : memref<1280xi32, #tpu.memory_space<vmem>>, vector<16xi32>,
          %add3A_349 = arith.constant 0 : i32
          %add3A_350 = vector.broadcast %add3A_349 : i32 to vector<16xi32>
          %add3A_351 = arith.addi %add3A_350, %get3A_344 : vector<16xi32>
          %mul3A_352 = arith.constant 10240 : i32
          %mul3A_353 = vector.broadcast %mul3A_352 : i32 to vector<16xi32>
          %mul3A_354 = arith.muli %add3A_351, %mul3A_353 : vector<16xi32>
          %add3A_355 = arith.addi %mul3A_354, %get3A_348 : vector<16xi32>
          %swap3A_356 = arith.constant 96 : index
          %swap3A_357 = tpu.vector_load %arg14[%swap3A_356] {strides = array<i32>} : memref<128xi32, #tpu.memory_space<vmem>>, vector<16xi32>,
          tpu.vector_store %arg14[%swap3A_356], %add3A_355 {strides = array<i32>} : memref<128xi32, #tpu.memory_space<vmem>>, vector<16xi32>,
          %add3A_358 = arith.constant 112 : i32
          %add3A_359 = arith.addi %add3A_238, %add3A_358 : i32
          %get3A_360 = arith.index_cast %add3A_359 : i32 to index
          %get3A_361 = tpu.vector_load %arg11[%get3A_360] {strides = array<i32>} : memref<1280xi32, #tpu.memory_space<vmem>>, vector<16xi32>,
          %add3A_362 = arith.constant 112 : i32
          %add3A_363 = arith.addi %add3A_238, %add3A_362 : i32
          %get3A_364 = arith.index_cast %add3A_363 : i32 to index
          %get3A_365 = tpu.vector_load %arg10[%get3A_364] {strides = array<i32>} : memref<1280xi32, #tpu.memory_space<vmem>>, vector<16xi32>,
          %add3A_366 = arith.constant 0 : i32
          %add3A_367 = vector.broadcast %add3A_366 : i32 to vector<16xi32>
          %add3A_368 = arith.addi %add3A_367, %get3A_361 : vector<16xi32>
          %mul3A_369 = arith.constant 10240 : i32
          %mul3A_370 = vector.broadcast %mul3A_369 : i32 to vector<16xi32>
          %mul3A_371 = arith.muli %add3A_368, %mul3A_370 : vector<16xi32>
          %add3A_372 = arith.addi %mul3A_371, %get3A_365 : vector<16xi32>
          %swap3A_373 = arith.constant 112 : index
          %swap3A_374 = tpu.vector_load %arg14[%swap3A_373] {strides = array<i32>} : memref<128xi32, #tpu.memory_space<vmem>>, vector<16xi32>,
          tpu.vector_store %arg14[%swap3A_373], %add3A_372 {strides = array<i32>} : memref<128xi32, #tpu.memory_space<vmem>>, vector<16xi32>,
          %eq3A_375 = arith.constant 0 : i32
          %eq3A_376 = arith.cmpi eq, %arg0, %eq3A_375 : i32
          %convert_element_type3A_377 = arith.extui %eq3A_376 : i1 to i32
          %cond3A_378 = arith.constant 0 : i32
          %cond3A_379 = arith.cmpi ne, %convert_element_type3A_377, %cond3A_378 : i32
          scf.if %cond3A_379 {
            %dma_start3A_385 = arith.constant 0 : i32
            %dma_start3A_386 = arith.constant 0 : i32
            %dma_start3A_387 = tpu.memref_slice %arg2[%dma_start3A_385, %dma_start3A_386] : memref<348160x128xf32, #tpu.memory_space<hbm>> -> memref<348160x128xf32, #tpu.memory_space<hbm>>
            tpu.enqueue_indirect_dma source(%dma_start3A_387 : memref<348160x128xf32, #tpu.memory_space<hbm>>) target(%arg16 : memref<128x128xf32, #tpu.memory_space<vmem>>) offsets(%arg14 : memref<128xi32, #tpu.memory_space<vmem>>) semaphore(%arg19 : memref<!tpu.dma_semaphore, #tpu.memory_space<semaphore_mem>>)
          } else {
          }
          %eq3A_380 = arith.constant 1 : i32
          %eq3A_381 = arith.cmpi eq, %arg0, %eq3A_380 : i32
          %convert_element_type3A_382 = arith.extui %eq3A_381 : i1 to i32
          %cond3A_383 = arith.constant 0 : i32
          %cond3A_384 = arith.cmpi ne, %convert_element_type3A_382, %cond3A_383 : i32
          scf.if %cond3A_384 {
            %dma_start3A_385 = arith.constant 0 : i32
            %dma_start3A_386 = arith.constant 0 : i32
            %dma_start3A_387 = tpu.memref_slice %arg3[%dma_start3A_385, %dma_start3A_386] : memref<348160x128xf32, #tpu.memory_space<hbm>> -> memref<348160x128xf32, #tpu.memory_space<hbm>>
            tpu.enqueue_indirect_dma source(%dma_start3A_387 : memref<348160x128xf32, #tpu.memory_space<hbm>>) target(%arg16 : memref<128x128xf32, #tpu.memory_space<vmem>>) offsets(%arg14 : memref<128xi32, #tpu.memory_space<vmem>>) semaphore(%arg19 : memref<!tpu.dma_semaphore, #tpu.memory_space<semaphore_mem>>)
          } else {
          }
        } else {
        }
        %eq3A_218 = arith.constant 0 : i32
        %eq3A_219 = arith.cmpi eq, %arg0, %eq3A_218 : i32
        %convert_element_type3A_220 = arith.extui %eq3A_219 : i1 to i32
        %cond3A_221 = arith.constant 0 : i32
        %cond3A_222 = arith.cmpi ne, %convert_element_type3A_220, %cond3A_221 : i32
        scf.if %cond3A_222 {
          %dma_wait3A_237 = arith.constant 0 : i32
          %dma_wait3A_238 = arith.constant 0 : i32
          %dma_wait3A_239 = tpu.memref_slice %arg2[%dma_wait3A_237, %dma_wait3A_238] : memref<348160x128xf32, #tpu.memory_space<hbm>> -> memref<348160x128xf32, #tpu.memory_space<hbm>>
          tpu.wait_indirect_dma semaphore(%arg20 : memref<!tpu.dma_semaphore, #tpu.memory_space<semaphore_mem>>) src(%dma_wait3A_239 : memref<348160x128xf32, #tpu.memory_space<hbm>>) dst(%arg17 : memref<128x128xf32, #tpu.memory_space<vmem>>)
        } else {
        }
        %eq3A_223 = arith.constant 1 : i32
        %eq3A_224 = arith.cmpi eq, %arg0, %eq3A_223 : i32
        %convert_element_type3A_225 = arith.extui %eq3A_224 : i1 to i32
        %cond3A_226 = arith.constant 0 : i32
        %cond3A_227 = arith.cmpi ne, %convert_element_type3A_225, %cond3A_226 : i32
        scf.if %cond3A_227 {
          %dma_wait3A_237 = arith.constant 0 : i32
          %dma_wait3A_238 = arith.constant 0 : i32
          %dma_wait3A_239 = tpu.memref_slice %arg3[%dma_wait3A_237, %dma_wait3A_238] : memref<348160x128xf32, #tpu.memory_space<hbm>> -> memref<348160x128xf32, #tpu.memory_space<hbm>>
          tpu.wait_indirect_dma semaphore(%arg20 : memref<!tpu.dma_semaphore, #tpu.memory_space<semaphore_mem>>) src(%dma_wait3A_239 : memref<348160x128xf32, #tpu.memory_space<hbm>>) dst(%arg17 : memref<128x128xf32, #tpu.memory_space<vmem>>)
        } else {
        }
        %parallel_loop3A_228 = arith.constant 0 : i32
        %parallel_loop3A_229 = arith.constant 128 : i32
        %parallel_loop3A_230 = arith.constant 1 : i32
        scf.for %parallel_loop3A_237 = %parallel_loop3A_228 to %parallel_loop3A_229 step %parallel_loop3A_230  : i32 {
          %parallel_loop3A_238 = arith.addi %mul3A_203, %parallel_loop3A_237 : i32
          %parallel_loop3A_239 = vector.broadcast %parallel_loop3A_238 : i32 to vector<16xi32>
          %parallel_loop3A_240 = tpu.vector_load_idx %arg12[%parallel_loop3A_239] : memref<1280xf32, #tpu.memory_space<vmem>>[vector<16xi32>], vector<16xf32>,
          %parallel_loop3A_241 = arith.index_cast %parallel_loop3A_237 : i32 to index
          %parallel_loop3A_242 = arith.constant 0 : index
          %parallel_loop3A_243 = tpu.vector_load %arg17[%parallel_loop3A_241, %parallel_loop3A_242] {strides = array<i32>} : memref<128x128xf32, #tpu.memory_space<vmem>>, vector<16xf32>,
          %parallel_loop3A_244 = arith.mulf %parallel_loop3A_243, %parallel_loop3A_240 : vector<16xf32>
          %parallel_loop3A_245 = arith.index_cast %parallel_loop3A_237 : i32 to index
          %parallel_loop3A_246 = arith.constant 0 : index
          %parallel_loop3A_247 = tpu.vector_load %arg17[%parallel_loop3A_245, %parallel_loop3A_246] {strides = array<i32>} : memref<128x128xf32, #tpu.memory_space<vmem>>, vector<16xf32>,
          tpu.vector_store %arg17[%parallel_loop3A_245, %parallel_loop3A_246], %parallel_loop3A_244 {strides = array<i32>} : memref<128x128xf32, #tpu.memory_space<vmem>>, vector<16xf32>,
          %parallel_loop3A_248 = arith.index_cast %parallel_loop3A_237 : i32 to index
          %parallel_loop3A_249 = arith.constant 16 : index
          %parallel_loop3A_250 = tpu.vector_load %arg17[%parallel_loop3A_248, %parallel_loop3A_249] {strides = array<i32>} : memref<128x128xf32, #tpu.memory_space<vmem>>, vector<16xf32>,
          %parallel_loop3A_251 = arith.mulf %parallel_loop3A_250, %parallel_loop3A_240 : vector<16xf32>
          %parallel_loop3A_252 = arith.index_cast %parallel_loop3A_237 : i32 to index
          %parallel_loop3A_253 = arith.constant 16 : index
          %parallel_loop3A_254 = tpu.vector_load %arg17[%parallel_loop3A_252, %parallel_loop3A_253] {strides = array<i32>} : memref<128x128xf32, #tpu.memory_space<vmem>>, vector<16xf32>,
          tpu.vector_store %arg17[%parallel_loop3A_252, %parallel_loop3A_253], %parallel_loop3A_251 {strides = array<i32>} : memref<128x128xf32, #tpu.memory_space<vmem>>, vector<16xf32>,
          %parallel_loop3A_255 = arith.index_cast %parallel_loop3A_237 : i32 to index
          %parallel_loop3A_256 = arith.constant 32 : index
          %parallel_loop3A_257 = tpu.vector_load %arg17[%parallel_loop3A_255, %parallel_loop3A_256] {strides = array<i32>} : memref<128x128xf32, #tpu.memory_space<vmem>>, vector<16xf32>,
          %parallel_loop3A_258 = arith.mulf %parallel_loop3A_257, %parallel_loop3A_240 : vector<16xf32>
          %parallel_loop3A_259 = arith.index_cast %parallel_loop3A_237 : i32 to index
          %parallel_loop3A_260 = arith.constant 32 : index
          %parallel_loop3A_261 = tpu.vector_load %arg17[%parallel_loop3A_259, %parallel_loop3A_260] {strides = array<i32>} : memref<128x128xf32, #tpu.memory_space<vmem>>, vector<16xf32>,
          tpu.vector_store %arg17[%parallel_loop3A_259, %parallel_loop3A_260], %parallel_loop3A_258 {strides = array<i32>} : memref<128x128xf32, #tpu.memory_space<vmem>>, vector<16xf32>,
          %parallel_loop3A_262 = arith.index_cast %parallel_loop3A_237 : i32 to index
          %parallel_loop3A_263 = arith.constant 48 : index
          %parallel_loop3A_264 = tpu.vector_load %arg17[%parallel_loop3A_262, %parallel_loop3A_263] {strides = array<i32>} : memref<128x128xf32, #tpu.memory_space<vmem>>, vector<16xf32>,
          %parallel_loop3A_265 = arith.mulf %parallel_loop3A_264, %parallel_loop3A_240 : vector<16xf32>
          %parallel_loop3A_266 = arith.index_cast %parallel_loop3A_237 : i32 to index
          %parallel_loop3A_267 = arith.constant 48 : index
          %parallel_loop3A_268 = tpu.vector_load %arg17[%parallel_loop3A_266, %parallel_loop3A_267] {strides = array<i32>} : memref<128x128xf32, #tpu.memory_space<vmem>>, vector<16xf32>,
          tpu.vector_store %arg17[%parallel_loop3A_266, %parallel_loop3A_267], %parallel_loop3A_265 {strides = array<i32>} : memref<128x128xf32, #tpu.memory_space<vmem>>, vector<16xf32>,
          %parallel_loop3A_269 = arith.index_cast %parallel_loop3A_237 : i32 to index
          %parallel_loop3A_270 = arith.constant 64 : index
          %parallel_loop3A_271 = tpu.vector_load %arg17[%parallel_loop3A_269, %parallel_loop3A_270] {strides = array<i32>} : memref<128x128xf32, #tpu.memory_space<vmem>>, vector<16xf32>,
          %parallel_loop3A_272 = arith.mulf %parallel_loop3A_271, %parallel_loop3A_240 : vector<16xf32>
          %parallel_loop3A_273 = arith.index_cast %parallel_loop3A_237 : i32 to index
          %parallel_loop3A_274 = arith.constant 64 : index
          %parallel_loop3A_275 = tpu.vector_load %arg17[%parallel_loop3A_273, %parallel_loop3A_274] {strides = array<i32>} : memref<128x128xf32, #tpu.memory_space<vmem>>, vector<16xf32>,
          tpu.vector_store %arg17[%parallel_loop3A_273, %parallel_loop3A_274], %parallel_loop3A_272 {strides = array<i32>} : memref<128x128xf32, #tpu.memory_space<vmem>>, vector<16xf32>,
          %parallel_loop3A_276 = arith.index_cast %parallel_loop3A_237 : i32 to index
          %parallel_loop3A_277 = arith.constant 80 : index
          %parallel_loop3A_278 = tpu.vector_load %arg17[%parallel_loop3A_276, %parallel_loop3A_277] {strides = array<i32>} : memref<128x128xf32, #tpu.memory_space<vmem>>, vector<16xf32>,
          %parallel_loop3A_279 = arith.mulf %parallel_loop3A_278, %parallel_loop3A_240 : vector<16xf32>
          %parallel_loop3A_280 = arith.index_cast %parallel_loop3A_237 : i32 to index
          %parallel_loop3A_281 = arith.constant 80 : index
          %parallel_loop3A_282 = tpu.vector_load %arg17[%parallel_loop3A_280, %parallel_loop3A_281] {strides = array<i32>} : memref<128x128xf32, #tpu.memory_space<vmem>>, vector<16xf32>,
          tpu.vector_store %arg17[%parallel_loop3A_280, %parallel_loop3A_281], %parallel_loop3A_279 {strides = array<i32>} : memref<128x128xf32, #tpu.memory_space<vmem>>, vector<16xf32>,
          %parallel_loop3A_283 = arith.index_cast %parallel_loop3A_237 : i32 to index
          %parallel_loop3A_284 = arith.constant 96 : index
          %parallel_loop3A_285 = tpu.vector_load %arg17[%parallel_loop3A_283, %parallel_loop3A_284] {strides = array<i32>} : memref<128x128xf32, #tpu.memory_space<vmem>>, vector<16xf32>,
          %parallel_loop3A_286 = arith.mulf %parallel_loop3A_285, %parallel_loop3A_240 : vector<16xf32>
          %parallel_loop3A_287 = arith.index_cast %parallel_loop3A_237 : i32 to index
          %parallel_loop3A_288 = arith.constant 96 : index
          %parallel_loop3A_289 = tpu.vector_load %arg17[%parallel_loop3A_287, %parallel_loop3A_288] {strides = array<i32>} : memref<128x128xf32, #tpu.memory_space<vmem>>, vector<16xf32>,
          tpu.vector_store %arg17[%parallel_loop3A_287, %parallel_loop3A_288], %parallel_loop3A_286 {strides = array<i32>} : memref<128x128xf32, #tpu.memory_space<vmem>>, vector<16xf32>,
          %parallel_loop3A_290 = arith.index_cast %parallel_loop3A_237 : i32 to index
          %parallel_loop3A_291 = arith.constant 112 : index
          %parallel_loop3A_292 = tpu.vector_load %arg17[%parallel_loop3A_290, %parallel_loop3A_291] {strides = array<i32>} : memref<128x128xf32, #tpu.memory_space<vmem>>, vector<16xf32>,
          %parallel_loop3A_293 = arith.mulf %parallel_loop3A_292, %parallel_loop3A_240 : vector<16xf32>
          %parallel_loop3A_294 = arith.index_cast %parallel_loop3A_237 : i32 to index
          %parallel_loop3A_295 = arith.constant 112 : index
          %parallel_loop3A_296 = tpu.vector_load %arg17[%parallel_loop3A_294, %parallel_loop3A_295] {strides = array<i32>} : memref<128x128xf32, #tpu.memory_space<vmem>>, vector<16xf32>,
          tpu.vector_store %arg17[%parallel_loop3A_294, %parallel_loop3A_295], %parallel_loop3A_293 {strides = array<i32>} : memref<128x128xf32, #tpu.memory_space<vmem>>, vector<16xf32>,
        } {sc.loop_unroll_factor = 4 : i64, sc.parallel_access}
        %dma_start3A_231 = arith.constant 0 : i32
        %dma_start3A_232 = tpu.memref_slice %arg13[%add3A_201, %dma_start3A_231] : memref<10x128xi32, #tpu.memory_space<vmem>> -> memref<1x128xi32, #tpu.memory_space<vmem>>
        %dma_start3A_233 = tpu.memref_squeeze %dma_start3A_232 : memref<1x128xi32, #tpu.memory_space<vmem>> -> memref<128xi32, #tpu.memory_space<vmem>>
        %dma_start3A_234 = arith.constant 0 : i32
        %dma_start3A_235 = arith.constant 0 : i32
        %dma_start3A_236 = tpu.memref_slice %arg18[%dma_start3A_234, %dma_start3A_235] : memref<10240x128xf32, #tpu.memory_space<vmem_shared>> -> memref<10240x128xf32, #tpu.memory_space<vmem_shared>>
        tpu.enqueue_indirect_dma source(%arg17 : memref<128x128xf32, #tpu.memory_space<vmem>>) target(%dma_start3A_236 : memref<10240x128xf32, #tpu.memory_space<vmem_shared>>) offsets(%dma_start3A_233 : memref<128xi32, #tpu.memory_space<vmem>>) semaphore(%arg22 : memref<!tpu.dma_semaphore, #tpu.memory_space<semaphore_mem>>) {add = true}
      }
      %scan3A_162 = arith.constant 5 : i32
    }
    %scan3A_7 = arith.constant 8 : i32
    %dma_wait3A = arith.constant 0 : i32
    %dma_wait3A_8 = arith.constant 0 : i32
    %dma_wait3A_9 = tpu.memref_slice %arg13[%dma_wait3A, %dma_wait3A_8] : memref<10x128xi32, #tpu.memory_space<vmem>> -> memref<1x128xi32, #tpu.memory_space<vmem>>
    %dma_wait3A_10 = tpu.memref_squeeze %dma_wait3A_9 : memref<1x128xi32, #tpu.memory_space<vmem>> -> memref<128xi32, #tpu.memory_space<vmem>>
    %dma_wait3A_11 = arith.constant 0 : i32
    %dma_wait3A_12 = arith.constant 0 : i32
    %dma_wait3A_13 = tpu.memref_slice %arg18[%dma_wait3A_11, %dma_wait3A_12] : memref<10240x128xf32, #tpu.memory_space<vmem_shared>> -> memref<10240x128xf32, #tpu.memory_space<vmem_shared>>
    tpu.wait_indirect_dma semaphore(%arg22 : memref<!tpu.dma_semaphore, #tpu.memory_space<semaphore_mem>>) src(%arg17 : memref<128x128xf32, #tpu.memory_space<vmem>>) dst(%dma_wait3A_13 : memref<10240x128xf32, #tpu.memory_space<vmem_shared>>)
    %barrier3A_14 = arith.constant 0 : index
    tpu.barrier barrier_id(%barrier3A_14)
    %mul3A_15 = arith.constant 640 : i32
    %mul3A_16 = arith.muli %arg1, %mul3A_15 : i32
    %mul3A_17 = arith.constant 640 : i32
    %mul3A_18 = arith.muli %arg1, %mul3A_17 : i32
    %run_scoped3A = arith.constant 0 : i32
    "tpu.region"() ({
      %run_scoped3A_45 = tpu.sem_alloc : memref<!tpu.dma_semaphore, #tpu.memory_space<semaphore_mem>>
      %dma_start3A = arith.constant 0 : i32
      %dma_start3A_46 = tpu.memref_slice %arg9[%run_scoped3A, %arg0, %mul3A_18, %dma_start3A] : memref<2x2x10240x128xf32, #tpu.memory_space<hbm>> -> memref<1x1x640x128xf32, #tpu.memory_space<hbm>>
      %dma_start3A_47 = tpu.memref_squeeze %dma_start3A_46 : memref<1x1x640x128xf32, #tpu.memory_space<hbm>> -> memref<640x128xf32, #tpu.memory_space<hbm>>
      %dma_start3A_48 = arith.constant 0 : i32
      %dma_start3A_49 = tpu.memref_slice %arg18[%mul3A_16, %dma_start3A_48] : memref<10240x128xf32, #tpu.memory_space<vmem_shared>> -> memref<640x128xf32, #tpu.memory_space<vmem_shared>>
      tpu.enqueue_dma source(%dma_start3A_49 : memref<640x128xf32, #tpu.memory_space<vmem_shared>>) target(%dma_start3A_47 : memref<640x128xf32, #tpu.memory_space<hbm>>) target_semaphore(%run_scoped3A_45 : memref<!tpu.dma_semaphore, #tpu.memory_space<semaphore_mem>>)
      %dma_wait3A_50 = arith.constant 0 : i32
      %dma_wait3A_51 = tpu.memref_slice %arg9[%run_scoped3A, %arg0, %mul3A_18, %dma_wait3A_50] : memref<2x2x10240x128xf32, #tpu.memory_space<hbm>> -> memref<1x1x640x128xf32, #tpu.memory_space<hbm>>
      %dma_wait3A_52 = tpu.memref_squeeze %dma_wait3A_51 : memref<1x1x640x128xf32, #tpu.memory_space<hbm>> -> memref<640x128xf32, #tpu.memory_space<hbm>>
      %dma_wait3A_53 = arith.constant 0 : i32
      %dma_wait3A_54 = tpu.memref_slice %arg18[%mul3A_16, %dma_wait3A_53] : memref<10240x128xf32, #tpu.memory_space<vmem_shared>> -> memref<640x128xf32, #tpu.memory_space<vmem_shared>>
      tpu.wait_dma2 semaphore(%run_scoped3A_45 : memref<!tpu.dma_semaphore, #tpu.memory_space<semaphore_mem>>) src(%dma_wait3A_54 : memref<640x128xf32, #tpu.memory_space<vmem_shared>>) dst(%dma_wait3A_52 : memref<640x128xf32, #tpu.memory_space<hbm>>)
      tpu.yield
    }) : () -> ()
    %barrier3A_19 = arith.constant 0 : index
    tpu.barrier barrier_id(%barrier3A_19)
    %mul3A_20 = arith.constant 640 : i32
    %mul3A_21 = arith.muli %arg1, %mul3A_20 : i32
    %mul3A_22 = arith.constant 640 : i32
    %mul3A_23 = arith.muli %arg1, %mul3A_22 : i32
    "tpu.region"() ({
      %run_scoped3A_45 = tpu.sem_alloc : memref<!tpu.dma_semaphore, #tpu.memory_space<semaphore_mem>>
      %dma_start3A = arith.constant 0 : i32
      %dma_start3A_46 = tpu.memref_slice %arg18[%mul3A_23, %dma_start3A] : memref<10240x128xf32, #tpu.memory_space<vmem_shared>> -> memref<640x128xf32, #tpu.memory_space<vmem_shared>>
      %dma_start3A_47 = arith.constant 0 : i32
      %dma_start3A_48 = tpu.memref_slice %arg8[%mul3A_21, %dma_start3A_47] : memref<10240x128xf32, #tpu.memory_space<hbm>> -> memref<640x128xf32, #tpu.memory_space<hbm>>
      tpu.enqueue_dma source(%dma_start3A_48 : memref<640x128xf32, #tpu.memory_space<hbm>>) target(%dma_start3A_46 : memref<640x128xf32, #tpu.memory_space<vmem_shared>>) target_semaphore(%run_scoped3A_45 : memref<!tpu.dma_semaphore, #tpu.memory_space<semaphore_mem>>)
      %dma_wait3A_49 = arith.constant 0 : i32
      %dma_wait3A_50 = tpu.memref_slice %arg18[%mul3A_23, %dma_wait3A_49] : memref<10240x128xf32, #tpu.memory_space<vmem_shared>> -> memref<640x128xf32, #tpu.memory_space<vmem_shared>>
      %dma_wait3A_51 = arith.constant 0 : i32
      %dma_wait3A_52 = tpu.memref_slice %arg8[%mul3A_21, %dma_wait3A_51] : memref<10240x128xf32, #tpu.memory_space<hbm>> -> memref<640x128xf32, #tpu.memory_space<hbm>>
      tpu.wait_dma2 semaphore(%run_scoped3A_45 : memref<!tpu.dma_semaphore, #tpu.memory_space<semaphore_mem>>) src(%dma_wait3A_52 : memref<640x128xf32, #tpu.memory_space<hbm>>) dst(%dma_wait3A_50 : memref<640x128xf32, #tpu.memory_space<vmem_shared>>)
      tpu.yield
    }) : () -> ()
    %barrier3A_24 = arith.constant 0 : index
    tpu.barrier barrier_id(%barrier3A_24)
    %scan3A_25 = arith.constant 0 : i32
    %scan3A_26 = arith.constant 0 : i32
    %scan3A_27 = arith.constant 8 : i32
    %scan3A_28 = arith.addi %scan3A_26, %scan3A_27 : i32
    %scan3A_29 = arith.constant 1 : i32
    scf.for %scan3A_45 = %scan3A_26 to %scan3A_28 step %scan3A_29  : i32 {
      %gt3A = arith.constant 0 : i32
      %gt3A_46 = arith.cmpi sgt, %scan3A_45, %gt3A : i32
      %convert_element_type3A = arith.extui %gt3A_46 : i1 to i32
      %cond3A = arith.constant 0 : i32
      %cond3A_47 = arith.cmpi ne, %convert_element_type3A, %cond3A : i32
      scf.if %cond3A_47 {
        %dma_wait3A_163 = arith.constant 0 : i32
        %dma_wait3A_164 = arith.constant 0 : i32
        %dma_wait3A_165 = tpu.memref_slice %arg13[%dma_wait3A_163, %dma_wait3A_164] : memref<10x128xi32, #tpu.memory_space<vmem>> -> memref<1x128xi32, #tpu.memory_space<vmem>>
        %dma_wait3A_166 = tpu.memref_squeeze %dma_wait3A_165 : memref<1x128xi32, #tpu.memory_space<vmem>> -> memref<128xi32, #tpu.memory_space<vmem>>
        %dma_wait3A_167 = arith.constant 0 : i32
        %dma_wait3A_168 = arith.constant 0 : i32
        %dma_wait3A_169 = tpu.memref_slice %arg18[%dma_wait3A_167, %dma_wait3A_168] : memref<10240x128xf32, #tpu.memory_space<vmem_shared>> -> memref<10240x128xf32, #tpu.memory_space<vmem_shared>>
        tpu.wait_indirect_dma semaphore(%arg22 : memref<!tpu.dma_semaphore, #tpu.memory_space<semaphore_mem>>) src(%arg17 : memref<128x128xf32, #tpu.memory_space<vmem>>) dst(%dma_wait3A_169 : memref<10240x128xf32, #tpu.memory_space<vmem_shared>>)
      } else {
      }
      "tpu.region"() ({
        %run_scoped3A_163 = tpu.sem_alloc : memref<!tpu.dma_semaphore, #tpu.memory_space<semaphore_mem>>
        %dma_start3A = arith.constant 0 : i32
        %dma_start3A_164 = tpu.memref_slice %arg4[%arg1, %scan3A_45, %dma_start3A] : memref<16x8x1280xi32, #tpu.memory_space<hbm>> -> memref<1x1x1280xi32, #tpu.memory_space<hbm>>
        %dma_start3A_165 = tpu.memref_squeeze %dma_start3A_164 : memref<1x1x1280xi32, #tpu.memory_space<hbm>> -> memref<1280xi32, #tpu.memory_space<hbm>>
        %dma_start3A_166 = arith.constant 0 : i32
        %dma_start3A_167 = tpu.memref_slice %arg4[%arg1, %scan3A_45, %dma_start3A_166] : memref<16x8x1280xi32, #tpu.memory_space<hbm>> -> memref<1x1x1280xi32, #tpu.memory_space<hbm>>
        %dma_start3A_168 = tpu.memref_squeeze %dma_start3A_167 : memref<1x1x1280xi32, #tpu.memory_space<hbm>> -> memref<1280xi32, #tpu.memory_space<hbm>>
        tpu.enqueue_dma source(%dma_start3A_168 : memref<1280xi32, #tpu.memory_space<hbm>>) target(%arg10 : memref<1280xi32, #tpu.memory_space<vmem>>) target_semaphore(%run_scoped3A_163 : memref<!tpu.dma_semaphore, #tpu.memory_space<semaphore_mem>>)
        %dma_wait3A_169 = arith.constant 0 : i32
        %dma_wait3A_170 = tpu.memref_slice %arg4[%arg1, %scan3A_45, %dma_wait3A_169] : memref<16x8x1280xi32, #tpu.memory_space<hbm>> -> memref<1x1x1280xi32, #tpu.memory_space<hbm>>
        %dma_wait3A_171 = tpu.memref_squeeze %dma_wait3A_170 : memref<1x1x1280xi32, #tpu.memory_space<hbm>> -> memref<1280xi32, #tpu.memory_space<hbm>>
        %dma_wait3A_172 = arith.constant 0 : i32
        %dma_wait3A_173 = tpu.memref_slice %arg4[%arg1, %scan3A_45, %dma_wait3A_172] : memref<16x8x1280xi32, #tpu.memory_space<hbm>> -> memref<1x1x1280xi32, #tpu.memory_space<hbm>>
        %dma_wait3A_174 = tpu.memref_squeeze %dma_wait3A_173 : memref<1x1x1280xi32, #tpu.memory_space<hbm>> -> memref<1280xi32, #tpu.memory_space<hbm>>
        tpu.wait_dma2 semaphore(%run_scoped3A_163 : memref<!tpu.dma_semaphore, #tpu.memory_space<semaphore_mem>>) src(%dma_wait3A_174 : memref<1280xi32, #tpu.memory_space<hbm>>) dst(%arg10 : memref<1280xi32, #tpu.memory_space<vmem>>)
        tpu.yield
      }) : () -> ()
      "tpu.region"() ({
        %run_scoped3A_163 = tpu.sem_alloc : memref<!tpu.dma_semaphore, #tpu.memory_space<semaphore_mem>>
        %dma_start3A = arith.constant 0 : i32
        %dma_start3A_164 = tpu.memref_slice %arg5[%arg1, %scan3A_45, %dma_start3A] : memref<16x8x1280xi32, #tpu.memory_space<hbm>> -> memref<1x1x1280xi32, #tpu.memory_space<hbm>>
        %dma_start3A_165 = tpu.memref_squeeze %dma_start3A_164 : memref<1x1x1280xi32, #tpu.memory_space<hbm>> -> memref<1280xi32, #tpu.memory_space<hbm>>
        %dma_start3A_166 = arith.constant 0 : i32
        %dma_start3A_167 = tpu.memref_slice %arg5[%arg1, %scan3A_45, %dma_start3A_166] : memref<16x8x1280xi32, #tpu.memory_space<hbm>> -> memref<1x1x1280xi32, #tpu.memory_space<hbm>>
        %dma_start3A_168 = tpu.memref_squeeze %dma_start3A_167 : memref<1x1x1280xi32, #tpu.memory_space<hbm>> -> memref<1280xi32, #tpu.memory_space<hbm>>
        tpu.enqueue_dma source(%dma_start3A_168 : memref<1280xi32, #tpu.memory_space<hbm>>) target(%arg11 : memref<1280xi32, #tpu.memory_space<vmem>>) target_semaphore(%run_scoped3A_163 : memref<!tpu.dma_semaphore, #tpu.memory_space<semaphore_mem>>)
        %dma_wait3A_169 = arith.constant 0 : i32
        %dma_wait3A_170 = tpu.memref_slice %arg5[%arg1, %scan3A_45, %dma_wait3A_169] : memref<16x8x1280xi32, #tpu.memory_space<hbm>> -> memref<1x1x1280xi32, #tpu.memory_space<hbm>>
        %dma_wait3A_171 = tpu.memref_squeeze %dma_wait3A_170 : memref<1x1x1280xi32, #tpu.memory_space<hbm>> -> memref<1280xi32, #tpu.memory_space<hbm>>
        %dma_wait3A_172 = arith.constant 0 : i32
        %dma_wait3A_173 = tpu.memref_slice %arg5[%arg1, %scan3A_45, %dma_wait3A_172] : memref<16x8x1280xi32, #tpu.memory_space<hbm>> -> memref<1x1x1280xi32, #tpu.memory_space<hbm>>
        %dma_wait3A_174 = tpu.memref_squeeze %dma_wait3A_173 : memref<1x1x1280xi32, #tpu.memory_space<hbm>> -> memref<1280xi32, #tpu.memory_space<hbm>>
        tpu.wait_dma2 semaphore(%run_scoped3A_163 : memref<!tpu.dma_semaphore, #tpu.memory_space<semaphore_mem>>) src(%dma_wait3A_174 : memref<1280xi32, #tpu.memory_space<hbm>>) dst(%arg11 : memref<1280xi32, #tpu.memory_space<vmem>>)
        tpu.yield
      }) : () -> ()
      "tpu.region"() ({
        %run_scoped3A_163 = tpu.sem_alloc : memref<!tpu.dma_semaphore, #tpu.memory_space<semaphore_mem>>
        %dma_start3A = arith.constant 0 : i32
        %dma_start3A_164 = tpu.memref_slice %arg6[%arg1, %scan3A_45, %dma_start3A] : memref<16x8x1280xf32, #tpu.memory_space<hbm>> -> memref<1x1x1280xf32, #tpu.memory_space<hbm>>
        %dma_start3A_165 = tpu.memref_squeeze %dma_start3A_164 : memref<1x1x1280xf32, #tpu.memory_space<hbm>> -> memref<1280xf32, #tpu.memory_space<hbm>>
        %dma_start3A_166 = arith.constant 0 : i32
        %dma_start3A_167 = tpu.memref_slice %arg6[%arg1, %scan3A_45, %dma_start3A_166] : memref<16x8x1280xf32, #tpu.memory_space<hbm>> -> memref<1x1x1280xf32, #tpu.memory_space<hbm>>
        %dma_start3A_168 = tpu.memref_squeeze %dma_start3A_167 : memref<1x1x1280xf32, #tpu.memory_space<hbm>> -> memref<1280xf32, #tpu.memory_space<hbm>>
        tpu.enqueue_dma source(%dma_start3A_168 : memref<1280xf32, #tpu.memory_space<hbm>>) target(%arg12 : memref<1280xf32, #tpu.memory_space<vmem>>) target_semaphore(%run_scoped3A_163 : memref<!tpu.dma_semaphore, #tpu.memory_space<semaphore_mem>>)
        %dma_wait3A_169 = arith.constant 0 : i32
        %dma_wait3A_170 = tpu.memref_slice %arg6[%arg1, %scan3A_45, %dma_wait3A_169] : memref<16x8x1280xf32, #tpu.memory_space<hbm>> -> memref<1x1x1280xf32, #tpu.memory_space<hbm>>
        %dma_wait3A_171 = tpu.memref_squeeze %dma_wait3A_170 : memref<1x1x1280xf32, #tpu.memory_space<hbm>> -> memref<1280xf32, #tpu.memory_space<hbm>>
        %dma_wait3A_172 = arith.constant 0 : i32
        %dma_wait3A_173 = tpu.memref_slice %arg6[%arg1, %scan3A_45, %dma_wait3A_172] : memref<16x8x1280xf32, #tpu.memory_space<hbm>> -> memref<1x1x1280xf32, #tpu.memory_space<hbm>>
        %dma_wait3A_174 = tpu.memref_squeeze %dma_wait3A_173 : memref<1x1x1280xf32, #tpu.memory_space<hbm>> -> memref<1280xf32, #tpu.memory_space<hbm>>
        tpu.wait_dma2 semaphore(%run_scoped3A_163 : memref<!tpu.dma_semaphore, #tpu.memory_space<semaphore_mem>>) src(%dma_wait3A_174 : memref<1280xf32, #tpu.memory_space<hbm>>) dst(%arg12 : memref<1280xf32, #tpu.memory_space<vmem>>)
        tpu.yield
      }) : () -> ()
      "tpu.region"() ({
        %run_scoped3A_163 = tpu.sem_alloc : memref<!tpu.dma_semaphore, #tpu.memory_space<semaphore_mem>>
        %dma_start3A = arith.constant 0 : i32
        %dma_start3A_164 = arith.constant 0 : i32
        %dma_start3A_165 = tpu.memref_slice %arg7[%arg1, %scan3A_45, %dma_start3A, %dma_start3A_164] : memref<16x8x10x128xi32, #tpu.memory_space<hbm>> -> memref<1x1x10x128xi32, #tpu.memory_space<hbm>>
        %dma_start3A_166 = tpu.memref_squeeze %dma_start3A_165 : memref<1x1x10x128xi32, #tpu.memory_space<hbm>> -> memref<10x128xi32, #tpu.memory_space<hbm>>
        %dma_start3A_167 = arith.constant 0 : i32
        %dma_start3A_168 = arith.constant 0 : i32
        %dma_start3A_169 = tpu.memref_slice %arg7[%arg1, %scan3A_45, %dma_start3A_167, %dma_start3A_168] : memref<16x8x10x128xi32, #tpu.memory_space<hbm>> -> memref<1x1x10x128xi32, #tpu.memory_space<hbm>>
        %dma_start3A_170 = tpu.memref_squeeze %dma_start3A_169 : memref<1x1x10x128xi32, #tpu.memory_space<hbm>> -> memref<10x128xi32, #tpu.memory_space<hbm>>
        tpu.enqueue_dma source(%dma_start3A_170 : memref<10x128xi32, #tpu.memory_space<hbm>>) target(%arg13 : memref<10x128xi32, #tpu.memory_space<vmem>>) target_semaphore(%run_scoped3A_163 : memref<!tpu.dma_semaphore, #tpu.memory_space<semaphore_mem>>)
        %dma_wait3A_171 = arith.constant 0 : i32
        %dma_wait3A_172 = arith.constant 0 : i32
        %dma_wait3A_173 = tpu.memref_slice %arg7[%arg1, %scan3A_45, %dma_wait3A_171, %dma_wait3A_172] : memref<16x8x10x128xi32, #tpu.memory_space<hbm>> -> memref<1x1x10x128xi32, #tpu.memory_space<hbm>>
        %dma_wait3A_174 = tpu.memref_squeeze %dma_wait3A_173 : memref<1x1x10x128xi32, #tpu.memory_space<hbm>> -> memref<10x128xi32, #tpu.memory_space<hbm>>
        %dma_wait3A_175 = arith.constant 0 : i32
        %dma_wait3A_176 = arith.constant 0 : i32
        %dma_wait3A_177 = tpu.memref_slice %arg7[%arg1, %scan3A_45, %dma_wait3A_175, %dma_wait3A_176] : memref<16x8x10x128xi32, #tpu.memory_space<hbm>> -> memref<1x1x10x128xi32, #tpu.memory_space<hbm>>
        %dma_wait3A_178 = tpu.memref_squeeze %dma_wait3A_177 : memref<1x1x10x128xi32, #tpu.memory_space<hbm>> -> memref<10x128xi32, #tpu.memory_space<hbm>>
        tpu.wait_dma2 semaphore(%run_scoped3A_163 : memref<!tpu.dma_semaphore, #tpu.memory_space<semaphore_mem>>) src(%dma_wait3A_178 : memref<10x128xi32, #tpu.memory_space<hbm>>) dst(%arg13 : memref<10x128xi32, #tpu.memory_space<vmem>>)
        tpu.yield
      }) : () -> ()
      %get3A = arith.constant 0 : index
      %get3A_48 = tpu.vector_load %arg11[%get3A] {strides = array<i32>} : memref<1280xi32, #tpu.memory_space<vmem>>, vector<16xi32>,
      %get3A_49 = arith.constant 0 : index
      %get3A_50 = tpu.vector_load %arg10[%get3A_49] {strides = array<i32>} : memref<1280xi32, #tpu.memory_space<vmem>>, vector<16xi32>,
      %add3A = arith.constant 17 : i32
      %add3A_51 = vector.broadcast %add3A : i32 to vector<16xi32>
      %add3A_52 = arith.addi %add3A_51, %get3A_48 : vector<16xi32>
      %mul3A_53 = arith.constant 10240 : i32
      %mul3A_54 = vector.broadcast %mul3A_53 : i32 to vector<16xi32>
      %mul3A_55 = arith.muli %add3A_52, %mul3A_54 : vector<16xi32>
      %add3A_56 = arith.addi %mul3A_55, %get3A_50 : vector<16xi32>
      %swap3A = arith.constant 0 : index
      %swap3A_57 = tpu.vector_load %arg14[%swap3A] {strides = array<i32>} : memref<128xi32, #tpu.memory_space<vmem>>, vector<16xi32>,
      tpu.vector_store %arg14[%swap3A], %add3A_56 {strides = array<i32>} : memref<128xi32, #tpu.memory_space<vmem>>, vector<16xi32>,
      %get3A_58 = arith.constant 16 : index
      %get3A_59 = tpu.vector_load %arg11[%get3A_58] {strides = array<i32>} : memref<1280xi32, #tpu.memory_space<vmem>>, vector<16xi32>,
      %get3A_60 = arith.constant 16 : index
      %get3A_61 = tpu.vector_load %arg10[%get3A_60] {strides = array<i32>} : memref<1280xi32, #tpu.memory_space<vmem>>, vector<16xi32>,
      %add3A_62 = arith.constant 17 : i32
      %add3A_63 = vector.broadcast %add3A_62 : i32 to vector<16xi32>
      %add3A_64 = arith.addi %add3A_63, %get3A_59 : vector<16xi32>
      %mul3A_65 = arith.constant 10240 : i32
      %mul3A_66 = vector.broadcast %mul3A_65 : i32 to vector<16xi32>
      %mul3A_67 = arith.muli %add3A_64, %mul3A_66 : vector<16xi32>
      %add3A_68 = arith.addi %mul3A_67, %get3A_61 : vector<16xi32>
      %swap3A_69 = arith.constant 16 : index
      %swap3A_70 = tpu.vector_load %arg14[%swap3A_69] {strides = array<i32>} : memref<128xi32, #tpu.memory_space<vmem>>, vector<16xi32>,
      tpu.vector_store %arg14[%swap3A_69], %add3A_68 {strides = array<i32>} : memref<128xi32, #tpu.memory_space<vmem>>, vector<16xi32>,
      %get3A_71 = arith.constant 32 : index
      %get3A_72 = tpu.vector_load %arg11[%get3A_71] {strides = array<i32>} : memref<1280xi32, #tpu.memory_space<vmem>>, vector<16xi32>,
      %get3A_73 = arith.constant 32 : index
      %get3A_74 = tpu.vector_load %arg10[%get3A_73] {strides = array<i32>} : memref<1280xi32, #tpu.memory_space<vmem>>, vector<16xi32>,
      %add3A_75 = arith.constant 17 : i32
      %add3A_76 = vector.broadcast %add3A_75 : i32 to vector<16xi32>
      %add3A_77 = arith.addi %add3A_76, %get3A_72 : vector<16xi32>
      %mul3A_78 = arith.constant 10240 : i32
      %mul3A_79 = vector.broadcast %mul3A_78 : i32 to vector<16xi32>
      %mul3A_80 = arith.muli %add3A_77, %mul3A_79 : vector<16xi32>
      %add3A_81 = arith.addi %mul3A_80, %get3A_74 : vector<16xi32>
      %swap3A_82 = arith.constant 32 : index
      %swap3A_83 = tpu.vector_load %arg14[%swap3A_82] {strides = array<i32>} : memref<128xi32, #tpu.memory_space<vmem>>, vector<16xi32>,
      tpu.vector_store %arg14[%swap3A_82], %add3A_81 {strides = array<i32>} : memref<128xi32, #tpu.memory_space<vmem>>, vector<16xi32>,
      %get3A_84 = arith.constant 48 : index
      %get3A_85 = tpu.vector_load %arg11[%get3A_84] {strides = array<i32>} : memref<1280xi32, #tpu.memory_space<vmem>>, vector<16xi32>,
      %get3A_86 = arith.constant 48 : index
      %get3A_87 = tpu.vector_load %arg10[%get3A_86] {strides = array<i32>} : memref<1280xi32, #tpu.memory_space<vmem>>, vector<16xi32>,
      %add3A_88 = arith.constant 17 : i32
      %add3A_89 = vector.broadcast %add3A_88 : i32 to vector<16xi32>
      %add3A_90 = arith.addi %add3A_89, %get3A_85 : vector<16xi32>
      %mul3A_91 = arith.constant 10240 : i32
      %mul3A_92 = vector.broadcast %mul3A_91 : i32 to vector<16xi32>
      %mul3A_93 = arith.muli %add3A_90, %mul3A_92 : vector<16xi32>
      %add3A_94 = arith.addi %mul3A_93, %get3A_87 : vector<16xi32>
      %swap3A_95 = arith.constant 48 : index
      %swap3A_96 = tpu.vector_load %arg14[%swap3A_95] {strides = array<i32>} : memref<128xi32, #tpu.memory_space<vmem>>, vector<16xi32>,
      tpu.vector_store %arg14[%swap3A_95], %add3A_94 {strides = array<i32>} : memref<128xi32, #tpu.memory_space<vmem>>, vector<16xi32>,
      %get3A_97 = arith.constant 64 : index
      %get3A_98 = tpu.vector_load %arg11[%get3A_97] {strides = array<i32>} : memref<1280xi32, #tpu.memory_space<vmem>>, vector<16xi32>,
      %get3A_99 = arith.constant 64 : index
      %get3A_100 = tpu.vector_load %arg10[%get3A_99] {strides = array<i32>} : memref<1280xi32, #tpu.memory_space<vmem>>, vector<16xi32>,
      %add3A_101 = arith.constant 17 : i32
      %add3A_102 = vector.broadcast %add3A_101 : i32 to vector<16xi32>
      %add3A_103 = arith.addi %add3A_102, %get3A_98 : vector<16xi32>
      %mul3A_104 = arith.constant 10240 : i32
      %mul3A_105 = vector.broadcast %mul3A_104 : i32 to vector<16xi32>
      %mul3A_106 = arith.muli %add3A_103, %mul3A_105 : vector<16xi32>
      %add3A_107 = arith.addi %mul3A_106, %get3A_100 : vector<16xi32>
      %swap3A_108 = arith.constant 64 : index
      %swap3A_109 = tpu.vector_load %arg14[%swap3A_108] {strides = array<i32>} : memref<128xi32, #tpu.memory_space<vmem>>, vector<16xi32>,
      tpu.vector_store %arg14[%swap3A_108], %add3A_107 {strides = array<i32>} : memref<128xi32, #tpu.memory_space<vmem>>, vector<16xi32>,
      %get3A_110 = arith.constant 80 : index
      %get3A_111 = tpu.vector_load %arg11[%get3A_110] {strides = array<i32>} : memref<1280xi32, #tpu.memory_space<vmem>>, vector<16xi32>,
      %get3A_112 = arith.constant 80 : index
      %get3A_113 = tpu.vector_load %arg10[%get3A_112] {strides = array<i32>} : memref<1280xi32, #tpu.memory_space<vmem>>, vector<16xi32>,
      %add3A_114 = arith.constant 17 : i32
      %add3A_115 = vector.broadcast %add3A_114 : i32 to vector<16xi32>
      %add3A_116 = arith.addi %add3A_115, %get3A_111 : vector<16xi32>
      %mul3A_117 = arith.constant 10240 : i32
      %mul3A_118 = vector.broadcast %mul3A_117 : i32 to vector<16xi32>
      %mul3A_119 = arith.muli %add3A_116, %mul3A_118 : vector<16xi32>
      %add3A_120 = arith.addi %mul3A_119, %get3A_113 : vector<16xi32>
      %swap3A_121 = arith.constant 80 : index
      %swap3A_122 = tpu.vector_load %arg14[%swap3A_121] {strides = array<i32>} : memref<128xi32, #tpu.memory_space<vmem>>, vector<16xi32>,
      tpu.vector_store %arg14[%swap3A_121], %add3A_120 {strides = array<i32>} : memref<128xi32, #tpu.memory_space<vmem>>, vector<16xi32>,
      %get3A_123 = arith.constant 96 : index
      %get3A_124 = tpu.vector_load %arg11[%get3A_123] {strides = array<i32>} : memref<1280xi32, #tpu.memory_space<vmem>>, vector<16xi32>,
      %get3A_125 = arith.constant 96 : index
      %get3A_126 = tpu.vector_load %arg10[%get3A_125] {strides = array<i32>} : memref<1280xi32, #tpu.memory_space<vmem>>, vector<16xi32>,
      %add3A_127 = arith.constant 17 : i32
      %add3A_128 = vector.broadcast %add3A_127 : i32 to vector<16xi32>
      %add3A_129 = arith.addi %add3A_128, %get3A_124 : vector<16xi32>
      %mul3A_130 = arith.constant 10240 : i32
      %mul3A_131 = vector.broadcast %mul3A_130 : i32 to vector<16xi32>
      %mul3A_132 = arith.muli %add3A_129, %mul3A_131 : vector<16xi32>
      %add3A_133 = arith.addi %mul3A_132, %get3A_126 : vector<16xi32>
      %swap3A_134 = arith.constant 96 : index
      %swap3A_135 = tpu.vector_load %arg14[%swap3A_134] {strides = array<i32>} : memref<128xi32, #tpu.memory_space<vmem>>, vector<16xi32>,
      tpu.vector_store %arg14[%swap3A_134], %add3A_133 {strides = array<i32>} : memref<128xi32, #tpu.memory_space<vmem>>, vector<16xi32>,
      %get3A_136 = arith.constant 112 : index
      %get3A_137 = tpu.vector_load %arg11[%get3A_136] {strides = array<i32>} : memref<1280xi32, #tpu.memory_space<vmem>>, vector<16xi32>,
      %get3A_138 = arith.constant 112 : index
      %get3A_139 = tpu.vector_load %arg10[%get3A_138] {strides = array<i32>} : memref<1280xi32, #tpu.memory_space<vmem>>, vector<16xi32>,
      %add3A_140 = arith.constant 17 : i32
      %add3A_141 = vector.broadcast %add3A_140 : i32 to vector<16xi32>
      %add3A_142 = arith.addi %add3A_141, %get3A_137 : vector<16xi32>
      %mul3A_143 = arith.constant 10240 : i32
      %mul3A_144 = vector.broadcast %mul3A_143 : i32 to vector<16xi32>
      %mul3A_145 = arith.muli %add3A_142, %mul3A_144 : vector<16xi32>
      %add3A_146 = arith.addi %mul3A_145, %get3A_139 : vector<16xi32>
      %swap3A_147 = arith.constant 112 : index
      %swap3A_148 = tpu.vector_load %arg14[%swap3A_147] {strides = array<i32>} : memref<128xi32, #tpu.memory_space<vmem>>, vector<16xi32>,
      tpu.vector_store %arg14[%swap3A_147], %add3A_146 {strides = array<i32>} : memref<128xi32, #tpu.memory_space<vmem>>, vector<16xi32>,
      %eq3A = arith.constant 0 : i32
      %eq3A_149 = arith.cmpi eq, %arg0, %eq3A : i32
      %convert_element_type3A_150 = arith.extui %eq3A_149 : i1 to i32
      %cond3A_151 = arith.constant 0 : i32
      %cond3A_152 = arith.cmpi ne, %convert_element_type3A_150, %cond3A_151 : i32
      scf.if %cond3A_152 {
        %dma_start3A = arith.constant 0 : i32
        %dma_start3A_163 = arith.constant 0 : i32
        %dma_start3A_164 = tpu.memref_slice %arg2[%dma_start3A, %dma_start3A_163] : memref<348160x128xf32, #tpu.memory_space<hbm>> -> memref<348160x128xf32, #tpu.memory_space<hbm>>
        tpu.enqueue_indirect_dma source(%dma_start3A_164 : memref<348160x128xf32, #tpu.memory_space<hbm>>) target(%arg16 : memref<128x128xf32, #tpu.memory_space<vmem>>) offsets(%arg14 : memref<128xi32, #tpu.memory_space<vmem>>) semaphore(%arg19 : memref<!tpu.dma_semaphore, #tpu.memory_space<semaphore_mem>>)
      } else {
      }
      %eq3A_153 = arith.constant 1 : i32
      %eq3A_154 = arith.cmpi eq, %arg0, %eq3A_153 : i32
      %convert_element_type3A_155 = arith.extui %eq3A_154 : i1 to i32
      %cond3A_156 = arith.constant 0 : i32
      %cond3A_157 = arith.cmpi ne, %convert_element_type3A_155, %cond3A_156 : i32
      scf.if %cond3A_157 {
        %dma_start3A = arith.constant 0 : i32
        %dma_start3A_163 = arith.constant 0 : i32
        %dma_start3A_164 = tpu.memref_slice %arg3[%dma_start3A, %dma_start3A_163] : memref<348160x128xf32, #tpu.memory_space<hbm>> -> memref<348160x128xf32, #tpu.memory_space<hbm>>
        tpu.enqueue_indirect_dma source(%dma_start3A_164 : memref<348160x128xf32, #tpu.memory_space<hbm>>) target(%arg16 : memref<128x128xf32, #tpu.memory_space<vmem>>) offsets(%arg14 : memref<128xi32, #tpu.memory_space<vmem>>) semaphore(%arg19 : memref<!tpu.dma_semaphore, #tpu.memory_space<semaphore_mem>>)
      } else {
      }
      %scan3A_158 = arith.constant 0 : i32
      %scan3A_159 = arith.constant 5 : i32
      %scan3A_160 = arith.addi %scan3A_158, %scan3A_159 : i32
      %scan3A_161 = arith.constant 1 : i32
      scf.for %scan3A_163 = %scan3A_158 to %scan3A_160 step %scan3A_161  : i32 {
        %mul3A_164 = arith.constant 2 : i32
        %mul3A_165 = arith.muli %scan3A_163, %mul3A_164 : i32
        %add3A_166 = arith.constant 0 : i32
        %add3A_167 = arith.addi %add3A_166, %mul3A_165 : i32
        %add3A_168 = arith.constant 0 : i32
        %add3A_169 = arith.addi %add3A_167, %add3A_168 : i32
        %mul3A_170 = arith.constant 128 : i32
        %mul3A_171 = arith.muli %add3A_169, %mul3A_170 : i32
        %gt3A_172 = arith.constant 0 : i32
        %gt3A_173 = arith.cmpi sgt, %add3A_167, %gt3A_172 : i32
        %convert_element_type3A_174 = arith.extui %gt3A_173 : i1 to i32
        %cond3A_175 = arith.constant 0 : i32
        %cond3A_176 = arith.cmpi ne, %convert_element_type3A_174, %cond3A_175 : i32
        scf.if %cond3A_176 {
          %dma_wait3A_237 = arith.constant 0 : i32
          %dma_wait3A_238 = arith.constant 0 : i32
          %dma_wait3A_239 = tpu.memref_slice %arg13[%dma_wait3A_237, %dma_wait3A_238] : memref<10x128xi32, #tpu.memory_space<vmem>> -> memref<1x128xi32, #tpu.memory_space<vmem>>
          %dma_wait3A_240 = tpu.memref_squeeze %dma_wait3A_239 : memref<1x128xi32, #tpu.memory_space<vmem>> -> memref<128xi32, #tpu.memory_space<vmem>>
          %dma_wait3A_241 = arith.constant 0 : i32
          %dma_wait3A_242 = arith.constant 0 : i32
          %dma_wait3A_243 = tpu.memref_slice %arg18[%dma_wait3A_241, %dma_wait3A_242] : memref<10240x128xf32, #tpu.memory_space<vmem_shared>> -> memref<10240x128xf32, #tpu.memory_space<vmem_shared>>
          tpu.wait_indirect_dma semaphore(%arg22 : memref<!tpu.dma_semaphore, #tpu.memory_space<semaphore_mem>>) src(%arg17 : memref<128x128xf32, #tpu.memory_space<vmem>>) dst(%dma_wait3A_243 : memref<10240x128xf32, #tpu.memory_space<vmem_shared>>)
        } else {
        }
        %add3A_177 = arith.constant 1 : i32
        %add3A_178 = arith.addi %add3A_169, %add3A_177 : i32
        %lt3A = arith.constant 10 : i32
        %lt3A_179 = arith.cmpi slt, %add3A_178, %lt3A : i32
        %convert_element_type3A_180 = arith.extui %lt3A_179 : i1 to i32
        %cond3A_181 = arith.constant 0 : i32
        %cond3A_182 = arith.cmpi ne, %convert_element_type3A_180, %cond3A_181 : i32
        scf.if %cond3A_182 {
          %add3A_237 = arith.constant 128 : i32
          %add3A_238 = arith.addi %mul3A_171, %add3A_237 : i32
          %add3A_239 = arith.constant 0 : i32
          %add3A_240 = arith.addi %add3A_238, %add3A_239 : i32
          %get3A_241 = arith.index_cast %add3A_240 : i32 to index
          %get3A_242 = tpu.vector_load %arg11[%get3A_241] {strides = array<i32>} : memref<1280xi32, #tpu.memory_space<vmem>>, vector<16xi32>,
          %add3A_243 = arith.constant 0 : i32
          %add3A_244 = arith.addi %add3A_238, %add3A_243 : i32
          %get3A_245 = arith.index_cast %add3A_244 : i32 to index
          %get3A_246 = tpu.vector_load %arg10[%get3A_245] {strides = array<i32>} : memref<1280xi32, #tpu.memory_space<vmem>>, vector<16xi32>,
          %add3A_247 = arith.constant 17 : i32
          %add3A_248 = vector.broadcast %add3A_247 : i32 to vector<16xi32>
          %add3A_249 = arith.addi %add3A_248, %get3A_242 : vector<16xi32>
          %mul3A_250 = arith.constant 10240 : i32
          %mul3A_251 = vector.broadcast %mul3A_250 : i32 to vector<16xi32>
          %mul3A_252 = arith.muli %add3A_249, %mul3A_251 : vector<16xi32>
          %add3A_253 = arith.addi %mul3A_252, %get3A_246 : vector<16xi32>
          %swap3A_254 = arith.constant 0 : index
          %swap3A_255 = tpu.vector_load %arg15[%swap3A_254] {strides = array<i32>} : memref<128xi32, #tpu.memory_space<vmem>>, vector<16xi32>,
          tpu.vector_store %arg15[%swap3A_254], %add3A_253 {strides = array<i32>} : memref<128xi32, #tpu.memory_space<vmem>>, vector<16xi32>,
          %add3A_256 = arith.constant 16 : i32
          %add3A_257 = arith.addi %add3A_238, %add3A_256 : i32
          %get3A_258 = arith.index_cast %add3A_257 : i32 to index
          %get3A_259 = tpu.vector_load %arg11[%get3A_258] {strides = array<i32>} : memref<1280xi32, #tpu.memory_space<vmem>>, vector<16xi32>,
          %add3A_260 = arith.constant 16 : i32
          %add3A_261 = arith.addi %add3A_238, %add3A_260 : i32
          %get3A_262 = arith.index_cast %add3A_261 : i32 to index
          %get3A_263 = tpu.vector_load %arg10[%get3A_262] {strides = array<i32>} : memref<1280xi32, #tpu.memory_space<vmem>>, vector<16xi32>,
          %add3A_264 = arith.constant 17 : i32
          %add3A_265 = vector.broadcast %add3A_264 : i32 to vector<16xi32>
          %add3A_266 = arith.addi %add3A_265, %get3A_259 : vector<16xi32>
          %mul3A_267 = arith.constant 10240 : i32
          %mul3A_268 = vector.broadcast %mul3A_267 : i32 to vector<16xi32>
          %mul3A_269 = arith.muli %add3A_266, %mul3A_268 : vector<16xi32>
          %add3A_270 = arith.addi %mul3A_269, %get3A_263 : vector<16xi32>
          %swap3A_271 = arith.constant 16 : index
          %swap3A_272 = tpu.vector_load %arg15[%swap3A_271] {strides = array<i32>} : memref<128xi32, #tpu.memory_space<vmem>>, vector<16xi32>,
          tpu.vector_store %arg15[%swap3A_271], %add3A_270 {strides = array<i32>} : memref<128xi32, #tpu.memory_space<vmem>>, vector<16xi32>,
          %add3A_273 = arith.constant 32 : i32
          %add3A_274 = arith.addi %add3A_238, %add3A_273 : i32
          %get3A_275 = arith.index_cast %add3A_274 : i32 to index
          %get3A_276 = tpu.vector_load %arg11[%get3A_275] {strides = array<i32>} : memref<1280xi32, #tpu.memory_space<vmem>>, vector<16xi32>,
          %add3A_277 = arith.constant 32 : i32
          %add3A_278 = arith.addi %add3A_238, %add3A_277 : i32
          %get3A_279 = arith.index_cast %add3A_278 : i32 to index
          %get3A_280 = tpu.vector_load %arg10[%get3A_279] {strides = array<i32>} : memref<1280xi32, #tpu.memory_space<vmem>>, vector<16xi32>,
          %add3A_281 = arith.constant 17 : i32
          %add3A_282 = vector.broadcast %add3A_281 : i32 to vector<16xi32>
          %add3A_283 = arith.addi %add3A_282, %get3A_276 : vector<16xi32>
          %mul3A_284 = arith.constant 10240 : i32
          %mul3A_285 = vector.broadcast %mul3A_284 : i32 to vector<16xi32>
          %mul3A_286 = arith.muli %add3A_283, %mul3A_285 : vector<16xi32>
          %add3A_287 = arith.addi %mul3A_286, %get3A_280 : vector<16xi32>
          %swap3A_288 = arith.constant 32 : index
          %swap3A_289 = tpu.vector_load %arg15[%swap3A_288] {strides = array<i32>} : memref<128xi32, #tpu.memory_space<vmem>>, vector<16xi32>,
          tpu.vector_store %arg15[%swap3A_288], %add3A_287 {strides = array<i32>} : memref<128xi32, #tpu.memory_space<vmem>>, vector<16xi32>,
          %add3A_290 = arith.constant 48 : i32
          %add3A_291 = arith.addi %add3A_238, %add3A_290 : i32
          %get3A_292 = arith.index_cast %add3A_291 : i32 to index
          %get3A_293 = tpu.vector_load %arg11[%get3A_292] {strides = array<i32>} : memref<1280xi32, #tpu.memory_space<vmem>>, vector<16xi32>,
          %add3A_294 = arith.constant 48 : i32
          %add3A_295 = arith.addi %add3A_238, %add3A_294 : i32
          %get3A_296 = arith.index_cast %add3A_295 : i32 to index
          %get3A_297 = tpu.vector_load %arg10[%get3A_296] {strides = array<i32>} : memref<1280xi32, #tpu.memory_space<vmem>>, vector<16xi32>,
          %add3A_298 = arith.constant 17 : i32
          %add3A_299 = vector.broadcast %add3A_298 : i32 to vector<16xi32>
          %add3A_300 = arith.addi %add3A_299, %get3A_293 : vector<16xi32>
          %mul3A_301 = arith.constant 10240 : i32
          %mul3A_302 = vector.broadcast %mul3A_301 : i32 to vector<16xi32>
          %mul3A_303 = arith.muli %add3A_300, %mul3A_302 : vector<16xi32>
          %add3A_304 = arith.addi %mul3A_303, %get3A_297 : vector<16xi32>
          %swap3A_305 = arith.constant 48 : index
          %swap3A_306 = tpu.vector_load %arg15[%swap3A_305] {strides = array<i32>} : memref<128xi32, #tpu.memory_space<vmem>>, vector<16xi32>,
          tpu.vector_store %arg15[%swap3A_305], %add3A_304 {strides = array<i32>} : memref<128xi32, #tpu.memory_space<vmem>>, vector<16xi32>,
          %add3A_307 = arith.constant 64 : i32
          %add3A_308 = arith.addi %add3A_238, %add3A_307 : i32
          %get3A_309 = arith.index_cast %add3A_308 : i32 to index
          %get3A_310 = tpu.vector_load %arg11[%get3A_309] {strides = array<i32>} : memref<1280xi32, #tpu.memory_space<vmem>>, vector<16xi32>,
          %add3A_311 = arith.constant 64 : i32
          %add3A_312 = arith.addi %add3A_238, %add3A_311 : i32
          %get3A_313 = arith.index_cast %add3A_312 : i32 to index
          %get3A_314 = tpu.vector_load %arg10[%get3A_313] {strides = array<i32>} : memref<1280xi32, #tpu.memory_space<vmem>>, vector<16xi32>,
          %add3A_315 = arith.constant 17 : i32
          %add3A_316 = vector.broadcast %add3A_315 : i32 to vector<16xi32>
          %add3A_317 = arith.addi %add3A_316, %get3A_310 : vector<16xi32>
          %mul3A_318 = arith.constant 10240 : i32
          %mul3A_319 = vector.broadcast %mul3A_318 : i32 to vector<16xi32>
          %mul3A_320 = arith.muli %add3A_317, %mul3A_319 : vector<16xi32>
          %add3A_321 = arith.addi %mul3A_320, %get3A_314 : vector<16xi32>
          %swap3A_322 = arith.constant 64 : index
          %swap3A_323 = tpu.vector_load %arg15[%swap3A_322] {strides = array<i32>} : memref<128xi32, #tpu.memory_space<vmem>>, vector<16xi32>,
          tpu.vector_store %arg15[%swap3A_322], %add3A_321 {strides = array<i32>} : memref<128xi32, #tpu.memory_space<vmem>>, vector<16xi32>,
          %add3A_324 = arith.constant 80 : i32
          %add3A_325 = arith.addi %add3A_238, %add3A_324 : i32
          %get3A_326 = arith.index_cast %add3A_325 : i32 to index
          %get3A_327 = tpu.vector_load %arg11[%get3A_326] {strides = array<i32>} : memref<1280xi32, #tpu.memory_space<vmem>>, vector<16xi32>,
          %add3A_328 = arith.constant 80 : i32
          %add3A_329 = arith.addi %add3A_238, %add3A_328 : i32
          %get3A_330 = arith.index_cast %add3A_329 : i32 to index
          %get3A_331 = tpu.vector_load %arg10[%get3A_330] {strides = array<i32>} : memref<1280xi32, #tpu.memory_space<vmem>>, vector<16xi32>,
          %add3A_332 = arith.constant 17 : i32
          %add3A_333 = vector.broadcast %add3A_332 : i32 to vector<16xi32>
          %add3A_334 = arith.addi %add3A_333, %get3A_327 : vector<16xi32>
          %mul3A_335 = arith.constant 10240 : i32
          %mul3A_336 = vector.broadcast %mul3A_335 : i32 to vector<16xi32>
          %mul3A_337 = arith.muli %add3A_334, %mul3A_336 : vector<16xi32>
          %add3A_338 = arith.addi %mul3A_337, %get3A_331 : vector<16xi32>
          %swap3A_339 = arith.constant 80 : index
          %swap3A_340 = tpu.vector_load %arg15[%swap3A_339] {strides = array<i32>} : memref<128xi32, #tpu.memory_space<vmem>>, vector<16xi32>,
          tpu.vector_store %arg15[%swap3A_339], %add3A_338 {strides = array<i32>} : memref<128xi32, #tpu.memory_space<vmem>>, vector<16xi32>,
          %add3A_341 = arith.constant 96 : i32
          %add3A_342 = arith.addi %add3A_238, %add3A_341 : i32
          %get3A_343 = arith.index_cast %add3A_342 : i32 to index
          %get3A_344 = tpu.vector_load %arg11[%get3A_343] {strides = array<i32>} : memref<1280xi32, #tpu.memory_space<vmem>>, vector<16xi32>,
          %add3A_345 = arith.constant 96 : i32
          %add3A_346 = arith.addi %add3A_238, %add3A_345 : i32
          %get3A_347 = arith.index_cast %add3A_346 : i32 to index
          %get3A_348 = tpu.vector_load %arg10[%get3A_347] {strides = array<i32>} : memref<1280xi32, #tpu.memory_space<vmem>>, vector<16xi32>,
          %add3A_349 = arith.constant 17 : i32
          %add3A_350 = vector.broadcast %add3A_349 : i32 to vector<16xi32>
          %add3A_351 = arith.addi %add3A_350, %get3A_344 : vector<16xi32>
          %mul3A_352 = arith.constant 10240 : i32
          %mul3A_353 = vector.broadcast %mul3A_352 : i32 to vector<16xi32>
          %mul3A_354 = arith.muli %add3A_351, %mul3A_353 : vector<16xi32>
          %add3A_355 = arith.addi %mul3A_354, %get3A_348 : vector<16xi32>
          %swap3A_356 = arith.constant 96 : index
          %swap3A_357 = tpu.vector_load %arg15[%swap3A_356] {strides = array<i32>} : memref<128xi32, #tpu.memory_space<vmem>>, vector<16xi32>,
          tpu.vector_store %arg15[%swap3A_356], %add3A_355 {strides = array<i32>} : memref<128xi32, #tpu.memory_space<vmem>>, vector<16xi32>,
          %add3A_358 = arith.constant 112 : i32
          %add3A_359 = arith.addi %add3A_238, %add3A_358 : i32
          %get3A_360 = arith.index_cast %add3A_359 : i32 to index
          %get3A_361 = tpu.vector_load %arg11[%get3A_360] {strides = array<i32>} : memref<1280xi32, #tpu.memory_space<vmem>>, vector<16xi32>,
          %add3A_362 = arith.constant 112 : i32
          %add3A_363 = arith.addi %add3A_238, %add3A_362 : i32
          %get3A_364 = arith.index_cast %add3A_363 : i32 to index
          %get3A_365 = tpu.vector_load %arg10[%get3A_364] {strides = array<i32>} : memref<1280xi32, #tpu.memory_space<vmem>>, vector<16xi32>,
          %add3A_366 = arith.constant 17 : i32
          %add3A_367 = vector.broadcast %add3A_366 : i32 to vector<16xi32>
          %add3A_368 = arith.addi %add3A_367, %get3A_361 : vector<16xi32>
          %mul3A_369 = arith.constant 10240 : i32
          %mul3A_370 = vector.broadcast %mul3A_369 : i32 to vector<16xi32>
          %mul3A_371 = arith.muli %add3A_368, %mul3A_370 : vector<16xi32>
          %add3A_372 = arith.addi %mul3A_371, %get3A_365 : vector<16xi32>
          %swap3A_373 = arith.constant 112 : index
          %swap3A_374 = tpu.vector_load %arg15[%swap3A_373] {strides = array<i32>} : memref<128xi32, #tpu.memory_space<vmem>>, vector<16xi32>,
          tpu.vector_store %arg15[%swap3A_373], %add3A_372 {strides = array<i32>} : memref<128xi32, #tpu.memory_space<vmem>>, vector<16xi32>,
          %eq3A_375 = arith.constant 0 : i32
          %eq3A_376 = arith.cmpi eq, %arg0, %eq3A_375 : i32
          %convert_element_type3A_377 = arith.extui %eq3A_376 : i1 to i32
          %cond3A_378 = arith.constant 0 : i32
          %cond3A_379 = arith.cmpi ne, %convert_element_type3A_377, %cond3A_378 : i32
          scf.if %cond3A_379 {
            %dma_start3A_385 = arith.constant 0 : i32
            %dma_start3A_386 = arith.constant 0 : i32
            %dma_start3A_387 = tpu.memref_slice %arg2[%dma_start3A_385, %dma_start3A_386] : memref<348160x128xf32, #tpu.memory_space<hbm>> -> memref<348160x128xf32, #tpu.memory_space<hbm>>
            tpu.enqueue_indirect_dma source(%dma_start3A_387 : memref<348160x128xf32, #tpu.memory_space<hbm>>) target(%arg17 : memref<128x128xf32, #tpu.memory_space<vmem>>) offsets(%arg15 : memref<128xi32, #tpu.memory_space<vmem>>) semaphore(%arg20 : memref<!tpu.dma_semaphore, #tpu.memory_space<semaphore_mem>>)
          } else {
          }
          %eq3A_380 = arith.constant 1 : i32
          %eq3A_381 = arith.cmpi eq, %arg0, %eq3A_380 : i32
          %convert_element_type3A_382 = arith.extui %eq3A_381 : i1 to i32
          %cond3A_383 = arith.constant 0 : i32
          %cond3A_384 = arith.cmpi ne, %convert_element_type3A_382, %cond3A_383 : i32
          scf.if %cond3A_384 {
            %dma_start3A_385 = arith.constant 0 : i32
            %dma_start3A_386 = arith.constant 0 : i32
            %dma_start3A_387 = tpu.memref_slice %arg3[%dma_start3A_385, %dma_start3A_386] : memref<348160x128xf32, #tpu.memory_space<hbm>> -> memref<348160x128xf32, #tpu.memory_space<hbm>>
            tpu.enqueue_indirect_dma source(%dma_start3A_387 : memref<348160x128xf32, #tpu.memory_space<hbm>>) target(%arg17 : memref<128x128xf32, #tpu.memory_space<vmem>>) offsets(%arg15 : memref<128xi32, #tpu.memory_space<vmem>>) semaphore(%arg20 : memref<!tpu.dma_semaphore, #tpu.memory_space<semaphore_mem>>)
          } else {
          }
        } else {
        }
        %eq3A_183 = arith.constant 0 : i32
        %eq3A_184 = arith.cmpi eq, %arg0, %eq3A_183 : i32
        %convert_element_type3A_185 = arith.extui %eq3A_184 : i1 to i32
        %cond3A_186 = arith.constant 0 : i32
        %cond3A_187 = arith.cmpi ne, %convert_element_type3A_185, %cond3A_186 : i32
        scf.if %cond3A_187 {
          %dma_wait3A_237 = arith.constant 0 : i32
          %dma_wait3A_238 = arith.constant 0 : i32
          %dma_wait3A_239 = tpu.memref_slice %arg2[%dma_wait3A_237, %dma_wait3A_238] : memref<348160x128xf32, #tpu.memory_space<hbm>> -> memref<348160x128xf32, #tpu.memory_space<hbm>>
          tpu.wait_indirect_dma semaphore(%arg19 : memref<!tpu.dma_semaphore, #tpu.memory_space<semaphore_mem>>) src(%dma_wait3A_239 : memref<348160x128xf32, #tpu.memory_space<hbm>>) dst(%arg16 : memref<128x128xf32, #tpu.memory_space<vmem>>)
        } else {
        }
        %eq3A_188 = arith.constant 1 : i32
        %eq3A_189 = arith.cmpi eq, %arg0, %eq3A_188 : i32
        %convert_element_type3A_190 = arith.extui %eq3A_189 : i1 to i32
        %cond3A_191 = arith.constant 0 : i32
        %cond3A_192 = arith.cmpi ne, %convert_element_type3A_190, %cond3A_191 : i32
        scf.if %cond3A_192 {
          %dma_wait3A_237 = arith.constant 0 : i32
          %dma_wait3A_238 = arith.constant 0 : i32
          %dma_wait3A_239 = tpu.memref_slice %arg3[%dma_wait3A_237, %dma_wait3A_238] : memref<348160x128xf32, #tpu.memory_space<hbm>> -> memref<348160x128xf32, #tpu.memory_space<hbm>>
          tpu.wait_indirect_dma semaphore(%arg19 : memref<!tpu.dma_semaphore, #tpu.memory_space<semaphore_mem>>) src(%dma_wait3A_239 : memref<348160x128xf32, #tpu.memory_space<hbm>>) dst(%arg16 : memref<128x128xf32, #tpu.memory_space<vmem>>)
        } else {
        }
        %parallel_loop3A = arith.constant 0 : i32
        %parallel_loop3A_193 = arith.constant 128 : i32
        %parallel_loop3A_194 = arith.constant 1 : i32
        scf.for %parallel_loop3A_237 = %parallel_loop3A to %parallel_loop3A_193 step %parallel_loop3A_194  : i32 {
          %parallel_loop3A_238 = arith.addi %mul3A_171, %parallel_loop3A_237 : i32
          %parallel_loop3A_239 = vector.broadcast %parallel_loop3A_238 : i32 to vector<16xi32>
          %parallel_loop3A_240 = tpu.vector_load_idx %arg12[%parallel_loop3A_239] : memref<1280xf32, #tpu.memory_space<vmem>>[vector<16xi32>], vector<16xf32>,
          %parallel_loop3A_241 = arith.index_cast %parallel_loop3A_237 : i32 to index
          %parallel_loop3A_242 = arith.constant 0 : index
          %parallel_loop3A_243 = tpu.vector_load %arg16[%parallel_loop3A_241, %parallel_loop3A_242] {strides = array<i32>} : memref<128x128xf32, #tpu.memory_space<vmem>>, vector<16xf32>,
          %parallel_loop3A_244 = arith.mulf %parallel_loop3A_243, %parallel_loop3A_240 : vector<16xf32>
          %parallel_loop3A_245 = arith.index_cast %parallel_loop3A_237 : i32 to index
          %parallel_loop3A_246 = arith.constant 0 : index
          %parallel_loop3A_247 = tpu.vector_load %arg16[%parallel_loop3A_245, %parallel_loop3A_246] {strides = array<i32>} : memref<128x128xf32, #tpu.memory_space<vmem>>, vector<16xf32>,
          tpu.vector_store %arg16[%parallel_loop3A_245, %parallel_loop3A_246], %parallel_loop3A_244 {strides = array<i32>} : memref<128x128xf32, #tpu.memory_space<vmem>>, vector<16xf32>,
          %parallel_loop3A_248 = arith.index_cast %parallel_loop3A_237 : i32 to index
          %parallel_loop3A_249 = arith.constant 16 : index
          %parallel_loop3A_250 = tpu.vector_load %arg16[%parallel_loop3A_248, %parallel_loop3A_249] {strides = array<i32>} : memref<128x128xf32, #tpu.memory_space<vmem>>, vector<16xf32>,
          %parallel_loop3A_251 = arith.mulf %parallel_loop3A_250, %parallel_loop3A_240 : vector<16xf32>
          %parallel_loop3A_252 = arith.index_cast %parallel_loop3A_237 : i32 to index
          %parallel_loop3A_253 = arith.constant 16 : index
          %parallel_loop3A_254 = tpu.vector_load %arg16[%parallel_loop3A_252, %parallel_loop3A_253] {strides = array<i32>} : memref<128x128xf32, #tpu.memory_space<vmem>>, vector<16xf32>,
          tpu.vector_store %arg16[%parallel_loop3A_252, %parallel_loop3A_253], %parallel_loop3A_251 {strides = array<i32>} : memref<128x128xf32, #tpu.memory_space<vmem>>, vector<16xf32>,
          %parallel_loop3A_255 = arith.index_cast %parallel_loop3A_237 : i32 to index
          %parallel_loop3A_256 = arith.constant 32 : index
          %parallel_loop3A_257 = tpu.vector_load %arg16[%parallel_loop3A_255, %parallel_loop3A_256] {strides = array<i32>} : memref<128x128xf32, #tpu.memory_space<vmem>>, vector<16xf32>,
          %parallel_loop3A_258 = arith.mulf %parallel_loop3A_257, %parallel_loop3A_240 : vector<16xf32>
          %parallel_loop3A_259 = arith.index_cast %parallel_loop3A_237 : i32 to index
          %parallel_loop3A_260 = arith.constant 32 : index
          %parallel_loop3A_261 = tpu.vector_load %arg16[%parallel_loop3A_259, %parallel_loop3A_260] {strides = array<i32>} : memref<128x128xf32, #tpu.memory_space<vmem>>, vector<16xf32>,
          tpu.vector_store %arg16[%parallel_loop3A_259, %parallel_loop3A_260], %parallel_loop3A_258 {strides = array<i32>} : memref<128x128xf32, #tpu.memory_space<vmem>>, vector<16xf32>,
          %parallel_loop3A_262 = arith.index_cast %parallel_loop3A_237 : i32 to index
          %parallel_loop3A_263 = arith.constant 48 : index
          %parallel_loop3A_264 = tpu.vector_load %arg16[%parallel_loop3A_262, %parallel_loop3A_263] {strides = array<i32>} : memref<128x128xf32, #tpu.memory_space<vmem>>, vector<16xf32>,
          %parallel_loop3A_265 = arith.mulf %parallel_loop3A_264, %parallel_loop3A_240 : vector<16xf32>
          %parallel_loop3A_266 = arith.index_cast %parallel_loop3A_237 : i32 to index
          %parallel_loop3A_267 = arith.constant 48 : index
          %parallel_loop3A_268 = tpu.vector_load %arg16[%parallel_loop3A_266, %parallel_loop3A_267] {strides = array<i32>} : memref<128x128xf32, #tpu.memory_space<vmem>>, vector<16xf32>,
          tpu.vector_store %arg16[%parallel_loop3A_266, %parallel_loop3A_267], %parallel_loop3A_265 {strides = array<i32>} : memref<128x128xf32, #tpu.memory_space<vmem>>, vector<16xf32>,
          %parallel_loop3A_269 = arith.index_cast %parallel_loop3A_237 : i32 to index
          %parallel_loop3A_270 = arith.constant 64 : index
          %parallel_loop3A_271 = tpu.vector_load %arg16[%parallel_loop3A_269, %parallel_loop3A_270] {strides = array<i32>} : memref<128x128xf32, #tpu.memory_space<vmem>>, vector<16xf32>,
          %parallel_loop3A_272 = arith.mulf %parallel_loop3A_271, %parallel_loop3A_240 : vector<16xf32>
          %parallel_loop3A_273 = arith.index_cast %parallel_loop3A_237 : i32 to index
          %parallel_loop3A_274 = arith.constant 64 : index
          %parallel_loop3A_275 = tpu.vector_load %arg16[%parallel_loop3A_273, %parallel_loop3A_274] {strides = array<i32>} : memref<128x128xf32, #tpu.memory_space<vmem>>, vector<16xf32>,
          tpu.vector_store %arg16[%parallel_loop3A_273, %parallel_loop3A_274], %parallel_loop3A_272 {strides = array<i32>} : memref<128x128xf32, #tpu.memory_space<vmem>>, vector<16xf32>,
          %parallel_loop3A_276 = arith.index_cast %parallel_loop3A_237 : i32 to index
          %parallel_loop3A_277 = arith.constant 80 : index
          %parallel_loop3A_278 = tpu.vector_load %arg16[%parallel_loop3A_276, %parallel_loop3A_277] {strides = array<i32>} : memref<128x128xf32, #tpu.memory_space<vmem>>, vector<16xf32>,
          %parallel_loop3A_279 = arith.mulf %parallel_loop3A_278, %parallel_loop3A_240 : vector<16xf32>
          %parallel_loop3A_280 = arith.index_cast %parallel_loop3A_237 : i32 to index
          %parallel_loop3A_281 = arith.constant 80 : index
          %parallel_loop3A_282 = tpu.vector_load %arg16[%parallel_loop3A_280, %parallel_loop3A_281] {strides = array<i32>} : memref<128x128xf32, #tpu.memory_space<vmem>>, vector<16xf32>,
          tpu.vector_store %arg16[%parallel_loop3A_280, %parallel_loop3A_281], %parallel_loop3A_279 {strides = array<i32>} : memref<128x128xf32, #tpu.memory_space<vmem>>, vector<16xf32>,
          %parallel_loop3A_283 = arith.index_cast %parallel_loop3A_237 : i32 to index
          %parallel_loop3A_284 = arith.constant 96 : index
          %parallel_loop3A_285 = tpu.vector_load %arg16[%parallel_loop3A_283, %parallel_loop3A_284] {strides = array<i32>} : memref<128x128xf32, #tpu.memory_space<vmem>>, vector<16xf32>,
          %parallel_loop3A_286 = arith.mulf %parallel_loop3A_285, %parallel_loop3A_240 : vector<16xf32>
          %parallel_loop3A_287 = arith.index_cast %parallel_loop3A_237 : i32 to index
          %parallel_loop3A_288 = arith.constant 96 : index
          %parallel_loop3A_289 = tpu.vector_load %arg16[%parallel_loop3A_287, %parallel_loop3A_288] {strides = array<i32>} : memref<128x128xf32, #tpu.memory_space<vmem>>, vector<16xf32>,
          tpu.vector_store %arg16[%parallel_loop3A_287, %parallel_loop3A_288], %parallel_loop3A_286 {strides = array<i32>} : memref<128x128xf32, #tpu.memory_space<vmem>>, vector<16xf32>,
          %parallel_loop3A_290 = arith.index_cast %parallel_loop3A_237 : i32 to index
          %parallel_loop3A_291 = arith.constant 112 : index
          %parallel_loop3A_292 = tpu.vector_load %arg16[%parallel_loop3A_290, %parallel_loop3A_291] {strides = array<i32>} : memref<128x128xf32, #tpu.memory_space<vmem>>, vector<16xf32>,
          %parallel_loop3A_293 = arith.mulf %parallel_loop3A_292, %parallel_loop3A_240 : vector<16xf32>
          %parallel_loop3A_294 = arith.index_cast %parallel_loop3A_237 : i32 to index
          %parallel_loop3A_295 = arith.constant 112 : index
          %parallel_loop3A_296 = tpu.vector_load %arg16[%parallel_loop3A_294, %parallel_loop3A_295] {strides = array<i32>} : memref<128x128xf32, #tpu.memory_space<vmem>>, vector<16xf32>,
          tpu.vector_store %arg16[%parallel_loop3A_294, %parallel_loop3A_295], %parallel_loop3A_293 {strides = array<i32>} : memref<128x128xf32, #tpu.memory_space<vmem>>, vector<16xf32>,
        } {sc.loop_unroll_factor = 4 : i64, sc.parallel_access}
        %dma_start3A = arith.constant 0 : i32
        %dma_start3A_195 = tpu.memref_slice %arg13[%add3A_169, %dma_start3A] : memref<10x128xi32, #tpu.memory_space<vmem>> -> memref<1x128xi32, #tpu.memory_space<vmem>>
        %dma_start3A_196 = tpu.memref_squeeze %dma_start3A_195 : memref<1x128xi32, #tpu.memory_space<vmem>> -> memref<128xi32, #tpu.memory_space<vmem>>
        %dma_start3A_197 = arith.constant 0 : i32
        %dma_start3A_198 = arith.constant 0 : i32
        %dma_start3A_199 = tpu.memref_slice %arg18[%dma_start3A_197, %dma_start3A_198] : memref<10240x128xf32, #tpu.memory_space<vmem_shared>> -> memref<10240x128xf32, #tpu.memory_space<vmem_shared>>
        tpu.enqueue_indirect_dma source(%arg16 : memref<128x128xf32, #tpu.memory_space<vmem>>) target(%dma_start3A_199 : memref<10240x128xf32, #tpu.memory_space<vmem_shared>>) offsets(%dma_start3A_196 : memref<128xi32, #tpu.memory_space<vmem>>) semaphore(%arg21 : memref<!tpu.dma_semaphore, #tpu.memory_space<semaphore_mem>>) {add = true}
        %add3A_200 = arith.constant 1 : i32
        %add3A_201 = arith.addi %add3A_167, %add3A_200 : i32
        %mul3A_202 = arith.constant 128 : i32
        %mul3A_203 = arith.muli %add3A_201, %mul3A_202 : i32
        %dma_wait3A_204 = arith.constant 0 : i32
        %dma_wait3A_205 = arith.constant 0 : i32
        %dma_wait3A_206 = tpu.memref_slice %arg13[%dma_wait3A_204, %dma_wait3A_205] : memref<10x128xi32, #tpu.memory_space<vmem>> -> memref<1x128xi32, #tpu.memory_space<vmem>>
        %dma_wait3A_207 = tpu.memref_squeeze %dma_wait3A_206 : memref<1x128xi32, #tpu.memory_space<vmem>> -> memref<128xi32, #tpu.memory_space<vmem>>
        %dma_wait3A_208 = arith.constant 0 : i32
        %dma_wait3A_209 = arith.constant 0 : i32
        %dma_wait3A_210 = tpu.memref_slice %arg18[%dma_wait3A_208, %dma_wait3A_209] : memref<10240x128xf32, #tpu.memory_space<vmem_shared>> -> memref<10240x128xf32, #tpu.memory_space<vmem_shared>>
        tpu.wait_indirect_dma semaphore(%arg21 : memref<!tpu.dma_semaphore, #tpu.memory_space<semaphore_mem>>) src(%arg16 : memref<128x128xf32, #tpu.memory_space<vmem>>) dst(%dma_wait3A_210 : memref<10240x128xf32, #tpu.memory_space<vmem_shared>>)
        %add3A_211 = arith.constant 1 : i32
        %add3A_212 = arith.addi %add3A_201, %add3A_211 : i32
        %lt3A_213 = arith.constant 10 : i32
        %lt3A_214 = arith.cmpi slt, %add3A_212, %lt3A_213 : i32
        %convert_element_type3A_215 = arith.extui %lt3A_214 : i1 to i32
        %cond3A_216 = arith.constant 0 : i32
        %cond3A_217 = arith.cmpi ne, %convert_element_type3A_215, %cond3A_216 : i32
        scf.if %cond3A_217 {
          %add3A_237 = arith.constant 128 : i32
          %add3A_238 = arith.addi %mul3A_203, %add3A_237 : i32
          %add3A_239 = arith.constant 0 : i32
          %add3A_240 = arith.addi %add3A_238, %add3A_239 : i32
          %get3A_241 = arith.index_cast %add3A_240 : i32 to index
          %get3A_242 = tpu.vector_load %arg11[%get3A_241] {strides = array<i32>} : memref<1280xi32, #tpu.memory_space<vmem>>, vector<16xi32>,
          %add3A_243 = arith.constant 0 : i32
          %add3A_244 = arith.addi %add3A_238, %add3A_243 : i32
          %get3A_245 = arith.index_cast %add3A_244 : i32 to index
          %get3A_246 = tpu.vector_load %arg10[%get3A_245] {strides = array<i32>} : memref<1280xi32, #tpu.memory_space<vmem>>, vector<16xi32>,
          %add3A_247 = arith.constant 17 : i32
          %add3A_248 = vector.broadcast %add3A_247 : i32 to vector<16xi32>
          %add3A_249 = arith.addi %add3A_248, %get3A_242 : vector<16xi32>
          %mul3A_250 = arith.constant 10240 : i32
          %mul3A_251 = vector.broadcast %mul3A_250 : i32 to vector<16xi32>
          %mul3A_252 = arith.muli %add3A_249, %mul3A_251 : vector<16xi32>
          %add3A_253 = arith.addi %mul3A_252, %get3A_246 : vector<16xi32>
          %swap3A_254 = arith.constant 0 : index
          %swap3A_255 = tpu.vector_load %arg14[%swap3A_254] {strides = array<i32>} : memref<128xi32, #tpu.memory_space<vmem>>, vector<16xi32>,
          tpu.vector_store %arg14[%swap3A_254], %add3A_253 {strides = array<i32>} : memref<128xi32, #tpu.memory_space<vmem>>, vector<16xi32>,
          %add3A_256 = arith.constant 16 : i32
          %add3A_257 = arith.addi %add3A_238, %add3A_256 : i32
          %get3A_258 = arith.index_cast %add3A_257 : i32 to index
          %get3A_259 = tpu.vector_load %arg11[%get3A_258] {strides = array<i32>} : memref<1280xi32, #tpu.memory_space<vmem>>, vector<16xi32>,
          %add3A_260 = arith.constant 16 : i32
          %add3A_261 = arith.addi %add3A_238, %add3A_260 : i32
          %get3A_262 = arith.index_cast %add3A_261 : i32 to index
          %get3A_263 = tpu.vector_load %arg10[%get3A_262] {strides = array<i32>} : memref<1280xi32, #tpu.memory_space<vmem>>, vector<16xi32>,
          %add3A_264 = arith.constant 17 : i32
          %add3A_265 = vector.broadcast %add3A_264 : i32 to vector<16xi32>
          %add3A_266 = arith.addi %add3A_265, %get3A_259 : vector<16xi32>
          %mul3A_267 = arith.constant 10240 : i32
          %mul3A_268 = vector.broadcast %mul3A_267 : i32 to vector<16xi32>
          %mul3A_269 = arith.muli %add3A_266, %mul3A_268 : vector<16xi32>
          %add3A_270 = arith.addi %mul3A_269, %get3A_263 : vector<16xi32>
          %swap3A_271 = arith.constant 16 : index
          %swap3A_272 = tpu.vector_load %arg14[%swap3A_271] {strides = array<i32>} : memref<128xi32, #tpu.memory_space<vmem>>, vector<16xi32>,
          tpu.vector_store %arg14[%swap3A_271], %add3A_270 {strides = array<i32>} : memref<128xi32, #tpu.memory_space<vmem>>, vector<16xi32>,
          %add3A_273 = arith.constant 32 : i32
          %add3A_274 = arith.addi %add3A_238, %add3A_273 : i32
          %get3A_275 = arith.index_cast %add3A_274 : i32 to index
          %get3A_276 = tpu.vector_load %arg11[%get3A_275] {strides = array<i32>} : memref<1280xi32, #tpu.memory_space<vmem>>, vector<16xi32>,
          %add3A_277 = arith.constant 32 : i32
          %add3A_278 = arith.addi %add3A_238, %add3A_277 : i32
          %get3A_279 = arith.index_cast %add3A_278 : i32 to index
          %get3A_280 = tpu.vector_load %arg10[%get3A_279] {strides = array<i32>} : memref<1280xi32, #tpu.memory_space<vmem>>, vector<16xi32>,
          %add3A_281 = arith.constant 17 : i32
          %add3A_282 = vector.broadcast %add3A_281 : i32 to vector<16xi32>
          %add3A_283 = arith.addi %add3A_282, %get3A_276 : vector<16xi32>
          %mul3A_284 = arith.constant 10240 : i32
          %mul3A_285 = vector.broadcast %mul3A_284 : i32 to vector<16xi32>
          %mul3A_286 = arith.muli %add3A_283, %mul3A_285 : vector<16xi32>
          %add3A_287 = arith.addi %mul3A_286, %get3A_280 : vector<16xi32>
          %swap3A_288 = arith.constant 32 : index
          %swap3A_289 = tpu.vector_load %arg14[%swap3A_288] {strides = array<i32>} : memref<128xi32, #tpu.memory_space<vmem>>, vector<16xi32>,
          tpu.vector_store %arg14[%swap3A_288], %add3A_287 {strides = array<i32>} : memref<128xi32, #tpu.memory_space<vmem>>, vector<16xi32>,
          %add3A_290 = arith.constant 48 : i32
          %add3A_291 = arith.addi %add3A_238, %add3A_290 : i32
          %get3A_292 = arith.index_cast %add3A_291 : i32 to index
          %get3A_293 = tpu.vector_load %arg11[%get3A_292] {strides = array<i32>} : memref<1280xi32, #tpu.memory_space<vmem>>, vector<16xi32>,
          %add3A_294 = arith.constant 48 : i32
          %add3A_295 = arith.addi %add3A_238, %add3A_294 : i32
          %get3A_296 = arith.index_cast %add3A_295 : i32 to index
          %get3A_297 = tpu.vector_load %arg10[%get3A_296] {strides = array<i32>} : memref<1280xi32, #tpu.memory_space<vmem>>, vector<16xi32>,
          %add3A_298 = arith.constant 17 : i32
          %add3A_299 = vector.broadcast %add3A_298 : i32 to vector<16xi32>
          %add3A_300 = arith.addi %add3A_299, %get3A_293 : vector<16xi32>
          %mul3A_301 = arith.constant 10240 : i32
          %mul3A_302 = vector.broadcast %mul3A_301 : i32 to vector<16xi32>
          %mul3A_303 = arith.muli %add3A_300, %mul3A_302 : vector<16xi32>
          %add3A_304 = arith.addi %mul3A_303, %get3A_297 : vector<16xi32>
          %swap3A_305 = arith.constant 48 : index
          %swap3A_306 = tpu.vector_load %arg14[%swap3A_305] {strides = array<i32>} : memref<128xi32, #tpu.memory_space<vmem>>, vector<16xi32>,
          tpu.vector_store %arg14[%swap3A_305], %add3A_304 {strides = array<i32>} : memref<128xi32, #tpu.memory_space<vmem>>, vector<16xi32>,
          %add3A_307 = arith.constant 64 : i32
          %add3A_308 = arith.addi %add3A_238, %add3A_307 : i32
          %get3A_309 = arith.index_cast %add3A_308 : i32 to index
          %get3A_310 = tpu.vector_load %arg11[%get3A_309] {strides = array<i32>} : memref<1280xi32, #tpu.memory_space<vmem>>, vector<16xi32>,
          %add3A_311 = arith.constant 64 : i32
          %add3A_312 = arith.addi %add3A_238, %add3A_311 : i32
          %get3A_313 = arith.index_cast %add3A_312 : i32 to index
          %get3A_314 = tpu.vector_load %arg10[%get3A_313] {strides = array<i32>} : memref<1280xi32, #tpu.memory_space<vmem>>, vector<16xi32>,
          %add3A_315 = arith.constant 17 : i32
          %add3A_316 = vector.broadcast %add3A_315 : i32 to vector<16xi32>
          %add3A_317 = arith.addi %add3A_316, %get3A_310 : vector<16xi32>
          %mul3A_318 = arith.constant 10240 : i32
          %mul3A_319 = vector.broadcast %mul3A_318 : i32 to vector<16xi32>
          %mul3A_320 = arith.muli %add3A_317, %mul3A_319 : vector<16xi32>
          %add3A_321 = arith.addi %mul3A_320, %get3A_314 : vector<16xi32>
          %swap3A_322 = arith.constant 64 : index
          %swap3A_323 = tpu.vector_load %arg14[%swap3A_322] {strides = array<i32>} : memref<128xi32, #tpu.memory_space<vmem>>, vector<16xi32>,
          tpu.vector_store %arg14[%swap3A_322], %add3A_321 {strides = array<i32>} : memref<128xi32, #tpu.memory_space<vmem>>, vector<16xi32>,
          %add3A_324 = arith.constant 80 : i32
          %add3A_325 = arith.addi %add3A_238, %add3A_324 : i32
          %get3A_326 = arith.index_cast %add3A_325 : i32 to index
          %get3A_327 = tpu.vector_load %arg11[%get3A_326] {strides = array<i32>} : memref<1280xi32, #tpu.memory_space<vmem>>, vector<16xi32>,
          %add3A_328 = arith.constant 80 : i32
          %add3A_329 = arith.addi %add3A_238, %add3A_328 : i32
          %get3A_330 = arith.index_cast %add3A_329 : i32 to index
          %get3A_331 = tpu.vector_load %arg10[%get3A_330] {strides = array<i32>} : memref<1280xi32, #tpu.memory_space<vmem>>, vector<16xi32>,
          %add3A_332 = arith.constant 17 : i32
          %add3A_333 = vector.broadcast %add3A_332 : i32 to vector<16xi32>
          %add3A_334 = arith.addi %add3A_333, %get3A_327 : vector<16xi32>
          %mul3A_335 = arith.constant 10240 : i32
          %mul3A_336 = vector.broadcast %mul3A_335 : i32 to vector<16xi32>
          %mul3A_337 = arith.muli %add3A_334, %mul3A_336 : vector<16xi32>
          %add3A_338 = arith.addi %mul3A_337, %get3A_331 : vector<16xi32>
          %swap3A_339 = arith.constant 80 : index
          %swap3A_340 = tpu.vector_load %arg14[%swap3A_339] {strides = array<i32>} : memref<128xi32, #tpu.memory_space<vmem>>, vector<16xi32>,
          tpu.vector_store %arg14[%swap3A_339], %add3A_338 {strides = array<i32>} : memref<128xi32, #tpu.memory_space<vmem>>, vector<16xi32>,
          %add3A_341 = arith.constant 96 : i32
          %add3A_342 = arith.addi %add3A_238, %add3A_341 : i32
          %get3A_343 = arith.index_cast %add3A_342 : i32 to index
          %get3A_344 = tpu.vector_load %arg11[%get3A_343] {strides = array<i32>} : memref<1280xi32, #tpu.memory_space<vmem>>, vector<16xi32>,
          %add3A_345 = arith.constant 96 : i32
          %add3A_346 = arith.addi %add3A_238, %add3A_345 : i32
          %get3A_347 = arith.index_cast %add3A_346 : i32 to index
          %get3A_348 = tpu.vector_load %arg10[%get3A_347] {strides = array<i32>} : memref<1280xi32, #tpu.memory_space<vmem>>, vector<16xi32>,
          %add3A_349 = arith.constant 17 : i32
          %add3A_350 = vector.broadcast %add3A_349 : i32 to vector<16xi32>
          %add3A_351 = arith.addi %add3A_350, %get3A_344 : vector<16xi32>
          %mul3A_352 = arith.constant 10240 : i32
          %mul3A_353 = vector.broadcast %mul3A_352 : i32 to vector<16xi32>
          %mul3A_354 = arith.muli %add3A_351, %mul3A_353 : vector<16xi32>
          %add3A_355 = arith.addi %mul3A_354, %get3A_348 : vector<16xi32>
          %swap3A_356 = arith.constant 96 : index
          %swap3A_357 = tpu.vector_load %arg14[%swap3A_356] {strides = array<i32>} : memref<128xi32, #tpu.memory_space<vmem>>, vector<16xi32>,
          tpu.vector_store %arg14[%swap3A_356], %add3A_355 {strides = array<i32>} : memref<128xi32, #tpu.memory_space<vmem>>, vector<16xi32>,
          %add3A_358 = arith.constant 112 : i32
          %add3A_359 = arith.addi %add3A_238, %add3A_358 : i32
          %get3A_360 = arith.index_cast %add3A_359 : i32 to index
          %get3A_361 = tpu.vector_load %arg11[%get3A_360] {strides = array<i32>} : memref<1280xi32, #tpu.memory_space<vmem>>, vector<16xi32>,
          %add3A_362 = arith.constant 112 : i32
          %add3A_363 = arith.addi %add3A_238, %add3A_362 : i32
          %get3A_364 = arith.index_cast %add3A_363 : i32 to index
          %get3A_365 = tpu.vector_load %arg10[%get3A_364] {strides = array<i32>} : memref<1280xi32, #tpu.memory_space<vmem>>, vector<16xi32>,
          %add3A_366 = arith.constant 17 : i32
          %add3A_367 = vector.broadcast %add3A_366 : i32 to vector<16xi32>
          %add3A_368 = arith.addi %add3A_367, %get3A_361 : vector<16xi32>
          %mul3A_369 = arith.constant 10240 : i32
          %mul3A_370 = vector.broadcast %mul3A_369 : i32 to vector<16xi32>
          %mul3A_371 = arith.muli %add3A_368, %mul3A_370 : vector<16xi32>
          %add3A_372 = arith.addi %mul3A_371, %get3A_365 : vector<16xi32>
          %swap3A_373 = arith.constant 112 : index
          %swap3A_374 = tpu.vector_load %arg14[%swap3A_373] {strides = array<i32>} : memref<128xi32, #tpu.memory_space<vmem>>, vector<16xi32>,
          tpu.vector_store %arg14[%swap3A_373], %add3A_372 {strides = array<i32>} : memref<128xi32, #tpu.memory_space<vmem>>, vector<16xi32>,
          %eq3A_375 = arith.constant 0 : i32
          %eq3A_376 = arith.cmpi eq, %arg0, %eq3A_375 : i32
          %convert_element_type3A_377 = arith.extui %eq3A_376 : i1 to i32
          %cond3A_378 = arith.constant 0 : i32
          %cond3A_379 = arith.cmpi ne, %convert_element_type3A_377, %cond3A_378 : i32
          scf.if %cond3A_379 {
            %dma_start3A_385 = arith.constant 0 : i32
            %dma_start3A_386 = arith.constant 0 : i32
            %dma_start3A_387 = tpu.memref_slice %arg2[%dma_start3A_385, %dma_start3A_386] : memref<348160x128xf32, #tpu.memory_space<hbm>> -> memref<348160x128xf32, #tpu.memory_space<hbm>>
            tpu.enqueue_indirect_dma source(%dma_start3A_387 : memref<348160x128xf32, #tpu.memory_space<hbm>>) target(%arg16 : memref<128x128xf32, #tpu.memory_space<vmem>>) offsets(%arg14 : memref<128xi32, #tpu.memory_space<vmem>>) semaphore(%arg19 : memref<!tpu.dma_semaphore, #tpu.memory_space<semaphore_mem>>)
          } else {
          }
          %eq3A_380 = arith.constant 1 : i32
          %eq3A_381 = arith.cmpi eq, %arg0, %eq3A_380 : i32
          %convert_element_type3A_382 = arith.extui %eq3A_381 : i1 to i32
          %cond3A_383 = arith.constant 0 : i32
          %cond3A_384 = arith.cmpi ne, %convert_element_type3A_382, %cond3A_383 : i32
          scf.if %cond3A_384 {
            %dma_start3A_385 = arith.constant 0 : i32
            %dma_start3A_386 = arith.constant 0 : i32
            %dma_start3A_387 = tpu.memref_slice %arg3[%dma_start3A_385, %dma_start3A_386] : memref<348160x128xf32, #tpu.memory_space<hbm>> -> memref<348160x128xf32, #tpu.memory_space<hbm>>
            tpu.enqueue_indirect_dma source(%dma_start3A_387 : memref<348160x128xf32, #tpu.memory_space<hbm>>) target(%arg16 : memref<128x128xf32, #tpu.memory_space<vmem>>) offsets(%arg14 : memref<128xi32, #tpu.memory_space<vmem>>) semaphore(%arg19 : memref<!tpu.dma_semaphore, #tpu.memory_space<semaphore_mem>>)
          } else {
          }
        } else {
        }
        %eq3A_218 = arith.constant 0 : i32
        %eq3A_219 = arith.cmpi eq, %arg0, %eq3A_218 : i32
        %convert_element_type3A_220 = arith.extui %eq3A_219 : i1 to i32
        %cond3A_221 = arith.constant 0 : i32
        %cond3A_222 = arith.cmpi ne, %convert_element_type3A_220, %cond3A_221 : i32
        scf.if %cond3A_222 {
          %dma_wait3A_237 = arith.constant 0 : i32
          %dma_wait3A_238 = arith.constant 0 : i32
          %dma_wait3A_239 = tpu.memref_slice %arg2[%dma_wait3A_237, %dma_wait3A_238] : memref<348160x128xf32, #tpu.memory_space<hbm>> -> memref<348160x128xf32, #tpu.memory_space<hbm>>
          tpu.wait_indirect_dma semaphore(%arg20 : memref<!tpu.dma_semaphore, #tpu.memory_space<semaphore_mem>>) src(%dma_wait3A_239 : memref<348160x128xf32, #tpu.memory_space<hbm>>) dst(%arg17 : memref<128x128xf32, #tpu.memory_space<vmem>>)
        } else {
        }
        %eq3A_223 = arith.constant 1 : i32
        %eq3A_224 = arith.cmpi eq, %arg0, %eq3A_223 : i32
        %convert_element_type3A_225 = arith.extui %eq3A_224 : i1 to i32
        %cond3A_226 = arith.constant 0 : i32
        %cond3A_227 = arith.cmpi ne, %convert_element_type3A_225, %cond3A_226 : i32
        scf.if %cond3A_227 {
          %dma_wait3A_237 = arith.constant 0 : i32
          %dma_wait3A_238 = arith.constant 0 : i32
          %dma_wait3A_239 = tpu.memref_slice %arg3[%dma_wait3A_237, %dma_wait3A_238] : memref<348160x128xf32, #tpu.memory_space<hbm>> -> memref<348160x128xf32, #tpu.memory_space<hbm>>
          tpu.wait_indirect_dma semaphore(%arg20 : memref<!tpu.dma_semaphore, #tpu.memory_space<semaphore_mem>>) src(%dma_wait3A_239 : memref<348160x128xf32, #tpu.memory_space<hbm>>) dst(%arg17 : memref<128x128xf32, #tpu.memory_space<vmem>>)
        } else {
        }
        %parallel_loop3A_228 = arith.constant 0 : i32
        %parallel_loop3A_229 = arith.constant 128 : i32
        %parallel_loop3A_230 = arith.constant 1 : i32
        scf.for %parallel_loop3A_237 = %parallel_loop3A_228 to %parallel_loop3A_229 step %parallel_loop3A_230  : i32 {
          %parallel_loop3A_238 = arith.addi %mul3A_203, %parallel_loop3A_237 : i32
          %parallel_loop3A_239 = vector.broadcast %parallel_loop3A_238 : i32 to vector<16xi32>
          %parallel_loop3A_240 = tpu.vector_load_idx %arg12[%parallel_loop3A_239] : memref<1280xf32, #tpu.memory_space<vmem>>[vector<16xi32>], vector<16xf32>,
          %parallel_loop3A_241 = arith.index_cast %parallel_loop3A_237 : i32 to index
          %parallel_loop3A_242 = arith.constant 0 : index
          %parallel_loop3A_243 = tpu.vector_load %arg17[%parallel_loop3A_241, %parallel_loop3A_242] {strides = array<i32>} : memref<128x128xf32, #tpu.memory_space<vmem>>, vector<16xf32>,
          %parallel_loop3A_244 = arith.mulf %parallel_loop3A_243, %parallel_loop3A_240 : vector<16xf32>
          %parallel_loop3A_245 = arith.index_cast %parallel_loop3A_237 : i32 to index
          %parallel_loop3A_246 = arith.constant 0 : index
          %parallel_loop3A_247 = tpu.vector_load %arg17[%parallel_loop3A_245, %parallel_loop3A_246] {strides = array<i32>} : memref<128x128xf32, #tpu.memory_space<vmem>>, vector<16xf32>,
          tpu.vector_store %arg17[%parallel_loop3A_245, %parallel_loop3A_246], %parallel_loop3A_244 {strides = array<i32>} : memref<128x128xf32, #tpu.memory_space<vmem>>, vector<16xf32>,
          %parallel_loop3A_248 = arith.index_cast %parallel_loop3A_237 : i32 to index
          %parallel_loop3A_249 = arith.constant 16 : index
          %parallel_loop3A_250 = tpu.vector_load %arg17[%parallel_loop3A_248, %parallel_loop3A_249] {strides = array<i32>} : memref<128x128xf32, #tpu.memory_space<vmem>>, vector<16xf32>,
          %parallel_loop3A_251 = arith.mulf %parallel_loop3A_250, %parallel_loop3A_240 : vector<16xf32>
          %parallel_loop3A_252 = arith.index_cast %parallel_loop3A_237 : i32 to index
          %parallel_loop3A_253 = arith.constant 16 : index
          %parallel_loop3A_254 = tpu.vector_load %arg17[%parallel_loop3A_252, %parallel_loop3A_253] {strides = array<i32>} : memref<128x128xf32, #tpu.memory_space<vmem>>, vector<16xf32>,
          tpu.vector_store %arg17[%parallel_loop3A_252, %parallel_loop3A_253], %parallel_loop3A_251 {strides = array<i32>} : memref<128x128xf32, #tpu.memory_space<vmem>>, vector<16xf32>,
          %parallel_loop3A_255 = arith.index_cast %parallel_loop3A_237 : i32 to index
          %parallel_loop3A_256 = arith.constant 32 : index
          %parallel_loop3A_257 = tpu.vector_load %arg17[%parallel_loop3A_255, %parallel_loop3A_256] {strides = array<i32>} : memref<128x128xf32, #tpu.memory_space<vmem>>, vector<16xf32>,
          %parallel_loop3A_258 = arith.mulf %parallel_loop3A_257, %parallel_loop3A_240 : vector<16xf32>
          %parallel_loop3A_259 = arith.index_cast %parallel_loop3A_237 : i32 to index
          %parallel_loop3A_260 = arith.constant 32 : index
          %parallel_loop3A_261 = tpu.vector_load %arg17[%parallel_loop3A_259, %parallel_loop3A_260] {strides = array<i32>} : memref<128x128xf32, #tpu.memory_space<vmem>>, vector<16xf32>,
          tpu.vector_store %arg17[%parallel_loop3A_259, %parallel_loop3A_260], %parallel_loop3A_258 {strides = array<i32>} : memref<128x128xf32, #tpu.memory_space<vmem>>, vector<16xf32>,
          %parallel_loop3A_262 = arith.index_cast %parallel_loop3A_237 : i32 to index
          %parallel_loop3A_263 = arith.constant 48 : index
          %parallel_loop3A_264 = tpu.vector_load %arg17[%parallel_loop3A_262, %parallel_loop3A_263] {strides = array<i32>} : memref<128x128xf32, #tpu.memory_space<vmem>>, vector<16xf32>,
          %parallel_loop3A_265 = arith.mulf %parallel_loop3A_264, %parallel_loop3A_240 : vector<16xf32>
          %parallel_loop3A_266 = arith.index_cast %parallel_loop3A_237 : i32 to index
          %parallel_loop3A_267 = arith.constant 48 : index
          %parallel_loop3A_268 = tpu.vector_load %arg17[%parallel_loop3A_266, %parallel_loop3A_267] {strides = array<i32>} : memref<128x128xf32, #tpu.memory_space<vmem>>, vector<16xf32>,
          tpu.vector_store %arg17[%parallel_loop3A_266, %parallel_loop3A_267], %parallel_loop3A_265 {strides = array<i32>} : memref<128x128xf32, #tpu.memory_space<vmem>>, vector<16xf32>,
          %parallel_loop3A_269 = arith.index_cast %parallel_loop3A_237 : i32 to index
          %parallel_loop3A_270 = arith.constant 64 : index
          %parallel_loop3A_271 = tpu.vector_load %arg17[%parallel_loop3A_269, %parallel_loop3A_270] {strides = array<i32>} : memref<128x128xf32, #tpu.memory_space<vmem>>, vector<16xf32>,
          %parallel_loop3A_272 = arith.mulf %parallel_loop3A_271, %parallel_loop3A_240 : vector<16xf32>
          %parallel_loop3A_273 = arith.index_cast %parallel_loop3A_237 : i32 to index
          %parallel_loop3A_274 = arith.constant 64 : index
          %parallel_loop3A_275 = tpu.vector_load %arg17[%parallel_loop3A_273, %parallel_loop3A_274] {strides = array<i32>} : memref<128x128xf32, #tpu.memory_space<vmem>>, vector<16xf32>,
          tpu.vector_store %arg17[%parallel_loop3A_273, %parallel_loop3A_274], %parallel_loop3A_272 {strides = array<i32>} : memref<128x128xf32, #tpu.memory_space<vmem>>, vector<16xf32>,
          %parallel_loop3A_276 = arith.index_cast %parallel_loop3A_237 : i32 to index
          %parallel_loop3A_277 = arith.constant 80 : index
          %parallel_loop3A_278 = tpu.vector_load %arg17[%parallel_loop3A_276, %parallel_loop3A_277] {strides = array<i32>} : memref<128x128xf32, #tpu.memory_space<vmem>>, vector<16xf32>,
          %parallel_loop3A_279 = arith.mulf %parallel_loop3A_278, %parallel_loop3A_240 : vector<16xf32>
          %parallel_loop3A_280 = arith.index_cast %parallel_loop3A_237 : i32 to index
          %parallel_loop3A_281 = arith.constant 80 : index
          %parallel_loop3A_282 = tpu.vector_load %arg17[%parallel_loop3A_280, %parallel_loop3A_281] {strides = array<i32>} : memref<128x128xf32, #tpu.memory_space<vmem>>, vector<16xf32>,
          tpu.vector_store %arg17[%parallel_loop3A_280, %parallel_loop3A_281], %parallel_loop3A_279 {strides = array<i32>} : memref<128x128xf32, #tpu.memory_space<vmem>>, vector<16xf32>,
          %parallel_loop3A_283 = arith.index_cast %parallel_loop3A_237 : i32 to index
          %parallel_loop3A_284 = arith.constant 96 : index
          %parallel_loop3A_285 = tpu.vector_load %arg17[%parallel_loop3A_283, %parallel_loop3A_284] {strides = array<i32>} : memref<128x128xf32, #tpu.memory_space<vmem>>, vector<16xf32>,
          %parallel_loop3A_286 = arith.mulf %parallel_loop3A_285, %parallel_loop3A_240 : vector<16xf32>
          %parallel_loop3A_287 = arith.index_cast %parallel_loop3A_237 : i32 to index
          %parallel_loop3A_288 = arith.constant 96 : index
          %parallel_loop3A_289 = tpu.vector_load %arg17[%parallel_loop3A_287, %parallel_loop3A_288] {strides = array<i32>} : memref<128x128xf32, #tpu.memory_space<vmem>>, vector<16xf32>,
          tpu.vector_store %arg17[%parallel_loop3A_287, %parallel_loop3A_288], %parallel_loop3A_286 {strides = array<i32>} : memref<128x128xf32, #tpu.memory_space<vmem>>, vector<16xf32>,
          %parallel_loop3A_290 = arith.index_cast %parallel_loop3A_237 : i32 to index
          %parallel_loop3A_291 = arith.constant 112 : index
          %parallel_loop3A_292 = tpu.vector_load %arg17[%parallel_loop3A_290, %parallel_loop3A_291] {strides = array<i32>} : memref<128x128xf32, #tpu.memory_space<vmem>>, vector<16xf32>,
          %parallel_loop3A_293 = arith.mulf %parallel_loop3A_292, %parallel_loop3A_240 : vector<16xf32>
          %parallel_loop3A_294 = arith.index_cast %parallel_loop3A_237 : i32 to index
          %parallel_loop3A_295 = arith.constant 112 : index
          %parallel_loop3A_296 = tpu.vector_load %arg17[%parallel_loop3A_294, %parallel_loop3A_295] {strides = array<i32>} : memref<128x128xf32, #tpu.memory_space<vmem>>, vector<16xf32>,
          tpu.vector_store %arg17[%parallel_loop3A_294, %parallel_loop3A_295], %parallel_loop3A_293 {strides = array<i32>} : memref<128x128xf32, #tpu.memory_space<vmem>>, vector<16xf32>,
        } {sc.loop_unroll_factor = 4 : i64, sc.parallel_access}
        %dma_start3A_231 = arith.constant 0 : i32
        %dma_start3A_232 = tpu.memref_slice %arg13[%add3A_201, %dma_start3A_231] : memref<10x128xi32, #tpu.memory_space<vmem>> -> memref<1x128xi32, #tpu.memory_space<vmem>>
        %dma_start3A_233 = tpu.memref_squeeze %dma_start3A_232 : memref<1x128xi32, #tpu.memory_space<vmem>> -> memref<128xi32, #tpu.memory_space<vmem>>
        %dma_start3A_234 = arith.constant 0 : i32
        %dma_start3A_235 = arith.constant 0 : i32
        %dma_start3A_236 = tpu.memref_slice %arg18[%dma_start3A_234, %dma_start3A_235] : memref<10240x128xf32, #tpu.memory_space<vmem_shared>> -> memref<10240x128xf32, #tpu.memory_space<vmem_shared>>
        tpu.enqueue_indirect_dma source(%arg17 : memref<128x128xf32, #tpu.memory_space<vmem>>) target(%dma_start3A_236 : memref<10240x128xf32, #tpu.memory_space<vmem_shared>>) offsets(%dma_start3A_233 : memref<128xi32, #tpu.memory_space<vmem>>) semaphore(%arg22 : memref<!tpu.dma_semaphore, #tpu.memory_space<semaphore_mem>>) {add = true}
      }
      %scan3A_162 = arith.constant 5 : i32
    }
    %scan3A_30 = arith.constant 8 : i32
    %dma_wait3A_31 = arith.constant 0 : i32
    %dma_wait3A_32 = arith.constant 0 : i32
    %dma_wait3A_33 = tpu.memref_slice %arg13[%dma_wait3A_31, %dma_wait3A_32] : memref<10x128xi32, #tpu.memory_space<vmem>> -> memref<1x128xi32, #tpu.memory_space<vmem>>
    %dma_wait3A_34 = tpu.memref_squeeze %dma_wait3A_33 : memref<1x128xi32, #tpu.memory_space<vmem>> -> memref<128xi32, #tpu.memory_space<vmem>>
    %dma_wait3A_35 = arith.constant 0 : i32
    %dma_wait3A_36 = arith.constant 0 : i32
    %dma_wait3A_37 = tpu.memref_slice %arg18[%dma_wait3A_35, %dma_wait3A_36] : memref<10240x128xf32, #tpu.memory_space<vmem_shared>> -> memref<10240x128xf32, #tpu.memory_space<vmem_shared>>
    tpu.wait_indirect_dma semaphore(%arg22 : memref<!tpu.dma_semaphore, #tpu.memory_space<semaphore_mem>>) src(%arg17 : memref<128x128xf32, #tpu.memory_space<vmem>>) dst(%dma_wait3A_37 : memref<10240x128xf32, #tpu.memory_space<vmem_shared>>)
    %barrier3A_38 = arith.constant 0 : index
    tpu.barrier barrier_id(%barrier3A_38)
    %mul3A_39 = arith.constant 640 : i32
    %mul3A_40 = arith.muli %arg1, %mul3A_39 : i32
    %mul3A_41 = arith.constant 640 : i32
    %mul3A_42 = arith.muli %arg1, %mul3A_41 : i32
    %run_scoped3A_43 = arith.constant 1 : i32
    "tpu.region"() ({
      %run_scoped3A_45 = tpu.sem_alloc : memref<!tpu.dma_semaphore, #tpu.memory_space<semaphore_mem>>
      %dma_start3A = arith.constant 0 : i32
      %dma_start3A_46 = tpu.memref_slice %arg9[%run_scoped3A_43, %arg0, %mul3A_42, %dma_start3A] : memref<2x2x10240x128xf32, #tpu.memory_space<hbm>> -> memref<1x1x640x128xf32, #tpu.memory_space<hbm>>
      %dma_start3A_47 = tpu.memref_squeeze %dma_start3A_46 : memref<1x1x640x128xf32, #tpu.memory_space<hbm>> -> memref<640x128xf32, #tpu.memory_space<hbm>>
      %dma_start3A_48 = arith.constant 0 : i32
      %dma_start3A_49 = tpu.memref_slice %arg18[%mul3A_40, %dma_start3A_48] : memref<10240x128xf32, #tpu.memory_space<vmem_shared>> -> memref<640x128xf32, #tpu.memory_space<vmem_shared>>
      tpu.enqueue_dma source(%dma_start3A_49 : memref<640x128xf32, #tpu.memory_space<vmem_shared>>) target(%dma_start3A_47 : memref<640x128xf32, #tpu.memory_space<hbm>>) target_semaphore(%run_scoped3A_45 : memref<!tpu.dma_semaphore, #tpu.memory_space<semaphore_mem>>)
      %dma_wait3A_50 = arith.constant 0 : i32
      %dma_wait3A_51 = tpu.memref_slice %arg9[%run_scoped3A_43, %arg0, %mul3A_42, %dma_wait3A_50] : memref<2x2x10240x128xf32, #tpu.memory_space<hbm>> -> memref<1x1x640x128xf32, #tpu.memory_space<hbm>>
      %dma_wait3A_52 = tpu.memref_squeeze %dma_wait3A_51 : memref<1x1x640x128xf32, #tpu.memory_space<hbm>> -> memref<640x128xf32, #tpu.memory_space<hbm>>
      %dma_wait3A_53 = arith.constant 0 : i32
      %dma_wait3A_54 = tpu.memref_slice %arg18[%mul3A_40, %dma_wait3A_53] : memref<10240x128xf32, #tpu.memory_space<vmem_shared>> -> memref<640x128xf32, #tpu.memory_space<vmem_shared>>
      tpu.wait_dma2 semaphore(%run_scoped3A_45 : memref<!tpu.dma_semaphore, #tpu.memory_space<semaphore_mem>>) src(%dma_wait3A_54 : memref<640x128xf32, #tpu.memory_space<vmem_shared>>) dst(%dma_wait3A_52 : memref<640x128xf32, #tpu.memory_space<hbm>>)
      tpu.yield
    }) : () -> ()
    %barrier3A_44 = arith.constant 0 : index
    tpu.barrier barrier_id(%barrier3A_44)
    return
  }
}

module attributes {stable_mosaic.version = 14 : i64} {
  func.func @_wbuild_body(%arg0: memref<16x4xf32, #tpu.memory_space<vmem>>, %arg1: memref<4x65536xf32, #tpu.memory_space<vmem>>, %arg2: memref<256x256xf32, #tpu.memory_space<vmem>>, %arg3: memref<17x65536xf32, #tpu.memory_space<vmem>>) attributes {dimension_semantics = [], scalar_prefetch = 0 : i64, scratch_operands = 0 : i64, tpu.core_type = #tpu.core_type<tc>} {
    %get3A = arith.constant 0 : index
    %get3A_0 = arith.constant 0 : index
    %get3A_1 = vector.load %arg0[%get3A, %get3A_0] : memref<16x4xf32, #tpu.memory_space<vmem>>, vector<16x4xf32>
    %get3A_2 = arith.constant 0 : index
    %get3A_3 = arith.constant 0 : index
    %get3A_4 = vector.load %arg1[%get3A_2, %get3A_3] : memref<4x65536xf32, #tpu.memory_space<vmem>>, vector<4x65536xf32>
    %dot_general3A = arith.constant dense<0.000000e+00> : vector<16x65536xf32>
    %dot_general3A_5 = tpu.matmul %get3A_1, %get3A_4, %dot_general3A {dimension_numbers = #tpu.dot_dimension_numbers<[1], [0], [0], [1], [0, 0, 1, 1], [], []>, transpose_lhs_hint = false} : vector<16x4xf32>, vector<4x65536xf32>, vector<16x65536xf32> -> vector<16x65536xf32>
    %swap3A = arith.constant 0 : index
    %swap3A_6 = arith.constant 0 : index
    %swap3A_7 = vector.load %arg3[%swap3A, %swap3A_6] : memref<17x65536xf32, #tpu.memory_space<vmem>>, vector<16x65536xf32>
    tpu.vector_store %arg3[%swap3A, %swap3A_6], %dot_general3A_5 {strides = array<i32>} : memref<17x65536xf32, #tpu.memory_space<vmem>>, vector<16x65536xf32>,
    %get3A_8 = arith.constant 0 : index
    %get3A_9 = arith.constant 0 : index
    %get3A_10 = vector.load %arg2[%get3A_8, %get3A_9] : memref<256x256xf32, #tpu.memory_space<vmem>>, vector<256x256xf32>
    %reshape3A = vector.shape_cast %get3A_10 : vector<256x256xf32> to vector<1x65536xf32>
    %swap3A_11 = arith.constant 16 : index
    %swap3A_12 = arith.constant 0 : index
    %swap3A_13 = vector.load %arg3[%swap3A_11, %swap3A_12] : memref<17x65536xf32, #tpu.memory_space<vmem>>, vector<1x65536xf32>
    tpu.vector_store %arg3[%swap3A_11, %swap3A_12], %reshape3A {strides = array<i32>} : memref<17x65536xf32, #tpu.memory_space<vmem>>, vector<1x65536xf32>,
    return
  }
}

module attributes {stable_mosaic.version = 14 : i64} {
  func.func @_proj_body(%arg0: i32, %arg1: i32, %arg2: i32, %arg3: memref<1x5120x256xbf16, #tpu.memory_space<vmem>>, %arg4: memref<1x256x256xbf16, #tpu.memory_space<vmem>>, %arg5: memref<1x1x5120x128xf32, #tpu.memory_space<vmem>>, %arg6: memref<1x1x5120x128xf32, #tpu.memory_space<vmem>>) attributes {dimension_semantics = [#tpu.dimension_semantics<arbitrary>, #tpu.dimension_semantics<arbitrary>, #tpu.dimension_semantics<arbitrary>], iteration_bounds = array<i64: 2, 2, 17>, scalar_prefetch = 0 : i64, scratch_operands = 0 : i64, tpu.core_type = #tpu.core_type<tc>, window_params = [{transform_indices = @transform_0, window_bounds = array<i64: 1, 5120, 256>}, {transform_indices = @transform_1, window_bounds = array<i64: 1, 256, 256>}, {transform_indices = @transform_2, window_bounds = array<i64: 1, 1, 5120, 128>}, {transform_indices = @transform_3, window_bounds = array<i64: 1, 1, 5120, 128>}]} {
    %get3A = arith.constant 0 : index
    %get3A_0 = arith.constant 0 : index
    %get3A_1 = arith.constant 0 : index
    %get3A_2 = vector.load %arg3[%get3A, %get3A_0, %get3A_1] : memref<1x5120x256xbf16, #tpu.memory_space<vmem>>, vector<1x5120x256xbf16>
    %get3A_3 = vector.shape_cast %get3A_2 : vector<1x5120x256xbf16> to vector<5120x256xbf16>
    %get3A_4 = arith.constant 0 : index
    %get3A_5 = arith.constant 0 : index
    %get3A_6 = arith.constant 0 : index
    %get3A_7 = vector.load %arg4[%get3A_4, %get3A_5, %get3A_6] : memref<1x256x256xbf16, #tpu.memory_space<vmem>>, vector<1x256x256xbf16>
    %get3A_8 = vector.shape_cast %get3A_7 : vector<1x256x256xbf16> to vector<256x256xbf16>
    %dot_general3A = arith.constant dense<0.000000e+00> : vector<5120x256xf32>
    %dot_general3A_9 = tpu.matmul %get3A_3, %get3A_8, %dot_general3A {dimension_numbers = #tpu.dot_dimension_numbers<[1], [0], [0], [1], [0, 0, 1, 1], [], []>, transpose_lhs_hint = false} : vector<5120x256xbf16>, vector<256x256xbf16>, vector<5120x256xf32> -> vector<5120x256xf32>
    %slice3A = vector.extract_strided_slice %dot_general3A_9 {offsets = [0, 0], sizes = [5120, 128], strides = [1, 1]} : vector<5120x256xf32> to vector<5120x128xf32>
    %swap3A = arith.constant 0 : index
    %swap3A_10 = arith.constant 0 : index
    %swap3A_11 = arith.constant 0 : index
    %swap3A_12 = arith.constant 0 : index
    %swap3A_13 = vector.load %arg5[%swap3A, %swap3A_10, %swap3A_11, %swap3A_12] : memref<1x1x5120x128xf32, #tpu.memory_space<vmem>>, vector<1x1x5120x128xf32>
    %swap3A_14 = vector.shape_cast %swap3A_13 : vector<1x1x5120x128xf32> to vector<5120x128xf32>
    %swap3A_15 = vector.shape_cast %slice3A : vector<5120x128xf32> to vector<1x1x5120x128xf32>
    tpu.vector_store %arg5[%swap3A, %swap3A_10, %swap3A_11, %swap3A_12], %swap3A_15 {strides = array<i32>} : memref<1x1x5120x128xf32, #tpu.memory_space<vmem>>, vector<1x1x5120x128xf32>,
    %slice3A_16 = vector.extract_strided_slice %dot_general3A_9 {offsets = [0, 128], sizes = [5120, 128], strides = [1, 1]} : vector<5120x256xf32> to vector<5120x128xf32>
    %swap3A_17 = arith.constant 0 : index
    %swap3A_18 = arith.constant 0 : index
    %swap3A_19 = arith.constant 0 : index
    %swap3A_20 = arith.constant 0 : index
    %swap3A_21 = vector.load %arg6[%swap3A_17, %swap3A_18, %swap3A_19, %swap3A_20] : memref<1x1x5120x128xf32, #tpu.memory_space<vmem>>, vector<1x1x5120x128xf32>
    %swap3A_22 = vector.shape_cast %swap3A_21 : vector<1x1x5120x128xf32> to vector<5120x128xf32>
    %swap3A_23 = vector.shape_cast %slice3A_16 : vector<5120x128xf32> to vector<1x1x5120x128xf32>
    tpu.vector_store %arg6[%swap3A_17, %swap3A_18, %swap3A_19, %swap3A_20], %swap3A_23 {strides = array<i32>} : memref<1x1x5120x128xf32, #tpu.memory_space<vmem>>, vector<1x1x5120x128xf32>,
    return
  }
  func.func @transform_0(%arg0: i32, %arg1: i32, %arg2: i32) -> (i32, i32, i32) {
    %c0_i32 = arith.constant 0 : i32
    %c0_i32_0 = arith.constant 0 : i32
    return %arg0, %arg1, %c0_i32 : i32, i32, i32
  }
  func.func @transform_1(%arg0: i32, %arg1: i32, %arg2: i32) -> (i32, i32, i32) {
    %c0_i32 = arith.constant 0 : i32
    %c0_i32_0 = arith.constant 0 : i32
    %c0_i32_1 = arith.constant 0 : i32
    return %arg2, %c0_i32, %c0_i32_0 : i32, i32, i32
  }
  func.func @transform_2(%arg0: i32, %arg1: i32, %arg2: i32) -> (i32, i32, i32, i32) {
    %c0_i32 = arith.constant 0 : i32
    %c0_i32_0 = arith.constant 0 : i32
    return %arg0, %arg2, %arg1, %c0_i32 : i32, i32, i32, i32
  }
  func.func @transform_3(%arg0: i32, %arg1: i32, %arg2: i32) -> (i32, i32, i32, i32) {
    %c0_i32 = arith.constant 0 : i32
    %c0_i32_0 = arith.constant 0 : i32
    return %arg0, %arg2, %arg1, %c0_i32 : i32, i32, i32, i32
  }
}

module attributes {stable_mosaic.version = 14 : i64} {
  func.func @_final_body(%arg0: i32, %arg1: i32, %arg2: memref<1x1x5120x128xf32, #tpu.memory_space<vmem>>, %arg3: memref<1x1x5120x128xf32, #tpu.memory_space<vmem>>, %arg4: memref<1x1x5120x128xf32, #tpu.memory_space<vmem>>, %arg5: memref<1x1x5120x128xf32, #tpu.memory_space<vmem>>, %arg6: memref<1x5120x256xf32, #tpu.memory_space<vmem>>) attributes {dimension_semantics = [#tpu.dimension_semantics<arbitrary>, #tpu.dimension_semantics<arbitrary>], iteration_bounds = array<i64: 2, 2>, scalar_prefetch = 0 : i64, scratch_operands = 0 : i64, tpu.core_type = #tpu.core_type<tc>, window_params = [{transform_indices = @transform_0, window_bounds = array<i64: 1, 1, 5120, 128>}, {transform_indices = @transform_1, window_bounds = array<i64: 1, 1, 5120, 128>}, {transform_indices = @transform_2, window_bounds = array<i64: 1, 1, 5120, 128>}, {transform_indices = @transform_3, window_bounds = array<i64: 1, 1, 5120, 128>}, {transform_indices = @transform_4, window_bounds = array<i64: 1, 5120, 256>}]} {
    %get3A = arith.constant 0 : index
    %get3A_0 = arith.constant 0 : index
    %get3A_1 = arith.constant 0 : index
    %get3A_2 = arith.constant 0 : index
    %get3A_3 = vector.load %arg2[%get3A, %get3A_0, %get3A_1, %get3A_2] : memref<1x1x5120x128xf32, #tpu.memory_space<vmem>>, vector<1x1x5120x128xf32>
    %get3A_4 = vector.shape_cast %get3A_3 : vector<1x1x5120x128xf32> to vector<5120x128xf32>
    %get3A_5 = arith.constant 0 : index
    %get3A_6 = arith.constant 0 : index
    %get3A_7 = arith.constant 0 : index
    %get3A_8 = arith.constant 0 : index
    %get3A_9 = vector.load %arg4[%get3A_5, %get3A_6, %get3A_7, %get3A_8] : memref<1x1x5120x128xf32, #tpu.memory_space<vmem>>, vector<1x1x5120x128xf32>
    %get3A_10 = vector.shape_cast %get3A_9 : vector<1x1x5120x128xf32> to vector<5120x128xf32>
    %add3A = arith.addf %get3A_4, %get3A_10 : vector<5120x128xf32>
    %get3A_11 = arith.constant 0 : index
    %get3A_12 = arith.constant 0 : index
    %get3A_13 = arith.constant 0 : index
    %get3A_14 = arith.constant 0 : index
    %get3A_15 = vector.load %arg3[%get3A_11, %get3A_12, %get3A_13, %get3A_14] : memref<1x1x5120x128xf32, #tpu.memory_space<vmem>>, vector<1x1x5120x128xf32>
    %get3A_16 = vector.shape_cast %get3A_15 : vector<1x1x5120x128xf32> to vector<5120x128xf32>
    %get3A_17 = arith.constant 0 : index
    %get3A_18 = arith.constant 0 : index
    %get3A_19 = arith.constant 0 : index
    %get3A_20 = arith.constant 0 : index
    %get3A_21 = vector.load %arg5[%get3A_17, %get3A_18, %get3A_19, %get3A_20] : memref<1x1x5120x128xf32, #tpu.memory_space<vmem>>, vector<1x1x5120x128xf32>
    %get3A_22 = vector.shape_cast %get3A_21 : vector<1x1x5120x128xf32> to vector<5120x128xf32>
    %add3A_23 = arith.addf %get3A_16, %get3A_22 : vector<5120x128xf32>
    %concatenate3A = tpu.concatenate %add3A, %add3A_23 in 1 : vector<5120x128xf32>, vector<5120x128xf32> -> vector<5120x256xf32>
    %max3A = arith.constant 0.000000e+00 : f32
    %max3A_24 = vector.broadcast %max3A : f32 to vector<5120x256xf32>
    %max3A_25 = arith.maximumf %concatenate3A, %max3A_24 : vector<5120x256xf32>
    %swap3A = arith.constant 0 : index
    %swap3A_26 = arith.constant 0 : index
    %swap3A_27 = arith.constant 0 : index
    %swap3A_28 = vector.load %arg6[%swap3A, %swap3A_26, %swap3A_27] : memref<1x5120x256xf32, #tpu.memory_space<vmem>>, vector<1x5120x256xf32>
    %swap3A_29 = vector.shape_cast %swap3A_28 : vector<1x5120x256xf32> to vector<5120x256xf32>
    %swap3A_30 = vector.shape_cast %max3A_25 : vector<5120x256xf32> to vector<1x5120x256xf32>
    tpu.vector_store %arg6[%swap3A, %swap3A_26, %swap3A_27], %swap3A_30 {strides = array<i32>} : memref<1x5120x256xf32, #tpu.memory_space<vmem>>, vector<1x5120x256xf32>,
    return
  }
  func.func @transform_0(%arg0: i32, %arg1: i32) -> (i32, i32, i32, i32) {
    %c0_i32 = arith.constant 0 : i32
    %c0_i32_0 = arith.constant 0 : i32
    %c0_i32_1 = arith.constant 0 : i32
    return %arg0, %c0_i32, %arg1, %c0_i32_0 : i32, i32, i32, i32
  }
  func.func @transform_1(%arg0: i32, %arg1: i32) -> (i32, i32, i32, i32) {
    %c1_i32 = arith.constant 1 : i32
    %c0_i32 = arith.constant 0 : i32
    %c0_i32_0 = arith.constant 0 : i32
    return %arg0, %c1_i32, %arg1, %c0_i32 : i32, i32, i32, i32
  }
  func.func @transform_2(%arg0: i32, %arg1: i32) -> (i32, i32, i32, i32) {
    %c16_i32 = arith.constant 16 : i32
    %c0_i32 = arith.constant 0 : i32
    %c0_i32_0 = arith.constant 0 : i32
    return %arg0, %c16_i32, %arg1, %c0_i32 : i32, i32, i32, i32
  }
  func.func @transform_3(%arg0: i32, %arg1: i32) -> (i32, i32, i32, i32) {
    %c16_i32 = arith.constant 16 : i32
    %c0_i32 = arith.constant 0 : i32
    %c0_i32_0 = arith.constant 0 : i32
    return %arg0, %c16_i32, %arg1, %c0_i32 : i32, i32, i32, i32
  }
  func.func @transform_4(%arg0: i32, %arg1: i32) -> (i32, i32, i32) {
    %c0_i32 = arith.constant 0 : i32
    %c0_i32_0 = arith.constant 0 : i32
    return %arg0, %arg1, %c0_i32 : i32, i32, i32
  }
}

module attributes {stable_mosaic.version = 14 : i64} {
  func.func @_final_body(%arg0: i32, %arg1: i32, %arg2: memref<1x1x5120x128xf32, #tpu.memory_space<vmem>>, %arg3: memref<1x1x5120x128xf32, #tpu.memory_space<vmem>>, %arg4: memref<1x1x5120x128xf32, #tpu.memory_space<vmem>>, %arg5: memref<1x1x5120x128xf32, #tpu.memory_space<vmem>>, %arg6: memref<1x5120x256xf32, #tpu.memory_space<vmem>>) attributes {dimension_semantics = [#tpu.dimension_semantics<arbitrary>, #tpu.dimension_semantics<arbitrary>], iteration_bounds = array<i64: 2, 2>, scalar_prefetch = 0 : i64, scratch_operands = 0 : i64, tpu.core_type = #tpu.core_type<tc>, window_params = [{transform_indices = @transform_0, window_bounds = array<i64: 1, 1, 5120, 128>}, {transform_indices = @transform_1, window_bounds = array<i64: 1, 1, 5120, 128>}, {transform_indices = @transform_2, window_bounds = array<i64: 1, 1, 5120, 128>}, {transform_indices = @transform_3, window_bounds = array<i64: 1, 1, 5120, 128>}, {transform_indices = @transform_4, window_bounds = array<i64: 1, 5120, 256>}]} {
    %get3A = arith.constant 0 : index
    %get3A_0 = arith.constant 0 : index
    %get3A_1 = arith.constant 0 : index
    %get3A_2 = arith.constant 0 : index
    %get3A_3 = vector.load %arg2[%get3A, %get3A_0, %get3A_1, %get3A_2] : memref<1x1x5120x128xf32, #tpu.memory_space<vmem>>, vector<1x1x5120x128xf32>
    %get3A_4 = vector.shape_cast %get3A_3 : vector<1x1x5120x128xf32> to vector<5120x128xf32>
    %get3A_5 = arith.constant 0 : index
    %get3A_6 = arith.constant 0 : index
    %get3A_7 = arith.constant 0 : index
    %get3A_8 = arith.constant 0 : index
    %get3A_9 = vector.load %arg4[%get3A_5, %get3A_6, %get3A_7, %get3A_8] : memref<1x1x5120x128xf32, #tpu.memory_space<vmem>>, vector<1x1x5120x128xf32>
    %get3A_10 = vector.shape_cast %get3A_9 : vector<1x1x5120x128xf32> to vector<5120x128xf32>
    %add3A = arith.addf %get3A_4, %get3A_10 : vector<5120x128xf32>
    %get3A_11 = arith.constant 0 : index
    %get3A_12 = arith.constant 0 : index
    %get3A_13 = arith.constant 0 : index
    %get3A_14 = arith.constant 0 : index
    %get3A_15 = vector.load %arg3[%get3A_11, %get3A_12, %get3A_13, %get3A_14] : memref<1x1x5120x128xf32, #tpu.memory_space<vmem>>, vector<1x1x5120x128xf32>
    %get3A_16 = vector.shape_cast %get3A_15 : vector<1x1x5120x128xf32> to vector<5120x128xf32>
    %get3A_17 = arith.constant 0 : index
    %get3A_18 = arith.constant 0 : index
    %get3A_19 = arith.constant 0 : index
    %get3A_20 = arith.constant 0 : index
    %get3A_21 = vector.load %arg5[%get3A_17, %get3A_18, %get3A_19, %get3A_20] : memref<1x1x5120x128xf32, #tpu.memory_space<vmem>>, vector<1x1x5120x128xf32>
    %get3A_22 = vector.shape_cast %get3A_21 : vector<1x1x5120x128xf32> to vector<5120x128xf32>
    %add3A_23 = arith.addf %get3A_16, %get3A_22 : vector<5120x128xf32>
    %concatenate3A = tpu.concatenate %add3A, %add3A_23 in 1 : vector<5120x128xf32>, vector<5120x128xf32> -> vector<5120x256xf32>
    %swap3A = arith.constant 0 : index
    %swap3A_24 = arith.constant 0 : index
    %swap3A_25 = arith.constant 0 : index
    %swap3A_26 = vector.load %arg6[%swap3A, %swap3A_24, %swap3A_25] : memref<1x5120x256xf32, #tpu.memory_space<vmem>>, vector<1x5120x256xf32>
    %swap3A_27 = vector.shape_cast %swap3A_26 : vector<1x5120x256xf32> to vector<5120x256xf32>
    %swap3A_28 = vector.shape_cast %concatenate3A : vector<5120x256xf32> to vector<1x5120x256xf32>
    tpu.vector_store %arg6[%swap3A, %swap3A_24, %swap3A_25], %swap3A_28 {strides = array<i32>} : memref<1x5120x256xf32, #tpu.memory_space<vmem>>, vector<1x5120x256xf32>,
    return
  }
  func.func @transform_0(%arg0: i32, %arg1: i32) -> (i32, i32, i32, i32) {
    %c0_i32 = arith.constant 0 : i32
    %c0_i32_0 = arith.constant 0 : i32
    %c0_i32_1 = arith.constant 0 : i32
    return %arg0, %c0_i32, %arg1, %c0_i32_0 : i32, i32, i32, i32
  }
  func.func @transform_1(%arg0: i32, %arg1: i32) -> (i32, i32, i32, i32) {
    %c1_i32 = arith.constant 1 : i32
    %c0_i32 = arith.constant 0 : i32
    %c0_i32_0 = arith.constant 0 : i32
    return %arg0, %c1_i32, %arg1, %c0_i32 : i32, i32, i32, i32
  }
  func.func @transform_2(%arg0: i32, %arg1: i32) -> (i32, i32, i32, i32) {
    %c16_i32 = arith.constant 16 : i32
    %c0_i32 = arith.constant 0 : i32
    %c0_i32_0 = arith.constant 0 : i32
    return %arg0, %c16_i32, %arg1, %c0_i32 : i32, i32, i32, i32
  }
  func.func @transform_3(%arg0: i32, %arg1: i32) -> (i32, i32, i32, i32) {
    %c16_i32 = arith.constant 16 : i32
    %c0_i32 = arith.constant 0 : i32
    %c0_i32_0 = arith.constant 0 : i32
    return %arg0, %c16_i32, %arg1, %c0_i32 : i32, i32, i32, i32
  }
  func.func @transform_4(%arg0: i32, %arg1: i32) -> (i32, i32, i32) {
    %c0_i32 = arith.constant 0 : i32
    %c0_i32_0 = arith.constant 0 : i32
    return %arg0, %arg1, %c0_i32 : i32, i32, i32
  }
}

</mosaic_0001>

<sc_bundles>
// kernel: kernel.10.cloned.1.call-start
scs
__scs_entry_jumppad:
0x0: {  	(pc) =	sbr.rel $0x88, $3  }
0x1: {  	(tag) =	ssettag $0x0;
	lr =	simm.s32 $0x1  }
0x2: {  	[smem:$0x3F97] =	sst lr;
	_ =	strace $0xD0000000  }
0x3: {  	_ = 	snop  }
0x4: {  	_ = 	snop  }
0x5: {  	_ = 	snop  }
0x6: {  	_ = 	snop  }
0x7: {  	_ = 	snop  }
__scs_overlays_trampoline_lowered:
0x8: {  	[smem:$0x3FA6] =	sst s0  }
0x9: {  	[smem:$0x3FA7] =	sst s1  }
0xa: {  	[smem:$0x3FA8] =	sst s2  }
0xb: {  	[smem:$0x3FA9] =	sst s3  }
0xc: {  	[smem:$0x3FAA] =	sst s4  }
0xd: {  	[smem:$0x3FAB] =	sst s5  }
0xe: {  	[smem:$0x3FAC] =	sst s6  }
0xf: {  	[smem:$0x3FAD] =	sst s7  }
0x10: {  	[smem:$0x3FAE] =	sst s8  }
0x11: {  	[smem:$0x3FAF] =	sst s9;
	s0 =	simm.s32 @!p0 $0x0  }
0x12: {  	s1 =	sld [smem:$0x3F95];
	s0 =	simm.s32 @p0 $0x1  }
0x13: {  	[smem:$0x3FB0] =	sst s0;
	s0 =	simm.s32 @!p1 $0x0  }
0x14: {  	s2 =	sld [smem:$0x3F94];
	s0 =	simm.s32 @p1 $0x1  }
0x15: {  	[smem:$0x3FB1] =	sst s0;
	s0 =	simm.s32 @!p2 $0x0  }
0x16: {  	s3 =	sld [smem:$0x3FDB];
	s0 =	simm.s32 @p2 $0x1  }
0x17: {  	s4 =	simm.s32 $0x1BF5;
	[smem:$0x3FB3] =	sst s0  }
0x18: {  	s0 =	sld [smem:$0x3F96];
	_ =	swait.ge [sflag:s4], $0x0  }
0x19: {  	s7 =	sld [smem:$0x3F97]  }
0x1a: {  	s8 =	sadd.s32 $0xFFFFE003, lr  }
0x1b: {  	s9 =	sadd.s32 $0xFFFFFEF7, lr;
	s5 =	simm.s32 $0xFFFFFFFF;
	p2 =	slt.u32 s8, $0xFFFFF086  }
0x1c: {  	p1 =	slt.u32 s9, $0xF7A;
	s5 =	simm.s32 @!p2 $0x0  }
0x1d: {  	s5 =	simm.s32 @p1 $0x1;
	p0 =	seq.s32 s7, s2  }
0x1e: {  	s7 =	smul.u32 @!p0 $0xF7A, s2;
	p2 =	seq.s32 @!p0 s5, $0x0  }
0x1f: {  	s9 =	smul.u32 $0xF7A, s1;
	s8 =	simm.s32 @!p0 $0x1BF5;
	p2 =	por !p2, p0  }
0x20: {  	[sflag:s8] =	ssyncset.s32 @!p0 $0xFFFFF086;
	s6 =	sadd.s32 @!p0 s3, s7;
	s7 =	simm.s32 @!p0 $0x108  }
0x21: {  	s3 =	sadd.s32 s3, s9;
	s6 =	sadd.s32 @!p0 $0x88, s6;
	s7 =	simm.s32 @p2 $0x1082  }
0x22: {  	[simem:s7], [sflag:s8] =	dma.local @!p0 [hbm:s6], $0xF7A  }
0x23: {  	s9 =	sor.u32 $0xD0000000, s2;
	s6 =	simm.s32 $0x108;
	_ =	swait.ge @!p0 [sflag:s8], $0x0  }
0x24: {  	s3 =	sadd.s32 $0x88, s3;
	s6 =	simm.s32 @!p1 $0x1082;
	[sflag:s4] =	ssyncset.s32 $0xFFFFF086  }
0x25: {  	[simem:s6], [sflag:s4] =	dma.local [hbm:s3], $0xF7A  }
0x26: {  	[smem:$0x3F97] =	sst s1;
	(tag) =	ssettag s2;
	_ =	strace s9  }
0x27: {  	s1 =	sld [smem:$0x3FA7]  }
0x28: {  	s2 =	sld [smem:$0x3FA8]  }
0x29: {  	s4 =	sld [smem:$0x3FAA]  }
0x2a: {  	p0 =	seq.s32 s5, $0x0;
	s5 =	sld [smem:$0x3FAB]  }
0x2b: {  	s6 =	sld [smem:$0x3FAC]  }
0x2c: {  	s7 =	sld [smem:$0x3FAD]  }
0x2d: {  	s3 =	simm.s32 $0x108;
	s8 =	sld [smem:$0x3FAE]  }
0x2e: {  	s3 =	simm.s32 @!p0 $0x1082;
	s9 =	sld [smem:$0x3FAF]  }
0x2f: {  	lr =	sadd.s32 s0, s3;
	s0 =	sld [smem:$0x3FA6]  }
0x30: {  	s3 =	sld [smem:$0x3FA9]  }
0x31: {  	[smem:$0x3FB2] =	sst s10  }
0x32: {  	s10 =	sld [smem:$0x3FB0];
	_ =	sdelay $0x3  }
0x33: {  	p0 =	seq.s32 s10, $0x1;
	s10 =	sld [smem:$0x3FB2];
	_ =	sdelay $0x3  }
0x34: {  	[smem:$0x3FB2] =	sst s10  }
0x35: {  	s10 =	sld [smem:$0x3FB1];
	_ =	sdelay $0x3  }
0x36: {  	p1 =	seq.s32 s10, $0x1;
	s10 =	sld [smem:$0x3FB2];
	_ =	sdelay $0x3  }
0x37: {  	[smem:$0x3FB2] =	sst s10  }
0x38: {  	s10 =	sld [smem:$0x3FB3]  }
0x39: {  	_ = 	snop;
	(pc) =	sbr.ind lr, $3  }
0x3a: {  	_ = 	snop  }
0x3b: {  	_ = 	snop  }
0x3c: {  	p2 =	seq.s32 s10, $0x1;
	s10 =	sld [smem:$0x3FB2]  }
0x3d: {  	_ =	shalt  }
0x3e: {  	_ =	shalt  }
0x3f: {  	_ =	shalt  }
0x40: {  	_ =	shalt  }
0x41: {  	_ =	shalt  }
0x42: {  	_ =	shalt  }
0x43: {  	_ =	shalt  }
0x44: {  	_ =	shalt  }
0x45: {  	_ =	shalt  }
0x46: {  	_ =	shalt  }
0x47: {  	_ =	shalt  }
0x48: {  	_ =	shalt  }
0x49: {  	_ =	shalt  }
0x4a: {  	_ =	shalt  }
0x4b: {  	_ =	shalt  }
0x4c: {  	_ =	shalt  }
0x4d: {  	_ =	shalt  }
0x4e: {  	_ =	shalt  }
0x4f: {  	_ =	shalt  }
0x50: {  	_ =	shalt  }
0x51: {  	_ =	shalt  }
0x52: {  	_ =	shalt  }
0x53: {  	_ =	shalt  }
0x54: {  	_ =	shalt  }
0x55: {  	_ =	shalt  }
0x56: {  	_ =	shalt  }
0x57: {  	_ =	shalt  }
0x58: {  	_ =	shalt  }
0x59: {  	_ =	shalt  }
0x5a: {  	_ =	shalt  }
0x5b: {  	_ =	shalt  }
0x5c: {  	_ =	shalt  }
0x5d: {  	_ =	shalt  }
0x5e: {  	_ =	shalt  }
0x5f: {  	_ =	shalt  }
0x60: {  	_ =	shalt  }
0x61: {  	_ =	shalt  }
0x62: {  	_ =	shalt  }
0x63: {  	_ =	shalt  }
0x64: {  	_ =	shalt  }
0x65: {  	_ =	shalt  }
0x66: {  	_ =	shalt  }
0x67: {  	_ =	shalt  }
0x68: {  	_ =	shalt  }
0x69: {  	_ =	shalt  }
0x6a: {  	_ =	shalt  }
0x6b: {  	_ =	shalt  }
0x6c: {  	_ =	shalt  }
0x6d: {  	_ =	shalt  }
0x6e: {  	_ =	shalt  }
0x6f: {  	_ =	shalt  }
0x70: {  	_ =	shalt  }
0x71: {  	_ =	shalt  }
0x72: {  	_ =	shalt  }
0x73: {  	_ =	shalt  }
0x74: {  	_ =	shalt  }
0x75: {  	_ =	shalt  }
0x76: {  	_ =	shalt  }
0x77: {  	_ =	shalt  }
0x78: {  	_ =	shalt  }
0x79: {  	_ =	shalt  }
0x7a: {  	_ =	shalt  }
0x7b: {  	_ =	shalt  }
0x7c: {  	_ =	shalt  }
0x7d: {  	_ =	shalt  }
0x7e: {  	_ =	shalt  }
0x7f: {  	_ =	shalt  }
0x80: {  	_ =	shalt  }
0x81: {  	_ =	shalt  }
0x82: {  	_ =	shalt  }
0x83: {  	_ =	shalt  }
0x84: {  	_ =	shalt  }
0x85: {  	_ =	shalt  }
0x86: {  	_ =	shalt  }
0x87: {  	_ =	shalt  }
.Lfunc_end0:
.L_simem_size_0:
called_computation_lowered:
.L_overlay_start_0:
0x88: {  	s2 =	sld [smem:$0x3FD9]  }
0x89: {  	s3 =	sld [smem:$0x3FFE];
	_ =	sdelay $0x1  }
0x8a: {  	s1 =	srdreg.scid  }
0x8b: {  	s0 =	sand.u32 $0x1, s1  }
0x8c: {  	s17 =	sshll.u32 s0, $0xA;
	s2 =	sadd.s32 s3, s2  }
0x8d: {  	s2 =	sadd.s32 s2, s17  }
0x8e: {  	[smem:$0x3FBE] =	sst s2  }
0x8f: {  	_ = 	snop  }
0x90: {  	s2 =	sld [smem:$0x3FD0];
	(tm) =	ssettm $0x1  }
0x91: {  	s18 =	sld [smem:$0x3FFB];
	_ =	sdelay $0x3  }
0x92: {  	_ =	strace s18  }
0x93: {  	s3 =	sld [smem:$0x3FFC];
	_ =	sdelay $0x3  }
0x94: {  	_ =	strace s3  }
0x95: {  	s3 =	sld [smem:$0x3FFD];
	_ =	sdelay $0x3  }
0x96: {  	_ =	strace s3  }
0x97: {  	_ =	strace $0x8FFFFFFF  }
0x98: {  	s19 =	sld [smem:$0x3FDB];
	_ =	sdelay $0x1  }
0x99: {  	s4 =	simm.s32 $_scs_section_size  }
0x9a: {  	s5 =	simm.s32 $_size__tile_overlayer_lowered;
	s6 =	simm.s32 $_tile_overlayer_lowered  }
0x9b: {  	s22 =	simm.s32 $0x1BFF;
	s21 =	sshll.u32 s6, $0x1;
	s3 =	sadd.s32 s4, s19  }
0x9c: {  	s7 =	simm.s32 $0x0;
	s20 =	sshll.u32 s5, $0x1;
	s5 =	sadd.s32 s21, s3  }
0x9d: {  	[timem:s7], [sflag:s22] =	dma.local [hbm:s5], s20  }
0x9e: {  	_ =	swait.ge [sflag:s22], s20  }
0x9f: {  	s4 =	ssub.s32 $0x0, s20;
	[sflag:s22] =	ssyncset.done $0x0  }
0xa0: {  	[sflag:s22] =	ssyncadd.s32 s4;
	_ =	sdelay $0x1  }
0xa1: {  	s23 =	simm.s32 $0x1B8B  }
0xa2: {  	_ =	swait.ge [sflag:s23], $0x1  }
0xa3: {  	[sflag:s23] =	ssyncset.done $0x0  }
0xa4: {  	s25 =	simm.s32 $0x1B8E;
	s24 =	sld [smem:$0x3FFE];
	[sflag:s23] =	ssyncadd.s32 $0xFFFFFFFF  }
0xa5: {  	s26 =	simm.s32 $execute0_lowered;
	[smem:$0x3FD2] =	sst s25  }
0xa6: {  	s5 =	sshll.u32 s26, $0x1;
	_ =	strace $0x80000046;
	[dreg:$0x1] =	wrdreg $0xFFFFFFFF  }
0xa7: {  	s28 =	simm.s32 $_size_execute0_lowered;
	s3 =	sadd.s32 s3, s5;
	[dreg:$0x0] =	wrdreg $0x0  }
0xa8: {  	s5 =	sshll.u32 s28, $0x1;
	[dreg:$0x2] =	wrdreg s3  }
0xa9: {  	[dreg:$0x3] =	wrdreg s5  }
0xaa: {  	[dreg:$0x4] =	wrdreg $0xC0  }
0xab: {  	_ =	task [dreg:s7], $0x5FFFF  }
0xac: {  	[dreg:$0x1] =	wrdreg $0xFFFFFFFF  }
0xad: {  	[dreg:$0x0] =	wrdreg $0x60  }
0xae: {  	[dreg:$0x2] =	wrdreg s24  }
0xaf: {  	[dreg:$0x3] =	wrdreg s2  }
0xb0: {  	[dreg:$0x4] =	wrdreg $0x98000  }
0xb1: {  	[dreg:$0x5] =	wrdreg $0x9  }
0xb2: {  	_ =	task.clear_ibuf [dreg:s7], $0x6FFFF;
	_ =	strace $0x90000046  }
0xb3: {  	s29 =	simm.s32 $0x9;
	_ =	strace $0x80000048  }
0xb4: {  	_ =	swait.ge [sflag:s29], $0x1  }
0xb5: {  	[sflag:s29] =	ssyncadd.s32 $0xFFFFFFFF  }
0xb6: {  	_ =	strace $0x90000048  }
0xb7: {  	_ =	sfence  }
0xb8: {  	s30 =	sld [smem:$0x0];
	_ =	sdelay $0x2  }
0xb9: {  	s31 =	sshll.u32 s1, $0xD;
	s1 =	sshrl.u32 s1, $0x2  }
0xba: {  	s3 =	sand.u32 $0x4000, s31;
	s1 =	sadd.s32 s1, s30  }
0xbb: {  	s0 =	sor.u32 s3, s0;
	s1 =	sshll.u32 s1, $0x11  }
0xbc: {  	s0 =	sor.u32 s1, s0  }
0xbd: {  	s0 =	sadd.s32 $0x8F2B, s0  }
0xbe: {  	[sflag:s0] =	ssyncadd.remote.s32 $0x1  }
0xbf: {  	_ =	sfence.sel $0xFFFF  }
0xc0: {  	[dreg:$0x0] =	wrdreg $0xFFFFFFFF;
	(pc) =	sbr.abs _section_cstart, $3  }
0xc1: {  	[dreg:$0x1] =	wrdreg $0xFFFFFFFF  }
0xc2: {  	_ =	task.clear_ibuf [dreg:s7], $0x2FFFF;
	_ =	strace $0x9FFFFFFF  }
0xc3: {  	(tm) =	ssettm $0x7FFFFFFF  }
tec
execute0_lowered:
.L_overlay_start_1:
0x0: {  	(tag) =	ssettag $0x1  }
0x1: {  	s0 =	rddreg [dreg:$0x0]  }
0x2: {  	s1 =	rddreg [dreg:$0x1]  }
0x3: {  	s2 =	rddreg [dreg:$0x2]  }
0x4: {  	s15 =	simm.s32 $0x0;
	s3 =	stileid.u32;
	s4 =	srdreg.scid  }
0x5: {  	s16 =	simm.s32 $0x5;
	s17 =	simm.s32 $0x80;
	s18 =	simm.s32 $0x400  }
0x6: {  	s20 =	simm.s32 $0xA00;
	s21 =	simm.s32 $0xF00;
	s22 =	simm.s32 $0x1700  }
0x7: {  	s23 =	simm.s32 $0x1800;
	s28 =	simm.s32 $0x3;
	s29 =	simm.s32 $0x2  }
0x8: {  	[smem:$0x7FF] =	sst s15;
	s7 =	sand.u32 $0x1, s4;
	s8 =	smul.u32 $0x14000, s3  }
0x9: {  	s4 =	sadd.s32 $0x9800, s0;
	s5 =	sadd.s32 $0xE800, s0;
	s6 =	sadd.s32 $0x13800, s0  }
0xa: {  	s10 =	sshll.u32 s3, $0xB;
	s13 =	smul.u32 $0x50000, s3;
	s25 =	sshll.u32 s3, $0x6  }
0xb: {  	_ =	strace $0x80000047;
	s9 =	smul.u32 $0x140000, s7;
	s11 =	ssub.s32 $0x2, s7  }
0xc: {  	s10 =	sadd.s32 s10, s0;
	p0 =	seq.s32 s7, $0x0;
	s12 =	sshrl.u32 s11, $0x1  }
0xd: {  	s24 =	sshrl.u32 s13, $0x2;
	s10 =	sadd.s32 $0x1800, s10;
	s9 =	sadd.s32 s8, s9  }
0xe: {  	s11 =	ssub.s32 s11, s12;
	s8 =	sshrl.u32 s8, $0x3;
	s13 =	sadd.s32 s24, s2  }
0xf: {  	s24 =	simm.s32 $0x1780;
	s9 =	sshrl.u32 s9, $0x3;
	s31 =	smax.u32 s11, $0x1  }
0x10: {  	s19 =	sadd.s32 s1, s8;
	s8 =	sor.u32 $0x1C05, s25;
	[dreg:$0x9] =	wrdreg s31  }
0x11: {  	s1 =	simm.s32 $0x18800;
	s14 =	sadd.s32 s9, s0;
	[dreg:$0x5] =	wrdreg s19  }
0x12: {  	s25 =	simm.s32 $0x5800;
	[dreg:$0x6] =	wrdreg s8;
	s26 =	sadd.s32 $0xAB8800, s14  }
0x13: {  	s1 =	simm.s32 @!p0 $0x568800;
	s30 =	sadd.s32 $0xB08800, s14;
	[dreg:$0x7] =	wrdreg s26  }
0x14: {  	s14 =	sadd.s32 s1, s0;
	s1 =	sshrl.u32 s13, $0x3;
	[dreg:$0x8] =	wrdreg s30  }
0x15: {  	s9 =	smul.u32 $0x2800, s3;
	s26 =	simm.s32 $0x1;
	[dreg:$0xa] =	wrdreg s1  }
.LBB2_1:
0x16: {  	[dreg:$0x4] =	wrdreg s15  }
0x17: {  	[spmem:s1], [sflag:s8] =	dma.local [hbm:s19], $0x2800  }
0x18: {  	_ =	swait.ge [sflag:s16], $0x2800  }
0x19: {  	[sflag:s16] =	ssyncset.done $0x0  }
0x1a: {  	[sflag:s16] =	ssyncadd.s32 $0xFFFFD800  }
0x1b: {  	s0 =	simm.s32 $0x0;
	[bflag:$0x0] =	sbarrier.arrive $0xFFFF  }
.LBB2_2:
0x1c: {  	p0 =	seq.s32 s0, $0x0  }
0x1d: {  	s7 =	sshll.u32 s0, $0x7;
	s1 =	simm.s32 @!p0 $0x4  }
0x1e: {  	s7 =	sadd.s32 s9, s7;
	_ =	swait.ge @!p0 [sflag:s1], $0x4000  }
0x1f: {  	s7 =	sshrl.u32 s7, $0x3;
	[sflag:s1] =	ssyncset.done @!p0 $0x0  }
0x20: {  	s31 =	simm.s32 $0x0;
	s12 =	sadd.s32 s4, s7;
	[sflag:s1] =	ssyncadd.s32 @!p0 $0xFFFFC000  }
0x21: {  	[tilespmem:s31], [sflag:$0x5] =	stream.strided.gather [hbm4b:s12+s17], $0x500, s18, s17, $0x38;
	[tilespmem:$0x1D800] =	vst v63  }
0x22: {  	_ =	swait.ge [sflag:s16], $0x500  }
0x23: {  	[sflag:s16] =	ssyncset.done $0x0  }
0x24: {  	s3 =	simm.s32 $0x500;
	s13 =	sadd.s32 s5, s7;
	[sflag:s16] =	ssyncadd.s32 $0xFFFFFB00  }
0x25: {  	[tilespmem:s3], [sflag:$0x5] =	stream.strided.gather [hbm4b:s13+s17], $0x500, s18, s17, $0x38;
	[tilespmem:$0x1D800] =	vst v63  }
0x26: {  	_ =	swait.ge [sflag:s16], $0x500  }
0x27: {  	[sflag:s16] =	ssyncset.done $0x0  }
0x28: {  	s15 =	sadd.s32 s6, s7;
	[sflag:s16] =	ssyncadd.s32 $0xFFFFFB00  }
0x29: {  	[tilespmem:s20], [sflag:$0x5] =	stream.strided.gather [hbm4b:s15+s17], $0x500, s18, s17, $0x38;
	[tilespmem:$0x1D800] =	vst v63  }
0x2a: {  	_ =	swait.ge [sflag:s16], $0x500  }
0x2b: {  	s30 =	sshll.u32 s0, $0x8;
	[sflag:s16] =	ssyncset.done $0x0  }
0x2c: {  	s1 =	sadd.s32 s30, s10;
	[sflag:s16] =	ssyncadd.s32 $0xFFFFFB00  }
0x2d: {  	[tilespmem:s21], [sflag:$0x5] =	stream.linear.gather [hbm4b:s1+s31], $0x500, $0x38;
	[tilespmem:$0x1D800] =	vst v63  }
0x2e: {  	_ =	swait.ge [sflag:s16], $0x500  }
0x2f: {  	[sflag:s16] =	ssyncset.done $0x0  }
0x30: {  	[sflag:s16] =	ssyncadd.s32 $0xFFFFFB00  }
0x31: {  	v0 =	vld [tilespmem:$0x500]  }
0x32: {  	v1 =	vld [tilespmem:$0x0]  }
0x33: {  	v2 =	vld [tilespmem:$0x510]  }
0x34: {  	v3 =	vld [tilespmem:$0x10]  }
0x35: {  	v4 =	vld [tilespmem:$0x520]  }
0x36: {  	v5 =	vld [tilespmem:$0x20]  }
0x37: {  	v6 =	vld [tilespmem:$0x530]  }
0x38: {  	v7 =	vld [tilespmem:$0x30]  }
0x39: {  	v8 =	vld [tilespmem:$0x540]  }
0x3a: {  	v9 =	vld [tilespmem:$0x40]  }
0x3b: {  	v10 =	vld [tilespmem:$0x550]  }
0x3c: {  	v11 =	vld [tilespmem:$0x50];
	v0 =	vmul.u32 $0x2800, v0  }
0x3d: {  	v12 =	vld [tilespmem:$0x560];
	v2 =	vmul.u32 $0x2800, v2  }
0x3e: {  	v49 =	vld [tilespmem:$0x570];
	v48 =	vmul.u32 $0x2800, v4;
	v0 =	vadd.s32 v1, v0  }
0x3f: {  	v52 =	vld [tilespmem:$0x60];
	v51 =	vmul.u32 $0x2800, v6;
	v50 =	vadd.s32 v3, v2;
	[tilespmem:$0x1700] =	vst v0  }
0x40: {  	v55 =	vld [tilespmem:$0x70];
	v54 =	vmul.u32 $0x2800, v8;
	v53 =	vadd.s32 v5, v48;
	[tilespmem:$0x1710] =	vst v50  }
0x41: {  	v57 =	vmul.u32 $0x2800, v10;
	v56 =	vadd.s32 v7, v51;
	[tilespmem:$0x1720] =	vst v53  }
0x42: {  	v59 =	vmul.u32 $0x2800, v12;
	v58 =	vadd.s32 v9, v54;
	[tilespmem:$0x1730] =	vst v56  }
0x43: {  	v61 =	vmul.u32 $0x2800, v49;
	v60 =	vadd.s32 v11, v57;
	[tilespmem:$0x1740] =	vst v58  }
0x44: {  	v62 =	vadd.s32 v52, v59;
	[tilespmem:$0x1750] =	vst v60  }
0x45: {  	v63 =	vadd.s32 v55, v61;
	[tilespmem:$0x1760] =	vst v62  }
0x46: {  	s1 =	simm.s32 $0x0;
	[tilespmem:$0x1770] =	vst v63  }
0x47: {  	[tilespmem:s23], [sflag:$0x1] =	stream.indirect.gather [hbm4b:s14+s17], $0x80, s22, s17, $0xb8;
	[tilespmem:$0x1D800] =	vst v63  }
.LBB2_3:
0x48: {  	p0 =	seq.s32 s1, $0x0  }
0x49: {  	s7 =	simm.s32 @!p0 $0x4  }
0x4a: {  	_ =	swait.ge @!p0 [sflag:s7], $0x4000  }
0x4b: {  	[sflag:s7] =	ssyncset.done @!p0 $0x0  }
0x4c: {  	s12 =	sshll.u32 s1, $0x8;
	[sflag:s7] =	ssyncadd.s32 @!p0 $0xFFFFC000  }
0x4d: {  	v0 =	vld [tilespmem:s12+$0x580]  }
0x4e: {  	s11 =	sor.u32 $0x80, s12  }
0x4f: {  	v1 =	vld [tilespmem:s11+$0x0];
	_ =	sdelay $0x2  }
0x50: {  	v0 =	vmul.u32 $0x2800, v0;
	_ =	sdelay $0x1  }
0x51: {  	v0 =	vadd.s32 v1, v0  }
0x52: {  	[tilespmem:$0x1780] =	vst v0  }
0x53: {  	v0 =	vld [tilespmem:s12+$0x590]  }
0x54: {  	s8 =	sor.u32 $0x90, s12  }
0x55: {  	v1 =	vld [tilespmem:s8+$0x0];
	_ =	sdelay $0x2  }
0x56: {  	v0 =	vmul.u32 $0x2800, v0;
	_ =	sdelay $0x1  }
0x57: {  	v0 =	vadd.s32 v1, v0  }
0x58: {  	[tilespmem:$0x1790] =	vst v0  }
0x59: {  	v0 =	vld [tilespmem:s12+$0x5A0]  }
0x5a: {  	s13 =	sor.u32 $0xA0, s12  }
0x5b: {  	v1 =	vld [tilespmem:s13+$0x0];
	_ =	sdelay $0x2  }
0x5c: {  	v0 =	vmul.u32 $0x2800, v0;
	_ =	sdelay $0x1  }
0x5d: {  	v0 =	vadd.s32 v1, v0  }
0x5e: {  	[tilespmem:$0x17A0] =	vst v0  }
0x5f: {  	v0 =	vld [tilespmem:s12+$0x5B0]  }
0x60: {  	s15 =	sor.u32 $0xB0, s12  }
0x61: {  	v1 =	vld [tilespmem:s15+$0x0];
	_ =	sdelay $0x2  }
0x62: {  	v0 =	vmul.u32 $0x2800, v0;
	_ =	sdelay $0x1  }
0x63: {  	v0 =	vadd.s32 v1, v0  }
0x64: {  	[tilespmem:$0x17B0] =	vst v0  }
0x65: {  	v0 =	vld [tilespmem:s12+$0x5C0]  }
0x66: {  	s3 =	sor.u32 $0xC0, s12  }
0x67: {  	v1 =	vld [tilespmem:s3+$0x0];
	_ =	sdelay $0x2  }
0x68: {  	v0 =	vmul.u32 $0x2800, v0;
	_ =	sdelay $0x1  }
0x69: {  	v0 =	vadd.s32 v1, v0  }
0x6a: {  	[tilespmem:$0x17C0] =	vst v0  }
0x6b: {  	v0 =	vld [tilespmem:s12+$0x5D0]  }
0x6c: {  	s8 =	sor.u32 $0xD0, s12  }
0x6d: {  	v1 =	vld [tilespmem:s8+$0x0];
	_ =	sdelay $0x2  }
0x6e: {  	v0 =	vmul.u32 $0x2800, v0;
	_ =	sdelay $0x1  }
0x6f: {  	v0 =	vadd.s32 v1, v0  }
0x70: {  	[tilespmem:$0x17D0] =	vst v0  }
0x71: {  	v0 =	vld [tilespmem:s12+$0x5E0]  }
0x72: {  	s13 =	sor.u32 $0xE0, s12  }
0x73: {  	v1 =	vld [tilespmem:s13+$0x0];
	_ =	sdelay $0x2  }
0x74: {  	v0 =	vmul.u32 $0x2800, v0;
	_ =	sdelay $0x1  }
0x75: {  	v0 =	vadd.s32 v1, v0  }
0x76: {  	[tilespmem:$0x17E0] =	vst v0  }
0x77: {  	v0 =	vld [tilespmem:s12+$0x5F0]  }
0x78: {  	s15 =	sor.u32 $0xF0, s12  }
0x79: {  	v1 =	vld [tilespmem:s15+$0x0]  }
0x7a: {  	s3 =	sadd.s32 $0xFFFFFFFC, s31  }
0x7b: {  	s8 =	sadd.s32 $0x6, s3  }
0x7c: {  	v2 =	vmov s8;
	v0 =	vmul.u32 $0x2800, v0  }
0x7d: {  	v2 =	vand.u32 $0xFFFFFFFE, v2  }
0x7e: {  	v2 =	vbroadcast v2, $0x0;
	v0 =	vadd.s32 v1, v0  }
0x7f: {  	s13 =	sadd.s32 $0x4, s3;
	[tilespmem:$0x17F0] =	vst v0  }
0x80: {  	[tilespmem:s25], [sflag:$0x2] =	stream.indirect.gather [hbm4b:s14+s17], $0x80, s24, s17, $0xb8;
	[tilespmem:$0x1D800] =	vst v63  }
0x81: {  	v1 =	vmov s13;
	_ =	swait.ge [sflag:s26], $0x4000  }
0x82: {  	v0 =	vand.u32 $0xFFFFFFFC, v1;
	[sflag:s26] =	ssyncset.done $0x0  }
0x83: {  	v1 =	vbroadcast v0, $0x0;
	[sflag:s26] =	ssyncadd.s32 $0xFFFFC000  }
0x84: {  	s13 =	simm.s32 $0x1900;
	v0 =	vld.idx.msk [tilespmem:v2+s20+$0x0], $0xffff  }
0x85: {  	s15 =	sadd.s32 $0x5, s3;
	v2 =	vld [tilespmem:s13+$0x70]  }
0x86: {  	v3 =	vmov s15;
	v4 =	vld [tilespmem:s13+$0xFFFFFF00]  }
0x87: {  	v3 =	vand.u32 $0xFFFFFFFD, v3;
	v5 =	vld [tilespmem:s13+$0xFFFFFF10]  }
0x88: {  	v3 =	vbroadcast v3, $0x0;
	v6 =	vld [tilespmem:s13+$0xFFFFFF20]  }
0x89: {  	v1 =	vld.idx.msk [tilespmem:v1+s20+$0x0], $0xffff  }
0x8a: {  	v7 =	vld [tilespmem:s13+$0xFFFFFF30]  }
0x8b: {  	v8 =	vld [tilespmem:s13+$0xFFFFFF40]  }
0x8c: {  	v9 =	vld [tilespmem:s13+$0xFFFFFF50]  }
0x8d: {  	v10 =	vld [tilespmem:s13+$0xFFFFFF60];
	v2 =	vmul.f32 v2, v0  }
0x8e: {  	v3 =	vld.idx.msk [tilespmem:v3+s20+$0x0], $0xffff;
	v4 =	vmul.f32 v4, v1  }
0x8f: {  	v12 =	vld [tilespmem:s13+$0xFFFFFFD0];
	[tilespmem:s13+$0x70] =	vst v2;
	v2 =	vmul.f32 v6, v1  }
0x90: {  	[tilespmem:s13+$0xFFFFFF00] =	vst v4;
	v4 =	vmul.f32 v5, v1;
	v5 =	vld [tilespmem:s13+$0xFFFFFF70]  }
0x91: {  	s7 =	sadd.s32 $0x7, s3;
	v6 =	vld [tilespmem:s13+$0xFFFFFF80];
	[tilespmem:s13+$0xFFFFFF20] =	vst v2;
	v2 =	vmul.f32 v8, v1  }
0x92: {  	v11 =	vmov s7;
	[tilespmem:s13+$0xFFFFFF10] =	vst v4;
	v4 =	vmul.f32 v7, v1;
	v7 =	vld [tilespmem:s13+$0xFFFFFF90]  }
0x93: {  	v8 =	vld [tilespmem:s13+$0xFFFFFFA0];
	[tilespmem:s13+$0xFFFFFF40] =	vst v2;
	v2 =	vmul.f32 v10, v1  }
0x94: {  	v10 =	vld [tilespmem:s13+$0xFFFFFFC0];
	[tilespmem:s13+$0xFFFFFF30] =	vst v4;
	v4 =	vmul.f32 v9, v1  }
0x95: {  	v9 =	vld [tilespmem:s13+$0xFFFFFFB0];
	[tilespmem:s13+$0xFFFFFF60] =	vst v2;
	v5 =	vmul.f32 v5, v1  }
0x96: {  	v13 =	vld [tilespmem:s13+$0xFFFFFFE0];
	[tilespmem:s13+$0xFFFFFF50] =	vst v4;
	v4 =	vmul.f32 v6, v3  }
0x97: {  	v1 =	vld.idx.msk [tilespmem:v11+s20+$0x0], $0xffff;
	v2 =	vmul.f32 v7, v3;
	[tilespmem:s13+$0xFFFFFF70] =	vst v5  }
0x98: {  	v7 =	vld [tilespmem:s13+$0xFFFFFFF0];
	[tilespmem:s13+$0xFFFFFF80] =	vst v4;
	v4 =	vmul.f32 v8, v3  }
0x99: {  	v6 =	vld [tilespmem:s13+$0x0];
	v8 =	vmul.f32 v10, v3;
	[tilespmem:s13+$0xFFFFFF90] =	vst v2  }
0x9a: {  	v5 =	vld [tilespmem:s13+$0x10];
	v2 =	vmul.f32 v9, v3;
	[tilespmem:s13+$0xFFFFFFA0] =	vst v4  }
0x9b: {  	v9 =	vmul.f32 v12, v3;
	v4 =	vld [tilespmem:s13+$0x20];
	[tilespmem:s13+$0xFFFFFFC0] =	vst v8  }
0x9c: {  	v8 =	vmul.f32 v13, v3;
	[tilespmem:s13+$0xFFFFFFB0] =	vst v2;
	v2 =	vld [tilespmem:s13+$0x30]  }
0x9d: {  	s30 =	simm.s32 $0x0;
	s7 =	simm.s32 $0x1900;
	[tilespmem:s13+$0xFFFFFFD0] =	vst v9;
	v7 =	vmul.f32 v7, v3;
	v3 =	vld [tilespmem:s13+$0x40]  }
.LBB2_4:
0x9e: {  	s8 =	sadd.s32 s30, s31;
	s30 =	sadd.s32 $0x4, s30;
	[tilespmem:s13+$0xFFFFFFE0] =	vst v8;
	v6 =	vmul.f32 v6, v0;
	v8 =	vld [tilespmem:s13+$0x50]  }
0x9f: {  	s15 =	sadd.s32 $0x4, s8;
	s3 =	sadd.s32 $0x6, s8;
	p0 =	slt.u32 s30, $0x7C;
	[tilespmem:s13+$0xFFFFFFF0] =	vst v7;
	v5 =	vmul.f32 v5, v0;
	v7 =	vld [tilespmem:s13+$0x60]  }
0xa0: {  	v9 =	vmov s15;
	s15 =	sadd.s32 $0x5, s8;
	v10 =	vmov s3;
	s3 =	sadd.s32 $0x7, s8;
	[tilespmem:s13+$0x0] =	vst v6;
	v4 =	vmul.f32 v4, v0;
	v6 =	vld [tilespmem:s13+$0x80]  }
0xa1: {  	v9 =	vand.u32 $0xFFFFFFFC, v9;
	v11 =	vmov s15;
	v10 =	vand.u32 $0xFFFFFFFE, v10;
	[tilespmem:s13+$0x10] =	vst v5;
	v5 =	vld [tilespmem:s13+$0x90]  }
0xa2: {  	v9 =	vbroadcast v9, $0x0;
	v11 =	vand.u32 $0xFFFFFFFD, v11;
	v10 =	vbroadcast v10, $0x0;
	[tilespmem:s13+$0x20] =	vst v4;
	v4 =	vld [tilespmem:s13+$0xA0]  }
0xa3: {  	v12 =	vmov s3;
	v2 =	vmul.f32 v2, v0;
	v11 =	vbroadcast v11, $0x0;
	v13 =	vld [tilespmem:s13+$0xB0]  }
0xa4: {  	v3 =	vmul.f32 v3, v0;
	v8 =	vmul.f32 v8, v0;
	v14 =	vld [tilespmem:s13+$0xC0]  }
0xa5: {  	[tilespmem:s13+$0x30] =	vst v2;
	v2 =	vmul.f32 v7, v0;
	v6 =	vmul.f32 v6, v1;
	v7 =	vld [tilespmem:s13+$0xD0]  }
0xa6: {  	[tilespmem:s13+$0x40] =	vst v3;
	v3 =	vmul.f32 v5, v1;
	v5 =	vld [tilespmem:s13+$0xE0]  }
0xa7: {  	[tilespmem:s13+$0x50] =	vst v8;
	v4 =	vmul.f32 v4, v1;
	v8 =	vld [tilespmem:s13+$0xF0]  }
0xa8: {  	s13 =	sadd.s32 $0x200, s13;
	v0 =	vld.idx.msk [tilespmem:v10+s20+$0x0], $0xffff;
	[tilespmem:s7+$0x60] =	vst v2;
	v2 =	vmul.f32 v13, v1  }
0xa9: {  	v10 =	vld [tilespmem:s13+$0x70];
	[tilespmem:s7+$0x80] =	vst v6;
	v6 =	vmul.f32 v14, v1  }
0xaa: {  	v9 =	vld.idx.msk [tilespmem:v9+s20+$0x0], $0xffff;
	[tilespmem:s7+$0x90] =	vst v3;
	v3 =	vmul.f32 v7, v1  }
0xab: {  	v7 =	vld.idx.msk [tilespmem:v11+s20+$0x0], $0xffff;
	[tilespmem:s7+$0xA0] =	vst v4;
	v4 =	vmul.f32 v5, v1  }
0xac: {  	[tilespmem:s7+$0xB0] =	vst v2;
	v2 =	vmul.f32 v8, v1;
	v1 =	vld.idx.msk [tilespmem:v12+s20+$0x0], $0xffff  }
0xad: {  	v5 =	vld [tilespmem:s13+$0xFFFFFF00];
	[tilespmem:s7+$0xC0] =	vst v6  }
0xae: {  	v6 =	vld [tilespmem:s13+$0xFFFFFF10];
	v8 =	vmul.f32 v10, v0;
	[tilespmem:s7+$0xD0] =	vst v3  }
0xaf: {  	v3 =	vld [tilespmem:s13+$0xFFFFFF20];
	[tilespmem:s7+$0xE0] =	vst v4  }
0xb0: {  	v4 =	vld [tilespmem:s13+$0xFFFFFF30];
	[tilespmem:s13+$0x70] =	vst v8  }
0xb1: {  	v8 =	vld [tilespmem:s13+$0xFFFFFF40];
	[tilespmem:s7+$0xF0] =	vst v2;
	s7 =	smov.u32 s13  }
0xb2: {  	v2 =	vmul.f32 v5, v9;
	v5 =	vld [tilespmem:s13+$0xFFFFFF50]  }
0xb3: {  	v6 =	vmul.f32 v6, v9;
	v10 =	vld [tilespmem:s13+$0xFFFFFF60]  }
0xb4: {  	[tilespmem:s13+$0xFFFFFF00] =	vst v2;
	v2 =	vmul.f32 v3, v9;
	v3 =	vld [tilespmem:s13+$0xFFFFFF70]  }
0xb5: {  	[tilespmem:s13+$0xFFFFFF10] =	vst v6;
	v4 =	vmul.f32 v4, v9;
	v6 =	vld [tilespmem:s13+$0xFFFFFF80]  }
0xb6: {  	[tilespmem:s13+$0xFFFFFF20] =	vst v2;
	v2 =	vmul.f32 v8, v9;
	v8 =	vld [tilespmem:s13+$0xFFFFFF90]  }
0xb7: {  	[tilespmem:s13+$0xFFFFFF30] =	vst v4;
	v4 =	vmul.f32 v5, v9;
	v5 =	vld [tilespmem:s13+$0xFFFFFFA0]  }
0xb8: {  	[tilespmem:s13+$0xFFFFFF40] =	vst v2;
	v2 =	vmul.f32 v10, v9;
	v10 =	vld [tilespmem:s13+$0xFFFFFFB0]  }
0xb9: {  	[tilespmem:s13+$0xFFFFFF50] =	vst v4;
	v3 =	vmul.f32 v3, v9;
	v4 =	vld [tilespmem:s13+$0xFFFFFFC0]  }
0xba: {  	[tilespmem:s13+$0xFFFFFF60] =	vst v2;
	v2 =	vmul.f32 v6, v7;
	v9 =	vld [tilespmem:s13+$0xFFFFFFD0]  }
0xbb: {  	[tilespmem:s13+$0xFFFFFF70] =	vst v3;
	v3 =	vmul.f32 v8, v7;
	v8 =	vld [tilespmem:s13+$0xFFFFFFE0]  }
0xbc: {  	[tilespmem:s13+$0xFFFFFF80] =	vst v2;
	v2 =	vmul.f32 v5, v7;
	v11 =	vld [tilespmem:s13+$0xFFFFFFF0]  }
.Ltmp0:
0xbd: {  	[tilespmem:s13+$0xFFFFFF90] =	vst v3;
	v3 =	vmul.f32 v10, v7;
	v6 =	vld [tilespmem:s13+$0x0];
	(pc) =	sbr.rel @p0 .LBB2_4-.Ltmp0, $4  }
0xbe: {  	[tilespmem:s13+$0xFFFFFFA0] =	vst v2;
	v2 =	vmul.f32 v4, v7;
	v5 =	vld [tilespmem:s13+$0x10]  }
0xbf: {  	[tilespmem:s13+$0xFFFFFFB0] =	vst v3;
	v3 =	vmul.f32 v9, v7;
	v4 =	vld [tilespmem:s13+$0x20]  }
0xc0: {  	[tilespmem:s13+$0xFFFFFFC0] =	vst v2;
	v8 =	vmul.f32 v8, v7;
	v2 =	vld [tilespmem:s13+$0x30]  }
0xc1: {  	[tilespmem:s13+$0xFFFFFFD0] =	vst v3;
	v7 =	vmul.f32 v11, v7;
	v3 =	vld [tilespmem:s13+$0x40]  }
0xc2: {  	v9 =	vld [tilespmem:s13+$0x50];
	[tilespmem:s13+$0xFFFFFFE0] =	vst v8;
	v6 =	vmul.f32 v6, v0  }
0xc3: {  	v8 =	vld [tilespmem:s13+$0x60];
	[tilespmem:s13+$0xFFFFFFF0] =	vst v7;
	v5 =	vmul.f32 v5, v0  }
0xc4: {  	v7 =	vld [tilespmem:s13+$0x80];
	[tilespmem:s13+$0x0] =	vst v6;
	v4 =	vmul.f32 v4, v0  }
0xc5: {  	v6 =	vld [tilespmem:s13+$0x90];
	[tilespmem:s13+$0x10] =	vst v5;
	v2 =	vmul.f32 v2, v0  }
0xc6: {  	v5 =	vld [tilespmem:s13+$0xA0];
	[tilespmem:s13+$0x20] =	vst v4;
	v3 =	vmul.f32 v3, v0  }
0xc7: {  	v4 =	vld [tilespmem:s13+$0xB0];
	v9 =	vmul.f32 v9, v0;
	[tilespmem:s13+$0x30] =	vst v2  }
0xc8: {  	v10 =	vld [tilespmem:s13+$0xC0];
	v0 =	vmul.f32 v8, v0;
	[tilespmem:s13+$0x40] =	vst v3  }
0xc9: {  	v2 =	vld [tilespmem:s13+$0xD0];
	v3 =	vmul.f32 v7, v1;
	[tilespmem:s13+$0x50] =	vst v9  }
0xca: {  	v7 =	vld [tilespmem:s13+$0xE0];
	v6 =	vmul.f32 v6, v1;
	[tilespmem:s7+$0x60] =	vst v0  }
0xcb: {  	v8 =	vld [tilespmem:s13+$0xF0];
	v0 =	vmul.f32 v5, v1;
	[tilespmem:s7+$0x80] =	vst v3  }
0xcc: {  	v3 =	vmul.f32 v4, v1;
	[tilespmem:s7+$0x90] =	vst v6  }
0xcd: {  	v4 =	vmul.f32 v10, v1;
	[tilespmem:s7+$0xA0] =	vst v0  }
0xce: {  	v0 =	vmul.f32 v2, v1;
	[tilespmem:s7+$0xB0] =	vst v3  }
0xcf: {  	v2 =	vmul.f32 v7, v1;
	[tilespmem:s7+$0xC0] =	vst v4  }
0xd0: {  	v1 =	vmul.f32 v8, v1;
	[tilespmem:s7+$0xD0] =	vst v0  }
0xd1: {  	s3 =	sand.u32 $0x3FFFFF00, s12;
	[tilespmem:s7+$0xE0] =	vst v2  }
0xd2: {  	s3 =	sadd.s32 $0xF00, s3;
	[tilespmem:s7+$0xF0] =	vst v1  }
0xd3: {  	[spmem:s2] =	stream.indirect.scatter.add.f32 [tilespmem:s23], [sflag:$0x3], $0x80, s3, s17, $0xb8;
	[tilespmem:$0x1D800] =	vst v63  }
0xd4: {  	_ =	swait.ge [sflag:s28], $0x4000  }
0xd5: {  	[sflag:s28] =	ssyncset.done $0x0  }
0xd6: {  	p0 =	seq.s32 s1, $0x4;
	[sflag:s28] =	ssyncadd.s32 $0xFFFFC000  }
0xd7: {  	v0 =	vld @!p0 [tilespmem:s12+$0x600];
	_ =	sdelay $0x1  }
0xd8: {  	v1 =	vld @!p0 [tilespmem:s12+$0x100];
	_ =	sdelay $0x2  }
0xd9: {  	v0 =	vmul.u32 @!p0 $0x2800, v0;
	_ =	sdelay $0x1  }
0xda: {  	v0 =	vadd.s32 @!p0 v1, v0  }
0xdb: {  	[tilespmem:$0x1700] =	vst @!p0 v0  }
0xdc: {  	v0 =	vld @!p0 [tilespmem:s12+$0x610];
	_ =	sdelay $0x1  }
0xdd: {  	v1 =	vld @!p0 [tilespmem:s12+$0x110];
	_ =	sdelay $0x2  }
0xde: {  	v0 =	vmul.u32 @!p0 $0x2800, v0;
	_ =	sdelay $0x1  }
0xdf: {  	v0 =	vadd.s32 @!p0 v1, v0  }
0xe0: {  	[tilespmem:$0x1710] =	vst @!p0 v0  }
0xe1: {  	v0 =	vld @!p0 [tilespmem:s12+$0x620];
	_ =	sdelay $0x1  }
0xe2: {  	v1 =	vld @!p0 [tilespmem:s12+$0x120];
	_ =	sdelay $0x2  }
0xe3: {  	v0 =	vmul.u32 @!p0 $0x2800, v0;
	_ =	sdelay $0x1  }
0xe4: {  	v0 =	vadd.s32 @!p0 v1, v0  }
0xe5: {  	[tilespmem:$0x1720] =	vst @!p0 v0  }
0xe6: {  	v0 =	vld @!p0 [tilespmem:s12+$0x630];
	_ =	sdelay $0x1  }
0xe7: {  	v1 =	vld @!p0 [tilespmem:s12+$0x130];
	_ =	sdelay $0x2  }
0xe8: {  	v0 =	vmul.u32 @!p0 $0x2800, v0;
	_ =	sdelay $0x1  }
0xe9: {  	v0 =	vadd.s32 @!p0 v1, v0  }
0xea: {  	[tilespmem:$0x1730] =	vst @!p0 v0  }
0xeb: {  	v0 =	vld @!p0 [tilespmem:s12+$0x640];
	_ =	sdelay $0x1  }
0xec: {  	v1 =	vld @!p0 [tilespmem:s12+$0x140];
	_ =	sdelay $0x2  }
0xed: {  	v0 =	vmul.u32 @!p0 $0x2800, v0;
	_ =	sdelay $0x1  }
0xee: {  	v0 =	vadd.s32 @!p0 v1, v0  }
0xef: {  	[tilespmem:$0x1740] =	vst @!p0 v0  }
0xf0: {  	v0 =	vld @!p0 [tilespmem:s12+$0x650];
	_ =	sdelay $0x1  }
0xf1: {  	v1 =	vld @!p0 [tilespmem:s12+$0x150];
	_ =	sdelay $0x2  }
0xf2: {  	v0 =	vmul.u32 @!p0 $0x2800, v0;
	_ =	sdelay $0x1  }
0xf3: {  	v0 =	vadd.s32 @!p0 v1, v0  }
0xf4: {  	[tilespmem:$0x1750] =	vst @!p0 v0  }
0xf5: {  	v0 =	vld @!p0 [tilespmem:s12+$0x660];
	_ =	sdelay $0x1  }
0xf6: {  	v1 =	vld @!p0 [tilespmem:s12+$0x160];
	_ =	sdelay $0x2  }
0xf7: {  	v0 =	vmul.u32 @!p0 $0x2800, v0;
	_ =	sdelay $0x1  }
0xf8: {  	v0 =	vadd.s32 @!p0 v1, v0  }
0xf9: {  	[tilespmem:$0x1760] =	vst @!p0 v0  }
0xfa: {  	v0 =	vld @!p0 [tilespmem:s12+$0x670];
	_ =	sdelay $0x1  }
0xfb: {  	v1 =	vld @!p0 [tilespmem:s12+$0x170]  }
0xfc: {  	s3 =	sadd.s32 $0xFFFFFFFC, s31  }
0xfd: {  	s13 =	sadd.s32 $0x86, s3  }
0xfe: {  	v2 =	vmov s13;
	v0 =	vmul.u32 @!p0 $0x2800, v0  }
0xff: {  	v2 =	vand.u32 $0xFFFFFFFE, v2  }
0x100: {  	s8 =	simm.s32 @!p0 $0x1700;
	v2 =	vbroadcast v2, $0x0;
	v0 =	vadd.s32 @!p0 v1, v0  }
0x101: {  	s7 =	simm.s32 @!p0 $0x80;
	s15 =	sadd.s32 $0x84, s3;
	s12 =	simm.s32 @!p0 $0x1800;
	[tilespmem:$0x1770] =	vst @!p0 v0  }
0x102: {  	[tilespmem:s12], [sflag:$0x1] =	stream.indirect.gather @!p0 [hbm4b:s14+s7], $0x80, s8, s7, $0xb8;
	[tilespmem:$0x1D800] =	vst v63  }
0x103: {  	v1 =	vmov s15;
	_ =	swait.ge [sflag:s29], $0x4000  }
0x104: {  	v0 =	vand.u32 $0xFFFFFFFC, v1;
	[sflag:s29] =	ssyncset.done $0x0  }
0x105: {  	v1 =	vbroadcast v0, $0x0;
	[sflag:s29] =	ssyncadd.s32 $0xFFFFC000  }
0x106: {  	s12 =	simm.s32 $0x5900;
	v0 =	vld.idx.msk [tilespmem:v2+s20+$0x0], $0xffff  }
0x107: {  	s30 =	sadd.s32 $0x85, s3;
	v2 =	vld [tilespmem:s12+$0x70]  }
0x108: {  	v3 =	vmov s30;
	v4 =	vld [tilespmem:s12+$0xFFFFFF00]  }
0x109: {  	v3 =	vand.u32 $0xFFFFFFFD, v3;
	v5 =	vld [tilespmem:s12+$0xFFFFFF10]  }
0x10a: {  	v3 =	vbroadcast v3, $0x0;
	v6 =	vld [tilespmem:s12+$0xFFFFFF20]  }
0x10b: {  	v1 =	vld.idx.msk [tilespmem:v1+s20+$0x0], $0xffff  }
0x10c: {  	v7 =	vld [tilespmem:s12+$0xFFFFFF30]  }
0x10d: {  	v8 =	vld [tilespmem:s12+$0xFFFFFF40]  }
0x10e: {  	v9 =	vld [tilespmem:s12+$0xFFFFFF50]  }
0x10f: {  	v10 =	vld [tilespmem:s12+$0xFFFFFF60];
	v2 =	vmul.f32 v2, v0  }
0x110: {  	v3 =	vld.idx.msk [tilespmem:v3+s20+$0x0], $0xffff;
	v4 =	vmul.f32 v4, v1  }
0x111: {  	v12 =	vld [tilespmem:s12+$0xFFFFFFD0];
	[tilespmem:s12+$0x70] =	vst v2;
	v2 =	vmul.f32 v6, v1  }
0x112: {  	[tilespmem:s12+$0xFFFFFF00] =	vst v4;
	v4 =	vmul.f32 v5, v1;
	v5 =	vld [tilespmem:s12+$0xFFFFFF70]  }
0x113: {  	s3 =	sadd.s32 $0x87, s3;
	v6 =	vld [tilespmem:s12+$0xFFFFFF80];
	[tilespmem:s12+$0xFFFFFF20] =	vst v2;
	v2 =	vmul.f32 v8, v1  }
0x114: {  	v11 =	vmov s3;
	[tilespmem:s12+$0xFFFFFF10] =	vst v4;
	v4 =	vmul.f32 v7, v1;
	v7 =	vld [tilespmem:s12+$0xFFFFFF90]  }
0x115: {  	v8 =	vld [tilespmem:s12+$0xFFFFFFA0];
	[tilespmem:s12+$0xFFFFFF40] =	vst v2;
	v2 =	vmul.f32 v10, v1  }
0x116: {  	v10 =	vld [tilespmem:s12+$0xFFFFFFC0];
	[tilespmem:s12+$0xFFFFFF30] =	vst v4;
	v4 =	vmul.f32 v9, v1  }
0x117: {  	v9 =	vld [tilespmem:s12+$0xFFFFFFB0];
	[tilespmem:s12+$0xFFFFFF60] =	vst v2;
	v5 =	vmul.f32 v5, v1  }
0x118: {  	v13 =	vld [tilespmem:s12+$0xFFFFFFE0];
	[tilespmem:s12+$0xFFFFFF50] =	vst v4;
	v4 =	vmul.f32 v6, v3  }
0x119: {  	v1 =	vld.idx.msk [tilespmem:v11+s20+$0x0], $0xffff;
	v2 =	vmul.f32 v7, v3;
	[tilespmem:s12+$0xFFFFFF70] =	vst v5  }
0x11a: {  	v7 =	vld [tilespmem:s12+$0xFFFFFFF0];
	[tilespmem:s12+$0xFFFFFF80] =	vst v4;
	v4 =	vmul.f32 v8, v3  }
0x11b: {  	v6 =	vld [tilespmem:s12+$0x0];
	v8 =	vmul.f32 v10, v3;
	[tilespmem:s12+$0xFFFFFF90] =	vst v2  }
0x11c: {  	v5 =	vld [tilespmem:s12+$0x10];
	v2 =	vmul.f32 v9, v3;
	[tilespmem:s12+$0xFFFFFFA0] =	vst v4  }
0x11d: {  	v9 =	vmul.f32 v12, v3;
	v4 =	vld [tilespmem:s12+$0x20];
	[tilespmem:s12+$0xFFFFFFC0] =	vst v8  }
0x11e: {  	v8 =	vmul.f32 v13, v3;
	[tilespmem:s12+$0xFFFFFFB0] =	vst v2;
	v2 =	vld [tilespmem:s12+$0x30]  }
0x11f: {  	s13 =	simm.s32 $0x0;
	s7 =	simm.s32 $0x5900;
	[tilespmem:s12+$0xFFFFFFD0] =	vst v9;
	v7 =	vmul.f32 v7, v3;
	v3 =	vld [tilespmem:s12+$0x40]  }
.LBB2_6:
0x120: {  	s3 =	sadd.s32 s13, s31;
	s13 =	sadd.s32 $0x4, s13;
	[tilespmem:s12+$0xFFFFFFE0] =	vst v8;
	v6 =	vmul.f32 v6, v0;
	v8 =	vld [tilespmem:s12+$0x50]  }
0x121: {  	s8 =	sadd.s32 $0x84, s3;
	s15 =	sadd.s32 $0x86, s3;
	p0 =	slt.u32 s13, $0x7C;
	[tilespmem:s12+$0xFFFFFFF0] =	vst v7;
	v5 =	vmul.f32 v5, v0;
	v7 =	vld [tilespmem:s12+$0x60]  }
0x122: {  	v9 =	vmov s8;
	s8 =	sadd.s32 $0x85, s3;
	v10 =	vmov s15;
	s3 =	sadd.s32 $0x87, s3;
	[tilespmem:s12+$0x0] =	vst v6;
	v4 =	vmul.f32 v4, v0;
	v6 =	vld [tilespmem:s12+$0x80]  }
0x123: {  	v9 =	vand.u32 $0xFFFFFFFC, v9;
	v11 =	vmov s8;
	v10 =	vand.u32 $0xFFFFFFFE, v10;
	[tilespmem:s12+$0x10] =	vst v5;
	v5 =	vld [tilespmem:s12+$0x90]  }
0x124: {  	v9 =	vbroadcast v9, $0x0;
	v11 =	vand.u32 $0xFFFFFFFD, v11;
	v10 =	vbroadcast v10, $0x0;
	[tilespmem:s12+$0x20] =	vst v4;
	v4 =	vld [tilespmem:s12+$0xA0]  }
0x125: {  	v12 =	vmov s3;
	v2 =	vmul.f32 v2, v0;
	v11 =	vbroadcast v11, $0x0;
	v13 =	vld [tilespmem:s12+$0xB0]  }
0x126: {  	v3 =	vmul.f32 v3, v0;
	v8 =	vmul.f32 v8, v0;
	v14 =	vld [tilespmem:s12+$0xC0]  }
0x127: {  	[tilespmem:s12+$0x30] =	vst v2;
	v2 =	vmul.f32 v7, v0;
	v6 =	vmul.f32 v6, v1;
	v7 =	vld [tilespmem:s12+$0xD0]  }
0x128: {  	[tilespmem:s12+$0x40] =	vst v3;
	v3 =	vmul.f32 v5, v1;
	v5 =	vld [tilespmem:s12+$0xE0]  }
0x129: {  	[tilespmem:s12+$0x50] =	vst v8;
	v4 =	vmul.f32 v4, v1;
	v8 =	vld [tilespmem:s12+$0xF0]  }
0x12a: {  	s12 =	sadd.s32 $0x200, s12;
	v0 =	vld.idx.msk [tilespmem:v10+s20+$0x0], $0xffff;
	[tilespmem:s7+$0x60] =	vst v2;
	v2 =	vmul.f32 v13, v1  }
0x12b: {  	v10 =	vld [tilespmem:s12+$0x70];
	[tilespmem:s7+$0x80] =	vst v6;
	v6 =	vmul.f32 v14, v1  }
0x12c: {  	v9 =	vld.idx.msk [tilespmem:v9+s20+$0x0], $0xffff;
	[tilespmem:s7+$0x90] =	vst v3;
	v3 =	vmul.f32 v7, v1  }
0x12d: {  	v7 =	vld.idx.msk [tilespmem:v11+s20+$0x0], $0xffff;
	[tilespmem:s7+$0xA0] =	vst v4;
	v4 =	vmul.f32 v5, v1  }
0x12e: {  	[tilespmem:s7+$0xB0] =	vst v2;
	v2 =	vmul.f32 v8, v1;
	v1 =	vld.idx.msk [tilespmem:v12+s20+$0x0], $0xffff  }
0x12f: {  	v5 =	vld [tilespmem:s12+$0xFFFFFF00];
	[tilespmem:s7+$0xC0] =	vst v6  }
0x130: {  	v6 =	vld [tilespmem:s12+$0xFFFFFF10];
	v8 =	vmul.f32 v10, v0;
	[tilespmem:s7+$0xD0] =	vst v3  }
0x131: {  	v3 =	vld [tilespmem:s12+$0xFFFFFF20];
	[tilespmem:s7+$0xE0] =	vst v4  }
0x132: {  	v4 =	vld [tilespmem:s12+$0xFFFFFF30];
	[tilespmem:s12+$0x70] =	vst v8  }
0x133: {  	v8 =	vld [tilespmem:s12+$0xFFFFFF40];
	[tilespmem:s7+$0xF0] =	vst v2;
	s7 =	smov.u32 s12  }
0x134: {  	v2 =	vmul.f32 v5, v9;
	v5 =	vld [tilespmem:s12+$0xFFFFFF50]  }
0x135: {  	v6 =	vmul.f32 v6, v9;
	v10 =	vld [tilespmem:s12+$0xFFFFFF60]  }
0x136: {  	[tilespmem:s12+$0xFFFFFF00] =	vst v2;
	v2 =	vmul.f32 v3, v9;
	v3 =	vld [tilespmem:s12+$0xFFFFFF70]  }
0x137: {  	[tilespmem:s12+$0xFFFFFF10] =	vst v6;
	v4 =	vmul.f32 v4, v9;
	v6 =	vld [tilespmem:s12+$0xFFFFFF80]  }
0x138: {  	[tilespmem:s12+$0xFFFFFF20] =	vst v2;
	v2 =	vmul.f32 v8, v9;
	v8 =	vld [tilespmem:s12+$0xFFFFFF90]  }
0x139: {  	[tilespmem:s12+$0xFFFFFF30] =	vst v4;
	v4 =	vmul.f32 v5, v9;
	v5 =	vld [tilespmem:s12+$0xFFFFFFA0]  }
0x13a: {  	[tilespmem:s12+$0xFFFFFF40] =	vst v2;
	v2 =	vmul.f32 v10, v9;
	v10 =	vld [tilespmem:s12+$0xFFFFFFB0]  }
0x13b: {  	[tilespmem:s12+$0xFFFFFF50] =	vst v4;
	v3 =	vmul.f32 v3, v9;
	v4 =	vld [tilespmem:s12+$0xFFFFFFC0]  }
0x13c: {  	[tilespmem:s12+$0xFFFFFF60] =	vst v2;
	v2 =	vmul.f32 v6, v7;
	v9 =	vld [tilespmem:s12+$0xFFFFFFD0]  }
0x13d: {  	[tilespmem:s12+$0xFFFFFF70] =	vst v3;
	v3 =	vmul.f32 v8, v7;
	v8 =	vld [tilespmem:s12+$0xFFFFFFE0]  }
0x13e: {  	[tilespmem:s12+$0xFFFFFF80] =	vst v2;
	v2 =	vmul.f32 v5, v7;
	v11 =	vld [tilespmem:s12+$0xFFFFFFF0]  }
.Ltmp1:
0x13f: {  	[tilespmem:s12+$0xFFFFFF90] =	vst v3;
	v3 =	vmul.f32 v10, v7;
	v6 =	vld [tilespmem:s12+$0x0];
	(pc) =	sbr.rel @p0 .LBB2_6-.Ltmp1, $4  }
0x140: {  	[tilespmem:s12+$0xFFFFFFA0] =	vst v2;
	v2 =	vmul.f32 v4, v7;
	v5 =	vld [tilespmem:s12+$0x10]  }
0x141: {  	[tilespmem:s12+$0xFFFFFFB0] =	vst v3;
	v3 =	vmul.f32 v9, v7;
	v4 =	vld [tilespmem:s12+$0x20]  }
0x142: {  	[tilespmem:s12+$0xFFFFFFC0] =	vst v2;
	v8 =	vmul.f32 v8, v7;
	v2 =	vld [tilespmem:s12+$0x30]  }
0x143: {  	[tilespmem:s12+$0xFFFFFFD0] =	vst v3;
	v7 =	vmul.f32 v11, v7;
	v3 =	vld [tilespmem:s12+$0x40]  }
0x144: {  	v9 =	vld [tilespmem:s12+$0x50];
	[tilespmem:s12+$0xFFFFFFE0] =	vst v8;
	v6 =	vmul.f32 v6, v0  }
0x145: {  	v49 =	vld [tilespmem:s12+$0x80];
	[tilespmem:s12+$0xFFFFFFF0] =	vst v7;
	v5 =	vmul.f32 v5, v0  }
0x146: {  	v50 =	vld [tilespmem:s12+$0x90];
	[tilespmem:s12+$0x0] =	vst v6;
	v4 =	vmul.f32 v4, v0  }
0x147: {  	v51 =	vld [tilespmem:s12+$0xA0];
	[tilespmem:s12+$0x10] =	vst v5;
	v2 =	vmul.f32 v2, v0  }
0x148: {  	v52 =	vld [tilespmem:s12+$0xB0];
	[tilespmem:s12+$0x20] =	vst v4;
	v3 =	vmul.f32 v3, v0  }
0x149: {  	v10 =	vld [tilespmem:s12+$0xC0];
	v9 =	vmul.f32 v9, v0;
	[tilespmem:s12+$0x30] =	vst v2  }
0x14a: {  	v54 =	vld [tilespmem:s12+$0xD0];
	v55 =	vmul.f32 v49, v1;
	[tilespmem:s12+$0x40] =	vst v3  }
0x14b: {  	v56 =	vld [tilespmem:s12+$0xE0];
	v6 =	vmul.f32 v50, v1;
	[tilespmem:s12+$0x50] =	vst v9  }
0x14c: {  	v57 =	vld [tilespmem:s12+$0xF0];
	v58 =	vmul.f32 v51, v1;
	[tilespmem:s7+$0x80] =	vst v55  }
0x14d: {  	v48 =	vld [tilespmem:s12+$0x60];
	v59 =	vmul.f32 v52, v1;
	[tilespmem:s7+$0x90] =	vst v6  }
0x14e: {  	v60 =	vmul.f32 v10, v1;
	[tilespmem:s7+$0xA0] =	vst v58  }
0x14f: {  	s1 =	sadd.s32 $0x1, s1;
	v61 =	vmul.f32 v54, v1;
	[tilespmem:s7+$0xB0] =	vst v59  }
0x150: {  	p0 =	sne.s32 s1, $0x5;
	v62 =	vmul.f32 v56, v1;
	[tilespmem:s7+$0xC0] =	vst v60  }
.Ltmp2:
0x151: {  	v63 =	vmul.f32 v57, v1;
	[tilespmem:s7+$0xD0] =	vst v61;
	(pc) =	sbr.rel @p0 .LBB2_3-.Ltmp2, $4  }
0x152: {  	v53 =	vmul.f32 v48, v0;
	[tilespmem:s7+$0xE0] =	vst v62  }
0x153: {  	[tilespmem:s7+$0xF0] =	vst v63  }
0x154: {  	s3 =	sadd.s32 $0xF00, s11;
	s31 =	sadd.s32 $0x100, s31;
	[tilespmem:s7+$0x60] =	vst v53  }
0x155: {  	[spmem:s2] =	stream.indirect.scatter.add.f32 [tilespmem:s25], [sflag:$0x4], $0x80, s3, s17, $0xb8;
	[tilespmem:$0x1D800] =	vst v63  }
0x156: {  	s0 =	sadd.s32 $0x1, s0  }
0x157: {  	p0 =	sne.s32 s0, $0x8  }
.Ltmp3:
0x158: {  	_ = 	snop;
	(pc) =	sbr.rel @p0 .LBB2_2-.Ltmp3, $1  }
0x159: {  	_ =	sdelay $0x3  }
0x15a: {  	s0 =	simm.s32 $0x4  }
0x15b: {  	_ =	swait.ge [sflag:s0], $0x4000  }
0x15c: {  	[sflag:s0] =	ssyncset.done $0x0  }
0x15d: {  	[sflag:s0] =	ssyncadd.s32 $0xFFFFC000  }
0x15e: {  	[bflag:$0x0] =	sbarrier.arrive $0xFFFF  }
0x15f: {  	s30 =	rddreg [dreg:$0x6]  }
0x160: {  	s1 =	rddreg [dreg:$0x7]  }
0x161: {  	s3 =	rddreg [dreg:$0xa]  }
0x162: {  	[hbm:s1], [sflag:s30] =	dma.local [spmem:s3], $0x2800  }
0x163: {  	_ =	swait.ge [sflag:s16], $0x2800  }
0x164: {  	[sflag:s16] =	ssyncset.done $0x0  }
0x165: {  	[sflag:s16] =	ssyncadd.s32 $0xFFFFD800  }
0x166: {  	[bflag:$0x0] =	sbarrier.arrive $0xFFFF  }
0x167: {  	[spmem:s3], [sflag:s30] =	dma.local [hbm:s19], $0x2800  }
0x168: {  	_ =	swait.ge [sflag:s16], $0x2800  }
0x169: {  	[sflag:s16] =	ssyncset.done $0x0  }
0x16a: {  	[sflag:s16] =	ssyncadd.s32 $0xFFFFD800  }
0x16b: {  	s31 =	simm.s32 $0x0;
	s0 =	simm.s32 $0x0;
	[bflag:$0x0] =	sbarrier.arrive $0xFFFF  }
.LBB2_10:
0x16c: {  	p0 =	seq.s32 s0, $0x0  }
0x16d: {  	s3 =	sshll.u32 s0, $0x7;
	s1 =	simm.s32 @!p0 $0x4  }
0x16e: {  	s3 =	sadd.s32 s9, s3;
	_ =	swait.ge @!p0 [sflag:s1], $0x4000  }
0x16f: {  	s3 =	sshrl.u32 s3, $0x3;
	[sflag:s1] =	ssyncset.done @!p0 $0x0  }
0x170: {  	s13 =	sadd.s32 s4, s3;
	[sflag:s1] =	ssyncadd.s32 @!p0 $0xFFFFC000  }
0x171: {  	[tilespmem:s31], [sflag:$0x5] =	stream.strided.gather [hbm4b:s13+s17], $0x500, s18, s17, $0x38;
	[tilespmem:$0x1D800] =	vst v63  }
0x172: {  	_ =	swait.ge [sflag:s16], $0x500  }
0x173: {  	[sflag:s16] =	ssyncset.done $0x0  }
0x174: {  	s7 =	simm.s32 $0x500;
	s15 =	sadd.s32 s5, s3;
	[sflag:s16] =	ssyncadd.s32 $0xFFFFFB00  }
0x175: {  	[tilespmem:s7], [sflag:$0x5] =	stream.strided.gather [hbm4b:s15+s17], $0x500, s18, s17, $0x38;
	[tilespmem:$0x1D800] =	vst v63  }
0x176: {  	_ =	swait.ge [sflag:s16], $0x500  }
0x177: {  	[sflag:s16] =	ssyncset.done $0x0  }
0x178: {  	s19 =	sadd.s32 s6, s3;
	[sflag:s16] =	ssyncadd.s32 $0xFFFFFB00  }
0x179: {  	[tilespmem:s20], [sflag:$0x5] =	stream.strided.gather [hbm4b:s19+s17], $0x500, s18, s17, $0x38;
	[tilespmem:$0x1D800] =	vst v63  }
0x17a: {  	_ =	swait.ge [sflag:s16], $0x500  }
0x17b: {  	s30 =	sshll.u32 s0, $0x8;
	[sflag:s16] =	ssyncset.done $0x0  }
0x17c: {  	s1 =	sadd.s32 s30, s10;
	[sflag:s16] =	ssyncadd.s32 $0xFFFFFB00  }
0x17d: {  	[tilespmem:s21], [sflag:$0x5] =	stream.linear.gather [hbm4b:s1+s31], $0x500, $0x38;
	[tilespmem:$0x1D800] =	vst v63  }
0x17e: {  	_ =	swait.ge [sflag:s16], $0x500  }
0x17f: {  	[sflag:s16] =	ssyncset.done $0x0  }
0x180: {  	[sflag:s16] =	ssyncadd.s32 $0xFFFFFB00  }
0x181: {  	v0 =	vld [tilespmem:$0x500]  }
0x182: {  	v1 =	vld [tilespmem:$0x0]  }
0x183: {  	v2 =	vld [tilespmem:$0x510]  }
0x184: {  	v3 =	vld [tilespmem:$0x10]  }
0x185: {  	v4 =	vld [tilespmem:$0x520]  }
0x186: {  	v5 =	vld [tilespmem:$0x20]  }
0x187: {  	v6 =	vld [tilespmem:$0x530]  }
0x188: {  	v7 =	vld [tilespmem:$0x30]  }
0x189: {  	v8 =	vld [tilespmem:$0x540]  }
0x18a: {  	v9 =	vld [tilespmem:$0x40]  }
0x18b: {  	v10 =	vld [tilespmem:$0x550]  }
0x18c: {  	v11 =	vld [tilespmem:$0x50];
	v0 =	vmul.u32 $0x2800, v0  }
0x18d: {  	v12 =	vld [tilespmem:$0x560];
	v2 =	vmul.u32 $0x2800, v2  }
0x18e: {  	v50 =	vld [tilespmem:$0x570];
	v49 =	vmul.u32 $0x2800, v4;
	v0 =	vadd.s32 v1, v0  }
0x18f: {  	v52 =	vld [tilespmem:$0x60];
	v51 =	vmul.u32 $0x2800, v6;
	v2 =	vadd.s32 v3, v2;
	v0 =	vadd.s32 $0x2A800, v0  }
0x190: {  	v55 =	vld [tilespmem:$0x70];
	v54 =	vmul.u32 $0x2800, v8;
	v1 =	vadd.s32 v5, v49;
	v53 =	vadd.s32 $0x2A800, v2;
	[tilespmem:$0x1700] =	vst v0  }
0x191: {  	v57 =	vmul.u32 $0x2800, v10;
	v56 =	vadd.s32 v7, v51;
	v1 =	vadd.s32 $0x2A800, v1;
	[tilespmem:$0x1710] =	vst v53  }
0x192: {  	v59 =	vmul.u32 $0x2800, v12;
	v58 =	vadd.s32 v9, v54;
	[tilespmem:$0x1720] =	vst v1;
	v0 =	vadd.s32 $0x2A800, v56  }
0x193: {  	v61 =	vmul.u32 $0x2800, v50;
	v60 =	vadd.s32 v11, v57;
	v1 =	vadd.s32 $0x2A800, v58;
	[tilespmem:$0x1730] =	vst v0  }
0x194: {  	v62 =	vadd.s32 v52, v59;
	[tilespmem:$0x1740] =	vst v1;
	v0 =	vadd.s32 $0x2A800, v60  }
0x195: {  	v63 =	vadd.s32 v55, v61;
	v1 =	vadd.s32 $0x2A800, v62;
	[tilespmem:$0x1750] =	vst v0  }
0x196: {  	[tilespmem:$0x1760] =	vst v1;
	v0 =	vadd.s32 $0x2A800, v63  }
0x197: {  	s11 =	simm.s32 $0x0;
	s1 =	simm.s32 $0x0;
	[tilespmem:$0x1770] =	vst v0  }
0x198: {  	[tilespmem:s23], [sflag:$0x1] =	stream.indirect.gather [hbm4b:s14+s17], $0x80, s22, s17, $0xb8;
	[tilespmem:$0x1D800] =	vst v63  }
.LBB2_11:
0x199: {  	p0 =	seq.s32 s11, $0x0  }
0x19a: {  	s3 =	simm.s32 @!p0 $0x4  }
0x19b: {  	_ =	swait.ge @!p0 [sflag:s3], $0x4000  }
0x19c: {  	[sflag:s3] =	ssyncset.done @!p0 $0x0  }
0x19d: {  	s13 =	sshll.u32 s11, $0x8;
	[sflag:s3] =	ssyncadd.s32 @!p0 $0xFFFFC000  }
0x19e: {  	v0 =	vld [tilespmem:s13+$0x580]  }
0x19f: {  	s12 =	sor.u32 $0x80, s13  }
0x1a0: {  	v1 =	vld [tilespmem:s12+$0x0];
	_ =	sdelay $0x2  }
0x1a1: {  	v0 =	vmul.u32 $0x2800, v0;
	_ =	sdelay $0x1  }
0x1a2: {  	v0 =	vadd.s32 v1, v0  }
0x1a3: {  	v0 =	vadd.s32 $0x2A800, v0  }
0x1a4: {  	[tilespmem:$0x1780] =	vst v0  }
0x1a5: {  	v0 =	vld [tilespmem:s13+$0x590]  }
0x1a6: {  	s19 =	sor.u32 $0x90, s13  }
0x1a7: {  	v1 =	vld [tilespmem:s19+$0x0];
	_ =	sdelay $0x2  }
0x1a8: {  	v0 =	vmul.u32 $0x2800, v0;
	_ =	sdelay $0x1  }
0x1a9: {  	v0 =	vadd.s32 v1, v0  }
0x1aa: {  	v0 =	vadd.s32 $0x2A800, v0  }
0x1ab: {  	[tilespmem:$0x1790] =	vst v0  }
0x1ac: {  	v0 =	vld [tilespmem:s13+$0x5A0]  }
0x1ad: {  	s7 =	sor.u32 $0xA0, s13  }
0x1ae: {  	v1 =	vld [tilespmem:s7+$0x0];
	_ =	sdelay $0x2  }
0x1af: {  	v0 =	vmul.u32 $0x2800, v0;
	_ =	sdelay $0x1  }
0x1b0: {  	v0 =	vadd.s32 v1, v0  }
0x1b1: {  	v0 =	vadd.s32 $0x2A800, v0  }
0x1b2: {  	[tilespmem:$0x17A0] =	vst v0  }
0x1b3: {  	v0 =	vld [tilespmem:s13+$0x5B0]  }
0x1b4: {  	s8 =	sor.u32 $0xB0, s13  }
0x1b5: {  	v1 =	vld [tilespmem:s8+$0x0];
	_ =	sdelay $0x2  }
0x1b6: {  	v0 =	vmul.u32 $0x2800, v0;
	_ =	sdelay $0x1  }
0x1b7: {  	v0 =	vadd.s32 v1, v0  }
0x1b8: {  	v0 =	vadd.s32 $0x2A800, v0  }
0x1b9: {  	[tilespmem:$0x17B0] =	vst v0  }
0x1ba: {  	v0 =	vld [tilespmem:s13+$0x5C0]  }
0x1bb: {  	s15 =	sor.u32 $0xC0, s13  }
0x1bc: {  	v1 =	vld [tilespmem:s15+$0x0];
	_ =	sdelay $0x2  }
0x1bd: {  	v0 =	vmul.u32 $0x2800, v0;
	_ =	sdelay $0x1  }
0x1be: {  	v0 =	vadd.s32 v1, v0  }
0x1bf: {  	v0 =	vadd.s32 $0x2A800, v0  }
0x1c0: {  	[tilespmem:$0x17C0] =	vst v0  }
0x1c1: {  	v0 =	vld [tilespmem:s13+$0x5D0]  }
0x1c2: {  	s19 =	sor.u32 $0xD0, s13  }
0x1c3: {  	v1 =	vld [tilespmem:s19+$0x0];
	_ =	sdelay $0x2  }
0x1c4: {  	v0 =	vmul.u32 $0x2800, v0;
	_ =	sdelay $0x1  }
0x1c5: {  	v0 =	vadd.s32 v1, v0  }
0x1c6: {  	v0 =	vadd.s32 $0x2A800, v0  }
0x1c7: {  	[tilespmem:$0x17D0] =	vst v0  }
0x1c8: {  	v0 =	vld [tilespmem:s13+$0x5E0]  }
0x1c9: {  	s7 =	sor.u32 $0xE0, s13  }
0x1ca: {  	v1 =	vld [tilespmem:s7+$0x0];
	_ =	sdelay $0x2  }
0x1cb: {  	v0 =	vmul.u32 $0x2800, v0;
	_ =	sdelay $0x1  }
0x1cc: {  	v0 =	vadd.s32 v1, v0  }
0x1cd: {  	v0 =	vadd.s32 $0x2A800, v0  }
0x1ce: {  	[tilespmem:$0x17E0] =	vst v0  }
0x1cf: {  	v0 =	vld [tilespmem:s13+$0x5F0]  }
0x1d0: {  	s8 =	sor.u32 $0xF0, s13  }
0x1d1: {  	v1 =	vld [tilespmem:s8+$0x0];
	_ =	sdelay $0x1  }
0x1d2: {  	s15 =	sadd.s32 $0xFFFFFFFC, s1  }
0x1d3: {  	s7 =	sadd.s32 $0x6, s15;
	v0 =	vmul.u32 $0x2800, v0  }
0x1d4: {  	v2 =	vmov s7  }
0x1d5: {  	v0 =	vadd.s32 v1, v0;
	v1 =	vand.u32 $0xFFFFFFFE, v2  }
0x1d6: {  	v0 =	vadd.s32 $0x2A800, v0;
	v1 =	vbroadcast v1, $0x0  }
0x1d7: {  	s19 =	sadd.s32 $0x4, s15;
	[tilespmem:$0x17F0] =	vst v0  }
0x1d8: {  	[tilespmem:s25], [sflag:$0x2] =	stream.indirect.gather [hbm4b:s14+s17], $0x80, s24, s17, $0xb8;
	[tilespmem:$0x1D800] =	vst v63  }
0x1d9: {  	v2 =	vmov s19;
	_ =	swait.ge [sflag:s26], $0x4000  }
0x1da: {  	v0 =	vand.u32 $0xFFFFFFFC, v2;
	[sflag:s26] =	ssyncset.done $0x0  }
0x1db: {  	v2 =	vbroadcast v0, $0x0;
	[sflag:s26] =	ssyncadd.s32 $0xFFFFC000  }
0x1dc: {  	s7 =	simm.s32 $0x1900;
	v0 =	vld.idx.msk [tilespmem:v1+s20+$0x0], $0xffff  }
0x1dd: {  	s8 =	sadd.s32 $0x5, s15;
	v1 =	vld [tilespmem:s7+$0x70]  }
0x1de: {  	v3 =	vmov s8;
	v4 =	vld [tilespmem:s7+$0xFFFFFF00]  }
0x1df: {  	v3 =	vand.u32 $0xFFFFFFFD, v3;
	v5 =	vld [tilespmem:s7+$0xFFFFFF10]  }
0x1e0: {  	v3 =	vbroadcast v3, $0x0;
	v6 =	vld [tilespmem:s7+$0xFFFFFF20]  }
0x1e1: {  	v2 =	vld.idx.msk [tilespmem:v2+s20+$0x0], $0xffff  }
0x1e2: {  	v7 =	vld [tilespmem:s7+$0xFFFFFF30]  }
0x1e3: {  	v8 =	vld [tilespmem:s7+$0xFFFFFF40]  }
0x1e4: {  	v9 =	vld [tilespmem:s7+$0xFFFFFF50]  }
0x1e5: {  	v10 =	vld [tilespmem:s7+$0xFFFFFF60];
	v1 =	vmul.f32 v1, v0  }
0x1e6: {  	v3 =	vld.idx.msk [tilespmem:v3+s20+$0x0], $0xffff;
	v4 =	vmul.f32 v4, v2  }
0x1e7: {  	v12 =	vld [tilespmem:s7+$0xFFFFFFD0];
	[tilespmem:s7+$0x70] =	vst v1;
	v1 =	vmul.f32 v6, v2  }
0x1e8: {  	[tilespmem:s7+$0xFFFFFF00] =	vst v4;
	v4 =	vmul.f32 v5, v2;
	v5 =	vld [tilespmem:s7+$0xFFFFFF70]  }
0x1e9: {  	s3 =	sadd.s32 $0x7, s15;
	v6 =	vld [tilespmem:s7+$0xFFFFFF80];
	[tilespmem:s7+$0xFFFFFF20] =	vst v1;
	v1 =	vmul.f32 v8, v2  }
0x1ea: {  	v11 =	vmov s3;
	[tilespmem:s7+$0xFFFFFF10] =	vst v4;
	v4 =	vmul.f32 v7, v2;
	v7 =	vld [tilespmem:s7+$0xFFFFFF90]  }
0x1eb: {  	v8 =	vld [tilespmem:s7+$0xFFFFFFA0];
	[tilespmem:s7+$0xFFFFFF40] =	vst v1;
	v1 =	vmul.f32 v10, v2  }
0x1ec: {  	[tilespmem:s7+$0xFFFFFF30] =	vst v4;
	v4 =	vmul.f32 v9, v2;
	v9 =	vld [tilespmem:s7+$0xFFFFFFB0]  }
0x1ed: {  	v10 =	vld [tilespmem:s7+$0xFFFFFFC0];
	[tilespmem:s7+$0xFFFFFF60] =	vst v1;
	v2 =	vmul.f32 v5, v2  }
0x1ee: {  	v13 =	vld [tilespmem:s7+$0xFFFFFFE0];
	[tilespmem:s7+$0xFFFFFF50] =	vst v4;
	v4 =	vmul.f32 v6, v3  }
0x1ef: {  	v1 =	vld.idx.msk [tilespmem:v11+s20+$0x0], $0xffff;
	v5 =	vmul.f32 v7, v3;
	[tilespmem:s7+$0xFFFFFF70] =	vst v2  }
0x1f0: {  	v2 =	vmul.f32 v8, v3;
	v7 =	vld [tilespmem:s7+$0xFFFFFFF0];
	[tilespmem:s7+$0xFFFFFF80] =	vst v4  }
0x1f1: {  	v6 =	vld [tilespmem:s7+$0x0];
	[tilespmem:s7+$0xFFFFFF90] =	vst v5;
	v4 =	vmul.f32 v9, v3  }
0x1f2: {  	[tilespmem:s7+$0xFFFFFFA0] =	vst v2;
	v2 =	vmul.f32 v10, v3;
	v5 =	vld [tilespmem:s7+$0x10]  }
0x1f3: {  	v9 =	vmul.f32 v12, v3;
	[tilespmem:s7+$0xFFFFFFB0] =	vst v4;
	v4 =	vld [tilespmem:s7+$0x20]  }
0x1f4: {  	v8 =	vmul.f32 v13, v3;
	[tilespmem:s7+$0xFFFFFFC0] =	vst v2;
	v2 =	vld [tilespmem:s7+$0x30]  }
0x1f5: {  	s30 =	simm.s32 $0x1900;
	s8 =	simm.s32 $0x0;
	[tilespmem:s7+$0xFFFFFFD0] =	vst v9;
	v7 =	vmul.f32 v7, v3;
	v3 =	vld [tilespmem:s7+$0x40]  }
.LBB2_12:
0x1f6: {  	s3 =	sadd.s32 s8, s1;
	s8 =	sadd.s32 $0x4, s8;
	[tilespmem:s7+$0xFFFFFFE0] =	vst v8;
	v6 =	vmul.f32 v6, v0;
	v8 =	vld [tilespmem:s7+$0x50]  }
0x1f7: {  	s15 =	sadd.s32 $0x4, s3;
	s19 =	sadd.s32 $0x6, s3;
	p0 =	slt.u32 s8, $0x7C;
	[tilespmem:s7+$0xFFFFFFF0] =	vst v7;
	v5 =	vmul.f32 v5, v0;
	v7 =	vld [tilespmem:s7+$0x60]  }
0x1f8: {  	v9 =	vmov s15;
	s15 =	sadd.s32 $0x5, s3;
	v10 =	vmov s19;
	s3 =	sadd.s32 $0x7, s3;
	[tilespmem:s7+$0x0] =	vst v6;
	v4 =	vmul.f32 v4, v0;
	v6 =	vld [tilespmem:s7+$0x80]  }
0x1f9: {  	v9 =	vand.u32 $0xFFFFFFFC, v9;
	v11 =	vmov s15;
	v10 =	vand.u32 $0xFFFFFFFE, v10;
	[tilespmem:s7+$0x10] =	vst v5;
	v5 =	vld [tilespmem:s7+$0x90]  }
0x1fa: {  	v9 =	vbroadcast v9, $0x0;
	v11 =	vand.u32 $0xFFFFFFFD, v11;
	v10 =	vbroadcast v10, $0x0;
	[tilespmem:s7+$0x20] =	vst v4;
	v4 =	vld [tilespmem:s7+$0xA0]  }
0x1fb: {  	v12 =	vmov s3;
	v2 =	vmul.f32 v2, v0;
	v11 =	vbroadcast v11, $0x0;
	v13 =	vld [tilespmem:s7+$0xB0]  }
0x1fc: {  	v3 =	vmul.f32 v3, v0;
	v8 =	vmul.f32 v8, v0;
	v14 =	vld [tilespmem:s7+$0xC0]  }
0x1fd: {  	[tilespmem:s7+$0x30] =	vst v2;
	v2 =	vmul.f32 v7, v0;
	v6 =	vmul.f32 v6, v1;
	v7 =	vld [tilespmem:s7+$0xD0]  }
0x1fe: {  	[tilespmem:s7+$0x40] =	vst v3;
	v3 =	vmul.f32 v5, v1;
	v5 =	vld [tilespmem:s7+$0xE0]  }
0x1ff: {  	[tilespmem:s7+$0x50] =	vst v8;
	v4 =	vmul.f32 v4, v1;
	v8 =	vld [tilespmem:s7+$0xF0]  }
0x200: {  	s7 =	sadd.s32 $0x200, s7;
	v0 =	vld.idx.msk [tilespmem:v10+s20+$0x0], $0xffff;
	[tilespmem:s30+$0x60] =	vst v2;
	v2 =	vmul.f32 v13, v1  }
0x201: {  	v10 =	vld [tilespmem:s7+$0x70];
	[tilespmem:s30+$0x80] =	vst v6;
	v6 =	vmul.f32 v14, v1  }
0x202: {  	v9 =	vld.idx.msk [tilespmem:v9+s20+$0x0], $0xffff;
	[tilespmem:s30+$0x90] =	vst v3;
	v3 =	vmul.f32 v7, v1  }
0x203: {  	v7 =	vld.idx.msk [tilespmem:v11+s20+$0x0], $0xffff;
	[tilespmem:s30+$0xA0] =	vst v4;
	v4 =	vmul.f32 v5, v1  }
0x204: {  	[tilespmem:s30+$0xB0] =	vst v2;
	v2 =	vmul.f32 v8, v1;
	v1 =	vld.idx.msk [tilespmem:v12+s20+$0x0], $0xffff  }
0x205: {  	v5 =	vld [tilespmem:s7+$0xFFFFFF00];
	[tilespmem:s30+$0xC0] =	vst v6  }
0x206: {  	v6 =	vld [tilespmem:s7+$0xFFFFFF10];
	v8 =	vmul.f32 v10, v0;
	[tilespmem:s30+$0xD0] =	vst v3  }
0x207: {  	v3 =	vld [tilespmem:s7+$0xFFFFFF20];
	[tilespmem:s30+$0xE0] =	vst v4  }
0x208: {  	v4 =	vld [tilespmem:s7+$0xFFFFFF30];
	[tilespmem:s7+$0x70] =	vst v8  }
0x209: {  	v8 =	vld [tilespmem:s7+$0xFFFFFF40];
	[tilespmem:s30+$0xF0] =	vst v2;
	s30 =	smov.u32 s7  }
0x20a: {  	v2 =	vmul.f32 v5, v9;
	v5 =	vld [tilespmem:s7+$0xFFFFFF50]  }
0x20b: {  	v6 =	vmul.f32 v6, v9;
	v10 =	vld [tilespmem:s7+$0xFFFFFF60]  }
0x20c: {  	[tilespmem:s7+$0xFFFFFF00] =	vst v2;
	v2 =	vmul.f32 v3, v9;
	v3 =	vld [tilespmem:s7+$0xFFFFFF70]  }
0x20d: {  	[tilespmem:s7+$0xFFFFFF10] =	vst v6;
	v4 =	vmul.f32 v4, v9;
	v6 =	vld [tilespmem:s7+$0xFFFFFF80]  }
0x20e: {  	[tilespmem:s7+$0xFFFFFF20] =	vst v2;
	v2 =	vmul.f32 v8, v9;
	v8 =	vld [tilespmem:s7+$0xFFFFFF90]  }
0x20f: {  	[tilespmem:s7+$0xFFFFFF30] =	vst v4;
	v4 =	vmul.f32 v5, v9;
	v5 =	vld [tilespmem:s7+$0xFFFFFFA0]  }
0x210: {  	[tilespmem:s7+$0xFFFFFF40] =	vst v2;
	v2 =	vmul.f32 v10, v9;
	v10 =	vld [tilespmem:s7+$0xFFFFFFB0]  }
0x211: {  	[tilespmem:s7+$0xFFFFFF50] =	vst v4;
	v3 =	vmul.f32 v3, v9;
	v4 =	vld [tilespmem:s7+$0xFFFFFFC0]  }
0x212: {  	[tilespmem:s7+$0xFFFFFF60] =	vst v2;
	v2 =	vmul.f32 v6, v7;
	v9 =	vld [tilespmem:s7+$0xFFFFFFD0]  }
0x213: {  	[tilespmem:s7+$0xFFFFFF70] =	vst v3;
	v3 =	vmul.f32 v8, v7;
	v8 =	vld [tilespmem:s7+$0xFFFFFFE0]  }
0x214: {  	[tilespmem:s7+$0xFFFFFF80] =	vst v2;
	v2 =	vmul.f32 v5, v7;
	v11 =	vld [tilespmem:s7+$0xFFFFFFF0]  }
.Ltmp4:
0x215: {  	[tilespmem:s7+$0xFFFFFF90] =	vst v3;
	v3 =	vmul.f32 v10, v7;
	v6 =	vld [tilespmem:s7+$0x0];
	(pc) =	sbr.rel @p0 .LBB2_12-.Ltmp4, $4  }
0x216: {  	[tilespmem:s7+$0xFFFFFFA0] =	vst v2;
	v2 =	vmul.f32 v4, v7;
	v5 =	vld [tilespmem:s7+$0x10]  }
0x217: {  	[tilespmem:s7+$0xFFFFFFB0] =	vst v3;
	v3 =	vmul.f32 v9, v7;
	v4 =	vld [tilespmem:s7+$0x20]  }
0x218: {  	[tilespmem:s7+$0xFFFFFFC0] =	vst v2;
	v8 =	vmul.f32 v8, v7;
	v2 =	vld [tilespmem:s7+$0x30]  }
0x219: {  	[tilespmem:s7+$0xFFFFFFD0] =	vst v3;
	v7 =	vmul.f32 v11, v7;
	v3 =	vld [tilespmem:s7+$0x40]  }
0x21a: {  	v9 =	vld [tilespmem:s7+$0x50];
	[tilespmem:s7+$0xFFFFFFE0] =	vst v8;
	v6 =	vmul.f32 v6, v0  }
0x21b: {  	v8 =	vld [tilespmem:s7+$0x60];
	[tilespmem:s7+$0xFFFFFFF0] =	vst v7;
	v5 =	vmul.f32 v5, v0  }
0x21c: {  	v7 =	vld [tilespmem:s7+$0x80];
	[tilespmem:s7+$0x0] =	vst v6;
	v4 =	vmul.f32 v4, v0  }
0x21d: {  	v6 =	vld [tilespmem:s7+$0x90];
	[tilespmem:s7+$0x10] =	vst v5;
	v2 =	vmul.f32 v2, v0  }
0x21e: {  	v5 =	vld [tilespmem:s7+$0xA0];
	[tilespmem:s7+$0x20] =	vst v4;
	v3 =	vmul.f32 v3, v0  }
0x21f: {  	v4 =	vld [tilespmem:s7+$0xB0];
	v9 =	vmul.f32 v9, v0;
	[tilespmem:s7+$0x30] =	vst v2  }
0x220: {  	v10 =	vld [tilespmem:s7+$0xC0];
	v0 =	vmul.f32 v8, v0;
	[tilespmem:s7+$0x40] =	vst v3  }
0x221: {  	v2 =	vld [tilespmem:s7+$0xD0];
	v3 =	vmul.f32 v7, v1;
	[tilespmem:s7+$0x50] =	vst v9  }
0x222: {  	v7 =	vld [tilespmem:s7+$0xE0];
	v6 =	vmul.f32 v6, v1;
	[tilespmem:s30+$0x60] =	vst v0  }
0x223: {  	v8 =	vld [tilespmem:s7+$0xF0];
	v0 =	vmul.f32 v5, v1;
	[tilespmem:s30+$0x80] =	vst v3  }
0x224: {  	v3 =	vmul.f32 v4, v1;
	[tilespmem:s30+$0x90] =	vst v6  }
0x225: {  	v4 =	vmul.f32 v10, v1;
	[tilespmem:s30+$0xA0] =	vst v0  }
0x226: {  	v0 =	vmul.f32 v2, v1;
	[tilespmem:s30+$0xB0] =	vst v3  }
0x227: {  	v2 =	vmul.f32 v7, v1;
	[tilespmem:s30+$0xC0] =	vst v4  }
0x228: {  	v1 =	vmul.f32 v8, v1;
	[tilespmem:s30+$0xD0] =	vst v0  }
0x229: {  	s3 =	sand.u32 $0x3FFFFF00, s13;
	[tilespmem:s30+$0xE0] =	vst v2  }
0x22a: {  	s3 =	sadd.s32 $0xF00, s3;
	[tilespmem:s30+$0xF0] =	vst v1  }
0x22b: {  	[spmem:s2] =	stream.indirect.scatter.add.f32 [tilespmem:s23], [sflag:$0x3], $0x80, s3, s17, $0xb8;
	[tilespmem:$0x1D800] =	vst v63  }
0x22c: {  	_ =	swait.ge [sflag:s28], $0x4000  }
0x22d: {  	[sflag:s28] =	ssyncset.done $0x0  }
0x22e: {  	p0 =	seq.s32 s11, $0x4;
	[sflag:s28] =	ssyncadd.s32 $0xFFFFC000  }
0x22f: {  	v0 =	vld @!p0 [tilespmem:s13+$0x600];
	_ =	sdelay $0x1  }
0x230: {  	v1 =	vld @!p0 [tilespmem:s13+$0x100];
	_ =	sdelay $0x2  }
0x231: {  	v0 =	vmul.u32 @!p0 $0x2800, v0;
	_ =	sdelay $0x1  }
0x232: {  	v0 =	vadd.s32 @!p0 v1, v0  }
0x233: {  	v0 =	vadd.s32 @!p0 $0x2A800, v0  }
0x234: {  	[tilespmem:$0x1700] =	vst @!p0 v0  }
0x235: {  	v0 =	vld @!p0 [tilespmem:s13+$0x610];
	_ =	sdelay $0x1  }
0x236: {  	v1 =	vld @!p0 [tilespmem:s13+$0x110];
	_ =	sdelay $0x2  }
0x237: {  	v0 =	vmul.u32 @!p0 $0x2800, v0;
	_ =	sdelay $0x1  }
0x238: {  	v0 =	vadd.s32 @!p0 v1, v0  }
0x239: {  	v0 =	vadd.s32 @!p0 $0x2A800, v0  }
0x23a: {  	[tilespmem:$0x1710] =	vst @!p0 v0  }
0x23b: {  	v0 =	vld @!p0 [tilespmem:s13+$0x620];
	_ =	sdelay $0x1  }
0x23c: {  	v1 =	vld @!p0 [tilespmem:s13+$0x120];
	_ =	sdelay $0x2  }
0x23d: {  	v0 =	vmul.u32 @!p0 $0x2800, v0;
	_ =	sdelay $0x1  }
0x23e: {  	v0 =	vadd.s32 @!p0 v1, v0  }
0x23f: {  	v0 =	vadd.s32 @!p0 $0x2A800, v0  }
0x240: {  	[tilespmem:$0x1720] =	vst @!p0 v0  }
0x241: {  	v0 =	vld @!p0 [tilespmem:s13+$0x630];
	_ =	sdelay $0x1  }
0x242: {  	v1 =	vld @!p0 [tilespmem:s13+$0x130];
	_ =	sdelay $0x2  }
0x243: {  	v0 =	vmul.u32 @!p0 $0x2800, v0;
	_ =	sdelay $0x1  }
0x244: {  	v0 =	vadd.s32 @!p0 v1, v0  }
0x245: {  	v0 =	vadd.s32 @!p0 $0x2A800, v0  }
0x246: {  	[tilespmem:$0x1730] =	vst @!p0 v0  }
0x247: {  	v0 =	vld @!p0 [tilespmem:s13+$0x640];
	_ =	sdelay $0x1  }
0x248: {  	v1 =	vld @!p0 [tilespmem:s13+$0x140];
	_ =	sdelay $0x2  }
0x249: {  	v0 =	vmul.u32 @!p0 $0x2800, v0;
	_ =	sdelay $0x1  }
0x24a: {  	v0 =	vadd.s32 @!p0 v1, v0  }
0x24b: {  	v0 =	vadd.s32 @!p0 $0x2A800, v0  }
0x24c: {  	[tilespmem:$0x1740] =	vst @!p0 v0  }
0x24d: {  	v0 =	vld @!p0 [tilespmem:s13+$0x650];
	_ =	sdelay $0x1  }
0x24e: {  	v1 =	vld @!p0 [tilespmem:s13+$0x150];
	_ =	sdelay $0x2  }
0x24f: {  	v0 =	vmul.u32 @!p0 $0x2800, v0;
	_ =	sdelay $0x1  }
0x250: {  	v0 =	vadd.s32 @!p0 v1, v0  }
0x251: {  	v0 =	vadd.s32 @!p0 $0x2A800, v0  }
0x252: {  	[tilespmem:$0x1750] =	vst @!p0 v0  }
0x253: {  	v0 =	vld @!p0 [tilespmem:s13+$0x660];
	_ =	sdelay $0x1  }
0x254: {  	v1 =	vld @!p0 [tilespmem:s13+$0x160];
	_ =	sdelay $0x2  }
0x255: {  	v0 =	vmul.u32 @!p0 $0x2800, v0;
	_ =	sdelay $0x1  }
0x256: {  	v0 =	vadd.s32 @!p0 v1, v0  }
0x257: {  	v0 =	vadd.s32 @!p0 $0x2A800, v0  }
0x258: {  	[tilespmem:$0x1760] =	vst @!p0 v0  }
0x259: {  	v0 =	vld @!p0 [tilespmem:s13+$0x670];
	_ =	sdelay $0x1  }
0x25a: {  	v1 =	vld @!p0 [tilespmem:s13+$0x170];
	_ =	sdelay $0x1  }
0x25b: {  	s3 =	sadd.s32 $0xFFFFFFFC, s1  }
0x25c: {  	s15 =	sadd.s32 $0x86, s3;
	v0 =	vmul.u32 @!p0 $0x2800, v0  }
0x25d: {  	v2 =	vmov s15  }
0x25e: {  	v0 =	vadd.s32 @!p0 v1, v0;
	v1 =	vand.u32 $0xFFFFFFFE, v2  }
0x25f: {  	s8 =	simm.s32 @!p0 $0x1700;
	v0 =	vadd.s32 @!p0 $0x2A800, v0;
	v1 =	vbroadcast v1, $0x0  }
0x260: {  	s7 =	simm.s32 @!p0 $0x80;
	s19 =	sadd.s32 $0x84, s3;
	s13 =	simm.s32 @!p0 $0x1800;
	[tilespmem:$0x1770] =	vst @!p0 v0  }
0x261: {  	[tilespmem:s13], [sflag:$0x1] =	stream.indirect.gather @!p0 [hbm4b:s14+s7], $0x80, s8, s7, $0xb8;
	[tilespmem:$0x1D800] =	vst v63  }
0x262: {  	v2 =	vmov s19;
	_ =	swait.ge [sflag:s29], $0x4000  }
0x263: {  	v0 =	vand.u32 $0xFFFFFFFC, v2;
	[sflag:s29] =	ssyncset.done $0x0  }
0x264: {  	v2 =	vbroadcast v0, $0x0;
	[sflag:s29] =	ssyncadd.s32 $0xFFFFC000  }
0x265: {  	s7 =	simm.s32 $0x5900;
	v0 =	vld.idx.msk [tilespmem:v1+s20+$0x0], $0xffff  }
0x266: {  	s30 =	sadd.s32 $0x85, s3;
	v1 =	vld [tilespmem:s7+$0x70]  }
0x267: {  	v3 =	vmov s30;
	v4 =	vld [tilespmem:s7+$0xFFFFFF00]  }
0x268: {  	v3 =	vand.u32 $0xFFFFFFFD, v3;
	v5 =	vld [tilespmem:s7+$0xFFFFFF10]  }
0x269: {  	v3 =	vbroadcast v3, $0x0;
	v6 =	vld [tilespmem:s7+$0xFFFFFF20]  }
0x26a: {  	v2 =	vld.idx.msk [tilespmem:v2+s20+$0x0], $0xffff  }
0x26b: {  	v7 =	vld [tilespmem:s7+$0xFFFFFF30]  }
0x26c: {  	v8 =	vld [tilespmem:s7+$0xFFFFFF40]  }
0x26d: {  	v9 =	vld [tilespmem:s7+$0xFFFFFF50]  }
0x26e: {  	v10 =	vld [tilespmem:s7+$0xFFFFFF60];
	v1 =	vmul.f32 v1, v0  }
0x26f: {  	v3 =	vld.idx.msk [tilespmem:v3+s20+$0x0], $0xffff;
	v4 =	vmul.f32 v4, v2  }
0x270: {  	v12 =	vld [tilespmem:s7+$0xFFFFFFD0];
	[tilespmem:s7+$0x70] =	vst v1;
	v1 =	vmul.f32 v6, v2  }
0x271: {  	[tilespmem:s7+$0xFFFFFF00] =	vst v4;
	v4 =	vmul.f32 v5, v2;
	v5 =	vld [tilespmem:s7+$0xFFFFFF70]  }
0x272: {  	s3 =	sadd.s32 $0x87, s3;
	v6 =	vld [tilespmem:s7+$0xFFFFFF80];
	[tilespmem:s7+$0xFFFFFF20] =	vst v1;
	v1 =	vmul.f32 v8, v2  }
0x273: {  	v11 =	vmov s3;
	[tilespmem:s7+$0xFFFFFF10] =	vst v4;
	v4 =	vmul.f32 v7, v2;
	v7 =	vld [tilespmem:s7+$0xFFFFFF90]  }
0x274: {  	v8 =	vld [tilespmem:s7+$0xFFFFFFA0];
	[tilespmem:s7+$0xFFFFFF40] =	vst v1;
	v1 =	vmul.f32 v10, v2  }
0x275: {  	[tilespmem:s7+$0xFFFFFF30] =	vst v4;
	v4 =	vmul.f32 v9, v2;
	v9 =	vld [tilespmem:s7+$0xFFFFFFB0]  }
0x276: {  	v10 =	vld [tilespmem:s7+$0xFFFFFFC0];
	[tilespmem:s7+$0xFFFFFF60] =	vst v1;
	v2 =	vmul.f32 v5, v2  }
0x277: {  	v13 =	vld [tilespmem:s7+$0xFFFFFFE0];
	[tilespmem:s7+$0xFFFFFF50] =	vst v4;
	v4 =	vmul.f32 v6, v3  }
0x278: {  	v1 =	vld.idx.msk [tilespmem:v11+s20+$0x0], $0xffff;
	v5 =	vmul.f32 v7, v3;
	[tilespmem:s7+$0xFFFFFF70] =	vst v2  }
0x279: {  	v2 =	vmul.f32 v8, v3;
	v7 =	vld [tilespmem:s7+$0xFFFFFFF0];
	[tilespmem:s7+$0xFFFFFF80] =	vst v4  }
0x27a: {  	v6 =	vld [tilespmem:s7+$0x0];
	[tilespmem:s7+$0xFFFFFF90] =	vst v5;
	v4 =	vmul.f32 v9, v3  }
0x27b: {  	[tilespmem:s7+$0xFFFFFFA0] =	vst v2;
	v2 =	vmul.f32 v10, v3;
	v5 =	vld [tilespmem:s7+$0x10]  }
0x27c: {  	v9 =	vmul.f32 v12, v3;
	[tilespmem:s7+$0xFFFFFFB0] =	vst v4;
	v4 =	vld [tilespmem:s7+$0x20]  }
0x27d: {  	v8 =	vmul.f32 v13, v3;
	[tilespmem:s7+$0xFFFFFFC0] =	vst v2;
	v2 =	vld [tilespmem:s7+$0x30]  }
0x27e: {  	s8 =	simm.s32 $0x0;
	s13 =	simm.s32 $0x5900;
	[tilespmem:s7+$0xFFFFFFD0] =	vst v9;
	v7 =	vmul.f32 v7, v3;
	v3 =	vld [tilespmem:s7+$0x40]  }
.LBB2_14:
0x27f: {  	s3 =	sadd.s32 s8, s1;
	s8 =	sadd.s32 $0x4, s8;
	[tilespmem:s7+$0xFFFFFFE0] =	vst v8;
	v6 =	vmul.f32 v6, v0;
	v8 =	vld [tilespmem:s7+$0x50]  }
0x280: {  	s15 =	sadd.s32 $0x84, s3;
	s19 =	sadd.s32 $0x86, s3;
	p0 =	slt.u32 s8, $0x7C;
	[tilespmem:s7+$0xFFFFFFF0] =	vst v7;
	v5 =	vmul.f32 v5, v0;
	v7 =	vld [tilespmem:s7+$0x60]  }
0x281: {  	v9 =	vmov s15;
	s15 =	sadd.s32 $0x85, s3;
	v10 =	vmov s19;
	s3 =	sadd.s32 $0x87, s3;
	[tilespmem:s7+$0x0] =	vst v6;
	v4 =	vmul.f32 v4, v0;
	v6 =	vld [tilespmem:s7+$0x80]  }
0x282: {  	v9 =	vand.u32 $0xFFFFFFFC, v9;
	v11 =	vmov s15;
	v10 =	vand.u32 $0xFFFFFFFE, v10;
	[tilespmem:s7+$0x10] =	vst v5;
	v5 =	vld [tilespmem:s7+$0x90]  }
0x283: {  	v9 =	vbroadcast v9, $0x0;
	v11 =	vand.u32 $0xFFFFFFFD, v11;
	v10 =	vbroadcast v10, $0x0;
	[tilespmem:s7+$0x20] =	vst v4;
	v4 =	vld [tilespmem:s7+$0xA0]  }
0x284: {  	v12 =	vmov s3;
	v2 =	vmul.f32 v2, v0;
	v11 =	vbroadcast v11, $0x0;
	v13 =	vld [tilespmem:s7+$0xB0]  }
0x285: {  	v3 =	vmul.f32 v3, v0;
	v8 =	vmul.f32 v8, v0;
	v14 =	vld [tilespmem:s7+$0xC0]  }
0x286: {  	[tilespmem:s7+$0x30] =	vst v2;
	v2 =	vmul.f32 v7, v0;
	v6 =	vmul.f32 v6, v1;
	v7 =	vld [tilespmem:s7+$0xD0]  }
0x287: {  	[tilespmem:s7+$0x40] =	vst v3;
	v3 =	vmul.f32 v5, v1;
	v5 =	vld [tilespmem:s7+$0xE0]  }
0x288: {  	[tilespmem:s7+$0x50] =	vst v8;
	v4 =	vmul.f32 v4, v1;
	v8 =	vld [tilespmem:s7+$0xF0]  }
0x289: {  	s7 =	sadd.s32 $0x200, s7;
	v0 =	vld.idx.msk [tilespmem:v10+s20+$0x0], $0xffff;
	[tilespmem:s13+$0x60] =	vst v2;
	v2 =	vmul.f32 v13, v1  }
0x28a: {  	v10 =	vld [tilespmem:s7+$0x70];
	[tilespmem:s13+$0x80] =	vst v6;
	v6 =	vmul.f32 v14, v1  }
0x28b: {  	v9 =	vld.idx.msk [tilespmem:v9+s20+$0x0], $0xffff;
	[tilespmem:s13+$0x90] =	vst v3;
	v3 =	vmul.f32 v7, v1  }
0x28c: {  	v7 =	vld.idx.msk [tilespmem:v11+s20+$0x0], $0xffff;
	[tilespmem:s13+$0xA0] =	vst v4;
	v4 =	vmul.f32 v5, v1  }
0x28d: {  	[tilespmem:s13+$0xB0] =	vst v2;
	v2 =	vmul.f32 v8, v1;
	v1 =	vld.idx.msk [tilespmem:v12+s20+$0x0], $0xffff  }
0x28e: {  	v5 =	vld [tilespmem:s7+$0xFFFFFF00];
	[tilespmem:s13+$0xC0] =	vst v6  }
0x28f: {  	v6 =	vld [tilespmem:s7+$0xFFFFFF10];
	v8 =	vmul.f32 v10, v0;
	[tilespmem:s13+$0xD0] =	vst v3  }
0x290: {  	v3 =	vld [tilespmem:s7+$0xFFFFFF20];
	[tilespmem:s13+$0xE0] =	vst v4  }
0x291: {  	v4 =	vld [tilespmem:s7+$0xFFFFFF30];
	[tilespmem:s7+$0x70] =	vst v8  }
0x292: {  	v8 =	vld [tilespmem:s7+$0xFFFFFF40];
	[tilespmem:s13+$0xF0] =	vst v2;
	s13 =	smov.u32 s7  }
0x293: {  	v2 =	vmul.f32 v5, v9;
	v5 =	vld [tilespmem:s7+$0xFFFFFF50]  }
0x294: {  	v6 =	vmul.f32 v6, v9;
	v10 =	vld [tilespmem:s7+$0xFFFFFF60]  }
0x295: {  	[tilespmem:s7+$0xFFFFFF00] =	vst v2;
	v2 =	vmul.f32 v3, v9;
	v3 =	vld [tilespmem:s7+$0xFFFFFF70]  }
0x296: {  	[tilespmem:s7+$0xFFFFFF10] =	vst v6;
	v4 =	vmul.f32 v4, v9;
	v6 =	vld [tilespmem:s7+$0xFFFFFF80]  }
0x297: {  	[tilespmem:s7+$0xFFFFFF20] =	vst v2;
	v2 =	vmul.f32 v8, v9;
	v8 =	vld [tilespmem:s7+$0xFFFFFF90]  }
0x298: {  	[tilespmem:s7+$0xFFFFFF30] =	vst v4;
	v4 =	vmul.f32 v5, v9;
	v5 =	vld [tilespmem:s7+$0xFFFFFFA0]  }
0x299: {  	[tilespmem:s7+$0xFFFFFF40] =	vst v2;
	v2 =	vmul.f32 v10, v9;
	v10 =	vld [tilespmem:s7+$0xFFFFFFB0]  }
0x29a: {  	[tilespmem:s7+$0xFFFFFF50] =	vst v4;
	v3 =	vmul.f32 v3, v9;
	v4 =	vld [tilespmem:s7+$0xFFFFFFC0]  }
0x29b: {  	[tilespmem:s7+$0xFFFFFF60] =	vst v2;
	v2 =	vmul.f32 v6, v7;
	v9 =	vld [tilespmem:s7+$0xFFFFFFD0]  }
0x29c: {  	[tilespmem:s7+$0xFFFFFF70] =	vst v3;
	v3 =	vmul.f32 v8, v7;
	v8 =	vld [tilespmem:s7+$0xFFFFFFE0]  }
0x29d: {  	[tilespmem:s7+$0xFFFFFF80] =	vst v2;
	v2 =	vmul.f32 v5, v7;
	v11 =	vld [tilespmem:s7+$0xFFFFFFF0]  }
.Ltmp5:
0x29e: {  	[tilespmem:s7+$0xFFFFFF90] =	vst v3;
	v3 =	vmul.f32 v10, v7;
	v6 =	vld [tilespmem:s7+$0x0];
	(pc) =	sbr.rel @p0 .LBB2_14-.Ltmp5, $4  }
0x29f: {  	[tilespmem:s7+$0xFFFFFFA0] =	vst v2;
	v2 =	vmul.f32 v4, v7;
	v5 =	vld [tilespmem:s7+$0x10]  }
0x2a0: {  	[tilespmem:s7+$0xFFFFFFB0] =	vst v3;
	v3 =	vmul.f32 v9, v7;
	v4 =	vld [tilespmem:s7+$0x20]  }
0x2a1: {  	[tilespmem:s7+$0xFFFFFFC0] =	vst v2;
	v8 =	vmul.f32 v8, v7;
	v2 =	vld [tilespmem:s7+$0x30]  }
0x2a2: {  	[tilespmem:s7+$0xFFFFFFD0] =	vst v3;
	v7 =	vmul.f32 v11, v7;
	v3 =	vld [tilespmem:s7+$0x40]  }
0x2a3: {  	v9 =	vld [tilespmem:s7+$0x50];
	[tilespmem:s7+$0xFFFFFFE0] =	vst v8;
	v6 =	vmul.f32 v6, v0  }
0x2a4: {  	v49 =	vld [tilespmem:s7+$0x80];
	[tilespmem:s7+$0xFFFFFFF0] =	vst v7;
	v5 =	vmul.f32 v5, v0  }
0x2a5: {  	v50 =	vld [tilespmem:s7+$0x90];
	[tilespmem:s7+$0x0] =	vst v6;
	v4 =	vmul.f32 v4, v0  }
0x2a6: {  	v51 =	vld [tilespmem:s7+$0xA0];
	[tilespmem:s7+$0x10] =	vst v5;
	v2 =	vmul.f32 v2, v0  }
0x2a7: {  	v52 =	vld [tilespmem:s7+$0xB0];
	[tilespmem:s7+$0x20] =	vst v4;
	v3 =	vmul.f32 v3, v0  }
0x2a8: {  	v10 =	vld [tilespmem:s7+$0xC0];
	v9 =	vmul.f32 v9, v0;
	[tilespmem:s7+$0x30] =	vst v2  }
0x2a9: {  	v54 =	vld [tilespmem:s7+$0xD0];
	v55 =	vmul.f32 v49, v1;
	[tilespmem:s7+$0x40] =	vst v3  }
0x2aa: {  	v56 =	vld [tilespmem:s7+$0xE0];
	v6 =	vmul.f32 v50, v1;
	[tilespmem:s7+$0x50] =	vst v9  }
0x2ab: {  	v57 =	vld [tilespmem:s7+$0xF0];
	v58 =	vmul.f32 v51, v1;
	[tilespmem:s13+$0x80] =	vst v55  }
0x2ac: {  	v48 =	vld [tilespmem:s7+$0x60];
	v59 =	vmul.f32 v52, v1;
	[tilespmem:s13+$0x90] =	vst v6  }
0x2ad: {  	v60 =	vmul.f32 v10, v1;
	[tilespmem:s13+$0xA0] =	vst v58  }
0x2ae: {  	s11 =	sadd.s32 $0x1, s11;
	v61 =	vmul.f32 v54, v1;
	[tilespmem:s13+$0xB0] =	vst v59  }
0x2af: {  	p0 =	sne.s32 s11, $0x5;
	v62 =	vmul.f32 v56, v1;
	[tilespmem:s13+$0xC0] =	vst v60  }
.Ltmp6:
0x2b0: {  	v63 =	vmul.f32 v57, v1;
	[tilespmem:s13+$0xD0] =	vst v61;
	(pc) =	sbr.rel @p0 .LBB2_11-.Ltmp6, $4  }
0x2b1: {  	v53 =	vmul.f32 v48, v0;
	[tilespmem:s13+$0xE0] =	vst v62  }
0x2b2: {  	[tilespmem:s13+$0xF0] =	vst v63  }
0x2b3: {  	s3 =	sadd.s32 $0xF00, s12;
	s1 =	sadd.s32 $0x100, s1;
	[tilespmem:s13+$0x60] =	vst v53  }
0x2b4: {  	[spmem:s2] =	stream.indirect.scatter.add.f32 [tilespmem:s25], [sflag:$0x4], $0x80, s3, s17, $0xb8;
	[tilespmem:$0x1D800] =	vst v63  }
0x2b5: {  	s0 =	sadd.s32 $0x1, s0  }
0x2b6: {  	p0 =	sne.s32 s0, $0x8  }
.Ltmp7:
0x2b7: {  	_ = 	snop;
	(pc) =	sbr.rel @p0 .LBB2_10-.Ltmp7, $1  }
0x2b8: {  	_ =	sdelay $0x3  }
0x2b9: {  	s0 =	simm.s32 $0x4  }
0x2ba: {  	_ =	swait.ge [sflag:s0], $0x4000  }
0x2bb: {  	[sflag:s0] =	ssyncset.done $0x0  }
0x2bc: {  	[sflag:s0] =	ssyncadd.s32 $0xFFFFC000  }
0x2bd: {  	[bflag:$0x0] =	sbarrier.arrive $0xFFFF  }
0x2be: {  	s8 =	rddreg [dreg:$0x6]  }
0x2bf: {  	s30 =	rddreg [dreg:$0x8]  }
0x2c0: {  	s1 =	rddreg [dreg:$0xa]  }
0x2c1: {  	[hbm:s30], [sflag:s8] =	dma.local [spmem:s1], $0x2800  }
0x2c2: {  	_ =	swait.ge [sflag:s16], $0x2800  }
0x2c3: {  	s15 =	rddreg [dreg:$0x4]  }
0x2c4: {  	s31 =	rddreg [dreg:$0x9];
	s15 =	sadd.s32 $0x1, s15  }
0x2c5: {  	p0 =	sne.s32 s15, s31  }
.Ltmp8:
0x2c6: {  	_ = 	snop;
	(pc) =	sbr.rel @p0 .LBB2_1-.Ltmp8, $4  }
0x2c7: {  	[sflag:s16] =	ssyncset.done $0x0  }
0x2c8: {  	[sflag:s16] =	ssyncadd.s32 $0xFFFFD800  }
0x2c9: {  	[bflag:$0x0] =	sbarrier.arrive $0xFFFF  }
0x2ca: {  	s19 =	rddreg [dreg:$0x5]  }
0x2cb: {  	_ =	sfence.sel $0x180000  }
0x2cc: {  	[bflag:$0x0] =	sbarrier.arrive $0xFFFF  }
0x2cd: {  	_ =	strace $0x90000047  }
0x2ce: {  	s0 =	stileid.u32;
	[bflag:$0x2] =	sbarrier.arrive $0xFFFF  }
0x2cf: {  	p0 =	sne.s32 s0, $0x0;
	s0 =	rddreg [dreg:$0x3]  }
0x2d0: {  	s0 =	sadd.s32 @!p0 $0x100000, s0  }
0x2d1: {  	[sflag:s0] =	ssyncadd.tile.s32 @!p0 $0x1;
	_ =	shalt  }
.Lfunc_end2:
_tile_overlayer_lowered:
.L_overlay_start_2:
0x2d2: {  	(tag) =	ssettag $0x2  }
0x2d3: {  	s0 =	rddreg [dreg:$0x0];
	s2 =	stileid.u32  }
0x2d4: {  	s1 =	rddreg [dreg:$0x1];
	p0 =	sne.s32 s2, $0x0  }
0x2d5: {  	s3 =	rddreg [dreg:$0x2];
	[bflag:$0x3] =	sbarrier.arrive $0xFFFF;
	s2 =	simm.s32 @!p0 $0x1C05  }
0x2d6: {  	[timem:s3], [sflag:s2] =	dma.local @!p0 [hbm:s0], s1  }
0x2d7: {  	s0 =	simm.s32 @!p0 $0x5  }
0x2d8: {  	_ =	swait.ge @!p0 [sflag:s0], s1  }
0x2d9: {  	s1 =	ssub.s32 @!p0 $0x0, s1;
	[sflag:s0] =	ssyncset.done @!p0 $0x0  }
0x2da: {  	[sflag:s0] =	ssyncadd.s32 @!p0 s1  }
0x2db: {  	[bflag:$0x3] =	sbarrier.arrive $0xFFFF  }
0x2dc: {  	_ =	shalt  }

// kernel: kernel.13.cloned.1.call-start
scs
__scs_entry_jumppad:
0x0: {  	(pc) =	sbr.rel $0x88, $3  }
0x1: {  	(tag) =	ssettag $0x0;
	lr =	simm.s32 $0x1  }
0x2: {  	[smem:$0x3F97] =	sst lr;
	_ =	strace $0xD0000000  }
0x3: {  	_ = 	snop  }
0x4: {  	_ = 	snop  }
0x5: {  	_ = 	snop  }
0x6: {  	_ = 	snop  }
0x7: {  	_ = 	snop  }
__scs_overlays_trampoline_lowered:
0x8: {  	[smem:$0x3FA6] =	sst s0  }
0x9: {  	[smem:$0x3FA7] =	sst s1  }
0xa: {  	[smem:$0x3FA8] =	sst s2  }
0xb: {  	[smem:$0x3FA9] =	sst s3  }
0xc: {  	[smem:$0x3FAA] =	sst s4  }
0xd: {  	[smem:$0x3FAB] =	sst s5  }
0xe: {  	[smem:$0x3FAC] =	sst s6  }
0xf: {  	[smem:$0x3FAD] =	sst s7  }
0x10: {  	[smem:$0x3FAE] =	sst s8  }
0x11: {  	[smem:$0x3FAF] =	sst s9;
	s0 =	simm.s32 @!p0 $0x0  }
0x12: {  	s1 =	sld [smem:$0x3F95];
	s0 =	simm.s32 @p0 $0x1  }
0x13: {  	[smem:$0x3FB0] =	sst s0;
	s0 =	simm.s32 @!p1 $0x0  }
0x14: {  	s2 =	sld [smem:$0x3F94];
	s0 =	simm.s32 @p1 $0x1  }
0x15: {  	[smem:$0x3FB1] =	sst s0;
	s0 =	simm.s32 @!p2 $0x0  }
0x16: {  	s3 =	sld [smem:$0x3FDB];
	s0 =	simm.s32 @p2 $0x1  }
0x17: {  	s4 =	simm.s32 $0x1BF5;
	[smem:$0x3FB3] =	sst s0  }
0x18: {  	s0 =	sld [smem:$0x3F96];
	_ =	swait.ge [sflag:s4], $0x0  }
0x19: {  	s7 =	sld [smem:$0x3F97]  }
0x1a: {  	s8 =	sadd.s32 $0xFFFFE003, lr  }
0x1b: {  	s9 =	sadd.s32 $0xFFFFFEF7, lr;
	s5 =	simm.s32 $0xFFFFFFFF;
	p2 =	slt.u32 s8, $0xFFFFF086  }
0x1c: {  	p1 =	slt.u32 s9, $0xF7A;
	s5 =	simm.s32 @!p2 $0x0  }
0x1d: {  	s5 =	simm.s32 @p1 $0x1;
	p0 =	seq.s32 s7, s2  }
0x1e: {  	s7 =	smul.u32 @!p0 $0xF7A, s2;
	p2 =	seq.s32 @!p0 s5, $0x0  }
0x1f: {  	s9 =	smul.u32 $0xF7A, s1;
	s8 =	simm.s32 @!p0 $0x1BF5;
	p2 =	por !p2, p0  }
0x20: {  	[sflag:s8] =	ssyncset.s32 @!p0 $0xFFFFF086;
	s6 =	sadd.s32 @!p0 s3, s7;
	s7 =	simm.s32 @!p0 $0x108  }
0x21: {  	s3 =	sadd.s32 s3, s9;
	s6 =	sadd.s32 @!p0 $0x88, s6;
	s7 =	simm.s32 @p2 $0x1082  }
0x22: {  	[simem:s7], [sflag:s8] =	dma.local @!p0 [hbm:s6], $0xF7A  }
0x23: {  	s9 =	sor.u32 $0xD0000000, s2;
	s6 =	simm.s32 $0x108;
	_ =	swait.ge @!p0 [sflag:s8], $0x0  }
0x24: {  	s3 =	sadd.s32 $0x88, s3;
	s6 =	simm.s32 @!p1 $0x1082;
	[sflag:s4] =	ssyncset.s32 $0xFFFFF086  }
0x25: {  	[simem:s6], [sflag:s4] =	dma.local [hbm:s3], $0xF7A  }
0x26: {  	[smem:$0x3F97] =	sst s1;
	(tag) =	ssettag s2;
	_ =	strace s9  }
0x27: {  	s1 =	sld [smem:$0x3FA7]  }
0x28: {  	s2 =	sld [smem:$0x3FA8]  }
0x29: {  	s4 =	sld [smem:$0x3FAA]  }
0x2a: {  	p0 =	seq.s32 s5, $0x0;
	s5 =	sld [smem:$0x3FAB]  }
0x2b: {  	s6 =	sld [smem:$0x3FAC]  }
0x2c: {  	s7 =	sld [smem:$0x3FAD]  }
0x2d: {  	s3 =	simm.s32 $0x108;
	s8 =	sld [smem:$0x3FAE]  }
0x2e: {  	s3 =	simm.s32 @!p0 $0x1082;
	s9 =	sld [smem:$0x3FAF]  }
0x2f: {  	lr =	sadd.s32 s0, s3;
	s0 =	sld [smem:$0x3FA6]  }
0x30: {  	s3 =	sld [smem:$0x3FA9]  }
0x31: {  	[smem:$0x3FB2] =	sst s10  }
0x32: {  	s10 =	sld [smem:$0x3FB0];
	_ =	sdelay $0x3  }
0x33: {  	p0 =	seq.s32 s10, $0x1;
	s10 =	sld [smem:$0x3FB2];
	_ =	sdelay $0x3  }
0x34: {  	[smem:$0x3FB2] =	sst s10  }
0x35: {  	s10 =	sld [smem:$0x3FB1];
	_ =	sdelay $0x3  }
0x36: {  	p1 =	seq.s32 s10, $0x1;
	s10 =	sld [smem:$0x3FB2];
	_ =	sdelay $0x3  }
0x37: {  	[smem:$0x3FB2] =	sst s10  }
0x38: {  	s10 =	sld [smem:$0x3FB3]  }
0x39: {  	_ = 	snop;
	(pc) =	sbr.ind lr, $3  }
0x3a: {  	_ = 	snop  }
0x3b: {  	_ = 	snop  }
0x3c: {  	p2 =	seq.s32 s10, $0x1;
	s10 =	sld [smem:$0x3FB2]  }
0x3d: {  	_ =	shalt  }
0x3e: {  	_ =	shalt  }
0x3f: {  	_ =	shalt  }
0x40: {  	_ =	shalt  }
0x41: {  	_ =	shalt  }
0x42: {  	_ =	shalt  }
0x43: {  	_ =	shalt  }
0x44: {  	_ =	shalt  }
0x45: {  	_ =	shalt  }
0x46: {  	_ =	shalt  }
0x47: {  	_ =	shalt  }
0x48: {  	_ =	shalt  }
0x49: {  	_ =	shalt  }
0x4a: {  	_ =	shalt  }
0x4b: {  	_ =	shalt  }
0x4c: {  	_ =	shalt  }
0x4d: {  	_ =	shalt  }
0x4e: {  	_ =	shalt  }
0x4f: {  	_ =	shalt  }
0x50: {  	_ =	shalt  }
0x51: {  	_ =	shalt  }
0x52: {  	_ =	shalt  }
0x53: {  	_ =	shalt  }
0x54: {  	_ =	shalt  }
0x55: {  	_ =	shalt  }
0x56: {  	_ =	shalt  }
0x57: {  	_ =	shalt  }
0x58: {  	_ =	shalt  }
0x59: {  	_ =	shalt  }
0x5a: {  	_ =	shalt  }
0x5b: {  	_ =	shalt  }
0x5c: {  	_ =	shalt  }
0x5d: {  	_ =	shalt  }
0x5e: {  	_ =	shalt  }
0x5f: {  	_ =	shalt  }
0x60: {  	_ =	shalt  }
0x61: {  	_ =	shalt  }
0x62: {  	_ =	shalt  }
0x63: {  	_ =	shalt  }
0x64: {  	_ =	shalt  }
0x65: {  	_ =	shalt  }
0x66: {  	_ =	shalt  }
0x67: {  	_ =	shalt  }
0x68: {  	_ =	shalt  }
0x69: {  	_ =	shalt  }
0x6a: {  	_ =	shalt  }
0x6b: {  	_ =	shalt  }
0x6c: {  	_ =	shalt  }
0x6d: {  	_ =	shalt  }
0x6e: {  	_ =	shalt  }
0x6f: {  	_ =	shalt  }
0x70: {  	_ =	shalt  }
0x71: {  	_ =	shalt  }
0x72: {  	_ =	shalt  }
0x73: {  	_ =	shalt  }
0x74: {  	_ =	shalt  }
0x75: {  	_ =	shalt  }
0x76: {  	_ =	shalt  }
0x77: {  	_ =	shalt  }
0x78: {  	_ =	shalt  }
0x79: {  	_ =	shalt  }
0x7a: {  	_ =	shalt  }
0x7b: {  	_ =	shalt  }
0x7c: {  	_ =	shalt  }
0x7d: {  	_ =	shalt  }
0x7e: {  	_ =	shalt  }
0x7f: {  	_ =	shalt  }
0x80: {  	_ =	shalt  }
0x81: {  	_ =	shalt  }
0x82: {  	_ =	shalt  }
0x83: {  	_ =	shalt  }
0x84: {  	_ =	shalt  }
0x85: {  	_ =	shalt  }
0x86: {  	_ =	shalt  }
0x87: {  	_ =	shalt  }
.Lfunc_end0:
.L_simem_size_0:
called_computation.1_lowered:
.L_overlay_start_0:
0x88: {  	s2 =	sld [smem:$0x3FD9]  }
0x89: {  	s3 =	sld [smem:$0x3FFE];
	_ =	sdelay $0x1  }
0x8a: {  	s1 =	srdreg.scid  }
0x8b: {  	s0 =	sand.u32 $0x1, s1  }
0x8c: {  	s17 =	sshll.u32 s0, $0xA;
	s2 =	sadd.s32 s3, s2  }
0x8d: {  	s2 =	sadd.s32 s2, s17  }
0x8e: {  	[smem:$0x3FBE] =	sst s2  }
0x8f: {  	_ = 	snop  }
0x90: {  	s2 =	sld [smem:$0x3FD0];
	(tm) =	ssettm $0x1  }
0x91: {  	s18 =	sld [smem:$0x3FFB];
	_ =	sdelay $0x3  }
0x92: {  	_ =	strace s18  }
0x93: {  	s3 =	sld [smem:$0x3FFC];
	_ =	sdelay $0x3  }
0x94: {  	_ =	strace s3  }
0x95: {  	s3 =	sld [smem:$0x3FFD];
	_ =	sdelay $0x3  }
0x96: {  	_ =	strace s3  }
0x97: {  	_ =	strace $0x8FFFFFFF  }
0x98: {  	s19 =	sld [smem:$0x3FDB];
	_ =	sdelay $0x1  }
0x99: {  	s4 =	simm.s32 $_scs_section_size  }
0x9a: {  	s5 =	simm.s32 $_size__tile_overlayer_lowered;
	s6 =	simm.s32 $_tile_overlayer_lowered  }
0x9b: {  	s22 =	simm.s32 $0x1BFF;
	s21 =	sshll.u32 s6, $0x1;
	s3 =	sadd.s32 s4, s19  }
0x9c: {  	s7 =	simm.s32 $0x0;
	s20 =	sshll.u32 s5, $0x1;
	s5 =	sadd.s32 s21, s3  }
0x9d: {  	[timem:s7], [sflag:s22] =	dma.local [hbm:s5], s20  }
0x9e: {  	_ =	swait.ge [sflag:s22], s20  }
0x9f: {  	s4 =	ssub.s32 $0x0, s20;
	[sflag:s22] =	ssyncset.done $0x0  }
0xa0: {  	[sflag:s22] =	ssyncadd.s32 s4;
	_ =	sdelay $0x1  }
0xa1: {  	s23 =	simm.s32 $0x1B8B  }
0xa2: {  	_ =	swait.ge [sflag:s23], $0x1  }
0xa3: {  	[sflag:s23] =	ssyncset.done $0x0  }
0xa4: {  	s25 =	simm.s32 $0x1B8E;
	s24 =	sld [smem:$0x3FFE];
	[sflag:s23] =	ssyncadd.s32 $0xFFFFFFFF  }
0xa5: {  	s26 =	simm.s32 $execute0_lowered;
	[smem:$0x3FD2] =	sst s25  }
0xa6: {  	s5 =	sshll.u32 s26, $0x1;
	_ =	strace $0x80000049;
	[dreg:$0x1] =	wrdreg $0xFFFFFFFF  }
0xa7: {  	s28 =	simm.s32 $_size_execute0_lowered;
	s3 =	sadd.s32 s3, s5;
	[dreg:$0x0] =	wrdreg $0x0  }
0xa8: {  	s5 =	sshll.u32 s28, $0x1;
	[dreg:$0x2] =	wrdreg s3  }
0xa9: {  	[dreg:$0x3] =	wrdreg s5  }
0xaa: {  	[dreg:$0x4] =	wrdreg $0xC0  }
0xab: {  	_ =	task [dreg:s7], $0x5FFFF  }
0xac: {  	[dreg:$0x1] =	wrdreg $0xFFFFFFFF  }
0xad: {  	[dreg:$0x0] =	wrdreg $0x60  }
0xae: {  	[dreg:$0x2] =	wrdreg s24  }
0xaf: {  	[dreg:$0x3] =	wrdreg s2  }
0xb0: {  	[dreg:$0x4] =	wrdreg $0x98000  }
0xb1: {  	[dreg:$0x5] =	wrdreg $0x9  }
0xb2: {  	_ =	task.clear_ibuf [dreg:s7], $0x6FFFF;
	_ =	strace $0x90000049  }
0xb3: {  	s29 =	simm.s32 $0x9;
	_ =	strace $0x8000004B  }
0xb4: {  	_ =	swait.ge [sflag:s29], $0x1  }
0xb5: {  	[sflag:s29] =	ssyncadd.s32 $0xFFFFFFFF  }
0xb6: {  	_ =	strace $0x9000004B  }
0xb7: {  	_ =	sfence  }
0xb8: {  	s30 =	sld [smem:$0x0];
	_ =	sdelay $0x2  }
0xb9: {  	s31 =	sshll.u32 s1, $0xD;
	s1 =	sshrl.u32 s1, $0x2  }
0xba: {  	s3 =	sand.u32 $0x4000, s31;
	s1 =	sadd.s32 s1, s30  }
0xbb: {  	s0 =	sor.u32 s3, s0;
	s1 =	sshll.u32 s1, $0x11  }
0xbc: {  	s0 =	sor.u32 s1, s0  }
0xbd: {  	s0 =	sadd.s32 $0x8F2B, s0  }
0xbe: {  	[sflag:s0] =	ssyncadd.remote.s32 $0x1  }
0xbf: {  	_ =	sfence.sel $0xFFFF  }
0xc0: {  	[dreg:$0x0] =	wrdreg $0xFFFFFFFF;
	(pc) =	sbr.abs _section_cstart, $3  }
0xc1: {  	[dreg:$0x1] =	wrdreg $0xFFFFFFFF  }
0xc2: {  	_ =	task.clear_ibuf [dreg:s7], $0x2FFFF;
	_ =	strace $0x9FFFFFFF  }
0xc3: {  	(tm) =	ssettm $0x7FFFFFFF  }
tec
execute0_lowered:
.L_overlay_start_1:
0x0: {  	(tag) =	ssettag $0x1  }
0x1: {  	s0 =	rddreg [dreg:$0x0]  }
0x2: {  	s1 =	rddreg [dreg:$0x1]  }
0x3: {  	s2 =	rddreg [dreg:$0x2]  }
0x4: {  	s15 =	simm.s32 $0x0;
	s3 =	stileid.u32;
	s4 =	srdreg.scid  }
0x5: {  	s16 =	simm.s32 $0x5;
	s17 =	simm.s32 $0x80;
	s18 =	simm.s32 $0x400  }
0x6: {  	s20 =	simm.s32 $0xA00;
	s21 =	simm.s32 $0xF00;
	s22 =	simm.s32 $0x1700  }
0x7: {  	s23 =	simm.s32 $0x1800;
	s28 =	simm.s32 $0x3;
	s29 =	simm.s32 $0x2  }
0x8: {  	[smem:$0x7FF] =	sst s15;
	s7 =	sand.u32 $0x1, s4;
	s8 =	smul.u32 $0x14000, s3  }
0x9: {  	s4 =	sadd.s32 $0x9800, s0;
	s5 =	sadd.s32 $0xE800, s0;
	s6 =	sadd.s32 $0x13800, s0  }
0xa: {  	s10 =	sshll.u32 s3, $0xB;
	s13 =	smul.u32 $0x50000, s3;
	s25 =	sshll.u32 s3, $0x6  }
0xb: {  	_ =	strace $0x8000004A;
	s9 =	smul.u32 $0x140000, s7;
	s11 =	ssub.s32 $0x2, s7  }
0xc: {  	s10 =	sadd.s32 s10, s0;
	p0 =	seq.s32 s7, $0x0;
	s12 =	sshrl.u32 s11, $0x1  }
0xd: {  	s24 =	sshrl.u32 s13, $0x2;
	s10 =	sadd.s32 $0x1800, s10;
	s9 =	sadd.s32 s8, s9  }
0xe: {  	s11 =	ssub.s32 s11, s12;
	s8 =	sshrl.u32 s8, $0x3;
	s13 =	sadd.s32 s24, s2  }
0xf: {  	s24 =	simm.s32 $0x1780;
	s9 =	sshrl.u32 s9, $0x3;
	s31 =	smax.u32 s11, $0x1  }
0x10: {  	s19 =	sadd.s32 s1, s8;
	s8 =	sor.u32 $0x1C05, s25;
	[dreg:$0x9] =	wrdreg s31  }
0x11: {  	s1 =	simm.s32 $0x18800;
	s14 =	sadd.s32 s9, s0;
	[dreg:$0x5] =	wrdreg s19  }
0x12: {  	s25 =	simm.s32 $0x5800;
	[dreg:$0x6] =	wrdreg s8;
	s26 =	sadd.s32 $0xAB8800, s14  }
0x13: {  	s1 =	simm.s32 @!p0 $0x568800;
	s30 =	sadd.s32 $0xB08800, s14;
	[dreg:$0x7] =	wrdreg s26  }
0x14: {  	s14 =	sadd.s32 s1, s0;
	s1 =	sshrl.u32 s13, $0x3;
	[dreg:$0x8] =	wrdreg s30  }
0x15: {  	s9 =	smul.u32 $0x2800, s3;
	s26 =	simm.s32 $0x1;
	[dreg:$0xa] =	wrdreg s1  }
.LBB2_1:
0x16: {  	[dreg:$0x4] =	wrdreg s15  }
0x17: {  	[spmem:s1], [sflag:s8] =	dma.local [hbm:s19], $0x2800  }
0x18: {  	_ =	swait.ge [sflag:s16], $0x2800  }
0x19: {  	[sflag:s16] =	ssyncset.done $0x0  }
0x1a: {  	[sflag:s16] =	ssyncadd.s32 $0xFFFFD800  }
0x1b: {  	s0 =	simm.s32 $0x0;
	[bflag:$0x0] =	sbarrier.arrive $0xFFFF  }
.LBB2_2:
0x1c: {  	p0 =	seq.s32 s0, $0x0  }
0x1d: {  	s7 =	sshll.u32 s0, $0x7;
	s1 =	simm.s32 @!p0 $0x4  }
0x1e: {  	s7 =	sadd.s32 s9, s7;
	_ =	swait.ge @!p0 [sflag:s1], $0x4000  }
0x1f: {  	s7 =	sshrl.u32 s7, $0x3;
	[sflag:s1] =	ssyncset.done @!p0 $0x0  }
0x20: {  	s31 =	simm.s32 $0x0;
	s12 =	sadd.s32 s4, s7;
	[sflag:s1] =	ssyncadd.s32 @!p0 $0xFFFFC000  }
0x21: {  	[tilespmem:s31], [sflag:$0x5] =	stream.strided.gather [hbm4b:s12+s17], $0x500, s18, s17, $0x38;
	[tilespmem:$0x1D800] =	vst v63  }
0x22: {  	_ =	swait.ge [sflag:s16], $0x500  }
0x23: {  	[sflag:s16] =	ssyncset.done $0x0  }
0x24: {  	s3 =	simm.s32 $0x500;
	s13 =	sadd.s32 s5, s7;
	[sflag:s16] =	ssyncadd.s32 $0xFFFFFB00  }
0x25: {  	[tilespmem:s3], [sflag:$0x5] =	stream.strided.gather [hbm4b:s13+s17], $0x500, s18, s17, $0x38;
	[tilespmem:$0x1D800] =	vst v63  }
0x26: {  	_ =	swait.ge [sflag:s16], $0x500  }
0x27: {  	[sflag:s16] =	ssyncset.done $0x0  }
0x28: {  	s15 =	sadd.s32 s6, s7;
	[sflag:s16] =	ssyncadd.s32 $0xFFFFFB00  }
0x29: {  	[tilespmem:s20], [sflag:$0x5] =	stream.strided.gather [hbm4b:s15+s17], $0x500, s18, s17, $0x38;
	[tilespmem:$0x1D800] =	vst v63  }
0x2a: {  	_ =	swait.ge [sflag:s16], $0x500  }
0x2b: {  	s30 =	sshll.u32 s0, $0x8;
	[sflag:s16] =	ssyncset.done $0x0  }
0x2c: {  	s1 =	sadd.s32 s30, s10;
	[sflag:s16] =	ssyncadd.s32 $0xFFFFFB00  }
0x2d: {  	[tilespmem:s21], [sflag:$0x5] =	stream.linear.gather [hbm4b:s1+s31], $0x500, $0x38;
	[tilespmem:$0x1D800] =	vst v63  }
0x2e: {  	_ =	swait.ge [sflag:s16], $0x500  }
0x2f: {  	[sflag:s16] =	ssyncset.done $0x0  }
0x30: {  	[sflag:s16] =	ssyncadd.s32 $0xFFFFFB00  }
0x31: {  	v0 =	vld [tilespmem:$0x500]  }
0x32: {  	v1 =	vld [tilespmem:$0x0]  }
0x33: {  	v2 =	vld [tilespmem:$0x510]  }
0x34: {  	v3 =	vld [tilespmem:$0x10]  }
0x35: {  	v4 =	vld [tilespmem:$0x520]  }
0x36: {  	v5 =	vld [tilespmem:$0x20]  }
0x37: {  	v6 =	vld [tilespmem:$0x530]  }
0x38: {  	v7 =	vld [tilespmem:$0x30]  }
0x39: {  	v8 =	vld [tilespmem:$0x540]  }
0x3a: {  	v9 =	vld [tilespmem:$0x40]  }
0x3b: {  	v10 =	vld [tilespmem:$0x550]  }
0x3c: {  	v11 =	vld [tilespmem:$0x50];
	v0 =	vmul.u32 $0x2800, v0  }
0x3d: {  	v12 =	vld [tilespmem:$0x560];
	v2 =	vmul.u32 $0x2800, v2  }
0x3e: {  	v49 =	vld [tilespmem:$0x570];
	v48 =	vmul.u32 $0x2800, v4;
	v0 =	vadd.s32 v1, v0  }
0x3f: {  	v52 =	vld [tilespmem:$0x60];
	v51 =	vmul.u32 $0x2800, v6;
	v50 =	vadd.s32 v3, v2;
	[tilespmem:$0x1700] =	vst v0  }
0x40: {  	v55 =	vld [tilespmem:$0x70];
	v54 =	vmul.u32 $0x2800, v8;
	v53 =	vadd.s32 v5, v48;
	[tilespmem:$0x1710] =	vst v50  }
0x41: {  	v57 =	vmul.u32 $0x2800, v10;
	v56 =	vadd.s32 v7, v51;
	[tilespmem:$0x1720] =	vst v53  }
0x42: {  	v59 =	vmul.u32 $0x2800, v12;
	v58 =	vadd.s32 v9, v54;
	[tilespmem:$0x1730] =	vst v56  }
0x43: {  	v61 =	vmul.u32 $0x2800, v49;
	v60 =	vadd.s32 v11, v57;
	[tilespmem:$0x1740] =	vst v58  }
0x44: {  	v62 =	vadd.s32 v52, v59;
	[tilespmem:$0x1750] =	vst v60  }
0x45: {  	v63 =	vadd.s32 v55, v61;
	[tilespmem:$0x1760] =	vst v62  }
0x46: {  	s1 =	simm.s32 $0x0;
	[tilespmem:$0x1770] =	vst v63  }
0x47: {  	[tilespmem:s23], [sflag:$0x1] =	stream.indirect.gather [hbm4b:s14+s17], $0x80, s22, s17, $0xb8;
	[tilespmem:$0x1D800] =	vst v63  }
.LBB2_3:
0x48: {  	p0 =	seq.s32 s1, $0x0  }
0x49: {  	s7 =	simm.s32 @!p0 $0x4  }
0x4a: {  	_ =	swait.ge @!p0 [sflag:s7], $0x4000  }
0x4b: {  	[sflag:s7] =	ssyncset.done @!p0 $0x0  }
0x4c: {  	s12 =	sshll.u32 s1, $0x8;
	[sflag:s7] =	ssyncadd.s32 @!p0 $0xFFFFC000  }
0x4d: {  	v0 =	vld [tilespmem:s12+$0x580]  }
0x4e: {  	s11 =	sor.u32 $0x80, s12  }
0x4f: {  	v1 =	vld [tilespmem:s11+$0x0];
	_ =	sdelay $0x2  }
0x50: {  	v0 =	vmul.u32 $0x2800, v0;
	_ =	sdelay $0x1  }
0x51: {  	v0 =	vadd.s32 v1, v0  }
0x52: {  	[tilespmem:$0x1780] =	vst v0  }
0x53: {  	v0 =	vld [tilespmem:s12+$0x590]  }
0x54: {  	s8 =	sor.u32 $0x90, s12  }
0x55: {  	v1 =	vld [tilespmem:s8+$0x0];
	_ =	sdelay $0x2  }
0x56: {  	v0 =	vmul.u32 $0x2800, v0;
	_ =	sdelay $0x1  }
0x57: {  	v0 =	vadd.s32 v1, v0  }
0x58: {  	[tilespmem:$0x1790] =	vst v0  }
0x59: {  	v0 =	vld [tilespmem:s12+$0x5A0]  }
0x5a: {  	s13 =	sor.u32 $0xA0, s12  }
0x5b: {  	v1 =	vld [tilespmem:s13+$0x0];
	_ =	sdelay $0x2  }
0x5c: {  	v0 =	vmul.u32 $0x2800, v0;
	_ =	sdelay $0x1  }
0x5d: {  	v0 =	vadd.s32 v1, v0  }
0x5e: {  	[tilespmem:$0x17A0] =	vst v0  }
0x5f: {  	v0 =	vld [tilespmem:s12+$0x5B0]  }
0x60: {  	s15 =	sor.u32 $0xB0, s12  }
0x61: {  	v1 =	vld [tilespmem:s15+$0x0];
	_ =	sdelay $0x2  }
0x62: {  	v0 =	vmul.u32 $0x2800, v0;
	_ =	sdelay $0x1  }
0x63: {  	v0 =	vadd.s32 v1, v0  }
0x64: {  	[tilespmem:$0x17B0] =	vst v0  }
0x65: {  	v0 =	vld [tilespmem:s12+$0x5C0]  }
0x66: {  	s3 =	sor.u32 $0xC0, s12  }
0x67: {  	v1 =	vld [tilespmem:s3+$0x0];
	_ =	sdelay $0x2  }
0x68: {  	v0 =	vmul.u32 $0x2800, v0;
	_ =	sdelay $0x1  }
0x69: {  	v0 =	vadd.s32 v1, v0  }
0x6a: {  	[tilespmem:$0x17C0] =	vst v0  }
0x6b: {  	v0 =	vld [tilespmem:s12+$0x5D0]  }
0x6c: {  	s8 =	sor.u32 $0xD0, s12  }
0x6d: {  	v1 =	vld [tilespmem:s8+$0x0];
	_ =	sdelay $0x2  }
0x6e: {  	v0 =	vmul.u32 $0x2800, v0;
	_ =	sdelay $0x1  }
0x6f: {  	v0 =	vadd.s32 v1, v0  }
0x70: {  	[tilespmem:$0x17D0] =	vst v0  }
0x71: {  	v0 =	vld [tilespmem:s12+$0x5E0]  }
0x72: {  	s13 =	sor.u32 $0xE0, s12  }
0x73: {  	v1 =	vld [tilespmem:s13+$0x0];
	_ =	sdelay $0x2  }
0x74: {  	v0 =	vmul.u32 $0x2800, v0;
	_ =	sdelay $0x1  }
0x75: {  	v0 =	vadd.s32 v1, v0  }
0x76: {  	[tilespmem:$0x17E0] =	vst v0  }
0x77: {  	v0 =	vld [tilespmem:s12+$0x5F0]  }
0x78: {  	s15 =	sor.u32 $0xF0, s12  }
0x79: {  	v1 =	vld [tilespmem:s15+$0x0]  }
0x7a: {  	s3 =	sadd.s32 $0xFFFFFFFC, s31  }
0x7b: {  	s8 =	sadd.s32 $0x6, s3  }
0x7c: {  	v2 =	vmov s8;
	v0 =	vmul.u32 $0x2800, v0  }
0x7d: {  	v2 =	vand.u32 $0xFFFFFFFE, v2  }
0x7e: {  	v2 =	vbroadcast v2, $0x0;
	v0 =	vadd.s32 v1, v0  }
0x7f: {  	s13 =	sadd.s32 $0x4, s3;
	[tilespmem:$0x17F0] =	vst v0  }
0x80: {  	[tilespmem:s25], [sflag:$0x2] =	stream.indirect.gather [hbm4b:s14+s17], $0x80, s24, s17, $0xb8;
	[tilespmem:$0x1D800] =	vst v63  }
0x81: {  	v1 =	vmov s13;
	_ =	swait.ge [sflag:s26], $0x4000  }
0x82: {  	v0 =	vand.u32 $0xFFFFFFFC, v1;
	[sflag:s26] =	ssyncset.done $0x0  }
0x83: {  	v1 =	vbroadcast v0, $0x0;
	[sflag:s26] =	ssyncadd.s32 $0xFFFFC000  }
0x84: {  	s13 =	simm.s32 $0x1900;
	v0 =	vld.idx.msk [tilespmem:v2+s20+$0x0], $0xffff  }
0x85: {  	s15 =	sadd.s32 $0x5, s3;
	v2 =	vld [tilespmem:s13+$0x70]  }
0x86: {  	v3 =	vmov s15;
	v4 =	vld [tilespmem:s13+$0xFFFFFF00]  }
0x87: {  	v3 =	vand.u32 $0xFFFFFFFD, v3;
	v5 =	vld [tilespmem:s13+$0xFFFFFF10]  }
0x88: {  	v3 =	vbroadcast v3, $0x0;
	v6 =	vld [tilespmem:s13+$0xFFFFFF20]  }
0x89: {  	v1 =	vld.idx.msk [tilespmem:v1+s20+$0x0], $0xffff  }
0x8a: {  	v7 =	vld [tilespmem:s13+$0xFFFFFF30]  }
0x8b: {  	v8 =	vld [tilespmem:s13+$0xFFFFFF40]  }
0x8c: {  	v9 =	vld [tilespmem:s13+$0xFFFFFF50]  }
0x8d: {  	v10 =	vld [tilespmem:s13+$0xFFFFFF60];
	v2 =	vmul.f32 v2, v0  }
0x8e: {  	v3 =	vld.idx.msk [tilespmem:v3+s20+$0x0], $0xffff;
	v4 =	vmul.f32 v4, v1  }
0x8f: {  	v12 =	vld [tilespmem:s13+$0xFFFFFFD0];
	[tilespmem:s13+$0x70] =	vst v2;
	v2 =	vmul.f32 v6, v1  }
0x90: {  	[tilespmem:s13+$0xFFFFFF00] =	vst v4;
	v4 =	vmul.f32 v5, v1;
	v5 =	vld [tilespmem:s13+$0xFFFFFF70]  }
0x91: {  	s7 =	sadd.s32 $0x7, s3;
	v6 =	vld [tilespmem:s13+$0xFFFFFF80];
	[tilespmem:s13+$0xFFFFFF20] =	vst v2;
	v2 =	vmul.f32 v8, v1  }
0x92: {  	v11 =	vmov s7;
	[tilespmem:s13+$0xFFFFFF10] =	vst v4;
	v4 =	vmul.f32 v7, v1;
	v7 =	vld [tilespmem:s13+$0xFFFFFF90]  }
0x93: {  	v8 =	vld [tilespmem:s13+$0xFFFFFFA0];
	[tilespmem:s13+$0xFFFFFF40] =	vst v2;
	v2 =	vmul.f32 v10, v1  }
0x94: {  	v10 =	vld [tilespmem:s13+$0xFFFFFFC0];
	[tilespmem:s13+$0xFFFFFF30] =	vst v4;
	v4 =	vmul.f32 v9, v1  }
0x95: {  	v9 =	vld [tilespmem:s13+$0xFFFFFFB0];
	[tilespmem:s13+$0xFFFFFF60] =	vst v2;
	v5 =	vmul.f32 v5, v1  }
0x96: {  	v13 =	vld [tilespmem:s13+$0xFFFFFFE0];
	[tilespmem:s13+$0xFFFFFF50] =	vst v4;
	v4 =	vmul.f32 v6, v3  }
0x97: {  	v1 =	vld.idx.msk [tilespmem:v11+s20+$0x0], $0xffff;
	v2 =	vmul.f32 v7, v3;
	[tilespmem:s13+$0xFFFFFF70] =	vst v5  }
0x98: {  	v7 =	vld [tilespmem:s13+$0xFFFFFFF0];
	[tilespmem:s13+$0xFFFFFF80] =	vst v4;
	v4 =	vmul.f32 v8, v3  }
0x99: {  	v6 =	vld [tilespmem:s13+$0x0];
	v8 =	vmul.f32 v10, v3;
	[tilespmem:s13+$0xFFFFFF90] =	vst v2  }
0x9a: {  	v5 =	vld [tilespmem:s13+$0x10];
	v2 =	vmul.f32 v9, v3;
	[tilespmem:s13+$0xFFFFFFA0] =	vst v4  }
0x9b: {  	v9 =	vmul.f32 v12, v3;
	v4 =	vld [tilespmem:s13+$0x20];
	[tilespmem:s13+$0xFFFFFFC0] =	vst v8  }
0x9c: {  	v8 =	vmul.f32 v13, v3;
	[tilespmem:s13+$0xFFFFFFB0] =	vst v2;
	v2 =	vld [tilespmem:s13+$0x30]  }
0x9d: {  	s30 =	simm.s32 $0x0;
	s7 =	simm.s32 $0x1900;
	[tilespmem:s13+$0xFFFFFFD0] =	vst v9;
	v7 =	vmul.f32 v7, v3;
	v3 =	vld [tilespmem:s13+$0x40]  }
.LBB2_4:
0x9e: {  	s8 =	sadd.s32 s30, s31;
	s30 =	sadd.s32 $0x4, s30;
	[tilespmem:s13+$0xFFFFFFE0] =	vst v8;
	v6 =	vmul.f32 v6, v0;
	v8 =	vld [tilespmem:s13+$0x50]  }
0x9f: {  	s15 =	sadd.s32 $0x4, s8;
	s3 =	sadd.s32 $0x6, s8;
	p0 =	slt.u32 s30, $0x7C;
	[tilespmem:s13+$0xFFFFFFF0] =	vst v7;
	v5 =	vmul.f32 v5, v0;
	v7 =	vld [tilespmem:s13+$0x60]  }
0xa0: {  	v9 =	vmov s15;
	s15 =	sadd.s32 $0x5, s8;
	v10 =	vmov s3;
	s3 =	sadd.s32 $0x7, s8;
	[tilespmem:s13+$0x0] =	vst v6;
	v4 =	vmul.f32 v4, v0;
	v6 =	vld [tilespmem:s13+$0x80]  }
0xa1: {  	v9 =	vand.u32 $0xFFFFFFFC, v9;
	v11 =	vmov s15;
	v10 =	vand.u32 $0xFFFFFFFE, v10;
	[tilespmem:s13+$0x10] =	vst v5;
	v5 =	vld [tilespmem:s13+$0x90]  }
0xa2: {  	v9 =	vbroadcast v9, $0x0;
	v11 =	vand.u32 $0xFFFFFFFD, v11;
	v10 =	vbroadcast v10, $0x0;
	[tilespmem:s13+$0x20] =	vst v4;
	v4 =	vld [tilespmem:s13+$0xA0]  }
0xa3: {  	v12 =	vmov s3;
	v2 =	vmul.f32 v2, v0;
	v11 =	vbroadcast v11, $0x0;
	v13 =	vld [tilespmem:s13+$0xB0]  }
0xa4: {  	v3 =	vmul.f32 v3, v0;
	v8 =	vmul.f32 v8, v0;
	v14 =	vld [tilespmem:s13+$0xC0]  }
0xa5: {  	[tilespmem:s13+$0x30] =	vst v2;
	v2 =	vmul.f32 v7, v0;
	v6 =	vmul.f32 v6, v1;
	v7 =	vld [tilespmem:s13+$0xD0]  }
0xa6: {  	[tilespmem:s13+$0x40] =	vst v3;
	v3 =	vmul.f32 v5, v1;
	v5 =	vld [tilespmem:s13+$0xE0]  }
0xa7: {  	[tilespmem:s13+$0x50] =	vst v8;
	v4 =	vmul.f32 v4, v1;
	v8 =	vld [tilespmem:s13+$0xF0]  }
0xa8: {  	s13 =	sadd.s32 $0x200, s13;
	v0 =	vld.idx.msk [tilespmem:v10+s20+$0x0], $0xffff;
	[tilespmem:s7+$0x60] =	vst v2;
	v2 =	vmul.f32 v13, v1  }
0xa9: {  	v10 =	vld [tilespmem:s13+$0x70];
	[tilespmem:s7+$0x80] =	vst v6;
	v6 =	vmul.f32 v14, v1  }
0xaa: {  	v9 =	vld.idx.msk [tilespmem:v9+s20+$0x0], $0xffff;
	[tilespmem:s7+$0x90] =	vst v3;
	v3 =	vmul.f32 v7, v1  }
0xab: {  	v7 =	vld.idx.msk [tilespmem:v11+s20+$0x0], $0xffff;
	[tilespmem:s7+$0xA0] =	vst v4;
	v4 =	vmul.f32 v5, v1  }
0xac: {  	[tilespmem:s7+$0xB0] =	vst v2;
	v2 =	vmul.f32 v8, v1;
	v1 =	vld.idx.msk [tilespmem:v12+s20+$0x0], $0xffff  }
0xad: {  	v5 =	vld [tilespmem:s13+$0xFFFFFF00];
	[tilespmem:s7+$0xC0] =	vst v6  }
0xae: {  	v6 =	vld [tilespmem:s13+$0xFFFFFF10];
	v8 =	vmul.f32 v10, v0;
	[tilespmem:s7+$0xD0] =	vst v3  }
0xaf: {  	v3 =	vld [tilespmem:s13+$0xFFFFFF20];
	[tilespmem:s7+$0xE0] =	vst v4  }
0xb0: {  	v4 =	vld [tilespmem:s13+$0xFFFFFF30];
	[tilespmem:s13+$0x70] =	vst v8  }
0xb1: {  	v8 =	vld [tilespmem:s13+$0xFFFFFF40];
	[tilespmem:s7+$0xF0] =	vst v2;
	s7 =	smov.u32 s13  }
0xb2: {  	v2 =	vmul.f32 v5, v9;
	v5 =	vld [tilespmem:s13+$0xFFFFFF50]  }
0xb3: {  	v6 =	vmul.f32 v6, v9;
	v10 =	vld [tilespmem:s13+$0xFFFFFF60]  }
0xb4: {  	[tilespmem:s13+$0xFFFFFF00] =	vst v2;
	v2 =	vmul.f32 v3, v9;
	v3 =	vld [tilespmem:s13+$0xFFFFFF70]  }
0xb5: {  	[tilespmem:s13+$0xFFFFFF10] =	vst v6;
	v4 =	vmul.f32 v4, v9;
	v6 =	vld [tilespmem:s13+$0xFFFFFF80]  }
0xb6: {  	[tilespmem:s13+$0xFFFFFF20] =	vst v2;
	v2 =	vmul.f32 v8, v9;
	v8 =	vld [tilespmem:s13+$0xFFFFFF90]  }
0xb7: {  	[tilespmem:s13+$0xFFFFFF30] =	vst v4;
	v4 =	vmul.f32 v5, v9;
	v5 =	vld [tilespmem:s13+$0xFFFFFFA0]  }
0xb8: {  	[tilespmem:s13+$0xFFFFFF40] =	vst v2;
	v2 =	vmul.f32 v10, v9;
	v10 =	vld [tilespmem:s13+$0xFFFFFFB0]  }
0xb9: {  	[tilespmem:s13+$0xFFFFFF50] =	vst v4;
	v3 =	vmul.f32 v3, v9;
	v4 =	vld [tilespmem:s13+$0xFFFFFFC0]  }
0xba: {  	[tilespmem:s13+$0xFFFFFF60] =	vst v2;
	v2 =	vmul.f32 v6, v7;
	v9 =	vld [tilespmem:s13+$0xFFFFFFD0]  }
0xbb: {  	[tilespmem:s13+$0xFFFFFF70] =	vst v3;
	v3 =	vmul.f32 v8, v7;
	v8 =	vld [tilespmem:s13+$0xFFFFFFE0]  }
0xbc: {  	[tilespmem:s13+$0xFFFFFF80] =	vst v2;
	v2 =	vmul.f32 v5, v7;
	v11 =	vld [tilespmem:s13+$0xFFFFFFF0]  }
.Ltmp0:
0xbd: {  	[tilespmem:s13+$0xFFFFFF90] =	vst v3;
	v3 =	vmul.f32 v10, v7;
	v6 =	vld [tilespmem:s13+$0x0];
	(pc) =	sbr.rel @p0 .LBB2_4-.Ltmp0, $4  }
0xbe: {  	[tilespmem:s13+$0xFFFFFFA0] =	vst v2;
	v2 =	vmul.f32 v4, v7;
	v5 =	vld [tilespmem:s13+$0x10]  }
0xbf: {  	[tilespmem:s13+$0xFFFFFFB0] =	vst v3;
	v3 =	vmul.f32 v9, v7;
	v4 =	vld [tilespmem:s13+$0x20]  }
0xc0: {  	[tilespmem:s13+$0xFFFFFFC0] =	vst v2;
	v8 =	vmul.f32 v8, v7;
	v2 =	vld [tilespmem:s13+$0x30]  }
0xc1: {  	[tilespmem:s13+$0xFFFFFFD0] =	vst v3;
	v7 =	vmul.f32 v11, v7;
	v3 =	vld [tilespmem:s13+$0x40]  }
0xc2: {  	v9 =	vld [tilespmem:s13+$0x50];
	[tilespmem:s13+$0xFFFFFFE0] =	vst v8;
	v6 =	vmul.f32 v6, v0  }
0xc3: {  	v8 =	vld [tilespmem:s13+$0x60];
	[tilespmem:s13+$0xFFFFFFF0] =	vst v7;
	v5 =	vmul.f32 v5, v0  }
0xc4: {  	v7 =	vld [tilespmem:s13+$0x80];
	[tilespmem:s13+$0x0] =	vst v6;
	v4 =	vmul.f32 v4, v0  }
0xc5: {  	v6 =	vld [tilespmem:s13+$0x90];
	[tilespmem:s13+$0x10] =	vst v5;
	v2 =	vmul.f32 v2, v0  }
0xc6: {  	v5 =	vld [tilespmem:s13+$0xA0];
	[tilespmem:s13+$0x20] =	vst v4;
	v3 =	vmul.f32 v3, v0  }
0xc7: {  	v4 =	vld [tilespmem:s13+$0xB0];
	v9 =	vmul.f32 v9, v0;
	[tilespmem:s13+$0x30] =	vst v2  }
0xc8: {  	v10 =	vld [tilespmem:s13+$0xC0];
	v0 =	vmul.f32 v8, v0;
	[tilespmem:s13+$0x40] =	vst v3  }
0xc9: {  	v2 =	vld [tilespmem:s13+$0xD0];
	v3 =	vmul.f32 v7, v1;
	[tilespmem:s13+$0x50] =	vst v9  }
0xca: {  	v7 =	vld [tilespmem:s13+$0xE0];
	v6 =	vmul.f32 v6, v1;
	[tilespmem:s7+$0x60] =	vst v0  }
0xcb: {  	v8 =	vld [tilespmem:s13+$0xF0];
	v0 =	vmul.f32 v5, v1;
	[tilespmem:s7+$0x80] =	vst v3  }
0xcc: {  	v3 =	vmul.f32 v4, v1;
	[tilespmem:s7+$0x90] =	vst v6  }
0xcd: {  	v4 =	vmul.f32 v10, v1;
	[tilespmem:s7+$0xA0] =	vst v0  }
0xce: {  	v0 =	vmul.f32 v2, v1;
	[tilespmem:s7+$0xB0] =	vst v3  }
0xcf: {  	v2 =	vmul.f32 v7, v1;
	[tilespmem:s7+$0xC0] =	vst v4  }
0xd0: {  	v1 =	vmul.f32 v8, v1;
	[tilespmem:s7+$0xD0] =	vst v0  }
0xd1: {  	s3 =	sand.u32 $0x3FFFFF00, s12;
	[tilespmem:s7+$0xE0] =	vst v2  }
0xd2: {  	s3 =	sadd.s32 $0xF00, s3;
	[tilespmem:s7+$0xF0] =	vst v1  }
0xd3: {  	[spmem:s2] =	stream.indirect.scatter.add.f32 [tilespmem:s23], [sflag:$0x3], $0x80, s3, s17, $0xb8;
	[tilespmem:$0x1D800] =	vst v63  }
0xd4: {  	_ =	swait.ge [sflag:s28], $0x4000  }
0xd5: {  	[sflag:s28] =	ssyncset.done $0x0  }
0xd6: {  	p0 =	seq.s32 s1, $0x4;
	[sflag:s28] =	ssyncadd.s32 $0xFFFFC000  }
0xd7: {  	v0 =	vld @!p0 [tilespmem:s12+$0x600];
	_ =	sdelay $0x1  }
0xd8: {  	v1 =	vld @!p0 [tilespmem:s12+$0x100];
	_ =	sdelay $0x2  }
0xd9: {  	v0 =	vmul.u32 @!p0 $0x2800, v0;
	_ =	sdelay $0x1  }
0xda: {  	v0 =	vadd.s32 @!p0 v1, v0  }
0xdb: {  	[tilespmem:$0x1700] =	vst @!p0 v0  }
0xdc: {  	v0 =	vld @!p0 [tilespmem:s12+$0x610];
	_ =	sdelay $0x1  }
0xdd: {  	v1 =	vld @!p0 [tilespmem:s12+$0x110];
	_ =	sdelay $0x2  }
0xde: {  	v0 =	vmul.u32 @!p0 $0x2800, v0;
	_ =	sdelay $0x1  }
0xdf: {  	v0 =	vadd.s32 @!p0 v1, v0  }
0xe0: {  	[tilespmem:$0x1710] =	vst @!p0 v0  }
0xe1: {  	v0 =	vld @!p0 [tilespmem:s12+$0x620];
	_ =	sdelay $0x1  }
0xe2: {  	v1 =	vld @!p0 [tilespmem:s12+$0x120];
	_ =	sdelay $0x2  }
0xe3: {  	v0 =	vmul.u32 @!p0 $0x2800, v0;
	_ =	sdelay $0x1  }
0xe4: {  	v0 =	vadd.s32 @!p0 v1, v0  }
0xe5: {  	[tilespmem:$0x1720] =	vst @!p0 v0  }
0xe6: {  	v0 =	vld @!p0 [tilespmem:s12+$0x630];
	_ =	sdelay $0x1  }
0xe7: {  	v1 =	vld @!p0 [tilespmem:s12+$0x130];
	_ =	sdelay $0x2  }
0xe8: {  	v0 =	vmul.u32 @!p0 $0x2800, v0;
	_ =	sdelay $0x1  }
0xe9: {  	v0 =	vadd.s32 @!p0 v1, v0  }
0xea: {  	[tilespmem:$0x1730] =	vst @!p0 v0  }
0xeb: {  	v0 =	vld @!p0 [tilespmem:s12+$0x640];
	_ =	sdelay $0x1  }
0xec: {  	v1 =	vld @!p0 [tilespmem:s12+$0x140];
	_ =	sdelay $0x2  }
0xed: {  	v0 =	vmul.u32 @!p0 $0x2800, v0;
	_ =	sdelay $0x1  }
0xee: {  	v0 =	vadd.s32 @!p0 v1, v0  }
0xef: {  	[tilespmem:$0x1740] =	vst @!p0 v0  }
0xf0: {  	v0 =	vld @!p0 [tilespmem:s12+$0x650];
	_ =	sdelay $0x1  }
0xf1: {  	v1 =	vld @!p0 [tilespmem:s12+$0x150];
	_ =	sdelay $0x2  }
0xf2: {  	v0 =	vmul.u32 @!p0 $0x2800, v0;
	_ =	sdelay $0x1  }
0xf3: {  	v0 =	vadd.s32 @!p0 v1, v0  }
0xf4: {  	[tilespmem:$0x1750] =	vst @!p0 v0  }
0xf5: {  	v0 =	vld @!p0 [tilespmem:s12+$0x660];
	_ =	sdelay $0x1  }
0xf6: {  	v1 =	vld @!p0 [tilespmem:s12+$0x160];
	_ =	sdelay $0x2  }
0xf7: {  	v0 =	vmul.u32 @!p0 $0x2800, v0;
	_ =	sdelay $0x1  }
0xf8: {  	v0 =	vadd.s32 @!p0 v1, v0  }
0xf9: {  	[tilespmem:$0x1760] =	vst @!p0 v0  }
0xfa: {  	v0 =	vld @!p0 [tilespmem:s12+$0x670];
	_ =	sdelay $0x1  }
0xfb: {  	v1 =	vld @!p0 [tilespmem:s12+$0x170]  }
0xfc: {  	s3 =	sadd.s32 $0xFFFFFFFC, s31  }
0xfd: {  	s13 =	sadd.s32 $0x86, s3  }
0xfe: {  	v2 =	vmov s13;
	v0 =	vmul.u32 @!p0 $0x2800, v0  }
0xff: {  	v2 =	vand.u32 $0xFFFFFFFE, v2  }
0x100: {  	s8 =	simm.s32 @!p0 $0x1700;
	v2 =	vbroadcast v2, $0x0;
	v0 =	vadd.s32 @!p0 v1, v0  }
0x101: {  	s7 =	simm.s32 @!p0 $0x80;
	s15 =	sadd.s32 $0x84, s3;
	s12 =	simm.s32 @!p0 $0x1800;
	[tilespmem:$0x1770] =	vst @!p0 v0  }
0x102: {  	[tilespmem:s12], [sflag:$0x1] =	stream.indirect.gather @!p0 [hbm4b:s14+s7], $0x80, s8, s7, $0xb8;
	[tilespmem:$0x1D800] =	vst v63  }
0x103: {  	v1 =	vmov s15;
	_ =	swait.ge [sflag:s29], $0x4000  }
0x104: {  	v0 =	vand.u32 $0xFFFFFFFC, v1;
	[sflag:s29] =	ssyncset.done $0x0  }
0x105: {  	v1 =	vbroadcast v0, $0x0;
	[sflag:s29] =	ssyncadd.s32 $0xFFFFC000  }
0x106: {  	s12 =	simm.s32 $0x5900;
	v0 =	vld.idx.msk [tilespmem:v2+s20+$0x0], $0xffff  }
0x107: {  	s30 =	sadd.s32 $0x85, s3;
	v2 =	vld [tilespmem:s12+$0x70]  }
0x108: {  	v3 =	vmov s30;
	v4 =	vld [tilespmem:s12+$0xFFFFFF00]  }
0x109: {  	v3 =	vand.u32 $0xFFFFFFFD, v3;
	v5 =	vld [tilespmem:s12+$0xFFFFFF10]  }
0x10a: {  	v3 =	vbroadcast v3, $0x0;
	v6 =	vld [tilespmem:s12+$0xFFFFFF20]  }
0x10b: {  	v1 =	vld.idx.msk [tilespmem:v1+s20+$0x0], $0xffff  }
0x10c: {  	v7 =	vld [tilespmem:s12+$0xFFFFFF30]  }
0x10d: {  	v8 =	vld [tilespmem:s12+$0xFFFFFF40]  }
0x10e: {  	v9 =	vld [tilespmem:s12+$0xFFFFFF50]  }
0x10f: {  	v10 =	vld [tilespmem:s12+$0xFFFFFF60];
	v2 =	vmul.f32 v2, v0  }
0x110: {  	v3 =	vld.idx.msk [tilespmem:v3+s20+$0x0], $0xffff;
	v4 =	vmul.f32 v4, v1  }
0x111: {  	v12 =	vld [tilespmem:s12+$0xFFFFFFD0];
	[tilespmem:s12+$0x70] =	vst v2;
	v2 =	vmul.f32 v6, v1  }
0x112: {  	[tilespmem:s12+$0xFFFFFF00] =	vst v4;
	v4 =	vmul.f32 v5, v1;
	v5 =	vld [tilespmem:s12+$0xFFFFFF70]  }
0x113: {  	s3 =	sadd.s32 $0x87, s3;
	v6 =	vld [tilespmem:s12+$0xFFFFFF80];
	[tilespmem:s12+$0xFFFFFF20] =	vst v2;
	v2 =	vmul.f32 v8, v1  }
0x114: {  	v11 =	vmov s3;
	[tilespmem:s12+$0xFFFFFF10] =	vst v4;
	v4 =	vmul.f32 v7, v1;
	v7 =	vld [tilespmem:s12+$0xFFFFFF90]  }
0x115: {  	v8 =	vld [tilespmem:s12+$0xFFFFFFA0];
	[tilespmem:s12+$0xFFFFFF40] =	vst v2;
	v2 =	vmul.f32 v10, v1  }
0x116: {  	v10 =	vld [tilespmem:s12+$0xFFFFFFC0];
	[tilespmem:s12+$0xFFFFFF30] =	vst v4;
	v4 =	vmul.f32 v9, v1  }
0x117: {  	v9 =	vld [tilespmem:s12+$0xFFFFFFB0];
	[tilespmem:s12+$0xFFFFFF60] =	vst v2;
	v5 =	vmul.f32 v5, v1  }
0x118: {  	v13 =	vld [tilespmem:s12+$0xFFFFFFE0];
	[tilespmem:s12+$0xFFFFFF50] =	vst v4;
	v4 =	vmul.f32 v6, v3  }
0x119: {  	v1 =	vld.idx.msk [tilespmem:v11+s20+$0x0], $0xffff;
	v2 =	vmul.f32 v7, v3;
	[tilespmem:s12+$0xFFFFFF70] =	vst v5  }
0x11a: {  	v7 =	vld [tilespmem:s12+$0xFFFFFFF0];
	[tilespmem:s12+$0xFFFFFF80] =	vst v4;
	v4 =	vmul.f32 v8, v3  }
0x11b: {  	v6 =	vld [tilespmem:s12+$0x0];
	v8 =	vmul.f32 v10, v3;
	[tilespmem:s12+$0xFFFFFF90] =	vst v2  }
0x11c: {  	v5 =	vld [tilespmem:s12+$0x10];
	v2 =	vmul.f32 v9, v3;
	[tilespmem:s12+$0xFFFFFFA0] =	vst v4  }
0x11d: {  	v9 =	vmul.f32 v12, v3;
	v4 =	vld [tilespmem:s12+$0x20];
	[tilespmem:s12+$0xFFFFFFC0] =	vst v8  }
0x11e: {  	v8 =	vmul.f32 v13, v3;
	[tilespmem:s12+$0xFFFFFFB0] =	vst v2;
	v2 =	vld [tilespmem:s12+$0x30]  }
0x11f: {  	s13 =	simm.s32 $0x0;
	s7 =	simm.s32 $0x5900;
	[tilespmem:s12+$0xFFFFFFD0] =	vst v9;
	v7 =	vmul.f32 v7, v3;
	v3 =	vld [tilespmem:s12+$0x40]  }
.LBB2_6:
0x120: {  	s3 =	sadd.s32 s13, s31;
	s13 =	sadd.s32 $0x4, s13;
	[tilespmem:s12+$0xFFFFFFE0] =	vst v8;
	v6 =	vmul.f32 v6, v0;
	v8 =	vld [tilespmem:s12+$0x50]  }
0x121: {  	s8 =	sadd.s32 $0x84, s3;
	s15 =	sadd.s32 $0x86, s3;
	p0 =	slt.u32 s13, $0x7C;
	[tilespmem:s12+$0xFFFFFFF0] =	vst v7;
	v5 =	vmul.f32 v5, v0;
	v7 =	vld [tilespmem:s12+$0x60]  }
0x122: {  	v9 =	vmov s8;
	s8 =	sadd.s32 $0x85, s3;
	v10 =	vmov s15;
	s3 =	sadd.s32 $0x87, s3;
	[tilespmem:s12+$0x0] =	vst v6;
	v4 =	vmul.f32 v4, v0;
	v6 =	vld [tilespmem:s12+$0x80]  }
0x123: {  	v9 =	vand.u32 $0xFFFFFFFC, v9;
	v11 =	vmov s8;
	v10 =	vand.u32 $0xFFFFFFFE, v10;
	[tilespmem:s12+$0x10] =	vst v5;
	v5 =	vld [tilespmem:s12+$0x90]  }
0x124: {  	v9 =	vbroadcast v9, $0x0;
	v11 =	vand.u32 $0xFFFFFFFD, v11;
	v10 =	vbroadcast v10, $0x0;
	[tilespmem:s12+$0x20] =	vst v4;
	v4 =	vld [tilespmem:s12+$0xA0]  }
0x125: {  	v12 =	vmov s3;
	v2 =	vmul.f32 v2, v0;
	v11 =	vbroadcast v11, $0x0;
	v13 =	vld [tilespmem:s12+$0xB0]  }
0x126: {  	v3 =	vmul.f32 v3, v0;
	v8 =	vmul.f32 v8, v0;
	v14 =	vld [tilespmem:s12+$0xC0]  }
0x127: {  	[tilespmem:s12+$0x30] =	vst v2;
	v2 =	vmul.f32 v7, v0;
	v6 =	vmul.f32 v6, v1;
	v7 =	vld [tilespmem:s12+$0xD0]  }
0x128: {  	[tilespmem:s12+$0x40] =	vst v3;
	v3 =	vmul.f32 v5, v1;
	v5 =	vld [tilespmem:s12+$0xE0]  }
0x129: {  	[tilespmem:s12+$0x50] =	vst v8;
	v4 =	vmul.f32 v4, v1;
	v8 =	vld [tilespmem:s12+$0xF0]  }
0x12a: {  	s12 =	sadd.s32 $0x200, s12;
	v0 =	vld.idx.msk [tilespmem:v10+s20+$0x0], $0xffff;
	[tilespmem:s7+$0x60] =	vst v2;
	v2 =	vmul.f32 v13, v1  }
0x12b: {  	v10 =	vld [tilespmem:s12+$0x70];
	[tilespmem:s7+$0x80] =	vst v6;
	v6 =	vmul.f32 v14, v1  }
0x12c: {  	v9 =	vld.idx.msk [tilespmem:v9+s20+$0x0], $0xffff;
	[tilespmem:s7+$0x90] =	vst v3;
	v3 =	vmul.f32 v7, v1  }
0x12d: {  	v7 =	vld.idx.msk [tilespmem:v11+s20+$0x0], $0xffff;
	[tilespmem:s7+$0xA0] =	vst v4;
	v4 =	vmul.f32 v5, v1  }
0x12e: {  	[tilespmem:s7+$0xB0] =	vst v2;
	v2 =	vmul.f32 v8, v1;
	v1 =	vld.idx.msk [tilespmem:v12+s20+$0x0], $0xffff  }
0x12f: {  	v5 =	vld [tilespmem:s12+$0xFFFFFF00];
	[tilespmem:s7+$0xC0] =	vst v6  }
0x130: {  	v6 =	vld [tilespmem:s12+$0xFFFFFF10];
	v8 =	vmul.f32 v10, v0;
	[tilespmem:s7+$0xD0] =	vst v3  }
0x131: {  	v3 =	vld [tilespmem:s12+$0xFFFFFF20];
	[tilespmem:s7+$0xE0] =	vst v4  }
0x132: {  	v4 =	vld [tilespmem:s12+$0xFFFFFF30];
	[tilespmem:s12+$0x70] =	vst v8  }
0x133: {  	v8 =	vld [tilespmem:s12+$0xFFFFFF40];
	[tilespmem:s7+$0xF0] =	vst v2;
	s7 =	smov.u32 s12  }
0x134: {  	v2 =	vmul.f32 v5, v9;
	v5 =	vld [tilespmem:s12+$0xFFFFFF50]  }
0x135: {  	v6 =	vmul.f32 v6, v9;
	v10 =	vld [tilespmem:s12+$0xFFFFFF60]  }
0x136: {  	[tilespmem:s12+$0xFFFFFF00] =	vst v2;
	v2 =	vmul.f32 v3, v9;
	v3 =	vld [tilespmem:s12+$0xFFFFFF70]  }
0x137: {  	[tilespmem:s12+$0xFFFFFF10] =	vst v6;
	v4 =	vmul.f32 v4, v9;
	v6 =	vld [tilespmem:s12+$0xFFFFFF80]  }
0x138: {  	[tilespmem:s12+$0xFFFFFF20] =	vst v2;
	v2 =	vmul.f32 v8, v9;
	v8 =	vld [tilespmem:s12+$0xFFFFFF90]  }
0x139: {  	[tilespmem:s12+$0xFFFFFF30] =	vst v4;
	v4 =	vmul.f32 v5, v9;
	v5 =	vld [tilespmem:s12+$0xFFFFFFA0]  }
0x13a: {  	[tilespmem:s12+$0xFFFFFF40] =	vst v2;
	v2 =	vmul.f32 v10, v9;
	v10 =	vld [tilespmem:s12+$0xFFFFFFB0]  }
0x13b: {  	[tilespmem:s12+$0xFFFFFF50] =	vst v4;
	v3 =	vmul.f32 v3, v9;
	v4 =	vld [tilespmem:s12+$0xFFFFFFC0]  }
0x13c: {  	[tilespmem:s12+$0xFFFFFF60] =	vst v2;
	v2 =	vmul.f32 v6, v7;
	v9 =	vld [tilespmem:s12+$0xFFFFFFD0]  }
0x13d: {  	[tilespmem:s12+$0xFFFFFF70] =	vst v3;
	v3 =	vmul.f32 v8, v7;
	v8 =	vld [tilespmem:s12+$0xFFFFFFE0]  }
0x13e: {  	[tilespmem:s12+$0xFFFFFF80] =	vst v2;
	v2 =	vmul.f32 v5, v7;
	v11 =	vld [tilespmem:s12+$0xFFFFFFF0]  }
.Ltmp1:
0x13f: {  	[tilespmem:s12+$0xFFFFFF90] =	vst v3;
	v3 =	vmul.f32 v10, v7;
	v6 =	vld [tilespmem:s12+$0x0];
	(pc) =	sbr.rel @p0 .LBB2_6-.Ltmp1, $4  }
0x140: {  	[tilespmem:s12+$0xFFFFFFA0] =	vst v2;
	v2 =	vmul.f32 v4, v7;
	v5 =	vld [tilespmem:s12+$0x10]  }
0x141: {  	[tilespmem:s12+$0xFFFFFFB0] =	vst v3;
	v3 =	vmul.f32 v9, v7;
	v4 =	vld [tilespmem:s12+$0x20]  }
0x142: {  	[tilespmem:s12+$0xFFFFFFC0] =	vst v2;
	v8 =	vmul.f32 v8, v7;
	v2 =	vld [tilespmem:s12+$0x30]  }
0x143: {  	[tilespmem:s12+$0xFFFFFFD0] =	vst v3;
	v7 =	vmul.f32 v11, v7;
	v3 =	vld [tilespmem:s12+$0x40]  }
0x144: {  	v9 =	vld [tilespmem:s12+$0x50];
	[tilespmem:s12+$0xFFFFFFE0] =	vst v8;
	v6 =	vmul.f32 v6, v0  }
0x145: {  	v49 =	vld [tilespmem:s12+$0x80];
	[tilespmem:s12+$0xFFFFFFF0] =	vst v7;
	v5 =	vmul.f32 v5, v0  }
0x146: {  	v50 =	vld [tilespmem:s12+$0x90];
	[tilespmem:s12+$0x0] =	vst v6;
	v4 =	vmul.f32 v4, v0  }
0x147: {  	v51 =	vld [tilespmem:s12+$0xA0];
	[tilespmem:s12+$0x10] =	vst v5;
	v2 =	vmul.f32 v2, v0  }
0x148: {  	v52 =	vld [tilespmem:s12+$0xB0];
	[tilespmem:s12+$0x20] =	vst v4;
	v3 =	vmul.f32 v3, v0  }
0x149: {  	v10 =	vld [tilespmem:s12+$0xC0];
	v9 =	vmul.f32 v9, v0;
	[tilespmem:s12+$0x30] =	vst v2  }
0x14a: {  	v54 =	vld [tilespmem:s12+$0xD0];
	v55 =	vmul.f32 v49, v1;
	[tilespmem:s12+$0x40] =	vst v3  }
0x14b: {  	v56 =	vld [tilespmem:s12+$0xE0];
	v6 =	vmul.f32 v50, v1;
	[tilespmem:s12+$0x50] =	vst v9  }
0x14c: {  	v57 =	vld [tilespmem:s12+$0xF0];
	v58 =	vmul.f32 v51, v1;
	[tilespmem:s7+$0x80] =	vst v55  }
0x14d: {  	v48 =	vld [tilespmem:s12+$0x60];
	v59 =	vmul.f32 v52, v1;
	[tilespmem:s7+$0x90] =	vst v6  }
0x14e: {  	v60 =	vmul.f32 v10, v1;
	[tilespmem:s7+$0xA0] =	vst v58  }
0x14f: {  	s1 =	sadd.s32 $0x1, s1;
	v61 =	vmul.f32 v54, v1;
	[tilespmem:s7+$0xB0] =	vst v59  }
0x150: {  	p0 =	sne.s32 s1, $0x5;
	v62 =	vmul.f32 v56, v1;
	[tilespmem:s7+$0xC0] =	vst v60  }
.Ltmp2:
0x151: {  	v63 =	vmul.f32 v57, v1;
	[tilespmem:s7+$0xD0] =	vst v61;
	(pc) =	sbr.rel @p0 .LBB2_3-.Ltmp2, $4  }
0x152: {  	v53 =	vmul.f32 v48, v0;
	[tilespmem:s7+$0xE0] =	vst v62  }
0x153: {  	[tilespmem:s7+$0xF0] =	vst v63  }
0x154: {  	s3 =	sadd.s32 $0xF00, s11;
	s31 =	sadd.s32 $0x100, s31;
	[tilespmem:s7+$0x60] =	vst v53  }
0x155: {  	[spmem:s2] =	stream.indirect.scatter.add.f32 [tilespmem:s25], [sflag:$0x4], $0x80, s3, s17, $0xb8;
	[tilespmem:$0x1D800] =	vst v63  }
0x156: {  	s0 =	sadd.s32 $0x1, s0  }
0x157: {  	p0 =	sne.s32 s0, $0x8  }
.Ltmp3:
0x158: {  	_ = 	snop;
	(pc) =	sbr.rel @p0 .LBB2_2-.Ltmp3, $1  }
0x159: {  	_ =	sdelay $0x3  }
0x15a: {  	s0 =	simm.s32 $0x4  }
0x15b: {  	_ =	swait.ge [sflag:s0], $0x4000  }
0x15c: {  	[sflag:s0] =	ssyncset.done $0x0  }
0x15d: {  	[sflag:s0] =	ssyncadd.s32 $0xFFFFC000  }
0x15e: {  	[bflag:$0x0] =	sbarrier.arrive $0xFFFF  }
0x15f: {  	s30 =	rddreg [dreg:$0x6]  }
0x160: {  	s1 =	rddreg [dreg:$0x7]  }
0x161: {  	s3 =	rddreg [dreg:$0xa]  }
0x162: {  	[hbm:s1], [sflag:s30] =	dma.local [spmem:s3], $0x2800  }
0x163: {  	_ =	swait.ge [sflag:s16], $0x2800  }
0x164: {  	[sflag:s16] =	ssyncset.done $0x0  }
0x165: {  	[sflag:s16] =	ssyncadd.s32 $0xFFFFD800  }
0x166: {  	[bflag:$0x0] =	sbarrier.arrive $0xFFFF  }
0x167: {  	[spmem:s3], [sflag:s30] =	dma.local [hbm:s19], $0x2800  }
0x168: {  	_ =	swait.ge [sflag:s16], $0x2800  }
0x169: {  	[sflag:s16] =	ssyncset.done $0x0  }
0x16a: {  	[sflag:s16] =	ssyncadd.s32 $0xFFFFD800  }
0x16b: {  	s31 =	simm.s32 $0x0;
	s0 =	simm.s32 $0x0;
	[bflag:$0x0] =	sbarrier.arrive $0xFFFF  }
.LBB2_10:
0x16c: {  	p0 =	seq.s32 s0, $0x0  }
0x16d: {  	s3 =	sshll.u32 s0, $0x7;
	s1 =	simm.s32 @!p0 $0x4  }
0x16e: {  	s3 =	sadd.s32 s9, s3;
	_ =	swait.ge @!p0 [sflag:s1], $0x4000  }
0x16f: {  	s3 =	sshrl.u32 s3, $0x3;
	[sflag:s1] =	ssyncset.done @!p0 $0x0  }
0x170: {  	s13 =	sadd.s32 s4, s3;
	[sflag:s1] =	ssyncadd.s32 @!p0 $0xFFFFC000  }
0x171: {  	[tilespmem:s31], [sflag:$0x5] =	stream.strided.gather [hbm4b:s13+s17], $0x500, s18, s17, $0x38;
	[tilespmem:$0x1D800] =	vst v63  }
0x172: {  	_ =	swait.ge [sflag:s16], $0x500  }
0x173: {  	[sflag:s16] =	ssyncset.done $0x0  }
0x174: {  	s7 =	simm.s32 $0x500;
	s15 =	sadd.s32 s5, s3;
	[sflag:s16] =	ssyncadd.s32 $0xFFFFFB00  }
0x175: {  	[tilespmem:s7], [sflag:$0x5] =	stream.strided.gather [hbm4b:s15+s17], $0x500, s18, s17, $0x38;
	[tilespmem:$0x1D800] =	vst v63  }
0x176: {  	_ =	swait.ge [sflag:s16], $0x500  }
0x177: {  	[sflag:s16] =	ssyncset.done $0x0  }
0x178: {  	s19 =	sadd.s32 s6, s3;
	[sflag:s16] =	ssyncadd.s32 $0xFFFFFB00  }
0x179: {  	[tilespmem:s20], [sflag:$0x5] =	stream.strided.gather [hbm4b:s19+s17], $0x500, s18, s17, $0x38;
	[tilespmem:$0x1D800] =	vst v63  }
0x17a: {  	_ =	swait.ge [sflag:s16], $0x500  }
0x17b: {  	s30 =	sshll.u32 s0, $0x8;
	[sflag:s16] =	ssyncset.done $0x0  }
0x17c: {  	s1 =	sadd.s32 s30, s10;
	[sflag:s16] =	ssyncadd.s32 $0xFFFFFB00  }
0x17d: {  	[tilespmem:s21], [sflag:$0x5] =	stream.linear.gather [hbm4b:s1+s31], $0x500, $0x38;
	[tilespmem:$0x1D800] =	vst v63  }
0x17e: {  	_ =	swait.ge [sflag:s16], $0x500  }
0x17f: {  	[sflag:s16] =	ssyncset.done $0x0  }
0x180: {  	[sflag:s16] =	ssyncadd.s32 $0xFFFFFB00  }
0x181: {  	v0 =	vld [tilespmem:$0x500]  }
0x182: {  	v1 =	vld [tilespmem:$0x0]  }
0x183: {  	v2 =	vld [tilespmem:$0x510]  }
0x184: {  	v3 =	vld [tilespmem:$0x10]  }
0x185: {  	v4 =	vld [tilespmem:$0x520]  }
0x186: {  	v5 =	vld [tilespmem:$0x20]  }
0x187: {  	v6 =	vld [tilespmem:$0x530]  }
0x188: {  	v7 =	vld [tilespmem:$0x30]  }
0x189: {  	v8 =	vld [tilespmem:$0x540]  }
0x18a: {  	v9 =	vld [tilespmem:$0x40]  }
0x18b: {  	v10 =	vld [tilespmem:$0x550]  }
0x18c: {  	v11 =	vld [tilespmem:$0x50];
	v0 =	vmul.u32 $0x2800, v0  }
0x18d: {  	v12 =	vld [tilespmem:$0x560];
	v2 =	vmul.u32 $0x2800, v2  }
0x18e: {  	v50 =	vld [tilespmem:$0x570];
	v49 =	vmul.u32 $0x2800, v4;
	v0 =	vadd.s32 v1, v0  }
0x18f: {  	v52 =	vld [tilespmem:$0x60];
	v51 =	vmul.u32 $0x2800, v6;
	v2 =	vadd.s32 v3, v2;
	v0 =	vadd.s32 $0x2A800, v0  }
0x190: {  	v55 =	vld [tilespmem:$0x70];
	v54 =	vmul.u32 $0x2800, v8;
	v1 =	vadd.s32 v5, v49;
	v53 =	vadd.s32 $0x2A800, v2;
	[tilespmem:$0x1700] =	vst v0  }
0x191: {  	v57 =	vmul.u32 $0x2800, v10;
	v56 =	vadd.s32 v7, v51;
	v1 =	vadd.s32 $0x2A800, v1;
	[tilespmem:$0x1710] =	vst v53  }
0x192: {  	v59 =	vmul.u32 $0x2800, v12;
	v58 =	vadd.s32 v9, v54;
	[tilespmem:$0x1720] =	vst v1;
	v0 =	vadd.s32 $0x2A800, v56  }
0x193: {  	v61 =	vmul.u32 $0x2800, v50;
	v60 =	vadd.s32 v11, v57;
	v1 =	vadd.s32 $0x2A800, v58;
	[tilespmem:$0x1730] =	vst v0  }
0x194: {  	v62 =	vadd.s32 v52, v59;
	[tilespmem:$0x1740] =	vst v1;
	v0 =	vadd.s32 $0x2A800, v60  }
0x195: {  	v63 =	vadd.s32 v55, v61;
	v1 =	vadd.s32 $0x2A800, v62;
	[tilespmem:$0x1750] =	vst v0  }
0x196: {  	[tilespmem:$0x1760] =	vst v1;
	v0 =	vadd.s32 $0x2A800, v63  }
0x197: {  	s11 =	simm.s32 $0x0;
	s1 =	simm.s32 $0x0;
	[tilespmem:$0x1770] =	vst v0  }
0x198: {  	[tilespmem:s23], [sflag:$0x1] =	stream.indirect.gather [hbm4b:s14+s17], $0x80, s22, s17, $0xb8;
	[tilespmem:$0x1D800] =	vst v63  }
.LBB2_11:
0x199: {  	p0 =	seq.s32 s11, $0x0  }
0x19a: {  	s3 =	simm.s32 @!p0 $0x4  }
0x19b: {  	_ =	swait.ge @!p0 [sflag:s3], $0x4000  }
0x19c: {  	[sflag:s3] =	ssyncset.done @!p0 $0x0  }
0x19d: {  	s13 =	sshll.u32 s11, $0x8;
	[sflag:s3] =	ssyncadd.s32 @!p0 $0xFFFFC000  }
0x19e: {  	v0 =	vld [tilespmem:s13+$0x580]  }
0x19f: {  	s12 =	sor.u32 $0x80, s13  }
0x1a0: {  	v1 =	vld [tilespmem:s12+$0x0];
	_ =	sdelay $0x2  }
0x1a1: {  	v0 =	vmul.u32 $0x2800, v0;
	_ =	sdelay $0x1  }
0x1a2: {  	v0 =	vadd.s32 v1, v0  }
0x1a3: {  	v0 =	vadd.s32 $0x2A800, v0  }
0x1a4: {  	[tilespmem:$0x1780] =	vst v0  }
0x1a5: {  	v0 =	vld [tilespmem:s13+$0x590]  }
0x1a6: {  	s19 =	sor.u32 $0x90, s13  }
0x1a7: {  	v1 =	vld [tilespmem:s19+$0x0];
	_ =	sdelay $0x2  }
0x1a8: {  	v0 =	vmul.u32 $0x2800, v0;
	_ =	sdelay $0x1  }
0x1a9: {  	v0 =	vadd.s32 v1, v0  }
0x1aa: {  	v0 =	vadd.s32 $0x2A800, v0  }
0x1ab: {  	[tilespmem:$0x1790] =	vst v0  }
0x1ac: {  	v0 =	vld [tilespmem:s13+$0x5A0]  }
0x1ad: {  	s7 =	sor.u32 $0xA0, s13  }
0x1ae: {  	v1 =	vld [tilespmem:s7+$0x0];
	_ =	sdelay $0x2  }
0x1af: {  	v0 =	vmul.u32 $0x2800, v0;
	_ =	sdelay $0x1  }
0x1b0: {  	v0 =	vadd.s32 v1, v0  }
0x1b1: {  	v0 =	vadd.s32 $0x2A800, v0  }
0x1b2: {  	[tilespmem:$0x17A0] =	vst v0  }
0x1b3: {  	v0 =	vld [tilespmem:s13+$0x5B0]  }
0x1b4: {  	s8 =	sor.u32 $0xB0, s13  }
0x1b5: {  	v1 =	vld [tilespmem:s8+$0x0];
	_ =	sdelay $0x2  }
0x1b6: {  	v0 =	vmul.u32 $0x2800, v0;
	_ =	sdelay $0x1  }
0x1b7: {  	v0 =	vadd.s32 v1, v0  }
0x1b8: {  	v0 =	vadd.s32 $0x2A800, v0  }
0x1b9: {  	[tilespmem:$0x17B0] =	vst v0  }
0x1ba: {  	v0 =	vld [tilespmem:s13+$0x5C0]  }
0x1bb: {  	s15 =	sor.u32 $0xC0, s13  }
0x1bc: {  	v1 =	vld [tilespmem:s15+$0x0];
	_ =	sdelay $0x2  }
0x1bd: {  	v0 =	vmul.u32 $0x2800, v0;
	_ =	sdelay $0x1  }
0x1be: {  	v0 =	vadd.s32 v1, v0  }
0x1bf: {  	v0 =	vadd.s32 $0x2A800, v0  }
0x1c0: {  	[tilespmem:$0x17C0] =	vst v0  }
0x1c1: {  	v0 =	vld [tilespmem:s13+$0x5D0]  }
0x1c2: {  	s19 =	sor.u32 $0xD0, s13  }
0x1c3: {  	v1 =	vld [tilespmem:s19+$0x0];
	_ =	sdelay $0x2  }
0x1c4: {  	v0 =	vmul.u32 $0x2800, v0;
	_ =	sdelay $0x1  }
0x1c5: {  	v0 =	vadd.s32 v1, v0  }
0x1c6: {  	v0 =	vadd.s32 $0x2A800, v0  }
0x1c7: {  	[tilespmem:$0x17D0] =	vst v0  }
0x1c8: {  	v0 =	vld [tilespmem:s13+$0x5E0]  }
0x1c9: {  	s7 =	sor.u32 $0xE0, s13  }
0x1ca: {  	v1 =	vld [tilespmem:s7+$0x0];
	_ =	sdelay $0x2  }
0x1cb: {  	v0 =	vmul.u32 $0x2800, v0;
	_ =	sdelay $0x1  }
0x1cc: {  	v0 =	vadd.s32 v1, v0  }
0x1cd: {  	v0 =	vadd.s32 $0x2A800, v0  }
0x1ce: {  	[tilespmem:$0x17E0] =	vst v0  }
0x1cf: {  	v0 =	vld [tilespmem:s13+$0x5F0]  }
0x1d0: {  	s8 =	sor.u32 $0xF0, s13  }
0x1d1: {  	v1 =	vld [tilespmem:s8+$0x0];
	_ =	sdelay $0x1  }
0x1d2: {  	s15 =	sadd.s32 $0xFFFFFFFC, s1  }
0x1d3: {  	s7 =	sadd.s32 $0x6, s15;
	v0 =	vmul.u32 $0x2800, v0  }
0x1d4: {  	v2 =	vmov s7  }
0x1d5: {  	v0 =	vadd.s32 v1, v0;
	v1 =	vand.u32 $0xFFFFFFFE, v2  }
0x1d6: {  	v0 =	vadd.s32 $0x2A800, v0;
	v1 =	vbroadcast v1, $0x0  }
0x1d7: {  	s19 =	sadd.s32 $0x4, s15;
	[tilespmem:$0x17F0] =	vst v0  }
0x1d8: {  	[tilespmem:s25], [sflag:$0x2] =	stream.indirect.gather [hbm4b:s14+s17], $0x80, s24, s17, $0xb8;
	[tilespmem:$0x1D800] =	vst v63  }
0x1d9: {  	v2 =	vmov s19;
	_ =	swait.ge [sflag:s26], $0x4000  }
0x1da: {  	v0 =	vand.u32 $0xFFFFFFFC, v2;
	[sflag:s26] =	ssyncset.done $0x0  }
0x1db: {  	v2 =	vbroadcast v0, $0x0;
	[sflag:s26] =	ssyncadd.s32 $0xFFFFC000  }
0x1dc: {  	s7 =	simm.s32 $0x1900;
	v0 =	vld.idx.msk [tilespmem:v1+s20+$0x0], $0xffff  }
0x1dd: {  	s8 =	sadd.s32 $0x5, s15;
	v1 =	vld [tilespmem:s7+$0x70]  }
0x1de: {  	v3 =	vmov s8;
	v4 =	vld [tilespmem:s7+$0xFFFFFF00]  }
0x1df: {  	v3 =	vand.u32 $0xFFFFFFFD, v3;
	v5 =	vld [tilespmem:s7+$0xFFFFFF10]  }
0x1e0: {  	v3 =	vbroadcast v3, $0x0;
	v6 =	vld [tilespmem:s7+$0xFFFFFF20]  }
0x1e1: {  	v2 =	vld.idx.msk [tilespmem:v2+s20+$0x0], $0xffff  }
0x1e2: {  	v7 =	vld [tilespmem:s7+$0xFFFFFF30]  }
0x1e3: {  	v8 =	vld [tilespmem:s7+$0xFFFFFF40]  }
0x1e4: {  	v9 =	vld [tilespmem:s7+$0xFFFFFF50]  }
0x1e5: {  	v10 =	vld [tilespmem:s7+$0xFFFFFF60];
	v1 =	vmul.f32 v1, v0  }
0x1e6: {  	v3 =	vld.idx.msk [tilespmem:v3+s20+$0x0], $0xffff;
	v4 =	vmul.f32 v4, v2  }
0x1e7: {  	v12 =	vld [tilespmem:s7+$0xFFFFFFD0];
	[tilespmem:s7+$0x70] =	vst v1;
	v1 =	vmul.f32 v6, v2  }
0x1e8: {  	[tilespmem:s7+$0xFFFFFF00] =	vst v4;
	v4 =	vmul.f32 v5, v2;
	v5 =	vld [tilespmem:s7+$0xFFFFFF70]  }
0x1e9: {  	s3 =	sadd.s32 $0x7, s15;
	v6 =	vld [tilespmem:s7+$0xFFFFFF80];
	[tilespmem:s7+$0xFFFFFF20] =	vst v1;
	v1 =	vmul.f32 v8, v2  }
0x1ea: {  	v11 =	vmov s3;
	[tilespmem:s7+$0xFFFFFF10] =	vst v4;
	v4 =	vmul.f32 v7, v2;
	v7 =	vld [tilespmem:s7+$0xFFFFFF90]  }
0x1eb: {  	v8 =	vld [tilespmem:s7+$0xFFFFFFA0];
	[tilespmem:s7+$0xFFFFFF40] =	vst v1;
	v1 =	vmul.f32 v10, v2  }
0x1ec: {  	[tilespmem:s7+$0xFFFFFF30] =	vst v4;
	v4 =	vmul.f32 v9, v2;
	v9 =	vld [tilespmem:s7+$0xFFFFFFB0]  }
0x1ed: {  	v10 =	vld [tilespmem:s7+$0xFFFFFFC0];
	[tilespmem:s7+$0xFFFFFF60] =	vst v1;
	v2 =	vmul.f32 v5, v2  }
0x1ee: {  	v13 =	vld [tilespmem:s7+$0xFFFFFFE0];
	[tilespmem:s7+$0xFFFFFF50] =	vst v4;
	v4 =	vmul.f32 v6, v3  }
0x1ef: {  	v1 =	vld.idx.msk [tilespmem:v11+s20+$0x0], $0xffff;
	v5 =	vmul.f32 v7, v3;
	[tilespmem:s7+$0xFFFFFF70] =	vst v2  }
0x1f0: {  	v2 =	vmul.f32 v8, v3;
	v7 =	vld [tilespmem:s7+$0xFFFFFFF0];
	[tilespmem:s7+$0xFFFFFF80] =	vst v4  }
0x1f1: {  	v6 =	vld [tilespmem:s7+$0x0];
	[tilespmem:s7+$0xFFFFFF90] =	vst v5;
	v4 =	vmul.f32 v9, v3  }
0x1f2: {  	[tilespmem:s7+$0xFFFFFFA0] =	vst v2;
	v2 =	vmul.f32 v10, v3;
	v5 =	vld [tilespmem:s7+$0x10]  }
0x1f3: {  	v9 =	vmul.f32 v12, v3;
	[tilespmem:s7+$0xFFFFFFB0] =	vst v4;
	v4 =	vld [tilespmem:s7+$0x20]  }
0x1f4: {  	v8 =	vmul.f32 v13, v3;
	[tilespmem:s7+$0xFFFFFFC0] =	vst v2;
	v2 =	vld [tilespmem:s7+$0x30]  }
0x1f5: {  	s30 =	simm.s32 $0x1900;
	s8 =	simm.s32 $0x0;
	[tilespmem:s7+$0xFFFFFFD0] =	vst v9;
	v7 =	vmul.f32 v7, v3;
	v3 =	vld [tilespmem:s7+$0x40]  }
.LBB2_12:
0x1f6: {  	s3 =	sadd.s32 s8, s1;
	s8 =	sadd.s32 $0x4, s8;
	[tilespmem:s7+$0xFFFFFFE0] =	vst v8;
	v6 =	vmul.f32 v6, v0;
	v8 =	vld [tilespmem:s7+$0x50]  }
0x1f7: {  	s15 =	sadd.s32 $0x4, s3;
	s19 =	sadd.s32 $0x6, s3;
	p0 =	slt.u32 s8, $0x7C;
	[tilespmem:s7+$0xFFFFFFF0] =	vst v7;
	v5 =	vmul.f32 v5, v0;
	v7 =	vld [tilespmem:s7+$0x60]  }
0x1f8: {  	v9 =	vmov s15;
	s15 =	sadd.s32 $0x5, s3;
	v10 =	vmov s19;
	s3 =	sadd.s32 $0x7, s3;
	[tilespmem:s7+$0x0] =	vst v6;
	v4 =	vmul.f32 v4, v0;
	v6 =	vld [tilespmem:s7+$0x80]  }
0x1f9: {  	v9 =	vand.u32 $0xFFFFFFFC, v9;
	v11 =	vmov s15;
	v10 =	vand.u32 $0xFFFFFFFE, v10;
	[tilespmem:s7+$0x10] =	vst v5;
	v5 =	vld [tilespmem:s7+$0x90]  }
0x1fa: {  	v9 =	vbroadcast v9, $0x0;
	v11 =	vand.u32 $0xFFFFFFFD, v11;
	v10 =	vbroadcast v10, $0x0;
	[tilespmem:s7+$0x20] =	vst v4;
	v4 =	vld [tilespmem:s7+$0xA0]  }
0x1fb: {  	v12 =	vmov s3;
	v2 =	vmul.f32 v2, v0;
	v11 =	vbroadcast v11, $0x0;
	v13 =	vld [tilespmem:s7+$0xB0]  }
0x1fc: {  	v3 =	vmul.f32 v3, v0;
	v8 =	vmul.f32 v8, v0;
	v14 =	vld [tilespmem:s7+$0xC0]  }
0x1fd: {  	[tilespmem:s7+$0x30] =	vst v2;
	v2 =	vmul.f32 v7, v0;
	v6 =	vmul.f32 v6, v1;
	v7 =	vld [tilespmem:s7+$0xD0]  }
0x1fe: {  	[tilespmem:s7+$0x40] =	vst v3;
	v3 =	vmul.f32 v5, v1;
	v5 =	vld [tilespmem:s7+$0xE0]  }
0x1ff: {  	[tilespmem:s7+$0x50] =	vst v8;
	v4 =	vmul.f32 v4, v1;
	v8 =	vld [tilespmem:s7+$0xF0]  }
0x200: {  	s7 =	sadd.s32 $0x200, s7;
	v0 =	vld.idx.msk [tilespmem:v10+s20+$0x0], $0xffff;
	[tilespmem:s30+$0x60] =	vst v2;
	v2 =	vmul.f32 v13, v1  }
0x201: {  	v10 =	vld [tilespmem:s7+$0x70];
	[tilespmem:s30+$0x80] =	vst v6;
	v6 =	vmul.f32 v14, v1  }
0x202: {  	v9 =	vld.idx.msk [tilespmem:v9+s20+$0x0], $0xffff;
	[tilespmem:s30+$0x90] =	vst v3;
	v3 =	vmul.f32 v7, v1  }
0x203: {  	v7 =	vld.idx.msk [tilespmem:v11+s20+$0x0], $0xffff;
	[tilespmem:s30+$0xA0] =	vst v4;
	v4 =	vmul.f32 v5, v1  }
0x204: {  	[tilespmem:s30+$0xB0] =	vst v2;
	v2 =	vmul.f32 v8, v1;
	v1 =	vld.idx.msk [tilespmem:v12+s20+$0x0], $0xffff  }
0x205: {  	v5 =	vld [tilespmem:s7+$0xFFFFFF00];
	[tilespmem:s30+$0xC0] =	vst v6  }
0x206: {  	v6 =	vld [tilespmem:s7+$0xFFFFFF10];
	v8 =	vmul.f32 v10, v0;
	[tilespmem:s30+$0xD0] =	vst v3  }
0x207: {  	v3 =	vld [tilespmem:s7+$0xFFFFFF20];
	[tilespmem:s30+$0xE0] =	vst v4  }
0x208: {  	v4 =	vld [tilespmem:s7+$0xFFFFFF30];
	[tilespmem:s7+$0x70] =	vst v8  }
0x209: {  	v8 =	vld [tilespmem:s7+$0xFFFFFF40];
	[tilespmem:s30+$0xF0] =	vst v2;
	s30 =	smov.u32 s7  }
0x20a: {  	v2 =	vmul.f32 v5, v9;
	v5 =	vld [tilespmem:s7+$0xFFFFFF50]  }
0x20b: {  	v6 =	vmul.f32 v6, v9;
	v10 =	vld [tilespmem:s7+$0xFFFFFF60]  }
0x20c: {  	[tilespmem:s7+$0xFFFFFF00] =	vst v2;
	v2 =	vmul.f32 v3, v9;
	v3 =	vld [tilespmem:s7+$0xFFFFFF70]  }
0x20d: {  	[tilespmem:s7+$0xFFFFFF10] =	vst v6;
	v4 =	vmul.f32 v4, v9;
	v6 =	vld [tilespmem:s7+$0xFFFFFF80]  }
0x20e: {  	[tilespmem:s7+$0xFFFFFF20] =	vst v2;
	v2 =	vmul.f32 v8, v9;
	v8 =	vld [tilespmem:s7+$0xFFFFFF90]  }
0x20f: {  	[tilespmem:s7+$0xFFFFFF30] =	vst v4;
	v4 =	vmul.f32 v5, v9;
	v5 =	vld [tilespmem:s7+$0xFFFFFFA0]  }
0x210: {  	[tilespmem:s7+$0xFFFFFF40] =	vst v2;
	v2 =	vmul.f32 v10, v9;
	v10 =	vld [tilespmem:s7+$0xFFFFFFB0]  }
0x211: {  	[tilespmem:s7+$0xFFFFFF50] =	vst v4;
	v3 =	vmul.f32 v3, v9;
	v4 =	vld [tilespmem:s7+$0xFFFFFFC0]  }
0x212: {  	[tilespmem:s7+$0xFFFFFF60] =	vst v2;
	v2 =	vmul.f32 v6, v7;
	v9 =	vld [tilespmem:s7+$0xFFFFFFD0]  }
0x213: {  	[tilespmem:s7+$0xFFFFFF70] =	vst v3;
	v3 =	vmul.f32 v8, v7;
	v8 =	vld [tilespmem:s7+$0xFFFFFFE0]  }
0x214: {  	[tilespmem:s7+$0xFFFFFF80] =	vst v2;
	v2 =	vmul.f32 v5, v7;
	v11 =	vld [tilespmem:s7+$0xFFFFFFF0]  }
.Ltmp4:
0x215: {  	[tilespmem:s7+$0xFFFFFF90] =	vst v3;
	v3 =	vmul.f32 v10, v7;
	v6 =	vld [tilespmem:s7+$0x0];
	(pc) =	sbr.rel @p0 .LBB2_12-.Ltmp4, $4  }
0x216: {  	[tilespmem:s7+$0xFFFFFFA0] =	vst v2;
	v2 =	vmul.f32 v4, v7;
	v5 =	vld [tilespmem:s7+$0x10]  }
0x217: {  	[tilespmem:s7+$0xFFFFFFB0] =	vst v3;
	v3 =	vmul.f32 v9, v7;
	v4 =	vld [tilespmem:s7+$0x20]  }
0x218: {  	[tilespmem:s7+$0xFFFFFFC0] =	vst v2;
	v8 =	vmul.f32 v8, v7;
	v2 =	vld [tilespmem:s7+$0x30]  }
0x219: {  	[tilespmem:s7+$0xFFFFFFD0] =	vst v3;
	v7 =	vmul.f32 v11, v7;
	v3 =	vld [tilespmem:s7+$0x40]  }
0x21a: {  	v9 =	vld [tilespmem:s7+$0x50];
	[tilespmem:s7+$0xFFFFFFE0] =	vst v8;
	v6 =	vmul.f32 v6, v0  }
0x21b: {  	v8 =	vld [tilespmem:s7+$0x60];
	[tilespmem:s7+$0xFFFFFFF0] =	vst v7;
	v5 =	vmul.f32 v5, v0  }
0x21c: {  	v7 =	vld [tilespmem:s7+$0x80];
	[tilespmem:s7+$0x0] =	vst v6;
	v4 =	vmul.f32 v4, v0  }
0x21d: {  	v6 =	vld [tilespmem:s7+$0x90];
	[tilespmem:s7+$0x10] =	vst v5;
	v2 =	vmul.f32 v2, v0  }
0x21e: {  	v5 =	vld [tilespmem:s7+$0xA0];
	[tilespmem:s7+$0x20] =	vst v4;
	v3 =	vmul.f32 v3, v0  }
0x21f: {  	v4 =	vld [tilespmem:s7+$0xB0];
	v9 =	vmul.f32 v9, v0;
	[tilespmem:s7+$0x30] =	vst v2  }
0x220: {  	v10 =	vld [tilespmem:s7+$0xC0];
	v0 =	vmul.f32 v8, v0;
	[tilespmem:s7+$0x40] =	vst v3  }
0x221: {  	v2 =	vld [tilespmem:s7+$0xD0];
	v3 =	vmul.f32 v7, v1;
	[tilespmem:s7+$0x50] =	vst v9  }
0x222: {  	v7 =	vld [tilespmem:s7+$0xE0];
	v6 =	vmul.f32 v6, v1;
	[tilespmem:s30+$0x60] =	vst v0  }
0x223: {  	v8 =	vld [tilespmem:s7+$0xF0];
	v0 =	vmul.f32 v5, v1;
	[tilespmem:s30+$0x80] =	vst v3  }
0x224: {  	v3 =	vmul.f32 v4, v1;
	[tilespmem:s30+$0x90] =	vst v6  }
0x225: {  	v4 =	vmul.f32 v10, v1;
	[tilespmem:s30+$0xA0] =	vst v0  }
0x226: {  	v0 =	vmul.f32 v2, v1;
	[tilespmem:s30+$0xB0] =	vst v3  }
0x227: {  	v2 =	vmul.f32 v7, v1;
	[tilespmem:s30+$0xC0] =	vst v4  }
0x228: {  	v1 =	vmul.f32 v8, v1;
	[tilespmem:s30+$0xD0] =	vst v0  }
0x229: {  	s3 =	sand.u32 $0x3FFFFF00, s13;
	[tilespmem:s30+$0xE0] =	vst v2  }
0x22a: {  	s3 =	sadd.s32 $0xF00, s3;
	[tilespmem:s30+$0xF0] =	vst v1  }
0x22b: {  	[spmem:s2] =	stream.indirect.scatter.add.f32 [tilespmem:s23], [sflag:$0x3], $0x80, s3, s17, $0xb8;
	[tilespmem:$0x1D800] =	vst v63  }
0x22c: {  	_ =	swait.ge [sflag:s28], $0x4000  }
0x22d: {  	[sflag:s28] =	ssyncset.done $0x0  }
0x22e: {  	p0 =	seq.s32 s11, $0x4;
	[sflag:s28] =	ssyncadd.s32 $0xFFFFC000  }
0x22f: {  	v0 =	vld @!p0 [tilespmem:s13+$0x600];
	_ =	sdelay $0x1  }
0x230: {  	v1 =	vld @!p0 [tilespmem:s13+$0x100];
	_ =	sdelay $0x2  }
0x231: {  	v0 =	vmul.u32 @!p0 $0x2800, v0;
	_ =	sdelay $0x1  }
0x232: {  	v0 =	vadd.s32 @!p0 v1, v0  }
0x233: {  	v0 =	vadd.s32 @!p0 $0x2A800, v0  }
0x234: {  	[tilespmem:$0x1700] =	vst @!p0 v0  }
0x235: {  	v0 =	vld @!p0 [tilespmem:s13+$0x610];
	_ =	sdelay $0x1  }
0x236: {  	v1 =	vld @!p0 [tilespmem:s13+$0x110];
	_ =	sdelay $0x2  }
0x237: {  	v0 =	vmul.u32 @!p0 $0x2800, v0;
	_ =	sdelay $0x1  }
0x238: {  	v0 =	vadd.s32 @!p0 v1, v0  }
0x239: {  	v0 =	vadd.s32 @!p0 $0x2A800, v0  }
0x23a: {  	[tilespmem:$0x1710] =	vst @!p0 v0  }
0x23b: {  	v0 =	vld @!p0 [tilespmem:s13+$0x620];
	_ =	sdelay $0x1  }
0x23c: {  	v1 =	vld @!p0 [tilespmem:s13+$0x120];
	_ =	sdelay $0x2  }
0x23d: {  	v0 =	vmul.u32 @!p0 $0x2800, v0;
	_ =	sdelay $0x1  }
0x23e: {  	v0 =	vadd.s32 @!p0 v1, v0  }
0x23f: {  	v0 =	vadd.s32 @!p0 $0x2A800, v0  }
0x240: {  	[tilespmem:$0x1720] =	vst @!p0 v0  }
0x241: {  	v0 =	vld @!p0 [tilespmem:s13+$0x630];
	_ =	sdelay $0x1  }
0x242: {  	v1 =	vld @!p0 [tilespmem:s13+$0x130];
	_ =	sdelay $0x2  }
0x243: {  	v0 =	vmul.u32 @!p0 $0x2800, v0;
	_ =	sdelay $0x1  }
0x244: {  	v0 =	vadd.s32 @!p0 v1, v0  }
0x245: {  	v0 =	vadd.s32 @!p0 $0x2A800, v0  }
0x246: {  	[tilespmem:$0x1730] =	vst @!p0 v0  }
0x247: {  	v0 =	vld @!p0 [tilespmem:s13+$0x640];
	_ =	sdelay $0x1  }
0x248: {  	v1 =	vld @!p0 [tilespmem:s13+$0x140];
	_ =	sdelay $0x2  }
0x249: {  	v0 =	vmul.u32 @!p0 $0x2800, v0;
	_ =	sdelay $0x1  }
0x24a: {  	v0 =	vadd.s32 @!p0 v1, v0  }
0x24b: {  	v0 =	vadd.s32 @!p0 $0x2A800, v0  }
0x24c: {  	[tilespmem:$0x1740] =	vst @!p0 v0  }
0x24d: {  	v0 =	vld @!p0 [tilespmem:s13+$0x650];
	_ =	sdelay $0x1  }
0x24e: {  	v1 =	vld @!p0 [tilespmem:s13+$0x150];
	_ =	sdelay $0x2  }
0x24f: {  	v0 =	vmul.u32 @!p0 $0x2800, v0;
	_ =	sdelay $0x1  }
0x250: {  	v0 =	vadd.s32 @!p0 v1, v0  }
0x251: {  	v0 =	vadd.s32 @!p0 $0x2A800, v0  }
0x252: {  	[tilespmem:$0x1750] =	vst @!p0 v0  }
0x253: {  	v0 =	vld @!p0 [tilespmem:s13+$0x660];
	_ =	sdelay $0x1  }
0x254: {  	v1 =	vld @!p0 [tilespmem:s13+$0x160];
	_ =	sdelay $0x2  }
0x255: {  	v0 =	vmul.u32 @!p0 $0x2800, v0;
	_ =	sdelay $0x1  }
0x256: {  	v0 =	vadd.s32 @!p0 v1, v0  }
0x257: {  	v0 =	vadd.s32 @!p0 $0x2A800, v0  }
0x258: {  	[tilespmem:$0x1760] =	vst @!p0 v0  }
0x259: {  	v0 =	vld @!p0 [tilespmem:s13+$0x670];
	_ =	sdelay $0x1  }
0x25a: {  	v1 =	vld @!p0 [tilespmem:s13+$0x170];
	_ =	sdelay $0x1  }
0x25b: {  	s3 =	sadd.s32 $0xFFFFFFFC, s1  }
0x25c: {  	s15 =	sadd.s32 $0x86, s3;
	v0 =	vmul.u32 @!p0 $0x2800, v0  }
0x25d: {  	v2 =	vmov s15  }
0x25e: {  	v0 =	vadd.s32 @!p0 v1, v0;
	v1 =	vand.u32 $0xFFFFFFFE, v2  }
0x25f: {  	s8 =	simm.s32 @!p0 $0x1700;
	v0 =	vadd.s32 @!p0 $0x2A800, v0;
	v1 =	vbroadcast v1, $0x0  }
0x260: {  	s7 =	simm.s32 @!p0 $0x80;
	s19 =	sadd.s32 $0x84, s3;
	s13 =	simm.s32 @!p0 $0x1800;
	[tilespmem:$0x1770] =	vst @!p0 v0  }
0x261: {  	[tilespmem:s13], [sflag:$0x1] =	stream.indirect.gather @!p0 [hbm4b:s14+s7], $0x80, s8, s7, $0xb8;
	[tilespmem:$0x1D800] =	vst v63  }
0x262: {  	v2 =	vmov s19;
	_ =	swait.ge [sflag:s29], $0x4000  }
0x263: {  	v0 =	vand.u32 $0xFFFFFFFC, v2;
	[sflag:s29] =	ssyncset.done $0x0  }
0x264: {  	v2 =	vbroadcast v0, $0x0;
	[sflag:s29] =	ssyncadd.s32 $0xFFFFC000  }
0x265: {  	s7 =	simm.s32 $0x5900;
	v0 =	vld.idx.msk [tilespmem:v1+s20+$0x0], $0xffff  }
0x266: {  	s30 =	sadd.s32 $0x85, s3;
	v1 =	vld [tilespmem:s7+$0x70]  }
0x267: {  	v3 =	vmov s30;
	v4 =	vld [tilespmem:s7+$0xFFFFFF00]  }
0x268: {  	v3 =	vand.u32 $0xFFFFFFFD, v3;
	v5 =	vld [tilespmem:s7+$0xFFFFFF10]  }
0x269: {  	v3 =	vbroadcast v3, $0x0;
	v6 =	vld [tilespmem:s7+$0xFFFFFF20]  }
0x26a: {  	v2 =	vld.idx.msk [tilespmem:v2+s20+$0x0], $0xffff  }
0x26b: {  	v7 =	vld [tilespmem:s7+$0xFFFFFF30]  }
0x26c: {  	v8 =	vld [tilespmem:s7+$0xFFFFFF40]  }
0x26d: {  	v9 =	vld [tilespmem:s7+$0xFFFFFF50]  }
0x26e: {  	v10 =	vld [tilespmem:s7+$0xFFFFFF60];
	v1 =	vmul.f32 v1, v0  }
0x26f: {  	v3 =	vld.idx.msk [tilespmem:v3+s20+$0x0], $0xffff;
	v4 =	vmul.f32 v4, v2  }
0x270: {  	v12 =	vld [tilespmem:s7+$0xFFFFFFD0];
	[tilespmem:s7+$0x70] =	vst v1;
	v1 =	vmul.f32 v6, v2  }
0x271: {  	[tilespmem:s7+$0xFFFFFF00] =	vst v4;
	v4 =	vmul.f32 v5, v2;
	v5 =	vld [tilespmem:s7+$0xFFFFFF70]  }
0x272: {  	s3 =	sadd.s32 $0x87, s3;
	v6 =	vld [tilespmem:s7+$0xFFFFFF80];
	[tilespmem:s7+$0xFFFFFF20] =	vst v1;
	v1 =	vmul.f32 v8, v2  }
0x273: {  	v11 =	vmov s3;
	[tilespmem:s7+$0xFFFFFF10] =	vst v4;
	v4 =	vmul.f32 v7, v2;
	v7 =	vld [tilespmem:s7+$0xFFFFFF90]  }
0x274: {  	v8 =	vld [tilespmem:s7+$0xFFFFFFA0];
	[tilespmem:s7+$0xFFFFFF40] =	vst v1;
	v1 =	vmul.f32 v10, v2  }
0x275: {  	[tilespmem:s7+$0xFFFFFF30] =	vst v4;
	v4 =	vmul.f32 v9, v2;
	v9 =	vld [tilespmem:s7+$0xFFFFFFB0]  }
0x276: {  	v10 =	vld [tilespmem:s7+$0xFFFFFFC0];
	[tilespmem:s7+$0xFFFFFF60] =	vst v1;
	v2 =	vmul.f32 v5, v2  }
0x277: {  	v13 =	vld [tilespmem:s7+$0xFFFFFFE0];
	[tilespmem:s7+$0xFFFFFF50] =	vst v4;
	v4 =	vmul.f32 v6, v3  }
0x278: {  	v1 =	vld.idx.msk [tilespmem:v11+s20+$0x0], $0xffff;
	v5 =	vmul.f32 v7, v3;
	[tilespmem:s7+$0xFFFFFF70] =	vst v2  }
0x279: {  	v2 =	vmul.f32 v8, v3;
	v7 =	vld [tilespmem:s7+$0xFFFFFFF0];
	[tilespmem:s7+$0xFFFFFF80] =	vst v4  }
0x27a: {  	v6 =	vld [tilespmem:s7+$0x0];
	[tilespmem:s7+$0xFFFFFF90] =	vst v5;
	v4 =	vmul.f32 v9, v3  }
0x27b: {  	[tilespmem:s7+$0xFFFFFFA0] =	vst v2;
	v2 =	vmul.f32 v10, v3;
	v5 =	vld [tilespmem:s7+$0x10]  }
0x27c: {  	v9 =	vmul.f32 v12, v3;
	[tilespmem:s7+$0xFFFFFFB0] =	vst v4;
	v4 =	vld [tilespmem:s7+$0x20]  }
0x27d: {  	v8 =	vmul.f32 v13, v3;
	[tilespmem:s7+$0xFFFFFFC0] =	vst v2;
	v2 =	vld [tilespmem:s7+$0x30]  }
0x27e: {  	s8 =	simm.s32 $0x0;
	s13 =	simm.s32 $0x5900;
	[tilespmem:s7+$0xFFFFFFD0] =	vst v9;
	v7 =	vmul.f32 v7, v3;
	v3 =	vld [tilespmem:s7+$0x40]  }
.LBB2_14:
0x27f: {  	s3 =	sadd.s32 s8, s1;
	s8 =	sadd.s32 $0x4, s8;
	[tilespmem:s7+$0xFFFFFFE0] =	vst v8;
	v6 =	vmul.f32 v6, v0;
	v8 =	vld [tilespmem:s7+$0x50]  }
0x280: {  	s15 =	sadd.s32 $0x84, s3;
	s19 =	sadd.s32 $0x86, s3;
	p0 =	slt.u32 s8, $0x7C;
	[tilespmem:s7+$0xFFFFFFF0] =	vst v7;
	v5 =	vmul.f32 v5, v0;
	v7 =	vld [tilespmem:s7+$0x60]  }
0x281: {  	v9 =	vmov s15;
	s15 =	sadd.s32 $0x85, s3;
	v10 =	vmov s19;
	s3 =	sadd.s32 $0x87, s3;
	[tilespmem:s7+$0x0] =	vst v6;
	v4 =	vmul.f32 v4, v0;
	v6 =	vld [tilespmem:s7+$0x80]  }
0x282: {  	v9 =	vand.u32 $0xFFFFFFFC, v9;
	v11 =	vmov s15;
	v10 =	vand.u32 $0xFFFFFFFE, v10;
	[tilespmem:s7+$0x10] =	vst v5;
	v5 =	vld [tilespmem:s7+$0x90]  }
0x283: {  	v9 =	vbroadcast v9, $0x0;
	v11 =	vand.u32 $0xFFFFFFFD, v11;
	v10 =	vbroadcast v10, $0x0;
	[tilespmem:s7+$0x20] =	vst v4;
	v4 =	vld [tilespmem:s7+$0xA0]  }
0x284: {  	v12 =	vmov s3;
	v2 =	vmul.f32 v2, v0;
	v11 =	vbroadcast v11, $0x0;
	v13 =	vld [tilespmem:s7+$0xB0]  }
0x285: {  	v3 =	vmul.f32 v3, v0;
	v8 =	vmul.f32 v8, v0;
	v14 =	vld [tilespmem:s7+$0xC0]  }
0x286: {  	[tilespmem:s7+$0x30] =	vst v2;
	v2 =	vmul.f32 v7, v0;
	v6 =	vmul.f32 v6, v1;
	v7 =	vld [tilespmem:s7+$0xD0]  }
0x287: {  	[tilespmem:s7+$0x40] =	vst v3;
	v3 =	vmul.f32 v5, v1;
	v5 =	vld [tilespmem:s7+$0xE0]  }
0x288: {  	[tilespmem:s7+$0x50] =	vst v8;
	v4 =	vmul.f32 v4, v1;
	v8 =	vld [tilespmem:s7+$0xF0]  }
0x289: {  	s7 =	sadd.s32 $0x200, s7;
	v0 =	vld.idx.msk [tilespmem:v10+s20+$0x0], $0xffff;
	[tilespmem:s13+$0x60] =	vst v2;
	v2 =	vmul.f32 v13, v1  }
0x28a: {  	v10 =	vld [tilespmem:s7+$0x70];
	[tilespmem:s13+$0x80] =	vst v6;
	v6 =	vmul.f32 v14, v1  }
0x28b: {  	v9 =	vld.idx.msk [tilespmem:v9+s20+$0x0], $0xffff;
	[tilespmem:s13+$0x90] =	vst v3;
	v3 =	vmul.f32 v7, v1  }
0x28c: {  	v7 =	vld.idx.msk [tilespmem:v11+s20+$0x0], $0xffff;
	[tilespmem:s13+$0xA0] =	vst v4;
	v4 =	vmul.f32 v5, v1  }
0x28d: {  	[tilespmem:s13+$0xB0] =	vst v2;
	v2 =	vmul.f32 v8, v1;
	v1 =	vld.idx.msk [tilespmem:v12+s20+$0x0], $0xffff  }
0x28e: {  	v5 =	vld [tilespmem:s7+$0xFFFFFF00];
	[tilespmem:s13+$0xC0] =	vst v6  }
0x28f: {  	v6 =	vld [tilespmem:s7+$0xFFFFFF10];
	v8 =	vmul.f32 v10, v0;
	[tilespmem:s13+$0xD0] =	vst v3  }
0x290: {  	v3 =	vld [tilespmem:s7+$0xFFFFFF20];
	[tilespmem:s13+$0xE0] =	vst v4  }
0x291: {  	v4 =	vld [tilespmem:s7+$0xFFFFFF30];
	[tilespmem:s7+$0x70] =	vst v8  }
0x292: {  	v8 =	vld [tilespmem:s7+$0xFFFFFF40];
	[tilespmem:s13+$0xF0] =	vst v2;
	s13 =	smov.u32 s7  }
0x293: {  	v2 =	vmul.f32 v5, v9;
	v5 =	vld [tilespmem:s7+$0xFFFFFF50]  }
0x294: {  	v6 =	vmul.f32 v6, v9;
	v10 =	vld [tilespmem:s7+$0xFFFFFF60]  }
0x295: {  	[tilespmem:s7+$0xFFFFFF00] =	vst v2;
	v2 =	vmul.f32 v3, v9;
	v3 =	vld [tilespmem:s7+$0xFFFFFF70]  }
0x296: {  	[tilespmem:s7+$0xFFFFFF10] =	vst v6;
	v4 =	vmul.f32 v4, v9;
	v6 =	vld [tilespmem:s7+$0xFFFFFF80]  }
0x297: {  	[tilespmem:s7+$0xFFFFFF20] =	vst v2;
	v2 =	vmul.f32 v8, v9;
	v8 =	vld [tilespmem:s7+$0xFFFFFF90]  }
0x298: {  	[tilespmem:s7+$0xFFFFFF30] =	vst v4;
	v4 =	vmul.f32 v5, v9;
	v5 =	vld [tilespmem:s7+$0xFFFFFFA0]  }
0x299: {  	[tilespmem:s7+$0xFFFFFF40] =	vst v2;
	v2 =	vmul.f32 v10, v9;
	v10 =	vld [tilespmem:s7+$0xFFFFFFB0]  }
0x29a: {  	[tilespmem:s7+$0xFFFFFF50] =	vst v4;
	v3 =	vmul.f32 v3, v9;
	v4 =	vld [tilespmem:s7+$0xFFFFFFC0]  }
0x29b: {  	[tilespmem:s7+$0xFFFFFF60] =	vst v2;
	v2 =	vmul.f32 v6, v7;
	v9 =	vld [tilespmem:s7+$0xFFFFFFD0]  }
0x29c: {  	[tilespmem:s7+$0xFFFFFF70] =	vst v3;
	v3 =	vmul.f32 v8, v7;
	v8 =	vld [tilespmem:s7+$0xFFFFFFE0]  }
0x29d: {  	[tilespmem:s7+$0xFFFFFF80] =	vst v2;
	v2 =	vmul.f32 v5, v7;
	v11 =	vld [tilespmem:s7+$0xFFFFFFF0]  }
.Ltmp5:
0x29e: {  	[tilespmem:s7+$0xFFFFFF90] =	vst v3;
	v3 =	vmul.f32 v10, v7;
	v6 =	vld [tilespmem:s7+$0x0];
	(pc) =	sbr.rel @p0 .LBB2_14-.Ltmp5, $4  }
0x29f: {  	[tilespmem:s7+$0xFFFFFFA0] =	vst v2;
	v2 =	vmul.f32 v4, v7;
	v5 =	vld [tilespmem:s7+$0x10]  }
0x2a0: {  	[tilespmem:s7+$0xFFFFFFB0] =	vst v3;
	v3 =	vmul.f32 v9, v7;
	v4 =	vld [tilespmem:s7+$0x20]  }
0x2a1: {  	[tilespmem:s7+$0xFFFFFFC0] =	vst v2;
	v8 =	vmul.f32 v8, v7;
	v2 =	vld [tilespmem:s7+$0x30]  }
0x2a2: {  	[tilespmem:s7+$0xFFFFFFD0] =	vst v3;
	v7 =	vmul.f32 v11, v7;
	v3 =	vld [tilespmem:s7+$0x40]  }
0x2a3: {  	v9 =	vld [tilespmem:s7+$0x50];
	[tilespmem:s7+$0xFFFFFFE0] =	vst v8;
	v6 =	vmul.f32 v6, v0  }
0x2a4: {  	v49 =	vld [tilespmem:s7+$0x80];
	[tilespmem:s7+$0xFFFFFFF0] =	vst v7;
	v5 =	vmul.f32 v5, v0  }
0x2a5: {  	v50 =	vld [tilespmem:s7+$0x90];
	[tilespmem:s7+$0x0] =	vst v6;
	v4 =	vmul.f32 v4, v0  }
0x2a6: {  	v51 =	vld [tilespmem:s7+$0xA0];
	[tilespmem:s7+$0x10] =	vst v5;
	v2 =	vmul.f32 v2, v0  }
0x2a7: {  	v52 =	vld [tilespmem:s7+$0xB0];
	[tilespmem:s7+$0x20] =	vst v4;
	v3 =	vmul.f32 v3, v0  }
0x2a8: {  	v10 =	vld [tilespmem:s7+$0xC0];
	v9 =	vmul.f32 v9, v0;
	[tilespmem:s7+$0x30] =	vst v2  }
0x2a9: {  	v54 =	vld [tilespmem:s7+$0xD0];
	v55 =	vmul.f32 v49, v1;
	[tilespmem:s7+$0x40] =	vst v3  }
0x2aa: {  	v56 =	vld [tilespmem:s7+$0xE0];
	v6 =	vmul.f32 v50, v1;
	[tilespmem:s7+$0x50] =	vst v9  }
0x2ab: {  	v57 =	vld [tilespmem:s7+$0xF0];
	v58 =	vmul.f32 v51, v1;
	[tilespmem:s13+$0x80] =	vst v55  }
0x2ac: {  	v48 =	vld [tilespmem:s7+$0x60];
	v59 =	vmul.f32 v52, v1;
	[tilespmem:s13+$0x90] =	vst v6  }
0x2ad: {  	v60 =	vmul.f32 v10, v1;
	[tilespmem:s13+$0xA0] =	vst v58  }
0x2ae: {  	s11 =	sadd.s32 $0x1, s11;
	v61 =	vmul.f32 v54, v1;
	[tilespmem:s13+$0xB0] =	vst v59  }
0x2af: {  	p0 =	sne.s32 s11, $0x5;
	v62 =	vmul.f32 v56, v1;
	[tilespmem:s13+$0xC0] =	vst v60  }
.Ltmp6:
0x2b0: {  	v63 =	vmul.f32 v57, v1;
	[tilespmem:s13+$0xD0] =	vst v61;
	(pc) =	sbr.rel @p0 .LBB2_11-.Ltmp6, $4  }
0x2b1: {  	v53 =	vmul.f32 v48, v0;
	[tilespmem:s13+$0xE0] =	vst v62  }
0x2b2: {  	[tilespmem:s13+$0xF0] =	vst v63  }
0x2b3: {  	s3 =	sadd.s32 $0xF00, s12;
	s1 =	sadd.s32 $0x100, s1;
	[tilespmem:s13+$0x60] =	vst v53  }
0x2b4: {  	[spmem:s2] =	stream.indirect.scatter.add.f32 [tilespmem:s25], [sflag:$0x4], $0x80, s3, s17, $0xb8;
	[tilespmem:$0x1D800] =	vst v63  }
0x2b5: {  	s0 =	sadd.s32 $0x1, s0  }
0x2b6: {  	p0 =	sne.s32 s0, $0x8  }
.Ltmp7:
0x2b7: {  	_ = 	snop;
	(pc) =	sbr.rel @p0 .LBB2_10-.Ltmp7, $1  }
0x2b8: {  	_ =	sdelay $0x3  }
0x2b9: {  	s0 =	simm.s32 $0x4  }
0x2ba: {  	_ =	swait.ge [sflag:s0], $0x4000  }
0x2bb: {  	[sflag:s0] =	ssyncset.done $0x0  }
0x2bc: {  	[sflag:s0] =	ssyncadd.s32 $0xFFFFC000  }
0x2bd: {  	[bflag:$0x0] =	sbarrier.arrive $0xFFFF  }
0x2be: {  	s8 =	rddreg [dreg:$0x6]  }
0x2bf: {  	s30 =	rddreg [dreg:$0x8]  }
0x2c0: {  	s1 =	rddreg [dreg:$0xa]  }
0x2c1: {  	[hbm:s30], [sflag:s8] =	dma.local [spmem:s1], $0x2800  }
0x2c2: {  	_ =	swait.ge [sflag:s16], $0x2800  }
0x2c3: {  	s15 =	rddreg [dreg:$0x4]  }
0x2c4: {  	s31 =	rddreg [dreg:$0x9];
	s15 =	sadd.s32 $0x1, s15  }
0x2c5: {  	p0 =	sne.s32 s15, s31  }
.Ltmp8:
0x2c6: {  	_ = 	snop;
	(pc) =	sbr.rel @p0 .LBB2_1-.Ltmp8, $4  }
0x2c7: {  	[sflag:s16] =	ssyncset.done $0x0  }
0x2c8: {  	[sflag:s16] =	ssyncadd.s32 $0xFFFFD800  }
0x2c9: {  	[bflag:$0x0] =	sbarrier.arrive $0xFFFF  }
0x2ca: {  	s19 =	rddreg [dreg:$0x5]  }
0x2cb: {  	_ =	sfence.sel $0x180000  }
0x2cc: {  	[bflag:$0x0] =	sbarrier.arrive $0xFFFF  }
0x2cd: {  	_ =	strace $0x9000004A  }
0x2ce: {  	s0 =	stileid.u32;
	[bflag:$0x2] =	sbarrier.arrive $0xFFFF  }
0x2cf: {  	p0 =	sne.s32 s0, $0x0;
	s0 =	rddreg [dreg:$0x3]  }
0x2d0: {  	s0 =	sadd.s32 @!p0 $0x100000, s0  }
0x2d1: {  	[sflag:s0] =	ssyncadd.tile.s32 @!p0 $0x1;
	_ =	shalt  }
.Lfunc_end2:
_tile_overlayer_lowered:
.L_overlay_start_2:
0x2d2: {  	(tag) =	ssettag $0x2  }
0x2d3: {  	s0 =	rddreg [dreg:$0x0];
	s2 =	stileid.u32  }
0x2d4: {  	s1 =	rddreg [dreg:$0x1];
	p0 =	sne.s32 s2, $0x0  }
0x2d5: {  	s3 =	rddreg [dreg:$0x2];
	[bflag:$0x3] =	sbarrier.arrive $0xFFFF;
	s2 =	simm.s32 @!p0 $0x1C05  }
0x2d6: {  	[timem:s3], [sflag:s2] =	dma.local @!p0 [hbm:s0], s1  }
0x2d7: {  	s0 =	simm.s32 @!p0 $0x5  }
0x2d8: {  	_ =	swait.ge @!p0 [sflag:s0], s1  }
0x2d9: {  	s1 =	ssub.s32 @!p0 $0x0, s1;
	[sflag:s0] =	ssyncset.done @!p0 $0x0  }
0x2da: {  	[sflag:s0] =	ssyncadd.s32 @!p0 s1  }
0x2db: {  	[bflag:$0x3] =	sbarrier.arrive $0xFFFF  }
0x2dc: {  	_ =	shalt  }

</sc_bundles>
